<compile_context>
chip_gen: v7x
topology: tpu7x:2x2x1
jax: 0.10.2.dev20260603
libtpu: 0.0.44.dev20260713+nightly
codegen_flags: <defaults>
</compile_context>

<pallas_src>
import functools

import jax
import jax.numpy as jnp
from jax import lax
from jax.experimental import pallas as pl
from jax.experimental.pallas import tpu as pltpu
from jax.experimental.pallas import tpu_sc as plsc

N = 4096
E = 262144
IN_DIM = 128
DM = 16
TP = 4224
NTOK = N + 1
QBLK = 128
NQB = TP // QBLK
_BN_SCALE = 1.0 / (1.0 + 1e-5) ** 0.5

f32 = jnp.float32



def _ln(x, g, b):
    mu = jnp.mean(x, axis=-1, keepdims=True)
    xc = x - mu
    var = jnp.mean(xc * xc, axis=-1, keepdims=True)
    return xc * lax.rsqrt(var + 1e-5) * g + b


def _softmax(s):
    m = jnp.max(s, axis=-1, keepdims=True)
    e = jnp.exp(s - m)
    return e / jnp.sum(e, axis=-1, keepdims=True)


def _dot(a, b):
    return jnp.dot(a, b, preferred_element_type=f32)




def _node_pre_body(x_ref, bng, bnb, w1x, embw, embb, u_ref, t0_ref):
    xb = x_ref[...] * (bng[...] * _BN_SCALE) + bnb[...]
    u_ref[...] = _dot(xb, w1x[...])
    t0_ref[...] = _dot(xb, embw[...]) + embb[...]


def _node_pre(x, bng, bnb, w1x, embw, embb):
    return pl.pallas_call(
        _node_pre_body,
        out_shape=[
            jax.ShapeDtypeStruct((N, DM), f32),
            jax.ShapeDtypeStruct((N, DM), f32),
        ],
    )(x, bng, bnb, w1x, embw, embb)



_BE = 8192


def _enc_mlp_body(g1, ea, w1e, b1, w2, b2, w3, b3, w4, b4, out):
    a = _dot(ea[...], w1e[...]) + g1[...] + b1[...]
    a = jnp.maximum(a, 0.0)
    a = jnp.maximum(_dot(a, w2[...]) + b2[...], 0.0)
    a = jnp.maximum(_dot(a, w3[...]) + b3[...], 0.0)
    out[...] = jnp.maximum(_dot(a, w4[...]) + b4[...], 0.0)


def _full(shape):
    return pl.BlockSpec(shape, lambda i: (0, 0))


def _row_spec():
    return pl.BlockSpec((_BE, DM), lambda i: (i, 0))


def _enc_mlp(g1, ea, w1e, b1, w2, b2, w3, b3, w4, b4):
    return pl.pallas_call(
        _enc_mlp_body,
        grid=(E // _BE,),
        in_specs=[
            _row_spec(),
            pl.BlockSpec((_BE, 16), lambda i: (i, 0)),
            _full((16, 16)), _full((1, 16)),
            _full((16, 32)), _full((1, 32)),
            _full((32, 16)), _full((1, 16)),
            _full((16, 16)), _full((1, 16)),
        ],
        out_specs=_row_spec(),
        out_shape=jax.ShapeDtypeStruct((E, DM), f32),
    )(g1, ea, w1e, b1, w2, b2, w3, b3, w4, b4)


def _dec_mlp_body(gd, b1, w2, b2, w3, b3, out):
    a = jnp.maximum(gd[...] + b1[...], 0.0)
    a = jnp.maximum(_dot(a, w2[...]) + b2[...], 0.0)
    out[...] = jnp.maximum(_dot(a, w3[...]) + b3[...], 0.0)


def _dec_mlp(gd, b1, w2, b2, w3, b3):
    return pl.pallas_call(
        _dec_mlp_body,
        grid=(E // _BE,),
        in_specs=[
            _row_spec(),
            _full((1, 16)),
            _full((16, 32)), _full((1, 32)),
            _full((32, 16)), _full((1, 16)),
        ],
        out_specs=_row_spec(),
        out_shape=jax.ShapeDtypeStruct((E, DM), f32),
    )(gd, b1, w2, b2, w3, b3)




def _attn(qb, k, v, maskneg):
    inv = 1.0 / (8.0 ** 0.5)
    outs = []
    for h0 in (0, 8):
        s = lax.dot_general(qb[:, h0:h0 + 8], k[:, h0:h0 + 8],
                            (((1,), (1,)), ((), ()))) * inv
        p = _softmax(s + maskneg)
        outs.append(_dot(p, v[:, h0:h0 + 8]))
    return jnp.concatenate(outs, axis=1)


def _trans_body(*args):
    tin = args[0]
    W = args[1:33]
    g_ref = args[33]
    t_s, k_s, v_s = args[34:37]
    col = lax.broadcasted_iota(jnp.int32, (1, TP), 1)
    maskneg = jnp.where(col < NTOK, 0.0, -1e30)

    t_s[...] = tin[...]

    (wq, bq, wk, bk, wv, bv, wo, bo,
     fw1, fb1, fw2, fb2, l1g, l1b, l2g, l2b) = W[0:16]
    tcur = t_s[...]
    k_s[...] = _dot(tcur, wk[...]) + bk[...]
    v_s[...] = _dot(tcur, wv[...]) + bv[...]

    def blk(i, carry):
        r0 = pl.multiple_of(i * QBLK, QBLK)
        tb = t_s[pl.ds(r0, QBLK), :]
        qb = _dot(tb, wq[...]) + bq[...]
        a = _attn(qb, k_s[...], v_s[...], maskneg)
        a = _dot(a, wo[...]) + bo[...]
        x1 = _ln(tb + a, l1g[...], l1b[...])
        ff = _dot(jnp.maximum(_dot(x1, fw1[...]) + fb1[...], 0.0),
                  fw2[...]) + fb2[...]
        t_s[pl.ds(r0, QBLK), :] = _ln(x1 + ff, l2g[...], l2b[...])
        return carry

    lax.fori_loop(0, NQB, blk, 0)

    (wq, bq, wk, bk, wv, bv, wo, bo,
     fw1, fb1, fw2, fb2, l1g, l1b, l2g, l2b) = W[16:32]
    tcur = t_s[...]
    k2 = _dot(tcur, wk[...]) + bk[...]
    v2 = _dot(tcur, wv[...]) + bv[...]
    tb = t_s[pl.ds(N, 8), :]
    qb = _dot(tb, wq[...]) + bq[...]
    a = _attn(qb, k2, v2, maskneg)
    a = _dot(a, wo[...]) + bo[...]
    x1 = _ln(tb + a, l1g[...], l1b[...])
    ff = _dot(jnp.maximum(_dot(x1, fw1[...]) + fb1[...], 0.0),
              fw2[...]) + fb2[...]
    g_ref[...] = _ln(x1 + ff, l2g[...], l2b[...])


def _transformer(tpad, wlist):
    return pl.pallas_call(
        _trans_body,
        out_shape=jax.ShapeDtypeStruct((8, DM), f32),
        scratch_shapes=[pltpu.VMEM((TP, DM), f32)] * 3,
    )(tpad, *wlist)




def _ca_body(zs, cn, g8, projw, projb, caq, cabq, cak, cabk, cav, cabv,
             cao, cabo, c2nw, c2nb, dw1, hA_ref, hB_ref):
    cnt = cn[0:N, 0:1] + cn[N:2 * N, 0:1]
    z = (zs[0:N, :] + zs[N:2 * N, :]) / jnp.maximum(cnt, 1.0)
    zp = _dot(z, projw[...]) + projb[...]
    q = _dot(g8[...], caq[...]) + cabq[...]
    k = _dot(zp, cak[...]) + cabk[...]
    v = _dot(zp, cav[...]) + cabv[...]
    s = lax.dot_general(q, k, (((1,), (1,)), ((), ()))) * 0.25
    p = _softmax(s)
    att = _dot(p, v)
    o = _dot(att, cao[...]) + cabo[...]
    refined = _dot(o, c2nw[...]) + c2nb[...]
    h = zp + refined[0:1, :]
    wa = dw1[0:16, :] - dw1[16:32, :]
    wb = dw1[16:32, :]
    hA_ref[...] = _dot(h, wa)
    hB_ref[...] = _dot(h, wb)


def _ca(zs, cn, g8, projw, projb, caq, cabq, cak, cabk, cav, cabv,
        cao, cabo, c2nw, c2nb, dw1):
    return pl.pallas_call(
        _ca_body,
        out_shape=[
            jax.ShapeDtypeStruct((N, DM), f32),
            jax.ShapeDtypeStruct((N, DM), f32),
        ],
    )(zs, cn, g8, projw, projb, caq, cabq, cak, cabk, cav, cabv,
      cao, cabo, c2nw, c2nb, dw1)




def _final_body(ms, cn, w4, b4, out_ref):
    cnt = cn[0:N, 0:1] + cn[N:2 * N, 0:1]
    m3 = (ms[0:N, :] + ms[N:2 * N, :]) / jnp.maximum(cnt, 1.0)
    out_ref[...] = _dot(m3, w4[...]) + b4[...] * jnp.minimum(cnt, 1.0)


def _final(ms, cn, w4, b4):
    return pl.pallas_call(
        _final_body,
        out_shape=jax.ShapeDtypeStruct((N, IN_DIM), f32),
    )(ms, cn, w4, b4)



_NW = 32
_CPT = (E // 128) // _NW


def _sc_mesh():
    return plsc.VectorSubcoreMesh(core_axis_name="c", subcore_axis_name="s")


def _enc_gather(u, dst2d):
    @functools.partial(
        pl.kernel,
        out_type=jax.ShapeDtypeStruct((E, DM), f32),
        mesh=_sc_mesh(),
        compiler_params=pltpu.CompilerParams(use_tc_tiling_on_sc=False),
        scratch_types=[
            pltpu.VMEM((_CPT, 128), jnp.int32),
            pltpu.VMEM((2048, DM), f32),
            pltpu.SemaphoreType.DMA,
        ],
    )
    def kfn(u_hbm, dst_hbm, out_hbm, idx_v, rows_v, sem):
        w = lax.axis_index("s") * 2 + lax.axis_index("c")
        c0 = w * _CPT
        pltpu.sync_copy(dst_hbm.at[pl.ds(c0, _CPT)], idx_v)

        def outer(o, carry):
            descs = []
            for j in range(16):
                descs.append(pltpu.async_copy(
                    u_hbm.at[idx_v.at[o * 16 + j]],
                    rows_v.at[pl.ds(j * 128, 128)], sem))
            for d in descs:
                d.wait()
            pltpu.sync_copy(rows_v,
                            out_hbm.at[pl.ds((c0 + o * 16) * 128, 2048)])
            return carry

        lax.fori_loop(0, _CPT // 16, outer, 0)

    return kfn(u, dst2d)


def _dec_gather(hA, hB, dst2d, src2d):
    @functools.partial(
        pl.kernel,
        out_type=jax.ShapeDtypeStruct((E, DM), f32),
        mesh=_sc_mesh(),
        compiler_params=pltpu.CompilerParams(use_tc_tiling_on_sc=False),
        scratch_types=[
            pltpu.VMEM((_CPT, 128), jnp.int32),
            pltpu.VMEM((_CPT, 128), jnp.int32),
            pltpu.VMEM((1024, DM), f32),
            pltpu.VMEM((1024, DM), f32),
            pltpu.SemaphoreType.DMA,
            pltpu.SemaphoreType.DMA,
        ],
    )
    def kfn(hA_hbm, hB_hbm, dst_hbm, src_hbm, out_hbm,
            idxd, idxs, bufA, bufB, semA, semB):
        w = lax.axis_index("s") * 2 + lax.axis_index("c")
        c0 = w * _CPT
        pltpu.sync_copy(dst_hbm.at[pl.ds(c0, _CPT)], idxd)
        pltpu.sync_copy(src_hbm.at[pl.ds(c0, _CPT)], idxs)

        def outer(o, carry):
            descs = []
            for j in range(8):
                descs.append(pltpu.async_copy(
                    hA_hbm.at[idxd.at[o * 8 + j]],
                    bufA.at[pl.ds(j * 128, 128)], semA))
                descs.append(pltpu.async_copy(
                    hB_hbm.at[idxs.at[o * 8 + j]],
                    bufB.at[pl.ds(j * 128, 128)], semB))
            for d in descs:
                d.wait()

            def addrow(r, c):
                bufA[r, :] = bufA[r, :] + bufB[r, :]
                return c

            lax.fori_loop(0, 1024, addrow, 0)
            pltpu.sync_copy(bufA,
                            out_hbm.at[pl.ds((c0 + o * 8) * 128, 1024)])
            return carry

        lax.fori_loop(0, _CPT // 8, outer, 0)

    return kfn(hA, hB, dst2d, src2d)


def _enc_scatter(m4, dst2d):
    @functools.partial(
        pl.kernel,
        out_type=[
            jax.ShapeDtypeStruct((2 * N, DM), f32),
            jax.ShapeDtypeStruct((2 * N, DM), f32),
        ],
        mesh=_sc_mesh(),
        compiler_params=pltpu.CompilerParams(use_tc_tiling_on_sc=False),
        scratch_types=[
            pltpu.VMEM((_CPT, 128), jnp.int32),
            pltpu.VMEM((1024, DM), f32),
            pltpu.VMEM((128, DM), f32),
            pltpu.VMEM((256, DM), f32),
            pltpu.VMEM_SHARED((N, DM), f32),
            pltpu.VMEM_SHARED((N, DM), f32),
        ],
    )
    def kfn(m4_hbm, dst_hbm, zout, cout, idx_v, dbuf, ones_v, zbuf,
            z_acc, c_acc):
        cid = lax.axis_index("c")
        sid = lax.axis_index("s")
        w = sid * 2 + cid
        c0 = w * _CPT

        def zrow(r, c):
            zbuf[r, :] = jnp.zeros((DM,), f32)
            return c

        lax.fori_loop(0, 256, zrow, 0)

        def onerow(r, c):
            ones_v[r, :] = jnp.ones((DM,), f32)
            return c

        lax.fori_loop(0, 128, onerow, 0)
        pltpu.sync_copy(zbuf, z_acc.at[pl.ds(sid * 256, 256)])
        pltpu.sync_copy(zbuf, c_acc.at[pl.ds(sid * 256, 256)])
        plsc.subcore_barrier()

        pltpu.sync_copy(dst_hbm.at[pl.ds(c0, _CPT)], idx_v)

        def outer(o, carry):
            pltpu.sync_copy(m4_hbm.at[pl.ds((c0 + o * 8) * 128, 1024)], dbuf)
            for j in range(8):
                pltpu.sync_copy(dbuf.at[pl.ds(j * 128, 128)],
                                z_acc.at[idx_v.at[o * 8 + j]], add=True)
                pltpu.sync_copy(ones_v,
                                c_acc.at[idx_v.at[o * 8 + j]], add=True)
            return carry

        lax.fori_loop(0, _CPT // 8, outer, 0)
        plsc.subcore_barrier()
        pltpu.sync_copy(z_acc.at[pl.ds(sid * 256, 256)],
                        zout.at[pl.ds(cid * N + sid * 256, 256)])
        pltpu.sync_copy(c_acc.at[pl.ds(sid * 256, 256)],
                        cout.at[pl.ds(cid * N + sid * 256, 256)])

    return kfn(m4, dst2d)


def _dec_scatter(d3, dst2d):
    @functools.partial(
        pl.kernel,
        out_type=jax.ShapeDtypeStruct((2 * N, DM), f32),
        mesh=_sc_mesh(),
        compiler_params=pltpu.CompilerParams(use_tc_tiling_on_sc=False),
        scratch_types=[
            pltpu.VMEM((_CPT, 128), jnp.int32),
            pltpu.VMEM((1024, DM), f32),
            pltpu.VMEM((256, DM), f32),
            pltpu.VMEM_SHARED((N, DM), f32),
        ],
    )
    def kfn(d3_hbm, dst_hbm, mout, idx_v, dbuf, zbuf, m_acc):
        cid = lax.axis_index("c")
        sid = lax.axis_index("s")
        w = sid * 2 + cid
        c0 = w * _CPT

        def zrow(r, c):
            zbuf[r, :] = jnp.zeros((DM,), f32)
            return c

        lax.fori_loop(0, 256, zrow, 0)
        pltpu.sync_copy(zbuf, m_acc.at[pl.ds(sid * 256, 256)])
        plsc.subcore_barrier()

        pltpu.sync_copy(dst_hbm.at[pl.ds(c0, _CPT)], idx_v)

        def outer(o, carry):
            pltpu.sync_copy(d3_hbm.at[pl.ds((c0 + o * 8) * 128, 1024)], dbuf)
            for j in range(8):
                pltpu.sync_copy(dbuf.at[pl.ds(j * 128, 128)],
                                m_acc.at[idx_v.at[o * 8 + j]], add=True)
            return carry

        lax.fori_loop(0, _CPT // 8, outer, 0)
        plsc.subcore_barrier()
        pltpu.sync_copy(m_acc.at[pl.ds(sid * 256, 256)],
                        mout.at[pl.ds(cid * N + sid * 256, 256)])

    return kfn(d3, dst2d)




def kernel(x, edge_index, edge_attr, params):
    p = params
    r2 = lambda a: a.reshape(1, -1)
    src2d = edge_index[0].reshape(E // 128, 128)
    dst2d = edge_index[1].reshape(E // 128, 128)

    u, t0 = _node_pre(x, r2(p['bn_g']), r2(p['bn_b']),
                      p['enc_W1'][:IN_DIM], p['emb_W'], r2(p['emb_b']))
    g1 = _enc_gather(u, dst2d)
    m4 = _enc_mlp(g1, edge_attr,
                  p['enc_W1'][IN_DIM:], r2(p['enc_b1']),
                  p['enc_W2'], r2(p['enc_b2']),
                  p['enc_W3'], r2(p['enc_b3']),
                  p['enc_W4'], r2(p['enc_b4']))
    zsum, cnt = _enc_scatter(m4, dst2d)

    tpad = jnp.concatenate(
        [t0, p['cls'][None, :], jnp.zeros((TP - N - 1, DM), f32)], axis=0)
    wlist = []
    for li in range(2):
        pre = 'tl%d_' % li
        for nm in ('Wq', 'bq', 'Wk', 'bk', 'Wv', 'bv', 'Wo', 'bo',
                   'fW1', 'fb1', 'fW2', 'fb2',
                   'ln1g', 'ln1b', 'ln2g', 'ln2b'):
            a = p[pre + nm]
            wlist.append(a if a.ndim == 2 else r2(a))
    g8 = _transformer(tpad, wlist)

    hA, hB = _ca(zsum, cnt, g8,
                 p['proj_W'], r2(p['proj_b']),
                 p['ca_Wq'], r2(p['ca_bq']),
                 p['ca_Wk'], r2(p['ca_bk']),
                 p['ca_Wv'], r2(p['ca_bv']),
                 p['ca_Wo'], r2(p['ca_bo']),
                 p['c2n_W'], r2(p['c2n_b']),
                 p['dec_W1'])
    gd = _dec_gather(hA, hB, dst2d, src2d)
    d3 = _dec_mlp(gd, r2(p['dec_b1']),
                  p['dec_W2'], r2(p['dec_b2']),
                  p['dec_W3'], r2(p['dec_b3']))
    m3 = _dec_scatter(d3, dst2d)
    return _final(m3, cnt, p['dec_W4'], r2(p['dec_b4']))

# --- scband reference (transcript-rebuilt; emitter-appended) ---
"""Pipeline reference for scband-hybrid-edge-net-45526653337873 (READ-ONLY COPY).

The authoritative reference and input builder live on the scoring server;
editing this copy changes nothing except your own understanding.
"""

import jax, jax.numpy as jnp
import numpy as np

N = 4096
E = 262144
IN_DIM = 128
EDGE_DIM = 16
HID = 16
LAT = 16
DM = 16
OUT_DIM = 128
NHEAD_T = 2
NLAYERS_T = 2
FF = 32

def _zeros(n):
    return jnp.zeros((n,), jnp.float32)

def _ones(n):
    return jnp.ones((n,), jnp.float32)

def _init_params():
    rng = np.random.RandomState(42)
    def w(shape, fan_in):
        return jnp.asarray(rng.normal(0.0, 1.0 / np.sqrt(fan_in), shape).astype(np.float32))
    p = {}
    p['bn_g'] = _ones(IN_DIM); p['bn_b'] = _zeros(IN_DIM)
    dims = [IN_DIM + EDGE_DIM, HID, 2 * HID, HID, LAT]
    for i in range(4):
        p['enc_W%d' % (i + 1)] = w((dims[i], dims[i + 1]), dims[i])
        p['enc_b%d' % (i + 1)] = _zeros(dims[i + 1])
    p['proj_W'] = w((LAT, DM), LAT); p['proj_b'] = _zeros(DM)
    p['emb_W'] = w((IN_DIM, DM), IN_DIM); p['emb_b'] = _zeros(DM)
    p['cls'] = _zeros(DM)
    for li in range(NLAYERS_T):
        for nm in ['Wq', 'Wk', 'Wv', 'Wo']:
            p['tl%d_%s' % (li, nm)] = w((DM, DM), DM)
        for nm in ['bq', 'bk', 'bv', 'bo']:
            p['tl%d_%s' % (li, nm)] = _zeros(DM)
        p['tl%d_fW1' % li] = w((DM, FF), DM); p['tl%d_fb1' % li] = _zeros(FF)
        p['tl%d_fW2' % li] = w((FF, DM), FF); p['tl%d_fb2' % li] = _zeros(DM)
        p['tl%d_ln1g' % li] = _ones(DM); p['tl%d_ln1b' % li] = _zeros(DM)
        p['tl%d_ln2g' % li] = _ones(DM); p['tl%d_ln2b' % li] = _zeros(DM)
    for nm in ['Wq', 'Wk', 'Wv', 'Wo']:
        p['ca_%s' % nm] = w((DM, DM), DM)
    for nm in ['bq', 'bk', 'bv', 'bo']:
        p['ca_%s' % nm] = _zeros(DM)
    p['c2n_W'] = w((DM, DM), DM); p['c2n_b'] = _zeros(DM)
    ddims = [2 * DM, HID, 2 * HID, HID, OUT_DIM]
    for i in range(4):
        p['dec_W%d' % (i + 1)] = w((ddims[i], ddims[i + 1]), ddims[i])
        p['dec_b%d' % (i + 1)] = _zeros(ddims[i + 1])
    return p

def setup_inputs(seed: int = 0):
    key = jax.random.key(seed)
    k1, k2, k3 = jax.random.split(key, 3)
    x = jax.random.normal(k1, (N, IN_DIM), dtype=jnp.float32)
    edge_index = jax.random.randint(k2, (2, E), 0, N, dtype=jnp.int32)
    edge_attr = jax.random.normal(k3, (E, EDGE_DIM), dtype=jnp.float32)
    params = _init_params()
    return {'x': x, 'edge_index': edge_index, 'edge_attr': edge_attr, 'params': params}

def _lin(x, W, b):
    return x @ W + b

def _layernorm(x, g, b, eps=1e-5):
    mu = jnp.mean(x, axis=-1, keepdims=True)
    var = jnp.mean((x - mu) ** 2, axis=-1, keepdims=True)
    return (x - mu) / jnp.sqrt(var + eps) * g + b

def _mha(q, k, v, p, nhead):
    Lq, d = q.shape
    Lk = k.shape[0]
    dh = d // nhead
    qh = _lin(q, p['Wq'], p['bq']).reshape(Lq, nhead, dh).transpose(1, 0, 2)
    kh = _lin(k, p['Wk'], p['bk']).reshape(Lk, nhead, dh).transpose(1, 0, 2)
    vh = _lin(v, p['Wv'], p['bv']).reshape(Lk, nhead, dh).transpose(1, 0, 2)
    scores = jnp.einsum('hqd,hkd->hqk', qh, kh) / jnp.sqrt(jnp.float32(dh))
    attn = jax.nn.softmax(scores, axis=-1)
    out = jnp.einsum('hqk,hkd->hqd', attn, vh).transpose(1, 0, 2).reshape(Lq, d)
    return _lin(out, p['Wo'], p['bo'])

def _mlp4(x, p, prefix, final_relu):
    h = jax.nn.relu(_lin(x, p[prefix + 'W1'], p[prefix + 'b1']))
    h = jax.nn.relu(_lin(h, p[prefix + 'W2'], p[prefix + 'b2']))
    h = jax.nn.relu(_lin(h, p[prefix + 'W3'], p[prefix + 'b3']))
    h = _lin(h, p[prefix + 'W4'], p[prefix + 'b4'])
    if final_relu:
        h = jax.nn.relu(h)
    return h

def _segment_mean(data, seg, num):
    s = jax.ops.segment_sum(data, seg, num_segments=num)
    cnt = jax.ops.segment_sum(jnp.ones((data.shape[0],), data.dtype), seg, num_segments=num)
    return s / jnp.maximum(cnt, 1.0)[:, None]

def _forward(x, edge_attr, params, edge_index):
    src = edge_index[0]
    dst = edge_index[1]
    # BatchNorm1d in eval mode with fresh running stats (mean=0, var=1)
    xb = x / jnp.sqrt(1.0 + 1e-5) * params['bn_g'] + params['bn_b']
    # Encoder EdgeConv: message = MLP(cat[x_i, edge_attr]), mean-aggregated at dst
    msg_in = jnp.concatenate([jnp.take(xb, dst, axis=0), edge_attr], axis=-1)
    msg = _mlp4(msg_in, params, 'enc_', True)
    z = _segment_mean(msg, dst, x.shape[0])
    zp = _lin(z, params['proj_W'], params['proj_b'])
    # Global transformer encoder with CLS token (post-LN, relu FFN, PyTorch default)
    t = _lin(xb, params['emb_W'], params['emb_b'])
    t = jnp.concatenate([params['cls'][None, :], t], axis=0)
    for li in range(NLAYERS_T):
        pre = 'tl%d_' % li
        lp = dict((k[len(pre):], v) for k, v in params.items() if k.startswith(pre))
        a = _mha(t, t, t, lp, NHEAD_T)
        t = _layernorm(t + a, lp['ln1g'], lp['ln1b'])
        ff = _lin(jax.nn.relu(_lin(t, lp['fW1'], lp['fb1'])), lp['fW2'], lp['fb2'])
        t = _layernorm(t + ff, lp['ln2g'], lp['ln2b'])
    g = t[0:1]
    # Global cross attention: CLS query over projected node features
    ca = dict((k[3:], v) for k, v in params.items() if k.startswith('ca_'))
    att = _mha(g, zp, zp, ca, 1)
    refined = _lin(att, params['c2n_W'], params['c2n_b'])
    # Decoder EdgeConv with dec=True: message = MLP(cat[h_i, h_j - h_i])
    h = zp + refined
    hd = jnp.take(h, dst, axis=0)
    hs = jnp.take(h, src, axis=0)
    dmsg_in = jnp.concatenate([hd, hs - hd], axis=-1)
    dmsg = _mlp4(dmsg_in, params, 'dec_', False)
    out = _segment_mean(dmsg, dst, x.shape[0])
    return out

def reference(x, edge_index, edge_attr, params):
    return _forward(x, edge_attr, params, edge_index)

if __name__ == "__main__":
    import jax
    _d = setup_inputs()
    print(jax.jit(kernel)(*tuple(_d.values())))

</pallas_src>

<mosaic_0001>
#map = affine_map<(d0, d1) -> (0, 0)>
module attributes {stable_mosaic.version = 14 : i64} {
  func.func @kfn(%arg0: i32, %arg1: i32, %arg2: memref<4096x16xf32, #tpu.memory_space<hbm>>, %arg3: memref<4096x16xf32, #tpu.memory_space<hbm>>, %arg4: memref<2048x128xi32, #tpu.memory_space<hbm>>, %arg5: memref<2048x128xi32, #tpu.memory_space<hbm>>, %arg6: memref<262144x16xf32, #tpu.memory_space<hbm>>, %arg7: memref<64x128xi32, #tpu.memory_space<vmem>>, %arg8: memref<64x128xi32, #tpu.memory_space<vmem>>, %arg9: memref<1024x16xf32, #tpu.memory_space<vmem>>, %arg10: memref<1024x16xf32, #tpu.memory_space<vmem>>, %arg11: memref<!tpu.dma_semaphore, #tpu.memory_space<semaphore_mem>>, %arg12: memref<!tpu.dma_semaphore, #tpu.memory_space<semaphore_mem>>) attributes {dimension_semantics = [#tpu.dimension_semantics<core_parallel>, #tpu.dimension_semantics<subcore_parallel>], iteration_bounds = array<i64: 2, 16>, scalar_prefetch = 0 : i64, scratch_operands = 6 : i64, tpu.core_type = #tpu.core_type<sc_vector_subcore>, window_params = [{transform_indices = #map}, {transform_indices = #map}, {transform_indices = #map}, {transform_indices = #map}, {transform_indices = #map}]} {
    %mul3A = arith.constant 2 : i32
    %mul3A_0 = arith.muli %arg1, %mul3A : i32
    %add3A = arith.addi %mul3A_0, %arg0 : i32
    %mul3A_1 = arith.constant 64 : i32
    %mul3A_2 = arith.muli %add3A, %mul3A_1 : i32
    "tpu.region"() ({
      %run_scoped3A = tpu.sem_alloc : memref<!tpu.dma_semaphore, #tpu.memory_space<semaphore_mem>>
      %dma_start3A = arith.constant 0 : i32
      %dma_start3A_8 = tpu.memref_slice %arg4[%mul3A_2, %dma_start3A] : memref<2048x128xi32, #tpu.memory_space<hbm>> -> memref<64x128xi32, #tpu.memory_space<hbm>>
      %dma_start3A_9 = arith.constant 0 : i32
      %dma_start3A_10 = tpu.memref_slice %arg4[%mul3A_2, %dma_start3A_9] : memref<2048x128xi32, #tpu.memory_space<hbm>> -> memref<64x128xi32, #tpu.memory_space<hbm>>
      tpu.enqueue_dma source(%dma_start3A_10 : memref<64x128xi32, #tpu.memory_space<hbm>>) target(%arg7 : memref<64x128xi32, #tpu.memory_space<vmem>>) target_semaphore(%run_scoped3A : memref<!tpu.dma_semaphore, #tpu.memory_space<semaphore_mem>>)
      %dma_wait3A = arith.constant 0 : i32
      %dma_wait3A_11 = tpu.memref_slice %arg4[%mul3A_2, %dma_wait3A] : memref<2048x128xi32, #tpu.memory_space<hbm>> -> memref<64x128xi32, #tpu.memory_space<hbm>>
      %dma_wait3A_12 = arith.constant 0 : i32
      %dma_wait3A_13 = tpu.memref_slice %arg4[%mul3A_2, %dma_wait3A_12] : memref<2048x128xi32, #tpu.memory_space<hbm>> -> memref<64x128xi32, #tpu.memory_space<hbm>>
      tpu.wait_dma2 semaphore(%run_scoped3A : memref<!tpu.dma_semaphore, #tpu.memory_space<semaphore_mem>>) src(%dma_wait3A_13 : memref<64x128xi32, #tpu.memory_space<hbm>>) dst(%arg7 : memref<64x128xi32, #tpu.memory_space<vmem>>)
      tpu.yield
    }) : () -> ()
    "tpu.region"() ({
      %run_scoped3A = tpu.sem_alloc : memref<!tpu.dma_semaphore, #tpu.memory_space<semaphore_mem>>
      %dma_start3A = arith.constant 0 : i32
      %dma_start3A_8 = tpu.memref_slice %arg5[%mul3A_2, %dma_start3A] : memref<2048x128xi32, #tpu.memory_space<hbm>> -> memref<64x128xi32, #tpu.memory_space<hbm>>
      %dma_start3A_9 = arith.constant 0 : i32
      %dma_start3A_10 = tpu.memref_slice %arg5[%mul3A_2, %dma_start3A_9] : memref<2048x128xi32, #tpu.memory_space<hbm>> -> memref<64x128xi32, #tpu.memory_space<hbm>>
      tpu.enqueue_dma source(%dma_start3A_10 : memref<64x128xi32, #tpu.memory_space<hbm>>) target(%arg8 : memref<64x128xi32, #tpu.memory_space<vmem>>) target_semaphore(%run_scoped3A : memref<!tpu.dma_semaphore, #tpu.memory_space<semaphore_mem>>)
      %dma_wait3A = arith.constant 0 : i32
      %dma_wait3A_11 = tpu.memref_slice %arg5[%mul3A_2, %dma_wait3A] : memref<2048x128xi32, #tpu.memory_space<hbm>> -> memref<64x128xi32, #tpu.memory_space<hbm>>
      %dma_wait3A_12 = arith.constant 0 : i32
      %dma_wait3A_13 = tpu.memref_slice %arg5[%mul3A_2, %dma_wait3A_12] : memref<2048x128xi32, #tpu.memory_space<hbm>> -> memref<64x128xi32, #tpu.memory_space<hbm>>
      tpu.wait_dma2 semaphore(%run_scoped3A : memref<!tpu.dma_semaphore, #tpu.memory_space<semaphore_mem>>) src(%dma_wait3A_13 : memref<64x128xi32, #tpu.memory_space<hbm>>) dst(%arg8 : memref<64x128xi32, #tpu.memory_space<vmem>>)
      tpu.yield
    }) : () -> ()
    %scan3A = arith.constant 0 : i32
    %scan3A_3 = arith.constant 0 : i32
    %scan3A_4 = arith.constant 8 : i32
    %scan3A_5 = arith.addi %scan3A_3, %scan3A_4 : i32
    %scan3A_6 = arith.constant 1 : i32
    scf.for %scan3A_8 = %scan3A_3 to %scan3A_5 step %scan3A_6  : i32 {
      %mul3A_9 = arith.constant 8 : i32
      %mul3A_10 = arith.muli %scan3A_8, %mul3A_9 : i32
      %add3A_11 = arith.constant 0 : i32
      %add3A_12 = arith.addi %mul3A_10, %add3A_11 : i32
      %dma_start3A = arith.constant 0 : i32
      %dma_start3A_13 = arith.constant 0 : i32
      %dma_start3A_14 = tpu.memref_slice %arg9[%dma_start3A, %dma_start3A_13] : memref<1024x16xf32, #tpu.memory_space<vmem>> -> memref<128x16xf32, #tpu.memory_space<vmem>>
      %dma_start3A_15 = arith.constant 0 : i32
      %dma_start3A_16 = tpu.memref_slice %arg7[%add3A_12, %dma_start3A_15] : memref<64x128xi32, #tpu.memory_space<vmem>> -> memref<1x128xi32, #tpu.memory_space<vmem>>
      %dma_start3A_17 = tpu.memref_squeeze %dma_start3A_16 : memref<1x128xi32, #tpu.memory_space<vmem>> -> memref<128xi32, #tpu.memory_space<vmem>>
      %dma_start3A_18 = arith.constant 0 : i32
      %dma_start3A_19 = arith.constant 0 : i32
      %dma_start3A_20 = tpu.memref_slice %arg2[%dma_start3A_18, %dma_start3A_19] : memref<4096x16xf32, #tpu.memory_space<hbm>> -> memref<4096x16xf32, #tpu.memory_space<hbm>>
      tpu.enqueue_indirect_dma source(%dma_start3A_20 : memref<4096x16xf32, #tpu.memory_space<hbm>>) target(%dma_start3A_14 : memref<128x16xf32, #tpu.memory_space<vmem>>) offsets(%dma_start3A_17 : memref<128xi32, #tpu.memory_space<vmem>>) semaphore(%arg11 : memref<!tpu.dma_semaphore, #tpu.memory_space<semaphore_mem>>)
      %mul3A_21 = arith.constant 8 : i32
      %mul3A_22 = arith.muli %scan3A_8, %mul3A_21 : i32
      %add3A_23 = arith.constant 0 : i32
      %add3A_24 = arith.addi %mul3A_22, %add3A_23 : i32
      %dma_start3A_25 = arith.constant 0 : i32
      %dma_start3A_26 = arith.constant 0 : i32
      %dma_start3A_27 = tpu.memref_slice %arg10[%dma_start3A_25, %dma_start3A_26] : memref<1024x16xf32, #tpu.memory_space<vmem>> -> memref<128x16xf32, #tpu.memory_space<vmem>>
      %dma_start3A_28 = arith.constant 0 : i32
      %dma_start3A_29 = tpu.memref_slice %arg8[%add3A_24, %dma_start3A_28] : memref<64x128xi32, #tpu.memory_space<vmem>> -> memref<1x128xi32, #tpu.memory_space<vmem>>
      %dma_start3A_30 = tpu.memref_squeeze %dma_start3A_29 : memref<1x128xi32, #tpu.memory_space<vmem>> -> memref<128xi32, #tpu.memory_space<vmem>>
      %dma_start3A_31 = arith.constant 0 : i32
      %dma_start3A_32 = arith.constant 0 : i32
      %dma_start3A_33 = tpu.memref_slice %arg3[%dma_start3A_31, %dma_start3A_32] : memref<4096x16xf32, #tpu.memory_space<hbm>> -> memref<4096x16xf32, #tpu.memory_space<hbm>>
      tpu.enqueue_indirect_dma source(%dma_start3A_33 : memref<4096x16xf32, #tpu.memory_space<hbm>>) target(%dma_start3A_27 : memref<128x16xf32, #tpu.memory_space<vmem>>) offsets(%dma_start3A_30 : memref<128xi32, #tpu.memory_space<vmem>>) semaphore(%arg12 : memref<!tpu.dma_semaphore, #tpu.memory_space<semaphore_mem>>)
      %mul3A_34 = arith.constant 8 : i32
      %mul3A_35 = arith.muli %scan3A_8, %mul3A_34 : i32
      %add3A_36 = arith.constant 1 : i32
      %add3A_37 = arith.addi %mul3A_35, %add3A_36 : i32
      %dma_start3A_38 = arith.constant 128 : i32
      %dma_start3A_39 = arith.constant 0 : i32
      %dma_start3A_40 = tpu.memref_slice %arg9[%dma_start3A_38, %dma_start3A_39] : memref<1024x16xf32, #tpu.memory_space<vmem>> -> memref<128x16xf32, #tpu.memory_space<vmem>>
      %dma_start3A_41 = arith.constant 0 : i32
      %dma_start3A_42 = tpu.memref_slice %arg7[%add3A_37, %dma_start3A_41] : memref<64x128xi32, #tpu.memory_space<vmem>> -> memref<1x128xi32, #tpu.memory_space<vmem>>
      %dma_start3A_43 = tpu.memref_squeeze %dma_start3A_42 : memref<1x128xi32, #tpu.memory_space<vmem>> -> memref<128xi32, #tpu.memory_space<vmem>>
      %dma_start3A_44 = arith.constant 0 : i32
      %dma_start3A_45 = arith.constant 0 : i32
      %dma_start3A_46 = tpu.memref_slice %arg2[%dma_start3A_44, %dma_start3A_45] : memref<4096x16xf32, #tpu.memory_space<hbm>> -> memref<4096x16xf32, #tpu.memory_space<hbm>>
      tpu.enqueue_indirect_dma source(%dma_start3A_46 : memref<4096x16xf32, #tpu.memory_space<hbm>>) target(%dma_start3A_40 : memref<128x16xf32, #tpu.memory_space<vmem>>) offsets(%dma_start3A_43 : memref<128xi32, #tpu.memory_space<vmem>>) semaphore(%arg11 : memref<!tpu.dma_semaphore, #tpu.memory_space<semaphore_mem>>)
      %mul3A_47 = arith.constant 8 : i32
      %mul3A_48 = arith.muli %scan3A_8, %mul3A_47 : i32
      %add3A_49 = arith.constant 1 : i32
      %add3A_50 = arith.addi %mul3A_48, %add3A_49 : i32
      %dma_start3A_51 = arith.constant 128 : i32
      %dma_start3A_52 = arith.constant 0 : i32
      %dma_start3A_53 = tpu.memref_slice %arg10[%dma_start3A_51, %dma_start3A_52] : memref<1024x16xf32, #tpu.memory_space<vmem>> -> memref<128x16xf32, #tpu.memory_space<vmem>>
      %dma_start3A_54 = arith.constant 0 : i32
      %dma_start3A_55 = tpu.memref_slice %arg8[%add3A_50, %dma_start3A_54] : memref<64x128xi32, #tpu.memory_space<vmem>> -> memref<1x128xi32, #tpu.memory_space<vmem>>
      %dma_start3A_56 = tpu.memref_squeeze %dma_start3A_55 : memref<1x128xi32, #tpu.memory_space<vmem>> -> memref<128xi32, #tpu.memory_space<vmem>>
      %dma_start3A_57 = arith.constant 0 : i32
      %dma_start3A_58 = arith.constant 0 : i32
      %dma_start3A_59 = tpu.memref_slice %arg3[%dma_start3A_57, %dma_start3A_58] : memref<4096x16xf32, #tpu.memory_space<hbm>> -> memref<4096x16xf32, #tpu.memory_space<hbm>>
      tpu.enqueue_indirect_dma source(%dma_start3A_59 : memref<4096x16xf32, #tpu.memory_space<hbm>>) target(%dma_start3A_53 : memref<128x16xf32, #tpu.memory_space<vmem>>) offsets(%dma_start3A_56 : memref<128xi32, #tpu.memory_space<vmem>>) semaphore(%arg12 : memref<!tpu.dma_semaphore, #tpu.memory_space<semaphore_mem>>)
      %mul3A_60 = arith.constant 8 : i32
      %mul3A_61 = arith.muli %scan3A_8, %mul3A_60 : i32
      %add3A_62 = arith.constant 2 : i32
      %add3A_63 = arith.addi %mul3A_61, %add3A_62 : i32
      %dma_start3A_64 = arith.constant 256 : i32
      %dma_start3A_65 = arith.constant 0 : i32
      %dma_start3A_66 = tpu.memref_slice %arg9[%dma_start3A_64, %dma_start3A_65] : memref<1024x16xf32, #tpu.memory_space<vmem>> -> memref<128x16xf32, #tpu.memory_space<vmem>>
      %dma_start3A_67 = arith.constant 0 : i32
      %dma_start3A_68 = tpu.memref_slice %arg7[%add3A_63, %dma_start3A_67] : memref<64x128xi32, #tpu.memory_space<vmem>> -> memref<1x128xi32, #tpu.memory_space<vmem>>
      %dma_start3A_69 = tpu.memref_squeeze %dma_start3A_68 : memref<1x128xi32, #tpu.memory_space<vmem>> -> memref<128xi32, #tpu.memory_space<vmem>>
      %dma_start3A_70 = arith.constant 0 : i32
      %dma_start3A_71 = arith.constant 0 : i32
      %dma_start3A_72 = tpu.memref_slice %arg2[%dma_start3A_70, %dma_start3A_71] : memref<4096x16xf32, #tpu.memory_space<hbm>> -> memref<4096x16xf32, #tpu.memory_space<hbm>>
      tpu.enqueue_indirect_dma source(%dma_start3A_72 : memref<4096x16xf32, #tpu.memory_space<hbm>>) target(%dma_start3A_66 : memref<128x16xf32, #tpu.memory_space<vmem>>) offsets(%dma_start3A_69 : memref<128xi32, #tpu.memory_space<vmem>>) semaphore(%arg11 : memref<!tpu.dma_semaphore, #tpu.memory_space<semaphore_mem>>)
      %mul3A_73 = arith.constant 8 : i32
      %mul3A_74 = arith.muli %scan3A_8, %mul3A_73 : i32
      %add3A_75 = arith.constant 2 : i32
      %add3A_76 = arith.addi %mul3A_74, %add3A_75 : i32
      %dma_start3A_77 = arith.constant 256 : i32
      %dma_start3A_78 = arith.constant 0 : i32
      %dma_start3A_79 = tpu.memref_slice %arg10[%dma_start3A_77, %dma_start3A_78] : memref<1024x16xf32, #tpu.memory_space<vmem>> -> memref<128x16xf32, #tpu.memory_space<vmem>>
      %dma_start3A_80 = arith.constant 0 : i32
      %dma_start3A_81 = tpu.memref_slice %arg8[%add3A_76, %dma_start3A_80] : memref<64x128xi32, #tpu.memory_space<vmem>> -> memref<1x128xi32, #tpu.memory_space<vmem>>
      %dma_start3A_82 = tpu.memref_squeeze %dma_start3A_81 : memref<1x128xi32, #tpu.memory_space<vmem>> -> memref<128xi32, #tpu.memory_space<vmem>>
      %dma_start3A_83 = arith.constant 0 : i32
      %dma_start3A_84 = arith.constant 0 : i32
      %dma_start3A_85 = tpu.memref_slice %arg3[%dma_start3A_83, %dma_start3A_84] : memref<4096x16xf32, #tpu.memory_space<hbm>> -> memref<4096x16xf32, #tpu.memory_space<hbm>>
      tpu.enqueue_indirect_dma source(%dma_start3A_85 : memref<4096x16xf32, #tpu.memory_space<hbm>>) target(%dma_start3A_79 : memref<128x16xf32, #tpu.memory_space<vmem>>) offsets(%dma_start3A_82 : memref<128xi32, #tpu.memory_space<vmem>>) semaphore(%arg12 : memref<!tpu.dma_semaphore, #tpu.memory_space<semaphore_mem>>)
      %mul3A_86 = arith.constant 8 : i32
      %mul3A_87 = arith.muli %scan3A_8, %mul3A_86 : i32
      %add3A_88 = arith.constant 3 : i32
      %add3A_89 = arith.addi %mul3A_87, %add3A_88 : i32
      %dma_start3A_90 = arith.constant 384 : i32
      %dma_start3A_91 = arith.constant 0 : i32
      %dma_start3A_92 = tpu.memref_slice %arg9[%dma_start3A_90, %dma_start3A_91] : memref<1024x16xf32, #tpu.memory_space<vmem>> -> memref<128x16xf32, #tpu.memory_space<vmem>>
      %dma_start3A_93 = arith.constant 0 : i32
      %dma_start3A_94 = tpu.memref_slice %arg7[%add3A_89, %dma_start3A_93] : memref<64x128xi32, #tpu.memory_space<vmem>> -> memref<1x128xi32, #tpu.memory_space<vmem>>
      %dma_start3A_95 = tpu.memref_squeeze %dma_start3A_94 : memref<1x128xi32, #tpu.memory_space<vmem>> -> memref<128xi32, #tpu.memory_space<vmem>>
      %dma_start3A_96 = arith.constant 0 : i32
      %dma_start3A_97 = arith.constant 0 : i32
      %dma_start3A_98 = tpu.memref_slice %arg2[%dma_start3A_96, %dma_start3A_97] : memref<4096x16xf32, #tpu.memory_space<hbm>> -> memref<4096x16xf32, #tpu.memory_space<hbm>>
      tpu.enqueue_indirect_dma source(%dma_start3A_98 : memref<4096x16xf32, #tpu.memory_space<hbm>>) target(%dma_start3A_92 : memref<128x16xf32, #tpu.memory_space<vmem>>) offsets(%dma_start3A_95 : memref<128xi32, #tpu.memory_space<vmem>>) semaphore(%arg11 : memref<!tpu.dma_semaphore, #tpu.memory_space<semaphore_mem>>)
      %mul3A_99 = arith.constant 8 : i32
      %mul3A_100 = arith.muli %scan3A_8, %mul3A_99 : i32
      %add3A_101 = arith.constant 3 : i32
      %add3A_102 = arith.addi %mul3A_100, %add3A_101 : i32
      %dma_start3A_103 = arith.constant 384 : i32
      %dma_start3A_104 = arith.constant 0 : i32
      %dma_start3A_105 = tpu.memref_slice %arg10[%dma_start3A_103, %dma_start3A_104] : memref<1024x16xf32, #tpu.memory_space<vmem>> -> memref<128x16xf32, #tpu.memory_space<vmem>>
      %dma_start3A_106 = arith.constant 0 : i32
      %dma_start3A_107 = tpu.memref_slice %arg8[%add3A_102, %dma_start3A_106] : memref<64x128xi32, #tpu.memory_space<vmem>> -> memref<1x128xi32, #tpu.memory_space<vmem>>
      %dma_start3A_108 = tpu.memref_squeeze %dma_start3A_107 : memref<1x128xi32, #tpu.memory_space<vmem>> -> memref<128xi32, #tpu.memory_space<vmem>>
      %dma_start3A_109 = arith.constant 0 : i32
      %dma_start3A_110 = arith.constant 0 : i32
      %dma_start3A_111 = tpu.memref_slice %arg3[%dma_start3A_109, %dma_start3A_110] : memref<4096x16xf32, #tpu.memory_space<hbm>> -> memref<4096x16xf32, #tpu.memory_space<hbm>>
      tpu.enqueue_indirect_dma source(%dma_start3A_111 : memref<4096x16xf32, #tpu.memory_space<hbm>>) target(%dma_start3A_105 : memref<128x16xf32, #tpu.memory_space<vmem>>) offsets(%dma_start3A_108 : memref<128xi32, #tpu.memory_space<vmem>>) semaphore(%arg12 : memref<!tpu.dma_semaphore, #tpu.memory_space<semaphore_mem>>)
      %mul3A_112 = arith.constant 8 : i32
      %mul3A_113 = arith.muli %scan3A_8, %mul3A_112 : i32
      %add3A_114 = arith.constant 4 : i32
      %add3A_115 = arith.addi %mul3A_113, %add3A_114 : i32
      %dma_start3A_116 = arith.constant 512 : i32
      %dma_start3A_117 = arith.constant 0 : i32
      %dma_start3A_118 = tpu.memref_slice %arg9[%dma_start3A_116, %dma_start3A_117] : memref<1024x16xf32, #tpu.memory_space<vmem>> -> memref<128x16xf32, #tpu.memory_space<vmem>>
      %dma_start3A_119 = arith.constant 0 : i32
      %dma_start3A_120 = tpu.memref_slice %arg7[%add3A_115, %dma_start3A_119] : memref<64x128xi32, #tpu.memory_space<vmem>> -> memref<1x128xi32, #tpu.memory_space<vmem>>
      %dma_start3A_121 = tpu.memref_squeeze %dma_start3A_120 : memref<1x128xi32, #tpu.memory_space<vmem>> -> memref<128xi32, #tpu.memory_space<vmem>>
      %dma_start3A_122 = arith.constant 0 : i32
      %dma_start3A_123 = arith.constant 0 : i32
      %dma_start3A_124 = tpu.memref_slice %arg2[%dma_start3A_122, %dma_start3A_123] : memref<4096x16xf32, #tpu.memory_space<hbm>> -> memref<4096x16xf32, #tpu.memory_space<hbm>>
      tpu.enqueue_indirect_dma source(%dma_start3A_124 : memref<4096x16xf32, #tpu.memory_space<hbm>>) target(%dma_start3A_118 : memref<128x16xf32, #tpu.memory_space<vmem>>) offsets(%dma_start3A_121 : memref<128xi32, #tpu.memory_space<vmem>>) semaphore(%arg11 : memref<!tpu.dma_semaphore, #tpu.memory_space<semaphore_mem>>)
      %mul3A_125 = arith.constant 8 : i32
      %mul3A_126 = arith.muli %scan3A_8, %mul3A_125 : i32
      %add3A_127 = arith.constant 4 : i32
      %add3A_128 = arith.addi %mul3A_126, %add3A_127 : i32
      %dma_start3A_129 = arith.constant 512 : i32
      %dma_start3A_130 = arith.constant 0 : i32
      %dma_start3A_131 = tpu.memref_slice %arg10[%dma_start3A_129, %dma_start3A_130] : memref<1024x16xf32, #tpu.memory_space<vmem>> -> memref<128x16xf32, #tpu.memory_space<vmem>>
      %dma_start3A_132 = arith.constant 0 : i32
      %dma_start3A_133 = tpu.memref_slice %arg8[%add3A_128, %dma_start3A_132] : memref<64x128xi32, #tpu.memory_space<vmem>> -> memref<1x128xi32, #tpu.memory_space<vmem>>
      %dma_start3A_134 = tpu.memref_squeeze %dma_start3A_133 : memref<1x128xi32, #tpu.memory_space<vmem>> -> memref<128xi32, #tpu.memory_space<vmem>>
      %dma_start3A_135 = arith.constant 0 : i32
      %dma_start3A_136 = arith.constant 0 : i32
      %dma_start3A_137 = tpu.memref_slice %arg3[%dma_start3A_135, %dma_start3A_136] : memref<4096x16xf32, #tpu.memory_space<hbm>> -> memref<4096x16xf32, #tpu.memory_space<hbm>>
      tpu.enqueue_indirect_dma source(%dma_start3A_137 : memref<4096x16xf32, #tpu.memory_space<hbm>>) target(%dma_start3A_131 : memref<128x16xf32, #tpu.memory_space<vmem>>) offsets(%dma_start3A_134 : memref<128xi32, #tpu.memory_space<vmem>>) semaphore(%arg12 : memref<!tpu.dma_semaphore, #tpu.memory_space<semaphore_mem>>)
      %mul3A_138 = arith.constant 8 : i32
      %mul3A_139 = arith.muli %scan3A_8, %mul3A_138 : i32
      %add3A_140 = arith.constant 5 : i32
      %add3A_141 = arith.addi %mul3A_139, %add3A_140 : i32
      %dma_start3A_142 = arith.constant 640 : i32
      %dma_start3A_143 = arith.constant 0 : i32
      %dma_start3A_144 = tpu.memref_slice %arg9[%dma_start3A_142, %dma_start3A_143] : memref<1024x16xf32, #tpu.memory_space<vmem>> -> memref<128x16xf32, #tpu.memory_space<vmem>>
      %dma_start3A_145 = arith.constant 0 : i32
      %dma_start3A_146 = tpu.memref_slice %arg7[%add3A_141, %dma_start3A_145] : memref<64x128xi32, #tpu.memory_space<vmem>> -> memref<1x128xi32, #tpu.memory_space<vmem>>
      %dma_start3A_147 = tpu.memref_squeeze %dma_start3A_146 : memref<1x128xi32, #tpu.memory_space<vmem>> -> memref<128xi32, #tpu.memory_space<vmem>>
      %dma_start3A_148 = arith.constant 0 : i32
      %dma_start3A_149 = arith.constant 0 : i32
      %dma_start3A_150 = tpu.memref_slice %arg2[%dma_start3A_148, %dma_start3A_149] : memref<4096x16xf32, #tpu.memory_space<hbm>> -> memref<4096x16xf32, #tpu.memory_space<hbm>>
      tpu.enqueue_indirect_dma source(%dma_start3A_150 : memref<4096x16xf32, #tpu.memory_space<hbm>>) target(%dma_start3A_144 : memref<128x16xf32, #tpu.memory_space<vmem>>) offsets(%dma_start3A_147 : memref<128xi32, #tpu.memory_space<vmem>>) semaphore(%arg11 : memref<!tpu.dma_semaphore, #tpu.memory_space<semaphore_mem>>)
      %mul3A_151 = arith.constant 8 : i32
      %mul3A_152 = arith.muli %scan3A_8, %mul3A_151 : i32
      %add3A_153 = arith.constant 5 : i32
      %add3A_154 = arith.addi %mul3A_152, %add3A_153 : i32
      %dma_start3A_155 = arith.constant 640 : i32
      %dma_start3A_156 = arith.constant 0 : i32
      %dma_start3A_157 = tpu.memref_slice %arg10[%dma_start3A_155, %dma_start3A_156] : memref<1024x16xf32, #tpu.memory_space<vmem>> -> memref<128x16xf32, #tpu.memory_space<vmem>>
      %dma_start3A_158 = arith.constant 0 : i32
      %dma_start3A_159 = tpu.memref_slice %arg8[%add3A_154, %dma_start3A_158] : memref<64x128xi32, #tpu.memory_space<vmem>> -> memref<1x128xi32, #tpu.memory_space<vmem>>
      %dma_start3A_160 = tpu.memref_squeeze %dma_start3A_159 : memref<1x128xi32, #tpu.memory_space<vmem>> -> memref<128xi32, #tpu.memory_space<vmem>>
      %dma_start3A_161 = arith.constant 0 : i32
      %dma_start3A_162 = arith.constant 0 : i32
      %dma_start3A_163 = tpu.memref_slice %arg3[%dma_start3A_161, %dma_start3A_162] : memref<4096x16xf32, #tpu.memory_space<hbm>> -> memref<4096x16xf32, #tpu.memory_space<hbm>>
      tpu.enqueue_indirect_dma source(%dma_start3A_163 : memref<4096x16xf32, #tpu.memory_space<hbm>>) target(%dma_start3A_157 : memref<128x16xf32, #tpu.memory_space<vmem>>) offsets(%dma_start3A_160 : memref<128xi32, #tpu.memory_space<vmem>>) semaphore(%arg12 : memref<!tpu.dma_semaphore, #tpu.memory_space<semaphore_mem>>)
      %mul3A_164 = arith.constant 8 : i32
      %mul3A_165 = arith.muli %scan3A_8, %mul3A_164 : i32
      %add3A_166 = arith.constant 6 : i32
      %add3A_167 = arith.addi %mul3A_165, %add3A_166 : i32
      %dma_start3A_168 = arith.constant 768 : i32
      %dma_start3A_169 = arith.constant 0 : i32
      %dma_start3A_170 = tpu.memref_slice %arg9[%dma_start3A_168, %dma_start3A_169] : memref<1024x16xf32, #tpu.memory_space<vmem>> -> memref<128x16xf32, #tpu.memory_space<vmem>>
      %dma_start3A_171 = arith.constant 0 : i32
      %dma_start3A_172 = tpu.memref_slice %arg7[%add3A_167, %dma_start3A_171] : memref<64x128xi32, #tpu.memory_space<vmem>> -> memref<1x128xi32, #tpu.memory_space<vmem>>
      %dma_start3A_173 = tpu.memref_squeeze %dma_start3A_172 : memref<1x128xi32, #tpu.memory_space<vmem>> -> memref<128xi32, #tpu.memory_space<vmem>>
      %dma_start3A_174 = arith.constant 0 : i32
      %dma_start3A_175 = arith.constant 0 : i32
      %dma_start3A_176 = tpu.memref_slice %arg2[%dma_start3A_174, %dma_start3A_175] : memref<4096x16xf32, #tpu.memory_space<hbm>> -> memref<4096x16xf32, #tpu.memory_space<hbm>>
      tpu.enqueue_indirect_dma source(%dma_start3A_176 : memref<4096x16xf32, #tpu.memory_space<hbm>>) target(%dma_start3A_170 : memref<128x16xf32, #tpu.memory_space<vmem>>) offsets(%dma_start3A_173 : memref<128xi32, #tpu.memory_space<vmem>>) semaphore(%arg11 : memref<!tpu.dma_semaphore, #tpu.memory_space<semaphore_mem>>)
      %mul3A_177 = arith.constant 8 : i32
      %mul3A_178 = arith.muli %scan3A_8, %mul3A_177 : i32
      %add3A_179 = arith.constant 6 : i32
      %add3A_180 = arith.addi %mul3A_178, %add3A_179 : i32
      %dma_start3A_181 = arith.constant 768 : i32
      %dma_start3A_182 = arith.constant 0 : i32
      %dma_start3A_183 = tpu.memref_slice %arg10[%dma_start3A_181, %dma_start3A_182] : memref<1024x16xf32, #tpu.memory_space<vmem>> -> memref<128x16xf32, #tpu.memory_space<vmem>>
      %dma_start3A_184 = arith.constant 0 : i32
      %dma_start3A_185 = tpu.memref_slice %arg8[%add3A_180, %dma_start3A_184] : memref<64x128xi32, #tpu.memory_space<vmem>> -> memref<1x128xi32, #tpu.memory_space<vmem>>
      %dma_start3A_186 = tpu.memref_squeeze %dma_start3A_185 : memref<1x128xi32, #tpu.memory_space<vmem>> -> memref<128xi32, #tpu.memory_space<vmem>>
      %dma_start3A_187 = arith.constant 0 : i32
      %dma_start3A_188 = arith.constant 0 : i32
      %dma_start3A_189 = tpu.memref_slice %arg3[%dma_start3A_187, %dma_start3A_188] : memref<4096x16xf32, #tpu.memory_space<hbm>> -> memref<4096x16xf32, #tpu.memory_space<hbm>>
      tpu.enqueue_indirect_dma source(%dma_start3A_189 : memref<4096x16xf32, #tpu.memory_space<hbm>>) target(%dma_start3A_183 : memref<128x16xf32, #tpu.memory_space<vmem>>) offsets(%dma_start3A_186 : memref<128xi32, #tpu.memory_space<vmem>>) semaphore(%arg12 : memref<!tpu.dma_semaphore, #tpu.memory_space<semaphore_mem>>)
      %mul3A_190 = arith.constant 8 : i32
      %mul3A_191 = arith.muli %scan3A_8, %mul3A_190 : i32
      %add3A_192 = arith.constant 7 : i32
      %add3A_193 = arith.addi %mul3A_191, %add3A_192 : i32
      %dma_start3A_194 = arith.constant 896 : i32
      %dma_start3A_195 = arith.constant 0 : i32
      %dma_start3A_196 = tpu.memref_slice %arg9[%dma_start3A_194, %dma_start3A_195] : memref<1024x16xf32, #tpu.memory_space<vmem>> -> memref<128x16xf32, #tpu.memory_space<vmem>>
      %dma_start3A_197 = arith.constant 0 : i32
      %dma_start3A_198 = tpu.memref_slice %arg7[%add3A_193, %dma_start3A_197] : memref<64x128xi32, #tpu.memory_space<vmem>> -> memref<1x128xi32, #tpu.memory_space<vmem>>
      %dma_start3A_199 = tpu.memref_squeeze %dma_start3A_198 : memref<1x128xi32, #tpu.memory_space<vmem>> -> memref<128xi32, #tpu.memory_space<vmem>>
      %dma_start3A_200 = arith.constant 0 : i32
      %dma_start3A_201 = arith.constant 0 : i32
      %dma_start3A_202 = tpu.memref_slice %arg2[%dma_start3A_200, %dma_start3A_201] : memref<4096x16xf32, #tpu.memory_space<hbm>> -> memref<4096x16xf32, #tpu.memory_space<hbm>>
      tpu.enqueue_indirect_dma source(%dma_start3A_202 : memref<4096x16xf32, #tpu.memory_space<hbm>>) target(%dma_start3A_196 : memref<128x16xf32, #tpu.memory_space<vmem>>) offsets(%dma_start3A_199 : memref<128xi32, #tpu.memory_space<vmem>>) semaphore(%arg11 : memref<!tpu.dma_semaphore, #tpu.memory_space<semaphore_mem>>)
      %mul3A_203 = arith.constant 8 : i32
      %mul3A_204 = arith.muli %scan3A_8, %mul3A_203 : i32
      %add3A_205 = arith.constant 7 : i32
      %add3A_206 = arith.addi %mul3A_204, %add3A_205 : i32
      %dma_start3A_207 = arith.constant 896 : i32
      %dma_start3A_208 = arith.constant 0 : i32
      %dma_start3A_209 = tpu.memref_slice %arg10[%dma_start3A_207, %dma_start3A_208] : memref<1024x16xf32, #tpu.memory_space<vmem>> -> memref<128x16xf32, #tpu.memory_space<vmem>>
      %dma_start3A_210 = arith.constant 0 : i32
      %dma_start3A_211 = tpu.memref_slice %arg8[%add3A_206, %dma_start3A_210] : memref<64x128xi32, #tpu.memory_space<vmem>> -> memref<1x128xi32, #tpu.memory_space<vmem>>
      %dma_start3A_212 = tpu.memref_squeeze %dma_start3A_211 : memref<1x128xi32, #tpu.memory_space<vmem>> -> memref<128xi32, #tpu.memory_space<vmem>>
      %dma_start3A_213 = arith.constant 0 : i32
      %dma_start3A_214 = arith.constant 0 : i32
      %dma_start3A_215 = tpu.memref_slice %arg3[%dma_start3A_213, %dma_start3A_214] : memref<4096x16xf32, #tpu.memory_space<hbm>> -> memref<4096x16xf32, #tpu.memory_space<hbm>>
      tpu.enqueue_indirect_dma source(%dma_start3A_215 : memref<4096x16xf32, #tpu.memory_space<hbm>>) target(%dma_start3A_209 : memref<128x16xf32, #tpu.memory_space<vmem>>) offsets(%dma_start3A_212 : memref<128xi32, #tpu.memory_space<vmem>>) semaphore(%arg12 : memref<!tpu.dma_semaphore, #tpu.memory_space<semaphore_mem>>)
      %dma_wait3A = arith.constant 0 : i32
      %dma_wait3A_216 = arith.constant 0 : i32
      %dma_wait3A_217 = tpu.memref_slice %arg9[%dma_wait3A, %dma_wait3A_216] : memref<1024x16xf32, #tpu.memory_space<vmem>> -> memref<128x16xf32, #tpu.memory_space<vmem>>
      %dma_wait3A_218 = arith.constant 0 : i32
      %dma_wait3A_219 = tpu.memref_slice %arg7[%add3A_12, %dma_wait3A_218] : memref<64x128xi32, #tpu.memory_space<vmem>> -> memref<1x128xi32, #tpu.memory_space<vmem>>
      %dma_wait3A_220 = tpu.memref_squeeze %dma_wait3A_219 : memref<1x128xi32, #tpu.memory_space<vmem>> -> memref<128xi32, #tpu.memory_space<vmem>>
      %dma_wait3A_221 = arith.constant 0 : i32
      %dma_wait3A_222 = arith.constant 0 : i32
      %dma_wait3A_223 = tpu.memref_slice %arg2[%dma_wait3A_221, %dma_wait3A_222] : memref<4096x16xf32, #tpu.memory_space<hbm>> -> memref<4096x16xf32, #tpu.memory_space<hbm>>
      tpu.wait_indirect_dma semaphore(%arg11 : memref<!tpu.dma_semaphore, #tpu.memory_space<semaphore_mem>>) src(%dma_wait3A_223 : memref<4096x16xf32, #tpu.memory_space<hbm>>) dst(%dma_wait3A_217 : memref<128x16xf32, #tpu.memory_space<vmem>>)
      %dma_wait3A_224 = arith.constant 0 : i32
      %dma_wait3A_225 = arith.constant 0 : i32
      %dma_wait3A_226 = tpu.memref_slice %arg10[%dma_wait3A_224, %dma_wait3A_225] : memref<1024x16xf32, #tpu.memory_space<vmem>> -> memref<128x16xf32, #tpu.memory_space<vmem>>
      %dma_wait3A_227 = arith.constant 0 : i32
      %dma_wait3A_228 = tpu.memref_slice %arg8[%add3A_24, %dma_wait3A_227] : memref<64x128xi32, #tpu.memory_space<vmem>> -> memref<1x128xi32, #tpu.memory_space<vmem>>
      %dma_wait3A_229 = tpu.memref_squeeze %dma_wait3A_228 : memref<1x128xi32, #tpu.memory_space<vmem>> -> memref<128xi32, #tpu.memory_space<vmem>>
      %dma_wait3A_230 = arith.constant 0 : i32
      %dma_wait3A_231 = arith.constant 0 : i32
      %dma_wait3A_232 = tpu.memref_slice %arg3[%dma_wait3A_230, %dma_wait3A_231] : memref<4096x16xf32, #tpu.memory_space<hbm>> -> memref<4096x16xf32, #tpu.memory_space<hbm>>
      tpu.wait_indirect_dma semaphore(%arg12 : memref<!tpu.dma_semaphore, #tpu.memory_space<semaphore_mem>>) src(%dma_wait3A_232 : memref<4096x16xf32, #tpu.memory_space<hbm>>) dst(%dma_wait3A_226 : memref<128x16xf32, #tpu.memory_space<vmem>>)
      %dma_wait3A_233 = arith.constant 128 : i32
      %dma_wait3A_234 = arith.constant 0 : i32
      %dma_wait3A_235 = tpu.memref_slice %arg9[%dma_wait3A_233, %dma_wait3A_234] : memref<1024x16xf32, #tpu.memory_space<vmem>> -> memref<128x16xf32, #tpu.memory_space<vmem>>
      %dma_wait3A_236 = arith.constant 0 : i32
      %dma_wait3A_237 = tpu.memref_slice %arg7[%add3A_37, %dma_wait3A_236] : memref<64x128xi32, #tpu.memory_space<vmem>> -> memref<1x128xi32, #tpu.memory_space<vmem>>
      %dma_wait3A_238 = tpu.memref_squeeze %dma_wait3A_237 : memref<1x128xi32, #tpu.memory_space<vmem>> -> memref<128xi32, #tpu.memory_space<vmem>>
      %dma_wait3A_239 = arith.constant 0 : i32
      %dma_wait3A_240 = arith.constant 0 : i32
      %dma_wait3A_241 = tpu.memref_slice %arg2[%dma_wait3A_239, %dma_wait3A_240] : memref<4096x16xf32, #tpu.memory_space<hbm>> -> memref<4096x16xf32, #tpu.memory_space<hbm>>
      tpu.wait_indirect_dma semaphore(%arg11 : memref<!tpu.dma_semaphore, #tpu.memory_space<semaphore_mem>>) src(%dma_wait3A_241 : memref<4096x16xf32, #tpu.memory_space<hbm>>) dst(%dma_wait3A_235 : memref<128x16xf32, #tpu.memory_space<vmem>>)
      %dma_wait3A_242 = arith.constant 128 : i32
      %dma_wait3A_243 = arith.constant 0 : i32
      %dma_wait3A_244 = tpu.memref_slice %arg10[%dma_wait3A_242, %dma_wait3A_243] : memref<1024x16xf32, #tpu.memory_space<vmem>> -> memref<128x16xf32, #tpu.memory_space<vmem>>
      %dma_wait3A_245 = arith.constant 0 : i32
      %dma_wait3A_246 = tpu.memref_slice %arg8[%add3A_50, %dma_wait3A_245] : memref<64x128xi32, #tpu.memory_space<vmem>> -> memref<1x128xi32, #tpu.memory_space<vmem>>
      %dma_wait3A_247 = tpu.memref_squeeze %dma_wait3A_246 : memref<1x128xi32, #tpu.memory_space<vmem>> -> memref<128xi32, #tpu.memory_space<vmem>>
      %dma_wait3A_248 = arith.constant 0 : i32
      %dma_wait3A_249 = arith.constant 0 : i32
      %dma_wait3A_250 = tpu.memref_slice %arg3[%dma_wait3A_248, %dma_wait3A_249] : memref<4096x16xf32, #tpu.memory_space<hbm>> -> memref<4096x16xf32, #tpu.memory_space<hbm>>
      tpu.wait_indirect_dma semaphore(%arg12 : memref<!tpu.dma_semaphore, #tpu.memory_space<semaphore_mem>>) src(%dma_wait3A_250 : memref<4096x16xf32, #tpu.memory_space<hbm>>) dst(%dma_wait3A_244 : memref<128x16xf32, #tpu.memory_space<vmem>>)
      %dma_wait3A_251 = arith.constant 256 : i32
      %dma_wait3A_252 = arith.constant 0 : i32
      %dma_wait3A_253 = tpu.memref_slice %arg9[%dma_wait3A_251, %dma_wait3A_252] : memref<1024x16xf32, #tpu.memory_space<vmem>> -> memref<128x16xf32, #tpu.memory_space<vmem>>
      %dma_wait3A_254 = arith.constant 0 : i32
      %dma_wait3A_255 = tpu.memref_slice %arg7[%add3A_63, %dma_wait3A_254] : memref<64x128xi32, #tpu.memory_space<vmem>> -> memref<1x128xi32, #tpu.memory_space<vmem>>
      %dma_wait3A_256 = tpu.memref_squeeze %dma_wait3A_255 : memref<1x128xi32, #tpu.memory_space<vmem>> -> memref<128xi32, #tpu.memory_space<vmem>>
      %dma_wait3A_257 = arith.constant 0 : i32
      %dma_wait3A_258 = arith.constant 0 : i32
      %dma_wait3A_259 = tpu.memref_slice %arg2[%dma_wait3A_257, %dma_wait3A_258] : memref<4096x16xf32, #tpu.memory_space<hbm>> -> memref<4096x16xf32, #tpu.memory_space<hbm>>
      tpu.wait_indirect_dma semaphore(%arg11 : memref<!tpu.dma_semaphore, #tpu.memory_space<semaphore_mem>>) src(%dma_wait3A_259 : memref<4096x16xf32, #tpu.memory_space<hbm>>) dst(%dma_wait3A_253 : memref<128x16xf32, #tpu.memory_space<vmem>>)
      %dma_wait3A_260 = arith.constant 256 : i32
      %dma_wait3A_261 = arith.constant 0 : i32
      %dma_wait3A_262 = tpu.memref_slice %arg10[%dma_wait3A_260, %dma_wait3A_261] : memref<1024x16xf32, #tpu.memory_space<vmem>> -> memref<128x16xf32, #tpu.memory_space<vmem>>
      %dma_wait3A_263 = arith.constant 0 : i32
      %dma_wait3A_264 = tpu.memref_slice %arg8[%add3A_76, %dma_wait3A_263] : memref<64x128xi32, #tpu.memory_space<vmem>> -> memref<1x128xi32, #tpu.memory_space<vmem>>
      %dma_wait3A_265 = tpu.memref_squeeze %dma_wait3A_264 : memref<1x128xi32, #tpu.memory_space<vmem>> -> memref<128xi32, #tpu.memory_space<vmem>>
      %dma_wait3A_266 = arith.constant 0 : i32
      %dma_wait3A_267 = arith.constant 0 : i32
      %dma_wait3A_268 = tpu.memref_slice %arg3[%dma_wait3A_266, %dma_wait3A_267] : memref<4096x16xf32, #tpu.memory_space<hbm>> -> memref<4096x16xf32, #tpu.memory_space<hbm>>
      tpu.wait_indirect_dma semaphore(%arg12 : memref<!tpu.dma_semaphore, #tpu.memory_space<semaphore_mem>>) src(%dma_wait3A_268 : memref<4096x16xf32, #tpu.memory_space<hbm>>) dst(%dma_wait3A_262 : memref<128x16xf32, #tpu.memory_space<vmem>>)
      %dma_wait3A_269 = arith.constant 384 : i32
      %dma_wait3A_270 = arith.constant 0 : i32
      %dma_wait3A_271 = tpu.memref_slice %arg9[%dma_wait3A_269, %dma_wait3A_270] : memref<1024x16xf32, #tpu.memory_space<vmem>> -> memref<128x16xf32, #tpu.memory_space<vmem>>
      %dma_wait3A_272 = arith.constant 0 : i32
      %dma_wait3A_273 = tpu.memref_slice %arg7[%add3A_89, %dma_wait3A_272] : memref<64x128xi32, #tpu.memory_space<vmem>> -> memref<1x128xi32, #tpu.memory_space<vmem>>
      %dma_wait3A_274 = tpu.memref_squeeze %dma_wait3A_273 : memref<1x128xi32, #tpu.memory_space<vmem>> -> memref<128xi32, #tpu.memory_space<vmem>>
      %dma_wait3A_275 = arith.constant 0 : i32
      %dma_wait3A_276 = arith.constant 0 : i32
      %dma_wait3A_277 = tpu.memref_slice %arg2[%dma_wait3A_275, %dma_wait3A_276] : memref<4096x16xf32, #tpu.memory_space<hbm>> -> memref<4096x16xf32, #tpu.memory_space<hbm>>
      tpu.wait_indirect_dma semaphore(%arg11 : memref<!tpu.dma_semaphore, #tpu.memory_space<semaphore_mem>>) src(%dma_wait3A_277 : memref<4096x16xf32, #tpu.memory_space<hbm>>) dst(%dma_wait3A_271 : memref<128x16xf32, #tpu.memory_space<vmem>>)
      %dma_wait3A_278 = arith.constant 384 : i32
      %dma_wait3A_279 = arith.constant 0 : i32
      %dma_wait3A_280 = tpu.memref_slice %arg10[%dma_wait3A_278, %dma_wait3A_279] : memref<1024x16xf32, #tpu.memory_space<vmem>> -> memref<128x16xf32, #tpu.memory_space<vmem>>
      %dma_wait3A_281 = arith.constant 0 : i32
      %dma_wait3A_282 = tpu.memref_slice %arg8[%add3A_102, %dma_wait3A_281] : memref<64x128xi32, #tpu.memory_space<vmem>> -> memref<1x128xi32, #tpu.memory_space<vmem>>
      %dma_wait3A_283 = tpu.memref_squeeze %dma_wait3A_282 : memref<1x128xi32, #tpu.memory_space<vmem>> -> memref<128xi32, #tpu.memory_space<vmem>>
      %dma_wait3A_284 = arith.constant 0 : i32
      %dma_wait3A_285 = arith.constant 0 : i32
      %dma_wait3A_286 = tpu.memref_slice %arg3[%dma_wait3A_284, %dma_wait3A_285] : memref<4096x16xf32, #tpu.memory_space<hbm>> -> memref<4096x16xf32, #tpu.memory_space<hbm>>
      tpu.wait_indirect_dma semaphore(%arg12 : memref<!tpu.dma_semaphore, #tpu.memory_space<semaphore_mem>>) src(%dma_wait3A_286 : memref<4096x16xf32, #tpu.memory_space<hbm>>) dst(%dma_wait3A_280 : memref<128x16xf32, #tpu.memory_space<vmem>>)
      %dma_wait3A_287 = arith.constant 512 : i32
      %dma_wait3A_288 = arith.constant 0 : i32
      %dma_wait3A_289 = tpu.memref_slice %arg9[%dma_wait3A_287, %dma_wait3A_288] : memref<1024x16xf32, #tpu.memory_space<vmem>> -> memref<128x16xf32, #tpu.memory_space<vmem>>
      %dma_wait3A_290 = arith.constant 0 : i32
      %dma_wait3A_291 = tpu.memref_slice %arg7[%add3A_115, %dma_wait3A_290] : memref<64x128xi32, #tpu.memory_space<vmem>> -> memref<1x128xi32, #tpu.memory_space<vmem>>
      %dma_wait3A_292 = tpu.memref_squeeze %dma_wait3A_291 : memref<1x128xi32, #tpu.memory_space<vmem>> -> memref<128xi32, #tpu.memory_space<vmem>>
      %dma_wait3A_293 = arith.constant 0 : i32
      %dma_wait3A_294 = arith.constant 0 : i32
      %dma_wait3A_295 = tpu.memref_slice %arg2[%dma_wait3A_293, %dma_wait3A_294] : memref<4096x16xf32, #tpu.memory_space<hbm>> -> memref<4096x16xf32, #tpu.memory_space<hbm>>
      tpu.wait_indirect_dma semaphore(%arg11 : memref<!tpu.dma_semaphore, #tpu.memory_space<semaphore_mem>>) src(%dma_wait3A_295 : memref<4096x16xf32, #tpu.memory_space<hbm>>) dst(%dma_wait3A_289 : memref<128x16xf32, #tpu.memory_space<vmem>>)
      %dma_wait3A_296 = arith.constant 512 : i32
      %dma_wait3A_297 = arith.constant 0 : i32
      %dma_wait3A_298 = tpu.memref_slice %arg10[%dma_wait3A_296, %dma_wait3A_297] : memref<1024x16xf32, #tpu.memory_space<vmem>> -> memref<128x16xf32, #tpu.memory_space<vmem>>
      %dma_wait3A_299 = arith.constant 0 : i32
      %dma_wait3A_300 = tpu.memref_slice %arg8[%add3A_128, %dma_wait3A_299] : memref<64x128xi32, #tpu.memory_space<vmem>> -> memref<1x128xi32, #tpu.memory_space<vmem>>
      %dma_wait3A_301 = tpu.memref_squeeze %dma_wait3A_300 : memref<1x128xi32, #tpu.memory_space<vmem>> -> memref<128xi32, #tpu.memory_space<vmem>>
      %dma_wait3A_302 = arith.constant 0 : i32
      %dma_wait3A_303 = arith.constant 0 : i32
      %dma_wait3A_304 = tpu.memref_slice %arg3[%dma_wait3A_302, %dma_wait3A_303] : memref<4096x16xf32, #tpu.memory_space<hbm>> -> memref<4096x16xf32, #tpu.memory_space<hbm>>
      tpu.wait_indirect_dma semaphore(%arg12 : memref<!tpu.dma_semaphore, #tpu.memory_space<semaphore_mem>>) src(%dma_wait3A_304 : memref<4096x16xf32, #tpu.memory_space<hbm>>) dst(%dma_wait3A_298 : memref<128x16xf32, #tpu.memory_space<vmem>>)
      %dma_wait3A_305 = arith.constant 640 : i32
      %dma_wait3A_306 = arith.constant 0 : i32
      %dma_wait3A_307 = tpu.memref_slice %arg9[%dma_wait3A_305, %dma_wait3A_306] : memref<1024x16xf32, #tpu.memory_space<vmem>> -> memref<128x16xf32, #tpu.memory_space<vmem>>
      %dma_wait3A_308 = arith.constant 0 : i32
      %dma_wait3A_309 = tpu.memref_slice %arg7[%add3A_141, %dma_wait3A_308] : memref<64x128xi32, #tpu.memory_space<vmem>> -> memref<1x128xi32, #tpu.memory_space<vmem>>
      %dma_wait3A_310 = tpu.memref_squeeze %dma_wait3A_309 : memref<1x128xi32, #tpu.memory_space<vmem>> -> memref<128xi32, #tpu.memory_space<vmem>>
      %dma_wait3A_311 = arith.constant 0 : i32
      %dma_wait3A_312 = arith.constant 0 : i32
      %dma_wait3A_313 = tpu.memref_slice %arg2[%dma_wait3A_311, %dma_wait3A_312] : memref<4096x16xf32, #tpu.memory_space<hbm>> -> memref<4096x16xf32, #tpu.memory_space<hbm>>
      tpu.wait_indirect_dma semaphore(%arg11 : memref<!tpu.dma_semaphore, #tpu.memory_space<semaphore_mem>>) src(%dma_wait3A_313 : memref<4096x16xf32, #tpu.memory_space<hbm>>) dst(%dma_wait3A_307 : memref<128x16xf32, #tpu.memory_space<vmem>>)
      %dma_wait3A_314 = arith.constant 640 : i32
      %dma_wait3A_315 = arith.constant 0 : i32
      %dma_wait3A_316 = tpu.memref_slice %arg10[%dma_wait3A_314, %dma_wait3A_315] : memref<1024x16xf32, #tpu.memory_space<vmem>> -> memref<128x16xf32, #tpu.memory_space<vmem>>
      %dma_wait3A_317 = arith.constant 0 : i32
      %dma_wait3A_318 = tpu.memref_slice %arg8[%add3A_154, %dma_wait3A_317] : memref<64x128xi32, #tpu.memory_space<vmem>> -> memref<1x128xi32, #tpu.memory_space<vmem>>
      %dma_wait3A_319 = tpu.memref_squeeze %dma_wait3A_318 : memref<1x128xi32, #tpu.memory_space<vmem>> -> memref<128xi32, #tpu.memory_space<vmem>>
      %dma_wait3A_320 = arith.constant 0 : i32
      %dma_wait3A_321 = arith.constant 0 : i32
      %dma_wait3A_322 = tpu.memref_slice %arg3[%dma_wait3A_320, %dma_wait3A_321] : memref<4096x16xf32, #tpu.memory_space<hbm>> -> memref<4096x16xf32, #tpu.memory_space<hbm>>
      tpu.wait_indirect_dma semaphore(%arg12 : memref<!tpu.dma_semaphore, #tpu.memory_space<semaphore_mem>>) src(%dma_wait3A_322 : memref<4096x16xf32, #tpu.memory_space<hbm>>) dst(%dma_wait3A_316 : memref<128x16xf32, #tpu.memory_space<vmem>>)
      %dma_wait3A_323 = arith.constant 768 : i32
      %dma_wait3A_324 = arith.constant 0 : i32
      %dma_wait3A_325 = tpu.memref_slice %arg9[%dma_wait3A_323, %dma_wait3A_324] : memref<1024x16xf32, #tpu.memory_space<vmem>> -> memref<128x16xf32, #tpu.memory_space<vmem>>
      %dma_wait3A_326 = arith.constant 0 : i32
      %dma_wait3A_327 = tpu.memref_slice %arg7[%add3A_167, %dma_wait3A_326] : memref<64x128xi32, #tpu.memory_space<vmem>> -> memref<1x128xi32, #tpu.memory_space<vmem>>
      %dma_wait3A_328 = tpu.memref_squeeze %dma_wait3A_327 : memref<1x128xi32, #tpu.memory_space<vmem>> -> memref<128xi32, #tpu.memory_space<vmem>>
      %dma_wait3A_329 = arith.constant 0 : i32
      %dma_wait3A_330 = arith.constant 0 : i32
      %dma_wait3A_331 = tpu.memref_slice %arg2[%dma_wait3A_329, %dma_wait3A_330] : memref<4096x16xf32, #tpu.memory_space<hbm>> -> memref<4096x16xf32, #tpu.memory_space<hbm>>
      tpu.wait_indirect_dma semaphore(%arg11 : memref<!tpu.dma_semaphore, #tpu.memory_space<semaphore_mem>>) src(%dma_wait3A_331 : memref<4096x16xf32, #tpu.memory_space<hbm>>) dst(%dma_wait3A_325 : memref<128x16xf32, #tpu.memory_space<vmem>>)
      %dma_wait3A_332 = arith.constant 768 : i32
      %dma_wait3A_333 = arith.constant 0 : i32
      %dma_wait3A_334 = tpu.memref_slice %arg10[%dma_wait3A_332, %dma_wait3A_333] : memref<1024x16xf32, #tpu.memory_space<vmem>> -> memref<128x16xf32, #tpu.memory_space<vmem>>
      %dma_wait3A_335 = arith.constant 0 : i32
      %dma_wait3A_336 = tpu.memref_slice %arg8[%add3A_180, %dma_wait3A_335] : memref<64x128xi32, #tpu.memory_space<vmem>> -> memref<1x128xi32, #tpu.memory_space<vmem>>
      %dma_wait3A_337 = tpu.memref_squeeze %dma_wait3A_336 : memref<1x128xi32, #tpu.memory_space<vmem>> -> memref<128xi32, #tpu.memory_space<vmem>>
      %dma_wait3A_338 = arith.constant 0 : i32
      %dma_wait3A_339 = arith.constant 0 : i32
      %dma_wait3A_340 = tpu.memref_slice %arg3[%dma_wait3A_338, %dma_wait3A_339] : memref<4096x16xf32, #tpu.memory_space<hbm>> -> memref<4096x16xf32, #tpu.memory_space<hbm>>
      tpu.wait_indirect_dma semaphore(%arg12 : memref<!tpu.dma_semaphore, #tpu.memory_space<semaphore_mem>>) src(%dma_wait3A_340 : memref<4096x16xf32, #tpu.memory_space<hbm>>) dst(%dma_wait3A_334 : memref<128x16xf32, #tpu.memory_space<vmem>>)
      %dma_wait3A_341 = arith.constant 896 : i32
      %dma_wait3A_342 = arith.constant 0 : i32
      %dma_wait3A_343 = tpu.memref_slice %arg9[%dma_wait3A_341, %dma_wait3A_342] : memref<1024x16xf32, #tpu.memory_space<vmem>> -> memref<128x16xf32, #tpu.memory_space<vmem>>
      %dma_wait3A_344 = arith.constant 0 : i32
      %dma_wait3A_345 = tpu.memref_slice %arg7[%add3A_193, %dma_wait3A_344] : memref<64x128xi32, #tpu.memory_space<vmem>> -> memref<1x128xi32, #tpu.memory_space<vmem>>
      %dma_wait3A_346 = tpu.memref_squeeze %dma_wait3A_345 : memref<1x128xi32, #tpu.memory_space<vmem>> -> memref<128xi32, #tpu.memory_space<vmem>>
      %dma_wait3A_347 = arith.constant 0 : i32
      %dma_wait3A_348 = arith.constant 0 : i32
      %dma_wait3A_349 = tpu.memref_slice %arg2[%dma_wait3A_347, %dma_wait3A_348] : memref<4096x16xf32, #tpu.memory_space<hbm>> -> memref<4096x16xf32, #tpu.memory_space<hbm>>
      tpu.wait_indirect_dma semaphore(%arg11 : memref<!tpu.dma_semaphore, #tpu.memory_space<semaphore_mem>>) src(%dma_wait3A_349 : memref<4096x16xf32, #tpu.memory_space<hbm>>) dst(%dma_wait3A_343 : memref<128x16xf32, #tpu.memory_space<vmem>>)
      %dma_wait3A_350 = arith.constant 896 : i32
      %dma_wait3A_351 = arith.constant 0 : i32
      %dma_wait3A_352 = tpu.memref_slice %arg10[%dma_wait3A_350, %dma_wait3A_351] : memref<1024x16xf32, #tpu.memory_space<vmem>> -> memref<128x16xf32, #tpu.memory_space<vmem>>
      %dma_wait3A_353 = arith.constant 0 : i32
      %dma_wait3A_354 = tpu.memref_slice %arg8[%add3A_206, %dma_wait3A_353] : memref<64x128xi32, #tpu.memory_space<vmem>> -> memref<1x128xi32, #tpu.memory_space<vmem>>
      %dma_wait3A_355 = tpu.memref_squeeze %dma_wait3A_354 : memref<1x128xi32, #tpu.memory_space<vmem>> -> memref<128xi32, #tpu.memory_space<vmem>>
      %dma_wait3A_356 = arith.constant 0 : i32
      %dma_wait3A_357 = arith.constant 0 : i32
      %dma_wait3A_358 = tpu.memref_slice %arg3[%dma_wait3A_356, %dma_wait3A_357] : memref<4096x16xf32, #tpu.memory_space<hbm>> -> memref<4096x16xf32, #tpu.memory_space<hbm>>
      tpu.wait_indirect_dma semaphore(%arg12 : memref<!tpu.dma_semaphore, #tpu.memory_space<semaphore_mem>>) src(%dma_wait3A_358 : memref<4096x16xf32, #tpu.memory_space<hbm>>) dst(%dma_wait3A_352 : memref<128x16xf32, #tpu.memory_space<vmem>>)
      %scan3A_359 = arith.constant 0 : i32
      %scan3A_360 = arith.constant 0 : i32
      %scan3A_361 = arith.constant 1024 : i32
      %scan3A_362 = arith.addi %scan3A_360, %scan3A_361 : i32
      %scan3A_363 = arith.constant 1 : i32
      scf.for %scan3A_370 = %scan3A_360 to %scan3A_362 step %scan3A_363  : i32 {
        %get3A = arith.index_cast %scan3A_370 : i32 to index
        %get3A_371 = arith.constant 0 : index
        %get3A_372 = tpu.vector_load %arg9[%get3A, %get3A_371] {strides = array<i32>} : memref<1024x16xf32, #tpu.memory_space<vmem>>, vector<1x16xf32>,
        %get3A_373 = vector.shape_cast %get3A_372 : vector<1x16xf32> to vector<16xf32>
        %get3A_374 = arith.index_cast %scan3A_370 : i32 to index
        %get3A_375 = arith.constant 0 : index
        %get3A_376 = tpu.vector_load %arg10[%get3A_374, %get3A_375] {strides = array<i32>} : memref<1024x16xf32, #tpu.memory_space<vmem>>, vector<1x16xf32>,
        %get3A_377 = vector.shape_cast %get3A_376 : vector<1x16xf32> to vector<16xf32>
        %add3A_378 = arith.addf %get3A_373, %get3A_377 : vector<16xf32>
        %swap3A = arith.index_cast %scan3A_370 : i32 to index
        %swap3A_379 = arith.constant 0 : index
        %swap3A_380 = tpu.vector_load %arg9[%swap3A, %swap3A_379] {strides = array<i32>} : memref<1024x16xf32, #tpu.memory_space<vmem>>, vector<1x16xf32>,
        %swap3A_381 = vector.shape_cast %swap3A_380 : vector<1x16xf32> to vector<16xf32>
        %swap3A_382 = vector.shape_cast %add3A_378 : vector<16xf32> to vector<1x16xf32>
        tpu.vector_store %arg9[%swap3A, %swap3A_379], %swap3A_382 {strides = array<i32>} : memref<1024x16xf32, #tpu.memory_space<vmem>>, vector<1x16xf32>,
      }
      %scan3A_364 = arith.constant 1024 : i32
      %mul3A_365 = arith.constant 8 : i32
      %mul3A_366 = arith.muli %scan3A_8, %mul3A_365 : i32
      %add3A_367 = arith.addi %mul3A_2, %mul3A_366 : i32
      %mul3A_368 = arith.constant 128 : i32
      %mul3A_369 = arith.muli %add3A_367, %mul3A_368 : i32
      "tpu.region"() ({
        %run_scoped3A = tpu.sem_alloc : memref<!tpu.dma_semaphore, #tpu.memory_space<semaphore_mem>>
        %dma_start3A_370 = arith.constant 0 : i32
        %dma_start3A_371 = tpu.memref_slice %arg6[%mul3A_369, %dma_start3A_370] : memref<262144x16xf32, #tpu.memory_space<hbm>> -> memref<1024x16xf32, #tpu.memory_space<hbm>>
        %dma_start3A_372 = arith.constant 0 : i32
        %dma_start3A_373 = tpu.memref_slice %arg6[%mul3A_369, %dma_start3A_372] : memref<262144x16xf32, #tpu.memory_space<hbm>> -> memref<1024x16xf32, #tpu.memory_space<hbm>>
        tpu.enqueue_dma source(%arg9 : memref<1024x16xf32, #tpu.memory_space<vmem>>) target(%dma_start3A_373 : memref<1024x16xf32, #tpu.memory_space<hbm>>) target_semaphore(%run_scoped3A : memref<!tpu.dma_semaphore, #tpu.memory_space<semaphore_mem>>)
        %dma_wait3A_374 = arith.constant 0 : i32
        %dma_wait3A_375 = tpu.memref_slice %arg6[%mul3A_369, %dma_wait3A_374] : memref<262144x16xf32, #tpu.memory_space<hbm>> -> memref<1024x16xf32, #tpu.memory_space<hbm>>
        %dma_wait3A_376 = arith.constant 0 : i32
        %dma_wait3A_377 = tpu.memref_slice %arg6[%mul3A_369, %dma_wait3A_376] : memref<262144x16xf32, #tpu.memory_space<hbm>> -> memref<1024x16xf32, #tpu.memory_space<hbm>>
        tpu.wait_dma2 semaphore(%run_scoped3A : memref<!tpu.dma_semaphore, #tpu.memory_space<semaphore_mem>>) src(%arg9 : memref<1024x16xf32, #tpu.memory_space<vmem>>) dst(%dma_wait3A_377 : memref<1024x16xf32, #tpu.memory_space<hbm>>)
        tpu.yield
      }) : () -> ()
    }
    %scan3A_7 = arith.constant 8 : i32
    return
  }
}

#map = affine_map<(d0, d1) -> (0, 0)>
module attributes {stable_mosaic.version = 14 : i64} {
  func.func @kfn(%arg0: i32, %arg1: i32, %arg2: memref<262144x16xf32, #tpu.memory_space<hbm>>, %arg3: memref<2048x128xi32, #tpu.memory_space<hbm>>, %arg4: memref<8192x16xf32, #tpu.memory_space<hbm>>, %arg5: memref<64x128xi32, #tpu.memory_space<vmem>>, %arg6: memref<1024x16xf32, #tpu.memory_space<vmem>>, %arg7: memref<256x16xf32, #tpu.memory_space<vmem>>, %arg8: memref<4096x16xf32, #tpu.memory_space<vmem_shared>>) attributes {dimension_semantics = [#tpu.dimension_semantics<core_parallel>, #tpu.dimension_semantics<subcore_parallel>], iteration_bounds = array<i64: 2, 16>, scalar_prefetch = 0 : i64, scratch_operands = 4 : i64, tpu.core_type = #tpu.core_type<sc_vector_subcore>, window_params = [{transform_indices = #map}, {transform_indices = #map}, {transform_indices = #map}]} {
    %mul3A = arith.constant 2 : i32
    %mul3A_0 = arith.muli %arg1, %mul3A : i32
    %add3A = arith.addi %mul3A_0, %arg0 : i32
    %mul3A_1 = arith.constant 64 : i32
    %mul3A_2 = arith.muli %add3A, %mul3A_1 : i32
    %scan3A = arith.constant 0 : i32
    %scan3A_3 = arith.constant 0 : i32
    %scan3A_4 = arith.constant 256 : i32
    %scan3A_5 = arith.addi %scan3A_3, %scan3A_4 : i32
    %scan3A_6 = arith.constant 1 : i32
    scf.for %scan3A_24 = %scan3A_3 to %scan3A_5 step %scan3A_6  : i32 {
      %broadcast_in_dim3A = arith.constant 0.000000e+00 : f32
      %broadcast_in_dim3A_25 = vector.broadcast %broadcast_in_dim3A : f32 to vector<16xf32>
      %swap3A = arith.index_cast %scan3A_24 : i32 to index
      %swap3A_26 = arith.constant 0 : index
      %swap3A_27 = tpu.vector_load %arg7[%swap3A, %swap3A_26] {strides = array<i32>} : memref<256x16xf32, #tpu.memory_space<vmem>>, vector<1x16xf32>,
      %swap3A_28 = vector.shape_cast %swap3A_27 : vector<1x16xf32> to vector<16xf32>
      %swap3A_29 = vector.shape_cast %broadcast_in_dim3A_25 : vector<16xf32> to vector<1x16xf32>
      tpu.vector_store %arg7[%swap3A, %swap3A_26], %swap3A_29 {strides = array<i32>} : memref<256x16xf32, #tpu.memory_space<vmem>>, vector<1x16xf32>,
    }
    %scan3A_7 = arith.constant 256 : i32
    %mul3A_8 = arith.constant 256 : i32
    %mul3A_9 = arith.muli %arg1, %mul3A_8 : i32
    "tpu.region"() ({
      %run_scoped3A = tpu.sem_alloc : memref<!tpu.dma_semaphore, #tpu.memory_space<semaphore_mem>>
      %dma_start3A = arith.constant 0 : i32
      %dma_start3A_24 = tpu.memref_slice %arg8[%mul3A_9, %dma_start3A] : memref<4096x16xf32, #tpu.memory_space<vmem_shared>> -> memref<256x16xf32, #tpu.memory_space<vmem_shared>>
      %dma_start3A_25 = arith.constant 0 : i32
      %dma_start3A_26 = tpu.memref_slice %arg8[%mul3A_9, %dma_start3A_25] : memref<4096x16xf32, #tpu.memory_space<vmem_shared>> -> memref<256x16xf32, #tpu.memory_space<vmem_shared>>
      tpu.enqueue_dma source(%arg7 : memref<256x16xf32, #tpu.memory_space<vmem>>) target(%dma_start3A_26 : memref<256x16xf32, #tpu.memory_space<vmem_shared>>) target_semaphore(%run_scoped3A : memref<!tpu.dma_semaphore, #tpu.memory_space<semaphore_mem>>)
      %dma_wait3A = arith.constant 0 : i32
      %dma_wait3A_27 = tpu.memref_slice %arg8[%mul3A_9, %dma_wait3A] : memref<4096x16xf32, #tpu.memory_space<vmem_shared>> -> memref<256x16xf32, #tpu.memory_space<vmem_shared>>
      %dma_wait3A_28 = arith.constant 0 : i32
      %dma_wait3A_29 = tpu.memref_slice %arg8[%mul3A_9, %dma_wait3A_28] : memref<4096x16xf32, #tpu.memory_space<vmem_shared>> -> memref<256x16xf32, #tpu.memory_space<vmem_shared>>
      tpu.wait_dma2 semaphore(%run_scoped3A : memref<!tpu.dma_semaphore, #tpu.memory_space<semaphore_mem>>) src(%arg7 : memref<256x16xf32, #tpu.memory_space<vmem>>) dst(%dma_wait3A_29 : memref<256x16xf32, #tpu.memory_space<vmem_shared>>)
      tpu.yield
    }) : () -> ()
    %barrier3A = arith.constant 0 : index
    tpu.barrier barrier_id(%barrier3A)
    "tpu.region"() ({
      %run_scoped3A = tpu.sem_alloc : memref<!tpu.dma_semaphore, #tpu.memory_space<semaphore_mem>>
      %dma_start3A = arith.constant 0 : i32
      %dma_start3A_24 = tpu.memref_slice %arg3[%mul3A_2, %dma_start3A] : memref<2048x128xi32, #tpu.memory_space<hbm>> -> memref<64x128xi32, #tpu.memory_space<hbm>>
      %dma_start3A_25 = arith.constant 0 : i32
      %dma_start3A_26 = tpu.memref_slice %arg3[%mul3A_2, %dma_start3A_25] : memref<2048x128xi32, #tpu.memory_space<hbm>> -> memref<64x128xi32, #tpu.memory_space<hbm>>
      tpu.enqueue_dma source(%dma_start3A_26 : memref<64x128xi32, #tpu.memory_space<hbm>>) target(%arg5 : memref<64x128xi32, #tpu.memory_space<vmem>>) target_semaphore(%run_scoped3A : memref<!tpu.dma_semaphore, #tpu.memory_space<semaphore_mem>>)
      %dma_wait3A = arith.constant 0 : i32
      %dma_wait3A_27 = tpu.memref_slice %arg3[%mul3A_2, %dma_wait3A] : memref<2048x128xi32, #tpu.memory_space<hbm>> -> memref<64x128xi32, #tpu.memory_space<hbm>>
      %dma_wait3A_28 = arith.constant 0 : i32
      %dma_wait3A_29 = tpu.memref_slice %arg3[%mul3A_2, %dma_wait3A_28] : memref<2048x128xi32, #tpu.memory_space<hbm>> -> memref<64x128xi32, #tpu.memory_space<hbm>>
      tpu.wait_dma2 semaphore(%run_scoped3A : memref<!tpu.dma_semaphore, #tpu.memory_space<semaphore_mem>>) src(%dma_wait3A_29 : memref<64x128xi32, #tpu.memory_space<hbm>>) dst(%arg5 : memref<64x128xi32, #tpu.memory_space<vmem>>)
      tpu.yield
    }) : () -> ()
    %scan3A_10 = arith.constant 0 : i32
    %scan3A_11 = arith.constant 0 : i32
    %scan3A_12 = arith.constant 8 : i32
    %scan3A_13 = arith.addi %scan3A_11, %scan3A_12 : i32
    %scan3A_14 = arith.constant 1 : i32
    scf.for %scan3A_24 = %scan3A_11 to %scan3A_13 step %scan3A_14  : i32 {
      %mul3A_25 = arith.constant 8 : i32
      %mul3A_26 = arith.muli %scan3A_24, %mul3A_25 : i32
      %add3A_27 = arith.addi %mul3A_2, %mul3A_26 : i32
      %mul3A_28 = arith.constant 128 : i32
      %mul3A_29 = arith.muli %add3A_27, %mul3A_28 : i32
      "tpu.region"() ({
        %run_scoped3A = tpu.sem_alloc : memref<!tpu.dma_semaphore, #tpu.memory_space<semaphore_mem>>
        %dma_start3A = arith.constant 0 : i32
        %dma_start3A_62 = tpu.memref_slice %arg2[%mul3A_29, %dma_start3A] : memref<262144x16xf32, #tpu.memory_space<hbm>> -> memref<1024x16xf32, #tpu.memory_space<hbm>>
        %dma_start3A_63 = arith.constant 0 : i32
        %dma_start3A_64 = tpu.memref_slice %arg2[%mul3A_29, %dma_start3A_63] : memref<262144x16xf32, #tpu.memory_space<hbm>> -> memref<1024x16xf32, #tpu.memory_space<hbm>>
        tpu.enqueue_dma source(%dma_start3A_64 : memref<1024x16xf32, #tpu.memory_space<hbm>>) target(%arg6 : memref<1024x16xf32, #tpu.memory_space<vmem>>) target_semaphore(%run_scoped3A : memref<!tpu.dma_semaphore, #tpu.memory_space<semaphore_mem>>)
        %dma_wait3A = arith.constant 0 : i32
        %dma_wait3A_65 = tpu.memref_slice %arg2[%mul3A_29, %dma_wait3A] : memref<262144x16xf32, #tpu.memory_space<hbm>> -> memref<1024x16xf32, #tpu.memory_space<hbm>>
        %dma_wait3A_66 = arith.constant 0 : i32
        %dma_wait3A_67 = tpu.memref_slice %arg2[%mul3A_29, %dma_wait3A_66] : memref<262144x16xf32, #tpu.memory_space<hbm>> -> memref<1024x16xf32, #tpu.memory_space<hbm>>
        tpu.wait_dma2 semaphore(%run_scoped3A : memref<!tpu.dma_semaphore, #tpu.memory_space<semaphore_mem>>) src(%dma_wait3A_67 : memref<1024x16xf32, #tpu.memory_space<hbm>>) dst(%arg6 : memref<1024x16xf32, #tpu.memory_space<vmem>>)
        tpu.yield
      }) : () -> ()
      %mul3A_30 = arith.constant 8 : i32
      %mul3A_31 = arith.muli %scan3A_24, %mul3A_30 : i32
      %add3A_32 = arith.constant 0 : i32
      %add3A_33 = arith.addi %mul3A_31, %add3A_32 : i32
      "tpu.region"() ({
        %run_scoped3A = tpu.sem_alloc : memref<!tpu.dma_semaphore, #tpu.memory_space<semaphore_mem>>
        %dma_start3A = arith.constant 0 : i32
        %dma_start3A_62 = arith.constant 0 : i32
        %dma_start3A_63 = tpu.memref_slice %arg6[%dma_start3A, %dma_start3A_62] : memref<1024x16xf32, #tpu.memory_space<vmem>> -> memref<128x16xf32, #tpu.memory_space<vmem>>
        %dma_start3A_64 = arith.constant 0 : i32
        %dma_start3A_65 = tpu.memref_slice %arg5[%add3A_33, %dma_start3A_64] : memref<64x128xi32, #tpu.memory_space<vmem>> -> memref<1x128xi32, #tpu.memory_space<vmem>>
        %dma_start3A_66 = tpu.memref_squeeze %dma_start3A_65 : memref<1x128xi32, #tpu.memory_space<vmem>> -> memref<128xi32, #tpu.memory_space<vmem>>
        %dma_start3A_67 = arith.constant 0 : i32
        %dma_start3A_68 = arith.constant 0 : i32
        %dma_start3A_69 = tpu.memref_slice %arg8[%dma_start3A_67, %dma_start3A_68] : memref<4096x16xf32, #tpu.memory_space<vmem_shared>> -> memref<4096x16xf32, #tpu.memory_space<vmem_shared>>
        tpu.enqueue_indirect_dma source(%dma_start3A_63 : memref<128x16xf32, #tpu.memory_space<vmem>>) target(%dma_start3A_69 : memref<4096x16xf32, #tpu.memory_space<vmem_shared>>) offsets(%dma_start3A_66 : memref<128xi32, #tpu.memory_space<vmem>>) semaphore(%run_scoped3A : memref<!tpu.dma_semaphore, #tpu.memory_space<semaphore_mem>>) {add = true}
        %dma_wait3A = arith.constant 0 : i32
        %dma_wait3A_70 = arith.constant 0 : i32
        %dma_wait3A_71 = tpu.memref_slice %arg6[%dma_wait3A, %dma_wait3A_70] : memref<1024x16xf32, #tpu.memory_space<vmem>> -> memref<128x16xf32, #tpu.memory_space<vmem>>
        %dma_wait3A_72 = arith.constant 0 : i32
        %dma_wait3A_73 = tpu.memref_slice %arg5[%add3A_33, %dma_wait3A_72] : memref<64x128xi32, #tpu.memory_space<vmem>> -> memref<1x128xi32, #tpu.memory_space<vmem>>
        %dma_wait3A_74 = tpu.memref_squeeze %dma_wait3A_73 : memref<1x128xi32, #tpu.memory_space<vmem>> -> memref<128xi32, #tpu.memory_space<vmem>>
        %dma_wait3A_75 = arith.constant 0 : i32
        %dma_wait3A_76 = arith.constant 0 : i32
        %dma_wait3A_77 = tpu.memref_slice %arg8[%dma_wait3A_75, %dma_wait3A_76] : memref<4096x16xf32, #tpu.memory_space<vmem_shared>> -> memref<4096x16xf32, #tpu.memory_space<vmem_shared>>
        tpu.wait_indirect_dma semaphore(%run_scoped3A : memref<!tpu.dma_semaphore, #tpu.memory_space<semaphore_mem>>) src(%dma_wait3A_71 : memref<128x16xf32, #tpu.memory_space<vmem>>) dst(%dma_wait3A_77 : memref<4096x16xf32, #tpu.memory_space<vmem_shared>>)
        tpu.yield
      }) : () -> ()
      %mul3A_34 = arith.constant 8 : i32
      %mul3A_35 = arith.muli %scan3A_24, %mul3A_34 : i32
      %add3A_36 = arith.constant 1 : i32
      %add3A_37 = arith.addi %mul3A_35, %add3A_36 : i32
      "tpu.region"() ({
        %run_scoped3A = tpu.sem_alloc : memref<!tpu.dma_semaphore, #tpu.memory_space<semaphore_mem>>
        %dma_start3A = arith.constant 128 : i32
        %dma_start3A_62 = arith.constant 0 : i32
        %dma_start3A_63 = tpu.memref_slice %arg6[%dma_start3A, %dma_start3A_62] : memref<1024x16xf32, #tpu.memory_space<vmem>> -> memref<128x16xf32, #tpu.memory_space<vmem>>
        %dma_start3A_64 = arith.constant 0 : i32
        %dma_start3A_65 = tpu.memref_slice %arg5[%add3A_37, %dma_start3A_64] : memref<64x128xi32, #tpu.memory_space<vmem>> -> memref<1x128xi32, #tpu.memory_space<vmem>>
        %dma_start3A_66 = tpu.memref_squeeze %dma_start3A_65 : memref<1x128xi32, #tpu.memory_space<vmem>> -> memref<128xi32, #tpu.memory_space<vmem>>
        %dma_start3A_67 = arith.constant 0 : i32
        %dma_start3A_68 = arith.constant 0 : i32
        %dma_start3A_69 = tpu.memref_slice %arg8[%dma_start3A_67, %dma_start3A_68] : memref<4096x16xf32, #tpu.memory_space<vmem_shared>> -> memref<4096x16xf32, #tpu.memory_space<vmem_shared>>
        tpu.enqueue_indirect_dma source(%dma_start3A_63 : memref<128x16xf32, #tpu.memory_space<vmem>>) target(%dma_start3A_69 : memref<4096x16xf32, #tpu.memory_space<vmem_shared>>) offsets(%dma_start3A_66 : memref<128xi32, #tpu.memory_space<vmem>>) semaphore(%run_scoped3A : memref<!tpu.dma_semaphore, #tpu.memory_space<semaphore_mem>>) {add = true}
        %dma_wait3A = arith.constant 128 : i32
        %dma_wait3A_70 = arith.constant 0 : i32
        %dma_wait3A_71 = tpu.memref_slice %arg6[%dma_wait3A, %dma_wait3A_70] : memref<1024x16xf32, #tpu.memory_space<vmem>> -> memref<128x16xf32, #tpu.memory_space<vmem>>
        %dma_wait3A_72 = arith.constant 0 : i32
        %dma_wait3A_73 = tpu.memref_slice %arg5[%add3A_37, %dma_wait3A_72] : memref<64x128xi32, #tpu.memory_space<vmem>> -> memref<1x128xi32, #tpu.memory_space<vmem>>
        %dma_wait3A_74 = tpu.memref_squeeze %dma_wait3A_73 : memref<1x128xi32, #tpu.memory_space<vmem>> -> memref<128xi32, #tpu.memory_space<vmem>>
        %dma_wait3A_75 = arith.constant 0 : i32
        %dma_wait3A_76 = arith.constant 0 : i32
        %dma_wait3A_77 = tpu.memref_slice %arg8[%dma_wait3A_75, %dma_wait3A_76] : memref<4096x16xf32, #tpu.memory_space<vmem_shared>> -> memref<4096x16xf32, #tpu.memory_space<vmem_shared>>
        tpu.wait_indirect_dma semaphore(%run_scoped3A : memref<!tpu.dma_semaphore, #tpu.memory_space<semaphore_mem>>) src(%dma_wait3A_71 : memref<128x16xf32, #tpu.memory_space<vmem>>) dst(%dma_wait3A_77 : memref<4096x16xf32, #tpu.memory_space<vmem_shared>>)
        tpu.yield
      }) : () -> ()
      %mul3A_38 = arith.constant 8 : i32
      %mul3A_39 = arith.muli %scan3A_24, %mul3A_38 : i32
      %add3A_40 = arith.constant 2 : i32
      %add3A_41 = arith.addi %mul3A_39, %add3A_40 : i32
      "tpu.region"() ({
        %run_scoped3A = tpu.sem_alloc : memref<!tpu.dma_semaphore, #tpu.memory_space<semaphore_mem>>
        %dma_start3A = arith.constant 256 : i32
        %dma_start3A_62 = arith.constant 0 : i32
        %dma_start3A_63 = tpu.memref_slice %arg6[%dma_start3A, %dma_start3A_62] : memref<1024x16xf32, #tpu.memory_space<vmem>> -> memref<128x16xf32, #tpu.memory_space<vmem>>
        %dma_start3A_64 = arith.constant 0 : i32
        %dma_start3A_65 = tpu.memref_slice %arg5[%add3A_41, %dma_start3A_64] : memref<64x128xi32, #tpu.memory_space<vmem>> -> memref<1x128xi32, #tpu.memory_space<vmem>>
        %dma_start3A_66 = tpu.memref_squeeze %dma_start3A_65 : memref<1x128xi32, #tpu.memory_space<vmem>> -> memref<128xi32, #tpu.memory_space<vmem>>
        %dma_start3A_67 = arith.constant 0 : i32
        %dma_start3A_68 = arith.constant 0 : i32
        %dma_start3A_69 = tpu.memref_slice %arg8[%dma_start3A_67, %dma_start3A_68] : memref<4096x16xf32, #tpu.memory_space<vmem_shared>> -> memref<4096x16xf32, #tpu.memory_space<vmem_shared>>
        tpu.enqueue_indirect_dma source(%dma_start3A_63 : memref<128x16xf32, #tpu.memory_space<vmem>>) target(%dma_start3A_69 : memref<4096x16xf32, #tpu.memory_space<vmem_shared>>) offsets(%dma_start3A_66 : memref<128xi32, #tpu.memory_space<vmem>>) semaphore(%run_scoped3A : memref<!tpu.dma_semaphore, #tpu.memory_space<semaphore_mem>>) {add = true}
        %dma_wait3A = arith.constant 256 : i32
        %dma_wait3A_70 = arith.constant 0 : i32
        %dma_wait3A_71 = tpu.memref_slice %arg6[%dma_wait3A, %dma_wait3A_70] : memref<1024x16xf32, #tpu.memory_space<vmem>> -> memref<128x16xf32, #tpu.memory_space<vmem>>
        %dma_wait3A_72 = arith.constant 0 : i32
        %dma_wait3A_73 = tpu.memref_slice %arg5[%add3A_41, %dma_wait3A_72] : memref<64x128xi32, #tpu.memory_space<vmem>> -> memref<1x128xi32, #tpu.memory_space<vmem>>
        %dma_wait3A_74 = tpu.memref_squeeze %dma_wait3A_73 : memref<1x128xi32, #tpu.memory_space<vmem>> -> memref<128xi32, #tpu.memory_space<vmem>>
        %dma_wait3A_75 = arith.constant 0 : i32
        %dma_wait3A_76 = arith.constant 0 : i32
        %dma_wait3A_77 = tpu.memref_slice %arg8[%dma_wait3A_75, %dma_wait3A_76] : memref<4096x16xf32, #tpu.memory_space<vmem_shared>> -> memref<4096x16xf32, #tpu.memory_space<vmem_shared>>
        tpu.wait_indirect_dma semaphore(%run_scoped3A : memref<!tpu.dma_semaphore, #tpu.memory_space<semaphore_mem>>) src(%dma_wait3A_71 : memref<128x16xf32, #tpu.memory_space<vmem>>) dst(%dma_wait3A_77 : memref<4096x16xf32, #tpu.memory_space<vmem_shared>>)
        tpu.yield
      }) : () -> ()
      %mul3A_42 = arith.constant 8 : i32
      %mul3A_43 = arith.muli %scan3A_24, %mul3A_42 : i32
      %add3A_44 = arith.constant 3 : i32
      %add3A_45 = arith.addi %mul3A_43, %add3A_44 : i32
      "tpu.region"() ({
        %run_scoped3A = tpu.sem_alloc : memref<!tpu.dma_semaphore, #tpu.memory_space<semaphore_mem>>
        %dma_start3A = arith.constant 384 : i32
        %dma_start3A_62 = arith.constant 0 : i32
        %dma_start3A_63 = tpu.memref_slice %arg6[%dma_start3A, %dma_start3A_62] : memref<1024x16xf32, #tpu.memory_space<vmem>> -> memref<128x16xf32, #tpu.memory_space<vmem>>
        %dma_start3A_64 = arith.constant 0 : i32
        %dma_start3A_65 = tpu.memref_slice %arg5[%add3A_45, %dma_start3A_64] : memref<64x128xi32, #tpu.memory_space<vmem>> -> memref<1x128xi32, #tpu.memory_space<vmem>>
        %dma_start3A_66 = tpu.memref_squeeze %dma_start3A_65 : memref<1x128xi32, #tpu.memory_space<vmem>> -> memref<128xi32, #tpu.memory_space<vmem>>
        %dma_start3A_67 = arith.constant 0 : i32
        %dma_start3A_68 = arith.constant 0 : i32
        %dma_start3A_69 = tpu.memref_slice %arg8[%dma_start3A_67, %dma_start3A_68] : memref<4096x16xf32, #tpu.memory_space<vmem_shared>> -> memref<4096x16xf32, #tpu.memory_space<vmem_shared>>
        tpu.enqueue_indirect_dma source(%dma_start3A_63 : memref<128x16xf32, #tpu.memory_space<vmem>>) target(%dma_start3A_69 : memref<4096x16xf32, #tpu.memory_space<vmem_shared>>) offsets(%dma_start3A_66 : memref<128xi32, #tpu.memory_space<vmem>>) semaphore(%run_scoped3A : memref<!tpu.dma_semaphore, #tpu.memory_space<semaphore_mem>>) {add = true}
        %dma_wait3A = arith.constant 384 : i32
        %dma_wait3A_70 = arith.constant 0 : i32
        %dma_wait3A_71 = tpu.memref_slice %arg6[%dma_wait3A, %dma_wait3A_70] : memref<1024x16xf32, #tpu.memory_space<vmem>> -> memref<128x16xf32, #tpu.memory_space<vmem>>
        %dma_wait3A_72 = arith.constant 0 : i32
        %dma_wait3A_73 = tpu.memref_slice %arg5[%add3A_45, %dma_wait3A_72] : memref<64x128xi32, #tpu.memory_space<vmem>> -> memref<1x128xi32, #tpu.memory_space<vmem>>
        %dma_wait3A_74 = tpu.memref_squeeze %dma_wait3A_73 : memref<1x128xi32, #tpu.memory_space<vmem>> -> memref<128xi32, #tpu.memory_space<vmem>>
        %dma_wait3A_75 = arith.constant 0 : i32
        %dma_wait3A_76 = arith.constant 0 : i32
        %dma_wait3A_77 = tpu.memref_slice %arg8[%dma_wait3A_75, %dma_wait3A_76] : memref<4096x16xf32, #tpu.memory_space<vmem_shared>> -> memref<4096x16xf32, #tpu.memory_space<vmem_shared>>
        tpu.wait_indirect_dma semaphore(%run_scoped3A : memref<!tpu.dma_semaphore, #tpu.memory_space<semaphore_mem>>) src(%dma_wait3A_71 : memref<128x16xf32, #tpu.memory_space<vmem>>) dst(%dma_wait3A_77 : memref<4096x16xf32, #tpu.memory_space<vmem_shared>>)
        tpu.yield
      }) : () -> ()
      %mul3A_46 = arith.constant 8 : i32
      %mul3A_47 = arith.muli %scan3A_24, %mul3A_46 : i32
      %add3A_48 = arith.constant 4 : i32
      %add3A_49 = arith.addi %mul3A_47, %add3A_48 : i32
      "tpu.region"() ({
        %run_scoped3A = tpu.sem_alloc : memref<!tpu.dma_semaphore, #tpu.memory_space<semaphore_mem>>
        %dma_start3A = arith.constant 512 : i32
        %dma_start3A_62 = arith.constant 0 : i32
        %dma_start3A_63 = tpu.memref_slice %arg6[%dma_start3A, %dma_start3A_62] : memref<1024x16xf32, #tpu.memory_space<vmem>> -> memref<128x16xf32, #tpu.memory_space<vmem>>
        %dma_start3A_64 = arith.constant 0 : i32
        %dma_start3A_65 = tpu.memref_slice %arg5[%add3A_49, %dma_start3A_64] : memref<64x128xi32, #tpu.memory_space<vmem>> -> memref<1x128xi32, #tpu.memory_space<vmem>>
        %dma_start3A_66 = tpu.memref_squeeze %dma_start3A_65 : memref<1x128xi32, #tpu.memory_space<vmem>> -> memref<128xi32, #tpu.memory_space<vmem>>
        %dma_start3A_67 = arith.constant 0 : i32
        %dma_start3A_68 = arith.constant 0 : i32
        %dma_start3A_69 = tpu.memref_slice %arg8[%dma_start3A_67, %dma_start3A_68] : memref<4096x16xf32, #tpu.memory_space<vmem_shared>> -> memref<4096x16xf32, #tpu.memory_space<vmem_shared>>
        tpu.enqueue_indirect_dma source(%dma_start3A_63 : memref<128x16xf32, #tpu.memory_space<vmem>>) target(%dma_start3A_69 : memref<4096x16xf32, #tpu.memory_space<vmem_shared>>) offsets(%dma_start3A_66 : memref<128xi32, #tpu.memory_space<vmem>>) semaphore(%run_scoped3A : memref<!tpu.dma_semaphore, #tpu.memory_space<semaphore_mem>>) {add = true}
        %dma_wait3A = arith.constant 512 : i32
        %dma_wait3A_70 = arith.constant 0 : i32
        %dma_wait3A_71 = tpu.memref_slice %arg6[%dma_wait3A, %dma_wait3A_70] : memref<1024x16xf32, #tpu.memory_space<vmem>> -> memref<128x16xf32, #tpu.memory_space<vmem>>
        %dma_wait3A_72 = arith.constant 0 : i32
        %dma_wait3A_73 = tpu.memref_slice %arg5[%add3A_49, %dma_wait3A_72] : memref<64x128xi32, #tpu.memory_space<vmem>> -> memref<1x128xi32, #tpu.memory_space<vmem>>
        %dma_wait3A_74 = tpu.memref_squeeze %dma_wait3A_73 : memref<1x128xi32, #tpu.memory_space<vmem>> -> memref<128xi32, #tpu.memory_space<vmem>>
        %dma_wait3A_75 = arith.constant 0 : i32
        %dma_wait3A_76 = arith.constant 0 : i32
        %dma_wait3A_77 = tpu.memref_slice %arg8[%dma_wait3A_75, %dma_wait3A_76] : memref<4096x16xf32, #tpu.memory_space<vmem_shared>> -> memref<4096x16xf32, #tpu.memory_space<vmem_shared>>
        tpu.wait_indirect_dma semaphore(%run_scoped3A : memref<!tpu.dma_semaphore, #tpu.memory_space<semaphore_mem>>) src(%dma_wait3A_71 : memref<128x16xf32, #tpu.memory_space<vmem>>) dst(%dma_wait3A_77 : memref<4096x16xf32, #tpu.memory_space<vmem_shared>>)
        tpu.yield
      }) : () -> ()
      %mul3A_50 = arith.constant 8 : i32
      %mul3A_51 = arith.muli %scan3A_24, %mul3A_50 : i32
      %add3A_52 = arith.constant 5 : i32
      %add3A_53 = arith.addi %mul3A_51, %add3A_52 : i32
      "tpu.region"() ({
        %run_scoped3A = tpu.sem_alloc : memref<!tpu.dma_semaphore, #tpu.memory_space<semaphore_mem>>
        %dma_start3A = arith.constant 640 : i32
        %dma_start3A_62 = arith.constant 0 : i32
        %dma_start3A_63 = tpu.memref_slice %arg6[%dma_start3A, %dma_start3A_62] : memref<1024x16xf32, #tpu.memory_space<vmem>> -> memref<128x16xf32, #tpu.memory_space<vmem>>
        %dma_start3A_64 = arith.constant 0 : i32
        %dma_start3A_65 = tpu.memref_slice %arg5[%add3A_53, %dma_start3A_64] : memref<64x128xi32, #tpu.memory_space<vmem>> -> memref<1x128xi32, #tpu.memory_space<vmem>>
        %dma_start3A_66 = tpu.memref_squeeze %dma_start3A_65 : memref<1x128xi32, #tpu.memory_space<vmem>> -> memref<128xi32, #tpu.memory_space<vmem>>
        %dma_start3A_67 = arith.constant 0 : i32
        %dma_start3A_68 = arith.constant 0 : i32
        %dma_start3A_69 = tpu.memref_slice %arg8[%dma_start3A_67, %dma_start3A_68] : memref<4096x16xf32, #tpu.memory_space<vmem_shared>> -> memref<4096x16xf32, #tpu.memory_space<vmem_shared>>
        tpu.enqueue_indirect_dma source(%dma_start3A_63 : memref<128x16xf32, #tpu.memory_space<vmem>>) target(%dma_start3A_69 : memref<4096x16xf32, #tpu.memory_space<vmem_shared>>) offsets(%dma_start3A_66 : memref<128xi32, #tpu.memory_space<vmem>>) semaphore(%run_scoped3A : memref<!tpu.dma_semaphore, #tpu.memory_space<semaphore_mem>>) {add = true}
        %dma_wait3A = arith.constant 640 : i32
        %dma_wait3A_70 = arith.constant 0 : i32
        %dma_wait3A_71 = tpu.memref_slice %arg6[%dma_wait3A, %dma_wait3A_70] : memref<1024x16xf32, #tpu.memory_space<vmem>> -> memref<128x16xf32, #tpu.memory_space<vmem>>
        %dma_wait3A_72 = arith.constant 0 : i32
        %dma_wait3A_73 = tpu.memref_slice %arg5[%add3A_53, %dma_wait3A_72] : memref<64x128xi32, #tpu.memory_space<vmem>> -> memref<1x128xi32, #tpu.memory_space<vmem>>
        %dma_wait3A_74 = tpu.memref_squeeze %dma_wait3A_73 : memref<1x128xi32, #tpu.memory_space<vmem>> -> memref<128xi32, #tpu.memory_space<vmem>>
        %dma_wait3A_75 = arith.constant 0 : i32
        %dma_wait3A_76 = arith.constant 0 : i32
        %dma_wait3A_77 = tpu.memref_slice %arg8[%dma_wait3A_75, %dma_wait3A_76] : memref<4096x16xf32, #tpu.memory_space<vmem_shared>> -> memref<4096x16xf32, #tpu.memory_space<vmem_shared>>
        tpu.wait_indirect_dma semaphore(%run_scoped3A : memref<!tpu.dma_semaphore, #tpu.memory_space<semaphore_mem>>) src(%dma_wait3A_71 : memref<128x16xf32, #tpu.memory_space<vmem>>) dst(%dma_wait3A_77 : memref<4096x16xf32, #tpu.memory_space<vmem_shared>>)
        tpu.yield
      }) : () -> ()
      %mul3A_54 = arith.constant 8 : i32
      %mul3A_55 = arith.muli %scan3A_24, %mul3A_54 : i32
      %add3A_56 = arith.constant 6 : i32
      %add3A_57 = arith.addi %mul3A_55, %add3A_56 : i32
      "tpu.region"() ({
        %run_scoped3A = tpu.sem_alloc : memref<!tpu.dma_semaphore, #tpu.memory_space<semaphore_mem>>
        %dma_start3A = arith.constant 768 : i32
        %dma_start3A_62 = arith.constant 0 : i32
        %dma_start3A_63 = tpu.memref_slice %arg6[%dma_start3A, %dma_start3A_62] : memref<1024x16xf32, #tpu.memory_space<vmem>> -> memref<128x16xf32, #tpu.memory_space<vmem>>
        %dma_start3A_64 = arith.constant 0 : i32
        %dma_start3A_65 = tpu.memref_slice %arg5[%add3A_57, %dma_start3A_64] : memref<64x128xi32, #tpu.memory_space<vmem>> -> memref<1x128xi32, #tpu.memory_space<vmem>>
        %dma_start3A_66 = tpu.memref_squeeze %dma_start3A_65 : memref<1x128xi32, #tpu.memory_space<vmem>> -> memref<128xi32, #tpu.memory_space<vmem>>
        %dma_start3A_67 = arith.constant 0 : i32
        %dma_start3A_68 = arith.constant 0 : i32
        %dma_start3A_69 = tpu.memref_slice %arg8[%dma_start3A_67, %dma_start3A_68] : memref<4096x16xf32, #tpu.memory_space<vmem_shared>> -> memref<4096x16xf32, #tpu.memory_space<vmem_shared>>
        tpu.enqueue_indirect_dma source(%dma_start3A_63 : memref<128x16xf32, #tpu.memory_space<vmem>>) target(%dma_start3A_69 : memref<4096x16xf32, #tpu.memory_space<vmem_shared>>) offsets(%dma_start3A_66 : memref<128xi32, #tpu.memory_space<vmem>>) semaphore(%run_scoped3A : memref<!tpu.dma_semaphore, #tpu.memory_space<semaphore_mem>>) {add = true}
        %dma_wait3A = arith.constant 768 : i32
        %dma_wait3A_70 = arith.constant 0 : i32
        %dma_wait3A_71 = tpu.memref_slice %arg6[%dma_wait3A, %dma_wait3A_70] : memref<1024x16xf32, #tpu.memory_space<vmem>> -> memref<128x16xf32, #tpu.memory_space<vmem>>
        %dma_wait3A_72 = arith.constant 0 : i32
        %dma_wait3A_73 = tpu.memref_slice %arg5[%add3A_57, %dma_wait3A_72] : memref<64x128xi32, #tpu.memory_space<vmem>> -> memref<1x128xi32, #tpu.memory_space<vmem>>
        %dma_wait3A_74 = tpu.memref_squeeze %dma_wait3A_73 : memref<1x128xi32, #tpu.memory_space<vmem>> -> memref<128xi32, #tpu.memory_space<vmem>>
        %dma_wait3A_75 = arith.constant 0 : i32
        %dma_wait3A_76 = arith.constant 0 : i32
        %dma_wait3A_77 = tpu.memref_slice %arg8[%dma_wait3A_75, %dma_wait3A_76] : memref<4096x16xf32, #tpu.memory_space<vmem_shared>> -> memref<4096x16xf32, #tpu.memory_space<vmem_shared>>
        tpu.wait_indirect_dma semaphore(%run_scoped3A : memref<!tpu.dma_semaphore, #tpu.memory_space<semaphore_mem>>) src(%dma_wait3A_71 : memref<128x16xf32, #tpu.memory_space<vmem>>) dst(%dma_wait3A_77 : memref<4096x16xf32, #tpu.memory_space<vmem_shared>>)
        tpu.yield
      }) : () -> ()
      %mul3A_58 = arith.constant 8 : i32
      %mul3A_59 = arith.muli %scan3A_24, %mul3A_58 : i32
      %add3A_60 = arith.constant 7 : i32
      %add3A_61 = arith.addi %mul3A_59, %add3A_60 : i32
      "tpu.region"() ({
        %run_scoped3A = tpu.sem_alloc : memref<!tpu.dma_semaphore, #tpu.memory_space<semaphore_mem>>
        %dma_start3A = arith.constant 896 : i32
        %dma_start3A_62 = arith.constant 0 : i32
        %dma_start3A_63 = tpu.memref_slice %arg6[%dma_start3A, %dma_start3A_62] : memref<1024x16xf32, #tpu.memory_space<vmem>> -> memref<128x16xf32, #tpu.memory_space<vmem>>
        %dma_start3A_64 = arith.constant 0 : i32
        %dma_start3A_65 = tpu.memref_slice %arg5[%add3A_61, %dma_start3A_64] : memref<64x128xi32, #tpu.memory_space<vmem>> -> memref<1x128xi32, #tpu.memory_space<vmem>>
        %dma_start3A_66 = tpu.memref_squeeze %dma_start3A_65 : memref<1x128xi32, #tpu.memory_space<vmem>> -> memref<128xi32, #tpu.memory_space<vmem>>
        %dma_start3A_67 = arith.constant 0 : i32
        %dma_start3A_68 = arith.constant 0 : i32
        %dma_start3A_69 = tpu.memref_slice %arg8[%dma_start3A_67, %dma_start3A_68] : memref<4096x16xf32, #tpu.memory_space<vmem_shared>> -> memref<4096x16xf32, #tpu.memory_space<vmem_shared>>
        tpu.enqueue_indirect_dma source(%dma_start3A_63 : memref<128x16xf32, #tpu.memory_space<vmem>>) target(%dma_start3A_69 : memref<4096x16xf32, #tpu.memory_space<vmem_shared>>) offsets(%dma_start3A_66 : memref<128xi32, #tpu.memory_space<vmem>>) semaphore(%run_scoped3A : memref<!tpu.dma_semaphore, #tpu.memory_space<semaphore_mem>>) {add = true}
        %dma_wait3A = arith.constant 896 : i32
        %dma_wait3A_70 = arith.constant 0 : i32
        %dma_wait3A_71 = tpu.memref_slice %arg6[%dma_wait3A, %dma_wait3A_70] : memref<1024x16xf32, #tpu.memory_space<vmem>> -> memref<128x16xf32, #tpu.memory_space<vmem>>
        %dma_wait3A_72 = arith.constant 0 : i32
        %dma_wait3A_73 = tpu.memref_slice %arg5[%add3A_61, %dma_wait3A_72] : memref<64x128xi32, #tpu.memory_space<vmem>> -> memref<1x128xi32, #tpu.memory_space<vmem>>
        %dma_wait3A_74 = tpu.memref_squeeze %dma_wait3A_73 : memref<1x128xi32, #tpu.memory_space<vmem>> -> memref<128xi32, #tpu.memory_space<vmem>>
        %dma_wait3A_75 = arith.constant 0 : i32
        %dma_wait3A_76 = arith.constant 0 : i32
        %dma_wait3A_77 = tpu.memref_slice %arg8[%dma_wait3A_75, %dma_wait3A_76] : memref<4096x16xf32, #tpu.memory_space<vmem_shared>> -> memref<4096x16xf32, #tpu.memory_space<vmem_shared>>
        tpu.wait_indirect_dma semaphore(%run_scoped3A : memref<!tpu.dma_semaphore, #tpu.memory_space<semaphore_mem>>) src(%dma_wait3A_71 : memref<128x16xf32, #tpu.memory_space<vmem>>) dst(%dma_wait3A_77 : memref<4096x16xf32, #tpu.memory_space<vmem_shared>>)
        tpu.yield
      }) : () -> ()
    }
    %scan3A_15 = arith.constant 8 : i32
    %barrier3A_16 = arith.constant 0 : index
    tpu.barrier barrier_id(%barrier3A_16)
    %mul3A_17 = arith.constant 256 : i32
    %mul3A_18 = arith.muli %arg1, %mul3A_17 : i32
    %mul3A_19 = arith.constant 4096 : i32
    %mul3A_20 = arith.muli %arg0, %mul3A_19 : i32
    %mul3A_21 = arith.constant 256 : i32
    %mul3A_22 = arith.muli %arg1, %mul3A_21 : i32
    %add3A_23 = arith.addi %mul3A_20, %mul3A_22 : i32
    "tpu.region"() ({
      %run_scoped3A = tpu.sem_alloc : memref<!tpu.dma_semaphore, #tpu.memory_space<semaphore_mem>>
      %dma_start3A = arith.constant 0 : i32
      %dma_start3A_24 = tpu.memref_slice %arg4[%add3A_23, %dma_start3A] : memref<8192x16xf32, #tpu.memory_space<hbm>> -> memref<256x16xf32, #tpu.memory_space<hbm>>
      %dma_start3A_25 = arith.constant 0 : i32
      %dma_start3A_26 = tpu.memref_slice %arg8[%mul3A_18, %dma_start3A_25] : memref<4096x16xf32, #tpu.memory_space<vmem_shared>> -> memref<256x16xf32, #tpu.memory_space<vmem_shared>>
      tpu.enqueue_dma source(%dma_start3A_26 : memref<256x16xf32, #tpu.memory_space<vmem_shared>>) target(%dma_start3A_24 : memref<256x16xf32, #tpu.memory_space<hbm>>) target_semaphore(%run_scoped3A : memref<!tpu.dma_semaphore, #tpu.memory_space<semaphore_mem>>)
      %dma_wait3A = arith.constant 0 : i32
      %dma_wait3A_27 = tpu.memref_slice %arg4[%add3A_23, %dma_wait3A] : memref<8192x16xf32, #tpu.memory_space<hbm>> -> memref<256x16xf32, #tpu.memory_space<hbm>>
      %dma_wait3A_28 = arith.constant 0 : i32
      %dma_wait3A_29 = tpu.memref_slice %arg8[%mul3A_18, %dma_wait3A_28] : memref<4096x16xf32, #tpu.memory_space<vmem_shared>> -> memref<256x16xf32, #tpu.memory_space<vmem_shared>>
      tpu.wait_dma2 semaphore(%run_scoped3A : memref<!tpu.dma_semaphore, #tpu.memory_space<semaphore_mem>>) src(%dma_wait3A_29 : memref<256x16xf32, #tpu.memory_space<vmem_shared>>) dst(%dma_wait3A_27 : memref<256x16xf32, #tpu.memory_space<hbm>>)
      tpu.yield
    }) : () -> ()
    return
  }
}

#map = affine_map<(d0, d1) -> (0, 0)>
module attributes {stable_mosaic.version = 14 : i64} {
  func.func @kfn(%arg0: i32, %arg1: i32, %arg2: memref<4096x16xf32, #tpu.memory_space<hbm>>, %arg3: memref<2048x128xi32, #tpu.memory_space<hbm>>, %arg4: memref<262144x16xf32, #tpu.memory_space<hbm>>, %arg5: memref<64x128xi32, #tpu.memory_space<vmem>>, %arg6: memref<2048x16xf32, #tpu.memory_space<vmem>>, %arg7: memref<!tpu.dma_semaphore, #tpu.memory_space<semaphore_mem>>) attributes {dimension_semantics = [#tpu.dimension_semantics<core_parallel>, #tpu.dimension_semantics<subcore_parallel>], iteration_bounds = array<i64: 2, 16>, scalar_prefetch = 0 : i64, scratch_operands = 3 : i64, tpu.core_type = #tpu.core_type<sc_vector_subcore>, window_params = [{transform_indices = #map}, {transform_indices = #map}, {transform_indices = #map}]} {
    %mul3A = arith.constant 2 : i32
    %mul3A_0 = arith.muli %arg1, %mul3A : i32
    %add3A = arith.addi %mul3A_0, %arg0 : i32
    %mul3A_1 = arith.constant 64 : i32
    %mul3A_2 = arith.muli %add3A, %mul3A_1 : i32
    "tpu.region"() ({
      %run_scoped3A = tpu.sem_alloc : memref<!tpu.dma_semaphore, #tpu.memory_space<semaphore_mem>>
      %dma_start3A = arith.constant 0 : i32
      %dma_start3A_8 = tpu.memref_slice %arg3[%mul3A_2, %dma_start3A] : memref<2048x128xi32, #tpu.memory_space<hbm>> -> memref<64x128xi32, #tpu.memory_space<hbm>>
      %dma_start3A_9 = arith.constant 0 : i32
      %dma_start3A_10 = tpu.memref_slice %arg3[%mul3A_2, %dma_start3A_9] : memref<2048x128xi32, #tpu.memory_space<hbm>> -> memref<64x128xi32, #tpu.memory_space<hbm>>
      tpu.enqueue_dma source(%dma_start3A_10 : memref<64x128xi32, #tpu.memory_space<hbm>>) target(%arg5 : memref<64x128xi32, #tpu.memory_space<vmem>>) target_semaphore(%run_scoped3A : memref<!tpu.dma_semaphore, #tpu.memory_space<semaphore_mem>>)
      %dma_wait3A = arith.constant 0 : i32
      %dma_wait3A_11 = tpu.memref_slice %arg3[%mul3A_2, %dma_wait3A] : memref<2048x128xi32, #tpu.memory_space<hbm>> -> memref<64x128xi32, #tpu.memory_space<hbm>>
      %dma_wait3A_12 = arith.constant 0 : i32
      %dma_wait3A_13 = tpu.memref_slice %arg3[%mul3A_2, %dma_wait3A_12] : memref<2048x128xi32, #tpu.memory_space<hbm>> -> memref<64x128xi32, #tpu.memory_space<hbm>>
      tpu.wait_dma2 semaphore(%run_scoped3A : memref<!tpu.dma_semaphore, #tpu.memory_space<semaphore_mem>>) src(%dma_wait3A_13 : memref<64x128xi32, #tpu.memory_space<hbm>>) dst(%arg5 : memref<64x128xi32, #tpu.memory_space<vmem>>)
      tpu.yield
    }) : () -> ()
    %scan3A = arith.constant 0 : i32
    %scan3A_3 = arith.constant 0 : i32
    %scan3A_4 = arith.constant 4 : i32
    %scan3A_5 = arith.addi %scan3A_3, %scan3A_4 : i32
    %scan3A_6 = arith.constant 1 : i32
    scf.for %scan3A_8 = %scan3A_3 to %scan3A_5 step %scan3A_6  : i32 {
      %mul3A_9 = arith.constant 16 : i32
      %mul3A_10 = arith.muli %scan3A_8, %mul3A_9 : i32
      %add3A_11 = arith.constant 0 : i32
      %add3A_12 = arith.addi %mul3A_10, %add3A_11 : i32
      %dma_start3A = arith.constant 0 : i32
      %dma_start3A_13 = arith.constant 0 : i32
      %dma_start3A_14 = tpu.memref_slice %arg6[%dma_start3A, %dma_start3A_13] : memref<2048x16xf32, #tpu.memory_space<vmem>> -> memref<128x16xf32, #tpu.memory_space<vmem>>
      %dma_start3A_15 = arith.constant 0 : i32
      %dma_start3A_16 = tpu.memref_slice %arg5[%add3A_12, %dma_start3A_15] : memref<64x128xi32, #tpu.memory_space<vmem>> -> memref<1x128xi32, #tpu.memory_space<vmem>>
      %dma_start3A_17 = tpu.memref_squeeze %dma_start3A_16 : memref<1x128xi32, #tpu.memory_space<vmem>> -> memref<128xi32, #tpu.memory_space<vmem>>
      %dma_start3A_18 = arith.constant 0 : i32
      %dma_start3A_19 = arith.constant 0 : i32
      %dma_start3A_20 = tpu.memref_slice %arg2[%dma_start3A_18, %dma_start3A_19] : memref<4096x16xf32, #tpu.memory_space<hbm>> -> memref<4096x16xf32, #tpu.memory_space<hbm>>
      tpu.enqueue_indirect_dma source(%dma_start3A_20 : memref<4096x16xf32, #tpu.memory_space<hbm>>) target(%dma_start3A_14 : memref<128x16xf32, #tpu.memory_space<vmem>>) offsets(%dma_start3A_17 : memref<128xi32, #tpu.memory_space<vmem>>) semaphore(%arg7 : memref<!tpu.dma_semaphore, #tpu.memory_space<semaphore_mem>>)
      %mul3A_21 = arith.constant 16 : i32
      %mul3A_22 = arith.muli %scan3A_8, %mul3A_21 : i32
      %add3A_23 = arith.constant 1 : i32
      %add3A_24 = arith.addi %mul3A_22, %add3A_23 : i32
      %dma_start3A_25 = arith.constant 128 : i32
      %dma_start3A_26 = arith.constant 0 : i32
      %dma_start3A_27 = tpu.memref_slice %arg6[%dma_start3A_25, %dma_start3A_26] : memref<2048x16xf32, #tpu.memory_space<vmem>> -> memref<128x16xf32, #tpu.memory_space<vmem>>
      %dma_start3A_28 = arith.constant 0 : i32
      %dma_start3A_29 = tpu.memref_slice %arg5[%add3A_24, %dma_start3A_28] : memref<64x128xi32, #tpu.memory_space<vmem>> -> memref<1x128xi32, #tpu.memory_space<vmem>>
      %dma_start3A_30 = tpu.memref_squeeze %dma_start3A_29 : memref<1x128xi32, #tpu.memory_space<vmem>> -> memref<128xi32, #tpu.memory_space<vmem>>
      %dma_start3A_31 = arith.constant 0 : i32
      %dma_start3A_32 = arith.constant 0 : i32
      %dma_start3A_33 = tpu.memref_slice %arg2[%dma_start3A_31, %dma_start3A_32] : memref<4096x16xf32, #tpu.memory_space<hbm>> -> memref<4096x16xf32, #tpu.memory_space<hbm>>
      tpu.enqueue_indirect_dma source(%dma_start3A_33 : memref<4096x16xf32, #tpu.memory_space<hbm>>) target(%dma_start3A_27 : memref<128x16xf32, #tpu.memory_space<vmem>>) offsets(%dma_start3A_30 : memref<128xi32, #tpu.memory_space<vmem>>) semaphore(%arg7 : memref<!tpu.dma_semaphore, #tpu.memory_space<semaphore_mem>>)
      %mul3A_34 = arith.constant 16 : i32
      %mul3A_35 = arith.muli %scan3A_8, %mul3A_34 : i32
      %add3A_36 = arith.constant 2 : i32
      %add3A_37 = arith.addi %mul3A_35, %add3A_36 : i32
      %dma_start3A_38 = arith.constant 256 : i32
      %dma_start3A_39 = arith.constant 0 : i32
      %dma_start3A_40 = tpu.memref_slice %arg6[%dma_start3A_38, %dma_start3A_39] : memref<2048x16xf32, #tpu.memory_space<vmem>> -> memref<128x16xf32, #tpu.memory_space<vmem>>
      %dma_start3A_41 = arith.constant 0 : i32
      %dma_start3A_42 = tpu.memref_slice %arg5[%add3A_37, %dma_start3A_41] : memref<64x128xi32, #tpu.memory_space<vmem>> -> memref<1x128xi32, #tpu.memory_space<vmem>>
      %dma_start3A_43 = tpu.memref_squeeze %dma_start3A_42 : memref<1x128xi32, #tpu.memory_space<vmem>> -> memref<128xi32, #tpu.memory_space<vmem>>
      %dma_start3A_44 = arith.constant 0 : i32
      %dma_start3A_45 = arith.constant 0 : i32
      %dma_start3A_46 = tpu.memref_slice %arg2[%dma_start3A_44, %dma_start3A_45] : memref<4096x16xf32, #tpu.memory_space<hbm>> -> memref<4096x16xf32, #tpu.memory_space<hbm>>
      tpu.enqueue_indirect_dma source(%dma_start3A_46 : memref<4096x16xf32, #tpu.memory_space<hbm>>) target(%dma_start3A_40 : memref<128x16xf32, #tpu.memory_space<vmem>>) offsets(%dma_start3A_43 : memref<128xi32, #tpu.memory_space<vmem>>) semaphore(%arg7 : memref<!tpu.dma_semaphore, #tpu.memory_space<semaphore_mem>>)
      %mul3A_47 = arith.constant 16 : i32
      %mul3A_48 = arith.muli %scan3A_8, %mul3A_47 : i32
      %add3A_49 = arith.constant 3 : i32
      %add3A_50 = arith.addi %mul3A_48, %add3A_49 : i32
      %dma_start3A_51 = arith.constant 384 : i32
      %dma_start3A_52 = arith.constant 0 : i32
      %dma_start3A_53 = tpu.memref_slice %arg6[%dma_start3A_51, %dma_start3A_52] : memref<2048x16xf32, #tpu.memory_space<vmem>> -> memref<128x16xf32, #tpu.memory_space<vmem>>
      %dma_start3A_54 = arith.constant 0 : i32
      %dma_start3A_55 = tpu.memref_slice %arg5[%add3A_50, %dma_start3A_54] : memref<64x128xi32, #tpu.memory_space<vmem>> -> memref<1x128xi32, #tpu.memory_space<vmem>>
      %dma_start3A_56 = tpu.memref_squeeze %dma_start3A_55 : memref<1x128xi32, #tpu.memory_space<vmem>> -> memref<128xi32, #tpu.memory_space<vmem>>
      %dma_start3A_57 = arith.constant 0 : i32
      %dma_start3A_58 = arith.constant 0 : i32
      %dma_start3A_59 = tpu.memref_slice %arg2[%dma_start3A_57, %dma_start3A_58] : memref<4096x16xf32, #tpu.memory_space<hbm>> -> memref<4096x16xf32, #tpu.memory_space<hbm>>
      tpu.enqueue_indirect_dma source(%dma_start3A_59 : memref<4096x16xf32, #tpu.memory_space<hbm>>) target(%dma_start3A_53 : memref<128x16xf32, #tpu.memory_space<vmem>>) offsets(%dma_start3A_56 : memref<128xi32, #tpu.memory_space<vmem>>) semaphore(%arg7 : memref<!tpu.dma_semaphore, #tpu.memory_space<semaphore_mem>>)
      %mul3A_60 = arith.constant 16 : i32
      %mul3A_61 = arith.muli %scan3A_8, %mul3A_60 : i32
      %add3A_62 = arith.constant 4 : i32
      %add3A_63 = arith.addi %mul3A_61, %add3A_62 : i32
      %dma_start3A_64 = arith.constant 512 : i32
      %dma_start3A_65 = arith.constant 0 : i32
      %dma_start3A_66 = tpu.memref_slice %arg6[%dma_start3A_64, %dma_start3A_65] : memref<2048x16xf32, #tpu.memory_space<vmem>> -> memref<128x16xf32, #tpu.memory_space<vmem>>
      %dma_start3A_67 = arith.constant 0 : i32
      %dma_start3A_68 = tpu.memref_slice %arg5[%add3A_63, %dma_start3A_67] : memref<64x128xi32, #tpu.memory_space<vmem>> -> memref<1x128xi32, #tpu.memory_space<vmem>>
      %dma_start3A_69 = tpu.memref_squeeze %dma_start3A_68 : memref<1x128xi32, #tpu.memory_space<vmem>> -> memref<128xi32, #tpu.memory_space<vmem>>
      %dma_start3A_70 = arith.constant 0 : i32
      %dma_start3A_71 = arith.constant 0 : i32
      %dma_start3A_72 = tpu.memref_slice %arg2[%dma_start3A_70, %dma_start3A_71] : memref<4096x16xf32, #tpu.memory_space<hbm>> -> memref<4096x16xf32, #tpu.memory_space<hbm>>
      tpu.enqueue_indirect_dma source(%dma_start3A_72 : memref<4096x16xf32, #tpu.memory_space<hbm>>) target(%dma_start3A_66 : memref<128x16xf32, #tpu.memory_space<vmem>>) offsets(%dma_start3A_69 : memref<128xi32, #tpu.memory_space<vmem>>) semaphore(%arg7 : memref<!tpu.dma_semaphore, #tpu.memory_space<semaphore_mem>>)
      %mul3A_73 = arith.constant 16 : i32
      %mul3A_74 = arith.muli %scan3A_8, %mul3A_73 : i32
      %add3A_75 = arith.constant 5 : i32
      %add3A_76 = arith.addi %mul3A_74, %add3A_75 : i32
      %dma_start3A_77 = arith.constant 640 : i32
      %dma_start3A_78 = arith.constant 0 : i32
      %dma_start3A_79 = tpu.memref_slice %arg6[%dma_start3A_77, %dma_start3A_78] : memref<2048x16xf32, #tpu.memory_space<vmem>> -> memref<128x16xf32, #tpu.memory_space<vmem>>
      %dma_start3A_80 = arith.constant 0 : i32
      %dma_start3A_81 = tpu.memref_slice %arg5[%add3A_76, %dma_start3A_80] : memref<64x128xi32, #tpu.memory_space<vmem>> -> memref<1x128xi32, #tpu.memory_space<vmem>>
      %dma_start3A_82 = tpu.memref_squeeze %dma_start3A_81 : memref<1x128xi32, #tpu.memory_space<vmem>> -> memref<128xi32, #tpu.memory_space<vmem>>
      %dma_start3A_83 = arith.constant 0 : i32
      %dma_start3A_84 = arith.constant 0 : i32
      %dma_start3A_85 = tpu.memref_slice %arg2[%dma_start3A_83, %dma_start3A_84] : memref<4096x16xf32, #tpu.memory_space<hbm>> -> memref<4096x16xf32, #tpu.memory_space<hbm>>
      tpu.enqueue_indirect_dma source(%dma_start3A_85 : memref<4096x16xf32, #tpu.memory_space<hbm>>) target(%dma_start3A_79 : memref<128x16xf32, #tpu.memory_space<vmem>>) offsets(%dma_start3A_82 : memref<128xi32, #tpu.memory_space<vmem>>) semaphore(%arg7 : memref<!tpu.dma_semaphore, #tpu.memory_space<semaphore_mem>>)
      %mul3A_86 = arith.constant 16 : i32
      %mul3A_87 = arith.muli %scan3A_8, %mul3A_86 : i32
      %add3A_88 = arith.constant 6 : i32
      %add3A_89 = arith.addi %mul3A_87, %add3A_88 : i32
      %dma_start3A_90 = arith.constant 768 : i32
      %dma_start3A_91 = arith.constant 0 : i32
      %dma_start3A_92 = tpu.memref_slice %arg6[%dma_start3A_90, %dma_start3A_91] : memref<2048x16xf32, #tpu.memory_space<vmem>> -> memref<128x16xf32, #tpu.memory_space<vmem>>
      %dma_start3A_93 = arith.constant 0 : i32
      %dma_start3A_94 = tpu.memref_slice %arg5[%add3A_89, %dma_start3A_93] : memref<64x128xi32, #tpu.memory_space<vmem>> -> memref<1x128xi32, #tpu.memory_space<vmem>>
      %dma_start3A_95 = tpu.memref_squeeze %dma_start3A_94 : memref<1x128xi32, #tpu.memory_space<vmem>> -> memref<128xi32, #tpu.memory_space<vmem>>
      %dma_start3A_96 = arith.constant 0 : i32
      %dma_start3A_97 = arith.constant 0 : i32
      %dma_start3A_98 = tpu.memref_slice %arg2[%dma_start3A_96, %dma_start3A_97] : memref<4096x16xf32, #tpu.memory_space<hbm>> -> memref<4096x16xf32, #tpu.memory_space<hbm>>
      tpu.enqueue_indirect_dma source(%dma_start3A_98 : memref<4096x16xf32, #tpu.memory_space<hbm>>) target(%dma_start3A_92 : memref<128x16xf32, #tpu.memory_space<vmem>>) offsets(%dma_start3A_95 : memref<128xi32, #tpu.memory_space<vmem>>) semaphore(%arg7 : memref<!tpu.dma_semaphore, #tpu.memory_space<semaphore_mem>>)
      %mul3A_99 = arith.constant 16 : i32
      %mul3A_100 = arith.muli %scan3A_8, %mul3A_99 : i32
      %add3A_101 = arith.constant 7 : i32
      %add3A_102 = arith.addi %mul3A_100, %add3A_101 : i32
      %dma_start3A_103 = arith.constant 896 : i32
      %dma_start3A_104 = arith.constant 0 : i32
      %dma_start3A_105 = tpu.memref_slice %arg6[%dma_start3A_103, %dma_start3A_104] : memref<2048x16xf32, #tpu.memory_space<vmem>> -> memref<128x16xf32, #tpu.memory_space<vmem>>
      %dma_start3A_106 = arith.constant 0 : i32
      %dma_start3A_107 = tpu.memref_slice %arg5[%add3A_102, %dma_start3A_106] : memref<64x128xi32, #tpu.memory_space<vmem>> -> memref<1x128xi32, #tpu.memory_space<vmem>>
      %dma_start3A_108 = tpu.memref_squeeze %dma_start3A_107 : memref<1x128xi32, #tpu.memory_space<vmem>> -> memref<128xi32, #tpu.memory_space<vmem>>
      %dma_start3A_109 = arith.constant 0 : i32
      %dma_start3A_110 = arith.constant 0 : i32
      %dma_start3A_111 = tpu.memref_slice %arg2[%dma_start3A_109, %dma_start3A_110] : memref<4096x16xf32, #tpu.memory_space<hbm>> -> memref<4096x16xf32, #tpu.memory_space<hbm>>
      tpu.enqueue_indirect_dma source(%dma_start3A_111 : memref<4096x16xf32, #tpu.memory_space<hbm>>) target(%dma_start3A_105 : memref<128x16xf32, #tpu.memory_space<vmem>>) offsets(%dma_start3A_108 : memref<128xi32, #tpu.memory_space<vmem>>) semaphore(%arg7 : memref<!tpu.dma_semaphore, #tpu.memory_space<semaphore_mem>>)
      %mul3A_112 = arith.constant 16 : i32
      %mul3A_113 = arith.muli %scan3A_8, %mul3A_112 : i32
      %add3A_114 = arith.constant 8 : i32
      %add3A_115 = arith.addi %mul3A_113, %add3A_114 : i32
      %dma_start3A_116 = arith.constant 1024 : i32
      %dma_start3A_117 = arith.constant 0 : i32
      %dma_start3A_118 = tpu.memref_slice %arg6[%dma_start3A_116, %dma_start3A_117] : memref<2048x16xf32, #tpu.memory_space<vmem>> -> memref<128x16xf32, #tpu.memory_space<vmem>>
      %dma_start3A_119 = arith.constant 0 : i32
      %dma_start3A_120 = tpu.memref_slice %arg5[%add3A_115, %dma_start3A_119] : memref<64x128xi32, #tpu.memory_space<vmem>> -> memref<1x128xi32, #tpu.memory_space<vmem>>
      %dma_start3A_121 = tpu.memref_squeeze %dma_start3A_120 : memref<1x128xi32, #tpu.memory_space<vmem>> -> memref<128xi32, #tpu.memory_space<vmem>>
      %dma_start3A_122 = arith.constant 0 : i32
      %dma_start3A_123 = arith.constant 0 : i32
      %dma_start3A_124 = tpu.memref_slice %arg2[%dma_start3A_122, %dma_start3A_123] : memref<4096x16xf32, #tpu.memory_space<hbm>> -> memref<4096x16xf32, #tpu.memory_space<hbm>>
      tpu.enqueue_indirect_dma source(%dma_start3A_124 : memref<4096x16xf32, #tpu.memory_space<hbm>>) target(%dma_start3A_118 : memref<128x16xf32, #tpu.memory_space<vmem>>) offsets(%dma_start3A_121 : memref<128xi32, #tpu.memory_space<vmem>>) semaphore(%arg7 : memref<!tpu.dma_semaphore, #tpu.memory_space<semaphore_mem>>)
      %mul3A_125 = arith.constant 16 : i32
      %mul3A_126 = arith.muli %scan3A_8, %mul3A_125 : i32
      %add3A_127 = arith.constant 9 : i32
      %add3A_128 = arith.addi %mul3A_126, %add3A_127 : i32
      %dma_start3A_129 = arith.constant 1152 : i32
      %dma_start3A_130 = arith.constant 0 : i32
      %dma_start3A_131 = tpu.memref_slice %arg6[%dma_start3A_129, %dma_start3A_130] : memref<2048x16xf32, #tpu.memory_space<vmem>> -> memref<128x16xf32, #tpu.memory_space<vmem>>
      %dma_start3A_132 = arith.constant 0 : i32
      %dma_start3A_133 = tpu.memref_slice %arg5[%add3A_128, %dma_start3A_132] : memref<64x128xi32, #tpu.memory_space<vmem>> -> memref<1x128xi32, #tpu.memory_space<vmem>>
      %dma_start3A_134 = tpu.memref_squeeze %dma_start3A_133 : memref<1x128xi32, #tpu.memory_space<vmem>> -> memref<128xi32, #tpu.memory_space<vmem>>
      %dma_start3A_135 = arith.constant 0 : i32
      %dma_start3A_136 = arith.constant 0 : i32
      %dma_start3A_137 = tpu.memref_slice %arg2[%dma_start3A_135, %dma_start3A_136] : memref<4096x16xf32, #tpu.memory_space<hbm>> -> memref<4096x16xf32, #tpu.memory_space<hbm>>
      tpu.enqueue_indirect_dma source(%dma_start3A_137 : memref<4096x16xf32, #tpu.memory_space<hbm>>) target(%dma_start3A_131 : memref<128x16xf32, #tpu.memory_space<vmem>>) offsets(%dma_start3A_134 : memref<128xi32, #tpu.memory_space<vmem>>) semaphore(%arg7 : memref<!tpu.dma_semaphore, #tpu.memory_space<semaphore_mem>>)
      %mul3A_138 = arith.constant 16 : i32
      %mul3A_139 = arith.muli %scan3A_8, %mul3A_138 : i32
      %add3A_140 = arith.constant 10 : i32
      %add3A_141 = arith.addi %mul3A_139, %add3A_140 : i32
      %dma_start3A_142 = arith.constant 1280 : i32
      %dma_start3A_143 = arith.constant 0 : i32
      %dma_start3A_144 = tpu.memref_slice %arg6[%dma_start3A_142, %dma_start3A_143] : memref<2048x16xf32, #tpu.memory_space<vmem>> -> memref<128x16xf32, #tpu.memory_space<vmem>>
      %dma_start3A_145 = arith.constant 0 : i32
      %dma_start3A_146 = tpu.memref_slice %arg5[%add3A_141, %dma_start3A_145] : memref<64x128xi32, #tpu.memory_space<vmem>> -> memref<1x128xi32, #tpu.memory_space<vmem>>
      %dma_start3A_147 = tpu.memref_squeeze %dma_start3A_146 : memref<1x128xi32, #tpu.memory_space<vmem>> -> memref<128xi32, #tpu.memory_space<vmem>>
      %dma_start3A_148 = arith.constant 0 : i32
      %dma_start3A_149 = arith.constant 0 : i32
      %dma_start3A_150 = tpu.memref_slice %arg2[%dma_start3A_148, %dma_start3A_149] : memref<4096x16xf32, #tpu.memory_space<hbm>> -> memref<4096x16xf32, #tpu.memory_space<hbm>>
      tpu.enqueue_indirect_dma source(%dma_start3A_150 : memref<4096x16xf32, #tpu.memory_space<hbm>>) target(%dma_start3A_144 : memref<128x16xf32, #tpu.memory_space<vmem>>) offsets(%dma_start3A_147 : memref<128xi32, #tpu.memory_space<vmem>>) semaphore(%arg7 : memref<!tpu.dma_semaphore, #tpu.memory_space<semaphore_mem>>)
      %mul3A_151 = arith.constant 16 : i32
      %mul3A_152 = arith.muli %scan3A_8, %mul3A_151 : i32
      %add3A_153 = arith.constant 11 : i32
      %add3A_154 = arith.addi %mul3A_152, %add3A_153 : i32
      %dma_start3A_155 = arith.constant 1408 : i32
      %dma_start3A_156 = arith.constant 0 : i32
      %dma_start3A_157 = tpu.memref_slice %arg6[%dma_start3A_155, %dma_start3A_156] : memref<2048x16xf32, #tpu.memory_space<vmem>> -> memref<128x16xf32, #tpu.memory_space<vmem>>
      %dma_start3A_158 = arith.constant 0 : i32
      %dma_start3A_159 = tpu.memref_slice %arg5[%add3A_154, %dma_start3A_158] : memref<64x128xi32, #tpu.memory_space<vmem>> -> memref<1x128xi32, #tpu.memory_space<vmem>>
      %dma_start3A_160 = tpu.memref_squeeze %dma_start3A_159 : memref<1x128xi32, #tpu.memory_space<vmem>> -> memref<128xi32, #tpu.memory_space<vmem>>
      %dma_start3A_161 = arith.constant 0 : i32
      %dma_start3A_162 = arith.constant 0 : i32
      %dma_start3A_163 = tpu.memref_slice %arg2[%dma_start3A_161, %dma_start3A_162] : memref<4096x16xf32, #tpu.memory_space<hbm>> -> memref<4096x16xf32, #tpu.memory_space<hbm>>
      tpu.enqueue_indirect_dma source(%dma_start3A_163 : memref<4096x16xf32, #tpu.memory_space<hbm>>) target(%dma_start3A_157 : memref<128x16xf32, #tpu.memory_space<vmem>>) offsets(%dma_start3A_160 : memref<128xi32, #tpu.memory_space<vmem>>) semaphore(%arg7 : memref<!tpu.dma_semaphore, #tpu.memory_space<semaphore_mem>>)
      %mul3A_164 = arith.constant 16 : i32
      %mul3A_165 = arith.muli %scan3A_8, %mul3A_164 : i32
      %add3A_166 = arith.constant 12 : i32
      %add3A_167 = arith.addi %mul3A_165, %add3A_166 : i32
      %dma_start3A_168 = arith.constant 1536 : i32
      %dma_start3A_169 = arith.constant 0 : i32
      %dma_start3A_170 = tpu.memref_slice %arg6[%dma_start3A_168, %dma_start3A_169] : memref<2048x16xf32, #tpu.memory_space<vmem>> -> memref<128x16xf32, #tpu.memory_space<vmem>>
      %dma_start3A_171 = arith.constant 0 : i32
      %dma_start3A_172 = tpu.memref_slice %arg5[%add3A_167, %dma_start3A_171] : memref<64x128xi32, #tpu.memory_space<vmem>> -> memref<1x128xi32, #tpu.memory_space<vmem>>
      %dma_start3A_173 = tpu.memref_squeeze %dma_start3A_172 : memref<1x128xi32, #tpu.memory_space<vmem>> -> memref<128xi32, #tpu.memory_space<vmem>>
      %dma_start3A_174 = arith.constant 0 : i32
      %dma_start3A_175 = arith.constant 0 : i32
      %dma_start3A_176 = tpu.memref_slice %arg2[%dma_start3A_174, %dma_start3A_175] : memref<4096x16xf32, #tpu.memory_space<hbm>> -> memref<4096x16xf32, #tpu.memory_space<hbm>>
      tpu.enqueue_indirect_dma source(%dma_start3A_176 : memref<4096x16xf32, #tpu.memory_space<hbm>>) target(%dma_start3A_170 : memref<128x16xf32, #tpu.memory_space<vmem>>) offsets(%dma_start3A_173 : memref<128xi32, #tpu.memory_space<vmem>>) semaphore(%arg7 : memref<!tpu.dma_semaphore, #tpu.memory_space<semaphore_mem>>)
      %mul3A_177 = arith.constant 16 : i32
      %mul3A_178 = arith.muli %scan3A_8, %mul3A_177 : i32
      %add3A_179 = arith.constant 13 : i32
      %add3A_180 = arith.addi %mul3A_178, %add3A_179 : i32
      %dma_start3A_181 = arith.constant 1664 : i32
      %dma_start3A_182 = arith.constant 0 : i32
      %dma_start3A_183 = tpu.memref_slice %arg6[%dma_start3A_181, %dma_start3A_182] : memref<2048x16xf32, #tpu.memory_space<vmem>> -> memref<128x16xf32, #tpu.memory_space<vmem>>
      %dma_start3A_184 = arith.constant 0 : i32
      %dma_start3A_185 = tpu.memref_slice %arg5[%add3A_180, %dma_start3A_184] : memref<64x128xi32, #tpu.memory_space<vmem>> -> memref<1x128xi32, #tpu.memory_space<vmem>>
      %dma_start3A_186 = tpu.memref_squeeze %dma_start3A_185 : memref<1x128xi32, #tpu.memory_space<vmem>> -> memref<128xi32, #tpu.memory_space<vmem>>
      %dma_start3A_187 = arith.constant 0 : i32
      %dma_start3A_188 = arith.constant 0 : i32
      %dma_start3A_189 = tpu.memref_slice %arg2[%dma_start3A_187, %dma_start3A_188] : memref<4096x16xf32, #tpu.memory_space<hbm>> -> memref<4096x16xf32, #tpu.memory_space<hbm>>
      tpu.enqueue_indirect_dma source(%dma_start3A_189 : memref<4096x16xf32, #tpu.memory_space<hbm>>) target(%dma_start3A_183 : memref<128x16xf32, #tpu.memory_space<vmem>>) offsets(%dma_start3A_186 : memref<128xi32, #tpu.memory_space<vmem>>) semaphore(%arg7 : memref<!tpu.dma_semaphore, #tpu.memory_space<semaphore_mem>>)
      %mul3A_190 = arith.constant 16 : i32
      %mul3A_191 = arith.muli %scan3A_8, %mul3A_190 : i32
      %add3A_192 = arith.constant 14 : i32
      %add3A_193 = arith.addi %mul3A_191, %add3A_192 : i32
      %dma_start3A_194 = arith.constant 1792 : i32
      %dma_start3A_195 = arith.constant 0 : i32
      %dma_start3A_196 = tpu.memref_slice %arg6[%dma_start3A_194, %dma_start3A_195] : memref<2048x16xf32, #tpu.memory_space<vmem>> -> memref<128x16xf32, #tpu.memory_space<vmem>>
      %dma_start3A_197 = arith.constant 0 : i32
      %dma_start3A_198 = tpu.memref_slice %arg5[%add3A_193, %dma_start3A_197] : memref<64x128xi32, #tpu.memory_space<vmem>> -> memref<1x128xi32, #tpu.memory_space<vmem>>
      %dma_start3A_199 = tpu.memref_squeeze %dma_start3A_198 : memref<1x128xi32, #tpu.memory_space<vmem>> -> memref<128xi32, #tpu.memory_space<vmem>>
      %dma_start3A_200 = arith.constant 0 : i32
      %dma_start3A_201 = arith.constant 0 : i32
      %dma_start3A_202 = tpu.memref_slice %arg2[%dma_start3A_200, %dma_start3A_201] : memref<4096x16xf32, #tpu.memory_space<hbm>> -> memref<4096x16xf32, #tpu.memory_space<hbm>>
      tpu.enqueue_indirect_dma source(%dma_start3A_202 : memref<4096x16xf32, #tpu.memory_space<hbm>>) target(%dma_start3A_196 : memref<128x16xf32, #tpu.memory_space<vmem>>) offsets(%dma_start3A_199 : memref<128xi32, #tpu.memory_space<vmem>>) semaphore(%arg7 : memref<!tpu.dma_semaphore, #tpu.memory_space<semaphore_mem>>)
      %mul3A_203 = arith.constant 16 : i32
      %mul3A_204 = arith.muli %scan3A_8, %mul3A_203 : i32
      %add3A_205 = arith.constant 15 : i32
      %add3A_206 = arith.addi %mul3A_204, %add3A_205 : i32
      %dma_start3A_207 = arith.constant 1920 : i32
      %dma_start3A_208 = arith.constant 0 : i32
      %dma_start3A_209 = tpu.memref_slice %arg6[%dma_start3A_207, %dma_start3A_208] : memref<2048x16xf32, #tpu.memory_space<vmem>> -> memref<128x16xf32, #tpu.memory_space<vmem>>
      %dma_start3A_210 = arith.constant 0 : i32
      %dma_start3A_211 = tpu.memref_slice %arg5[%add3A_206, %dma_start3A_210] : memref<64x128xi32, #tpu.memory_space<vmem>> -> memref<1x128xi32, #tpu.memory_space<vmem>>
      %dma_start3A_212 = tpu.memref_squeeze %dma_start3A_211 : memref<1x128xi32, #tpu.memory_space<vmem>> -> memref<128xi32, #tpu.memory_space<vmem>>
      %dma_start3A_213 = arith.constant 0 : i32
      %dma_start3A_214 = arith.constant 0 : i32
      %dma_start3A_215 = tpu.memref_slice %arg2[%dma_start3A_213, %dma_start3A_214] : memref<4096x16xf32, #tpu.memory_space<hbm>> -> memref<4096x16xf32, #tpu.memory_space<hbm>>
      tpu.enqueue_indirect_dma source(%dma_start3A_215 : memref<4096x16xf32, #tpu.memory_space<hbm>>) target(%dma_start3A_209 : memref<128x16xf32, #tpu.memory_space<vmem>>) offsets(%dma_start3A_212 : memref<128xi32, #tpu.memory_space<vmem>>) semaphore(%arg7 : memref<!tpu.dma_semaphore, #tpu.memory_space<semaphore_mem>>)
      %dma_wait3A = arith.constant 0 : i32
      %dma_wait3A_216 = arith.constant 0 : i32
      %dma_wait3A_217 = tpu.memref_slice %arg6[%dma_wait3A, %dma_wait3A_216] : memref<2048x16xf32, #tpu.memory_space<vmem>> -> memref<128x16xf32, #tpu.memory_space<vmem>>
      %dma_wait3A_218 = arith.constant 0 : i32
      %dma_wait3A_219 = tpu.memref_slice %arg5[%add3A_12, %dma_wait3A_218] : memref<64x128xi32, #tpu.memory_space<vmem>> -> memref<1x128xi32, #tpu.memory_space<vmem>>
      %dma_wait3A_220 = tpu.memref_squeeze %dma_wait3A_219 : memref<1x128xi32, #tpu.memory_space<vmem>> -> memref<128xi32, #tpu.memory_space<vmem>>
      %dma_wait3A_221 = arith.constant 0 : i32
      %dma_wait3A_222 = arith.constant 0 : i32
      %dma_wait3A_223 = tpu.memref_slice %arg2[%dma_wait3A_221, %dma_wait3A_222] : memref<4096x16xf32, #tpu.memory_space<hbm>> -> memref<4096x16xf32, #tpu.memory_space<hbm>>
      tpu.wait_indirect_dma semaphore(%arg7 : memref<!tpu.dma_semaphore, #tpu.memory_space<semaphore_mem>>) src(%dma_wait3A_223 : memref<4096x16xf32, #tpu.memory_space<hbm>>) dst(%dma_wait3A_217 : memref<128x16xf32, #tpu.memory_space<vmem>>)
      %dma_wait3A_224 = arith.constant 128 : i32
      %dma_wait3A_225 = arith.constant 0 : i32
      %dma_wait3A_226 = tpu.memref_slice %arg6[%dma_wait3A_224, %dma_wait3A_225] : memref<2048x16xf32, #tpu.memory_space<vmem>> -> memref<128x16xf32, #tpu.memory_space<vmem>>
      %dma_wait3A_227 = arith.constant 0 : i32
      %dma_wait3A_228 = tpu.memref_slice %arg5[%add3A_24, %dma_wait3A_227] : memref<64x128xi32, #tpu.memory_space<vmem>> -> memref<1x128xi32, #tpu.memory_space<vmem>>
      %dma_wait3A_229 = tpu.memref_squeeze %dma_wait3A_228 : memref<1x128xi32, #tpu.memory_space<vmem>> -> memref<128xi32, #tpu.memory_space<vmem>>
      %dma_wait3A_230 = arith.constant 0 : i32
      %dma_wait3A_231 = arith.constant 0 : i32
      %dma_wait3A_232 = tpu.memref_slice %arg2[%dma_wait3A_230, %dma_wait3A_231] : memref<4096x16xf32, #tpu.memory_space<hbm>> -> memref<4096x16xf32, #tpu.memory_space<hbm>>
      tpu.wait_indirect_dma semaphore(%arg7 : memref<!tpu.dma_semaphore, #tpu.memory_space<semaphore_mem>>) src(%dma_wait3A_232 : memref<4096x16xf32, #tpu.memory_space<hbm>>) dst(%dma_wait3A_226 : memref<128x16xf32, #tpu.memory_space<vmem>>)
      %dma_wait3A_233 = arith.constant 256 : i32
      %dma_wait3A_234 = arith.constant 0 : i32
      %dma_wait3A_235 = tpu.memref_slice %arg6[%dma_wait3A_233, %dma_wait3A_234] : memref<2048x16xf32, #tpu.memory_space<vmem>> -> memref<128x16xf32, #tpu.memory_space<vmem>>
      %dma_wait3A_236 = arith.constant 0 : i32
      %dma_wait3A_237 = tpu.memref_slice %arg5[%add3A_37, %dma_wait3A_236] : memref<64x128xi32, #tpu.memory_space<vmem>> -> memref<1x128xi32, #tpu.memory_space<vmem>>
      %dma_wait3A_238 = tpu.memref_squeeze %dma_wait3A_237 : memref<1x128xi32, #tpu.memory_space<vmem>> -> memref<128xi32, #tpu.memory_space<vmem>>
      %dma_wait3A_239 = arith.constant 0 : i32
      %dma_wait3A_240 = arith.constant 0 : i32
      %dma_wait3A_241 = tpu.memref_slice %arg2[%dma_wait3A_239, %dma_wait3A_240] : memref<4096x16xf32, #tpu.memory_space<hbm>> -> memref<4096x16xf32, #tpu.memory_space<hbm>>
      tpu.wait_indirect_dma semaphore(%arg7 : memref<!tpu.dma_semaphore, #tpu.memory_space<semaphore_mem>>) src(%dma_wait3A_241 : memref<4096x16xf32, #tpu.memory_space<hbm>>) dst(%dma_wait3A_235 : memref<128x16xf32, #tpu.memory_space<vmem>>)
      %dma_wait3A_242 = arith.constant 384 : i32
      %dma_wait3A_243 = arith.constant 0 : i32
      %dma_wait3A_244 = tpu.memref_slice %arg6[%dma_wait3A_242, %dma_wait3A_243] : memref<2048x16xf32, #tpu.memory_space<vmem>> -> memref<128x16xf32, #tpu.memory_space<vmem>>
      %dma_wait3A_245 = arith.constant 0 : i32
      %dma_wait3A_246 = tpu.memref_slice %arg5[%add3A_50, %dma_wait3A_245] : memref<64x128xi32, #tpu.memory_space<vmem>> -> memref<1x128xi32, #tpu.memory_space<vmem>>
      %dma_wait3A_247 = tpu.memref_squeeze %dma_wait3A_246 : memref<1x128xi32, #tpu.memory_space<vmem>> -> memref<128xi32, #tpu.memory_space<vmem>>
      %dma_wait3A_248 = arith.constant 0 : i32
      %dma_wait3A_249 = arith.constant 0 : i32
      %dma_wait3A_250 = tpu.memref_slice %arg2[%dma_wait3A_248, %dma_wait3A_249] : memref<4096x16xf32, #tpu.memory_space<hbm>> -> memref<4096x16xf32, #tpu.memory_space<hbm>>
      tpu.wait_indirect_dma semaphore(%arg7 : memref<!tpu.dma_semaphore, #tpu.memory_space<semaphore_mem>>) src(%dma_wait3A_250 : memref<4096x16xf32, #tpu.memory_space<hbm>>) dst(%dma_wait3A_244 : memref<128x16xf32, #tpu.memory_space<vmem>>)
      %dma_wait3A_251 = arith.constant 512 : i32
      %dma_wait3A_252 = arith.constant 0 : i32
      %dma_wait3A_253 = tpu.memref_slice %arg6[%dma_wait3A_251, %dma_wait3A_252] : memref<2048x16xf32, #tpu.memory_space<vmem>> -> memref<128x16xf32, #tpu.memory_space<vmem>>
      %dma_wait3A_254 = arith.constant 0 : i32
      %dma_wait3A_255 = tpu.memref_slice %arg5[%add3A_63, %dma_wait3A_254] : memref<64x128xi32, #tpu.memory_space<vmem>> -> memref<1x128xi32, #tpu.memory_space<vmem>>
      %dma_wait3A_256 = tpu.memref_squeeze %dma_wait3A_255 : memref<1x128xi32, #tpu.memory_space<vmem>> -> memref<128xi32, #tpu.memory_space<vmem>>
      %dma_wait3A_257 = arith.constant 0 : i32
      %dma_wait3A_258 = arith.constant 0 : i32
      %dma_wait3A_259 = tpu.memref_slice %arg2[%dma_wait3A_257, %dma_wait3A_258] : memref<4096x16xf32, #tpu.memory_space<hbm>> -> memref<4096x16xf32, #tpu.memory_space<hbm>>
      tpu.wait_indirect_dma semaphore(%arg7 : memref<!tpu.dma_semaphore, #tpu.memory_space<semaphore_mem>>) src(%dma_wait3A_259 : memref<4096x16xf32, #tpu.memory_space<hbm>>) dst(%dma_wait3A_253 : memref<128x16xf32, #tpu.memory_space<vmem>>)
      %dma_wait3A_260 = arith.constant 640 : i32
      %dma_wait3A_261 = arith.constant 0 : i32
      %dma_wait3A_262 = tpu.memref_slice %arg6[%dma_wait3A_260, %dma_wait3A_261] : memref<2048x16xf32, #tpu.memory_space<vmem>> -> memref<128x16xf32, #tpu.memory_space<vmem>>
      %dma_wait3A_263 = arith.constant 0 : i32
      %dma_wait3A_264 = tpu.memref_slice %arg5[%add3A_76, %dma_wait3A_263] : memref<64x128xi32, #tpu.memory_space<vmem>> -> memref<1x128xi32, #tpu.memory_space<vmem>>
      %dma_wait3A_265 = tpu.memref_squeeze %dma_wait3A_264 : memref<1x128xi32, #tpu.memory_space<vmem>> -> memref<128xi32, #tpu.memory_space<vmem>>
      %dma_wait3A_266 = arith.constant 0 : i32
      %dma_wait3A_267 = arith.constant 0 : i32
      %dma_wait3A_268 = tpu.memref_slice %arg2[%dma_wait3A_266, %dma_wait3A_267] : memref<4096x16xf32, #tpu.memory_space<hbm>> -> memref<4096x16xf32, #tpu.memory_space<hbm>>
      tpu.wait_indirect_dma semaphore(%arg7 : memref<!tpu.dma_semaphore, #tpu.memory_space<semaphore_mem>>) src(%dma_wait3A_268 : memref<4096x16xf32, #tpu.memory_space<hbm>>) dst(%dma_wait3A_262 : memref<128x16xf32, #tpu.memory_space<vmem>>)
      %dma_wait3A_269 = arith.constant 768 : i32
      %dma_wait3A_270 = arith.constant 0 : i32
      %dma_wait3A_271 = tpu.memref_slice %arg6[%dma_wait3A_269, %dma_wait3A_270] : memref<2048x16xf32, #tpu.memory_space<vmem>> -> memref<128x16xf32, #tpu.memory_space<vmem>>
      %dma_wait3A_272 = arith.constant 0 : i32
      %dma_wait3A_273 = tpu.memref_slice %arg5[%add3A_89, %dma_wait3A_272] : memref<64x128xi32, #tpu.memory_space<vmem>> -> memref<1x128xi32, #tpu.memory_space<vmem>>
      %dma_wait3A_274 = tpu.memref_squeeze %dma_wait3A_273 : memref<1x128xi32, #tpu.memory_space<vmem>> -> memref<128xi32, #tpu.memory_space<vmem>>
      %dma_wait3A_275 = arith.constant 0 : i32
      %dma_wait3A_276 = arith.constant 0 : i32
      %dma_wait3A_277 = tpu.memref_slice %arg2[%dma_wait3A_275, %dma_wait3A_276] : memref<4096x16xf32, #tpu.memory_space<hbm>> -> memref<4096x16xf32, #tpu.memory_space<hbm>>
      tpu.wait_indirect_dma semaphore(%arg7 : memref<!tpu.dma_semaphore, #tpu.memory_space<semaphore_mem>>) src(%dma_wait3A_277 : memref<4096x16xf32, #tpu.memory_space<hbm>>) dst(%dma_wait3A_271 : memref<128x16xf32, #tpu.memory_space<vmem>>)
      %dma_wait3A_278 = arith.constant 896 : i32
      %dma_wait3A_279 = arith.constant 0 : i32
      %dma_wait3A_280 = tpu.memref_slice %arg6[%dma_wait3A_278, %dma_wait3A_279] : memref<2048x16xf32, #tpu.memory_space<vmem>> -> memref<128x16xf32, #tpu.memory_space<vmem>>
      %dma_wait3A_281 = arith.constant 0 : i32
      %dma_wait3A_282 = tpu.memref_slice %arg5[%add3A_102, %dma_wait3A_281] : memref<64x128xi32, #tpu.memory_space<vmem>> -> memref<1x128xi32, #tpu.memory_space<vmem>>
      %dma_wait3A_283 = tpu.memref_squeeze %dma_wait3A_282 : memref<1x128xi32, #tpu.memory_space<vmem>> -> memref<128xi32, #tpu.memory_space<vmem>>
      %dma_wait3A_284 = arith.constant 0 : i32
      %dma_wait3A_285 = arith.constant 0 : i32
      %dma_wait3A_286 = tpu.memref_slice %arg2[%dma_wait3A_284, %dma_wait3A_285] : memref<4096x16xf32, #tpu.memory_space<hbm>> -> memref<4096x16xf32, #tpu.memory_space<hbm>>
      tpu.wait_indirect_dma semaphore(%arg7 : memref<!tpu.dma_semaphore, #tpu.memory_space<semaphore_mem>>) src(%dma_wait3A_286 : memref<4096x16xf32, #tpu.memory_space<hbm>>) dst(%dma_wait3A_280 : memref<128x16xf32, #tpu.memory_space<vmem>>)
      %dma_wait3A_287 = arith.constant 1024 : i32
      %dma_wait3A_288 = arith.constant 0 : i32
      %dma_wait3A_289 = tpu.memref_slice %arg6[%dma_wait3A_287, %dma_wait3A_288] : memref<2048x16xf32, #tpu.memory_space<vmem>> -> memref<128x16xf32, #tpu.memory_space<vmem>>
      %dma_wait3A_290 = arith.constant 0 : i32
      %dma_wait3A_291 = tpu.memref_slice %arg5[%add3A_115, %dma_wait3A_290] : memref<64x128xi32, #tpu.memory_space<vmem>> -> memref<1x128xi32, #tpu.memory_space<vmem>>
      %dma_wait3A_292 = tpu.memref_squeeze %dma_wait3A_291 : memref<1x128xi32, #tpu.memory_space<vmem>> -> memref<128xi32, #tpu.memory_space<vmem>>
      %dma_wait3A_293 = arith.constant 0 : i32
      %dma_wait3A_294 = arith.constant 0 : i32
      %dma_wait3A_295 = tpu.memref_slice %arg2[%dma_wait3A_293, %dma_wait3A_294] : memref<4096x16xf32, #tpu.memory_space<hbm>> -> memref<4096x16xf32, #tpu.memory_space<hbm>>
      tpu.wait_indirect_dma semaphore(%arg7 : memref<!tpu.dma_semaphore, #tpu.memory_space<semaphore_mem>>) src(%dma_wait3A_295 : memref<4096x16xf32, #tpu.memory_space<hbm>>) dst(%dma_wait3A_289 : memref<128x16xf32, #tpu.memory_space<vmem>>)
      %dma_wait3A_296 = arith.constant 1152 : i32
      %dma_wait3A_297 = arith.constant 0 : i32
      %dma_wait3A_298 = tpu.memref_slice %arg6[%dma_wait3A_296, %dma_wait3A_297] : memref<2048x16xf32, #tpu.memory_space<vmem>> -> memref<128x16xf32, #tpu.memory_space<vmem>>
      %dma_wait3A_299 = arith.constant 0 : i32
      %dma_wait3A_300 = tpu.memref_slice %arg5[%add3A_128, %dma_wait3A_299] : memref<64x128xi32, #tpu.memory_space<vmem>> -> memref<1x128xi32, #tpu.memory_space<vmem>>
      %dma_wait3A_301 = tpu.memref_squeeze %dma_wait3A_300 : memref<1x128xi32, #tpu.memory_space<vmem>> -> memref<128xi32, #tpu.memory_space<vmem>>
      %dma_wait3A_302 = arith.constant 0 : i32
      %dma_wait3A_303 = arith.constant 0 : i32
      %dma_wait3A_304 = tpu.memref_slice %arg2[%dma_wait3A_302, %dma_wait3A_303] : memref<4096x16xf32, #tpu.memory_space<hbm>> -> memref<4096x16xf32, #tpu.memory_space<hbm>>
      tpu.wait_indirect_dma semaphore(%arg7 : memref<!tpu.dma_semaphore, #tpu.memory_space<semaphore_mem>>) src(%dma_wait3A_304 : memref<4096x16xf32, #tpu.memory_space<hbm>>) dst(%dma_wait3A_298 : memref<128x16xf32, #tpu.memory_space<vmem>>)
      %dma_wait3A_305 = arith.constant 1280 : i32
      %dma_wait3A_306 = arith.constant 0 : i32
      %dma_wait3A_307 = tpu.memref_slice %arg6[%dma_wait3A_305, %dma_wait3A_306] : memref<2048x16xf32, #tpu.memory_space<vmem>> -> memref<128x16xf32, #tpu.memory_space<vmem>>
      %dma_wait3A_308 = arith.constant 0 : i32
      %dma_wait3A_309 = tpu.memref_slice %arg5[%add3A_141, %dma_wait3A_308] : memref<64x128xi32, #tpu.memory_space<vmem>> -> memref<1x128xi32, #tpu.memory_space<vmem>>
      %dma_wait3A_310 = tpu.memref_squeeze %dma_wait3A_309 : memref<1x128xi32, #tpu.memory_space<vmem>> -> memref<128xi32, #tpu.memory_space<vmem>>
      %dma_wait3A_311 = arith.constant 0 : i32
      %dma_wait3A_312 = arith.constant 0 : i32
      %dma_wait3A_313 = tpu.memref_slice %arg2[%dma_wait3A_311, %dma_wait3A_312] : memref<4096x16xf32, #tpu.memory_space<hbm>> -> memref<4096x16xf32, #tpu.memory_space<hbm>>
      tpu.wait_indirect_dma semaphore(%arg7 : memref<!tpu.dma_semaphore, #tpu.memory_space<semaphore_mem>>) src(%dma_wait3A_313 : memref<4096x16xf32, #tpu.memory_space<hbm>>) dst(%dma_wait3A_307 : memref<128x16xf32, #tpu.memory_space<vmem>>)
      %dma_wait3A_314 = arith.constant 1408 : i32
      %dma_wait3A_315 = arith.constant 0 : i32
      %dma_wait3A_316 = tpu.memref_slice %arg6[%dma_wait3A_314, %dma_wait3A_315] : memref<2048x16xf32, #tpu.memory_space<vmem>> -> memref<128x16xf32, #tpu.memory_space<vmem>>
      %dma_wait3A_317 = arith.constant 0 : i32
      %dma_wait3A_318 = tpu.memref_slice %arg5[%add3A_154, %dma_wait3A_317] : memref<64x128xi32, #tpu.memory_space<vmem>> -> memref<1x128xi32, #tpu.memory_space<vmem>>
      %dma_wait3A_319 = tpu.memref_squeeze %dma_wait3A_318 : memref<1x128xi32, #tpu.memory_space<vmem>> -> memref<128xi32, #tpu.memory_space<vmem>>
      %dma_wait3A_320 = arith.constant 0 : i32
      %dma_wait3A_321 = arith.constant 0 : i32
      %dma_wait3A_322 = tpu.memref_slice %arg2[%dma_wait3A_320, %dma_wait3A_321] : memref<4096x16xf32, #tpu.memory_space<hbm>> -> memref<4096x16xf32, #tpu.memory_space<hbm>>
      tpu.wait_indirect_dma semaphore(%arg7 : memref<!tpu.dma_semaphore, #tpu.memory_space<semaphore_mem>>) src(%dma_wait3A_322 : memref<4096x16xf32, #tpu.memory_space<hbm>>) dst(%dma_wait3A_316 : memref<128x16xf32, #tpu.memory_space<vmem>>)
      %dma_wait3A_323 = arith.constant 1536 : i32
      %dma_wait3A_324 = arith.constant 0 : i32
      %dma_wait3A_325 = tpu.memref_slice %arg6[%dma_wait3A_323, %dma_wait3A_324] : memref<2048x16xf32, #tpu.memory_space<vmem>> -> memref<128x16xf32, #tpu.memory_space<vmem>>
      %dma_wait3A_326 = arith.constant 0 : i32
      %dma_wait3A_327 = tpu.memref_slice %arg5[%add3A_167, %dma_wait3A_326] : memref<64x128xi32, #tpu.memory_space<vmem>> -> memref<1x128xi32, #tpu.memory_space<vmem>>
      %dma_wait3A_328 = tpu.memref_squeeze %dma_wait3A_327 : memref<1x128xi32, #tpu.memory_space<vmem>> -> memref<128xi32, #tpu.memory_space<vmem>>
      %dma_wait3A_329 = arith.constant 0 : i32
      %dma_wait3A_330 = arith.constant 0 : i32
      %dma_wait3A_331 = tpu.memref_slice %arg2[%dma_wait3A_329, %dma_wait3A_330] : memref<4096x16xf32, #tpu.memory_space<hbm>> -> memref<4096x16xf32, #tpu.memory_space<hbm>>
      tpu.wait_indirect_dma semaphore(%arg7 : memref<!tpu.dma_semaphore, #tpu.memory_space<semaphore_mem>>) src(%dma_wait3A_331 : memref<4096x16xf32, #tpu.memory_space<hbm>>) dst(%dma_wait3A_325 : memref<128x16xf32, #tpu.memory_space<vmem>>)
      %dma_wait3A_332 = arith.constant 1664 : i32
      %dma_wait3A_333 = arith.constant 0 : i32
      %dma_wait3A_334 = tpu.memref_slice %arg6[%dma_wait3A_332, %dma_wait3A_333] : memref<2048x16xf32, #tpu.memory_space<vmem>> -> memref<128x16xf32, #tpu.memory_space<vmem>>
      %dma_wait3A_335 = arith.constant 0 : i32
      %dma_wait3A_336 = tpu.memref_slice %arg5[%add3A_180, %dma_wait3A_335] : memref<64x128xi32, #tpu.memory_space<vmem>> -> memref<1x128xi32, #tpu.memory_space<vmem>>
      %dma_wait3A_337 = tpu.memref_squeeze %dma_wait3A_336 : memref<1x128xi32, #tpu.memory_space<vmem>> -> memref<128xi32, #tpu.memory_space<vmem>>
      %dma_wait3A_338 = arith.constant 0 : i32
      %dma_wait3A_339 = arith.constant 0 : i32
      %dma_wait3A_340 = tpu.memref_slice %arg2[%dma_wait3A_338, %dma_wait3A_339] : memref<4096x16xf32, #tpu.memory_space<hbm>> -> memref<4096x16xf32, #tpu.memory_space<hbm>>
      tpu.wait_indirect_dma semaphore(%arg7 : memref<!tpu.dma_semaphore, #tpu.memory_space<semaphore_mem>>) src(%dma_wait3A_340 : memref<4096x16xf32, #tpu.memory_space<hbm>>) dst(%dma_wait3A_334 : memref<128x16xf32, #tpu.memory_space<vmem>>)
      %dma_wait3A_341 = arith.constant 1792 : i32
      %dma_wait3A_342 = arith.constant 0 : i32
      %dma_wait3A_343 = tpu.memref_slice %arg6[%dma_wait3A_341, %dma_wait3A_342] : memref<2048x16xf32, #tpu.memory_space<vmem>> -> memref<128x16xf32, #tpu.memory_space<vmem>>
      %dma_wait3A_344 = arith.constant 0 : i32
      %dma_wait3A_345 = tpu.memref_slice %arg5[%add3A_193, %dma_wait3A_344] : memref<64x128xi32, #tpu.memory_space<vmem>> -> memref<1x128xi32, #tpu.memory_space<vmem>>
      %dma_wait3A_346 = tpu.memref_squeeze %dma_wait3A_345 : memref<1x128xi32, #tpu.memory_space<vmem>> -> memref<128xi32, #tpu.memory_space<vmem>>
      %dma_wait3A_347 = arith.constant 0 : i32
      %dma_wait3A_348 = arith.constant 0 : i32
      %dma_wait3A_349 = tpu.memref_slice %arg2[%dma_wait3A_347, %dma_wait3A_348] : memref<4096x16xf32, #tpu.memory_space<hbm>> -> memref<4096x16xf32, #tpu.memory_space<hbm>>
      tpu.wait_indirect_dma semaphore(%arg7 : memref<!tpu.dma_semaphore, #tpu.memory_space<semaphore_mem>>) src(%dma_wait3A_349 : memref<4096x16xf32, #tpu.memory_space<hbm>>) dst(%dma_wait3A_343 : memref<128x16xf32, #tpu.memory_space<vmem>>)
      %dma_wait3A_350 = arith.constant 1920 : i32
      %dma_wait3A_351 = arith.constant 0 : i32
      %dma_wait3A_352 = tpu.memref_slice %arg6[%dma_wait3A_350, %dma_wait3A_351] : memref<2048x16xf32, #tpu.memory_space<vmem>> -> memref<128x16xf32, #tpu.memory_space<vmem>>
      %dma_wait3A_353 = arith.constant 0 : i32
      %dma_wait3A_354 = tpu.memref_slice %arg5[%add3A_206, %dma_wait3A_353] : memref<64x128xi32, #tpu.memory_space<vmem>> -> memref<1x128xi32, #tpu.memory_space<vmem>>
      %dma_wait3A_355 = tpu.memref_squeeze %dma_wait3A_354 : memref<1x128xi32, #tpu.memory_space<vmem>> -> memref<128xi32, #tpu.memory_space<vmem>>
      %dma_wait3A_356 = arith.constant 0 : i32
      %dma_wait3A_357 = arith.constant 0 : i32
      %dma_wait3A_358 = tpu.memref_slice %arg2[%dma_wait3A_356, %dma_wait3A_357] : memref<4096x16xf32, #tpu.memory_space<hbm>> -> memref<4096x16xf32, #tpu.memory_space<hbm>>
      tpu.wait_indirect_dma semaphore(%arg7 : memref<!tpu.dma_semaphore, #tpu.memory_space<semaphore_mem>>) src(%dma_wait3A_358 : memref<4096x16xf32, #tpu.memory_space<hbm>>) dst(%dma_wait3A_352 : memref<128x16xf32, #tpu.memory_space<vmem>>)
      %mul3A_359 = arith.constant 16 : i32
      %mul3A_360 = arith.muli %scan3A_8, %mul3A_359 : i32
      %add3A_361 = arith.addi %mul3A_2, %mul3A_360 : i32
      %mul3A_362 = arith.constant 128 : i32
      %mul3A_363 = arith.muli %add3A_361, %mul3A_362 : i32
      "tpu.region"() ({
        %run_scoped3A = tpu.sem_alloc : memref<!tpu.dma_semaphore, #tpu.memory_space<semaphore_mem>>
        %dma_start3A_364 = arith.constant 0 : i32
        %dma_start3A_365 = tpu.memref_slice %arg4[%mul3A_363, %dma_start3A_364] : memref<262144x16xf32, #tpu.memory_space<hbm>> -> memref<2048x16xf32, #tpu.memory_space<hbm>>
        %dma_start3A_366 = arith.constant 0 : i32
        %dma_start3A_367 = tpu.memref_slice %arg4[%mul3A_363, %dma_start3A_366] : memref<262144x16xf32, #tpu.memory_space<hbm>> -> memref<2048x16xf32, #tpu.memory_space<hbm>>
        tpu.enqueue_dma source(%arg6 : memref<2048x16xf32, #tpu.memory_space<vmem>>) target(%dma_start3A_367 : memref<2048x16xf32, #tpu.memory_space<hbm>>) target_semaphore(%run_scoped3A : memref<!tpu.dma_semaphore, #tpu.memory_space<semaphore_mem>>)
        %dma_wait3A_368 = arith.constant 0 : i32
        %dma_wait3A_369 = tpu.memref_slice %arg4[%mul3A_363, %dma_wait3A_368] : memref<262144x16xf32, #tpu.memory_space<hbm>> -> memref<2048x16xf32, #tpu.memory_space<hbm>>
        %dma_wait3A_370 = arith.constant 0 : i32
        %dma_wait3A_371 = tpu.memref_slice %arg4[%mul3A_363, %dma_wait3A_370] : memref<262144x16xf32, #tpu.memory_space<hbm>> -> memref<2048x16xf32, #tpu.memory_space<hbm>>
        tpu.wait_dma2 semaphore(%run_scoped3A : memref<!tpu.dma_semaphore, #tpu.memory_space<semaphore_mem>>) src(%arg6 : memref<2048x16xf32, #tpu.memory_space<vmem>>) dst(%dma_wait3A_371 : memref<2048x16xf32, #tpu.memory_space<hbm>>)
        tpu.yield
      }) : () -> ()
    }
    %scan3A_7 = arith.constant 4 : i32
    return
  }
}

#map = affine_map<(d0, d1) -> (0, 0)>
module attributes {stable_mosaic.version = 14 : i64} {
  func.func @kfn(%arg0: i32, %arg1: i32, %arg2: memref<262144x16xf32, #tpu.memory_space<hbm>>, %arg3: memref<2048x128xi32, #tpu.memory_space<hbm>>, %arg4: memref<8192x16xf32, #tpu.memory_space<hbm>>, %arg5: memref<8192x16xf32, #tpu.memory_space<hbm>>, %arg6: memref<64x128xi32, #tpu.memory_space<vmem>>, %arg7: memref<1024x16xf32, #tpu.memory_space<vmem>>, %arg8: memref<128x16xf32, #tpu.memory_space<vmem>>, %arg9: memref<256x16xf32, #tpu.memory_space<vmem>>, %arg10: memref<4096x16xf32, #tpu.memory_space<vmem_shared>>, %arg11: memref<4096x16xf32, #tpu.memory_space<vmem_shared>>) attributes {dimension_semantics = [#tpu.dimension_semantics<core_parallel>, #tpu.dimension_semantics<subcore_parallel>], iteration_bounds = array<i64: 2, 16>, scalar_prefetch = 0 : i64, scratch_operands = 6 : i64, tpu.core_type = #tpu.core_type<sc_vector_subcore>, window_params = [{transform_indices = #map}, {transform_indices = #map}, {transform_indices = #map}, {transform_indices = #map}]} {
    %mul3A = arith.constant 2 : i32
    %mul3A_0 = arith.muli %arg1, %mul3A : i32
    %add3A = arith.addi %mul3A_0, %arg0 : i32
    %mul3A_1 = arith.constant 64 : i32
    %mul3A_2 = arith.muli %add3A, %mul3A_1 : i32
    %scan3A = arith.constant 0 : i32
    %scan3A_3 = arith.constant 0 : i32
    %scan3A_4 = arith.constant 256 : i32
    %scan3A_5 = arith.addi %scan3A_3, %scan3A_4 : i32
    %scan3A_6 = arith.constant 1 : i32
    scf.for %scan3A_39 = %scan3A_3 to %scan3A_5 step %scan3A_6  : i32 {
      %broadcast_in_dim3A = arith.constant 0.000000e+00 : f32
      %broadcast_in_dim3A_40 = vector.broadcast %broadcast_in_dim3A : f32 to vector<16xf32>
      %swap3A = arith.index_cast %scan3A_39 : i32 to index
      %swap3A_41 = arith.constant 0 : index
      %swap3A_42 = tpu.vector_load %arg9[%swap3A, %swap3A_41] {strides = array<i32>} : memref<256x16xf32, #tpu.memory_space<vmem>>, vector<1x16xf32>,
      %swap3A_43 = vector.shape_cast %swap3A_42 : vector<1x16xf32> to vector<16xf32>
      %swap3A_44 = vector.shape_cast %broadcast_in_dim3A_40 : vector<16xf32> to vector<1x16xf32>
      tpu.vector_store %arg9[%swap3A, %swap3A_41], %swap3A_44 {strides = array<i32>} : memref<256x16xf32, #tpu.memory_space<vmem>>, vector<1x16xf32>,
    }
    %scan3A_7 = arith.constant 256 : i32
    %scan3A_8 = arith.constant 0 : i32
    %scan3A_9 = arith.constant 0 : i32
    %scan3A_10 = arith.constant 128 : i32
    %scan3A_11 = arith.addi %scan3A_9, %scan3A_10 : i32
    %scan3A_12 = arith.constant 1 : i32
    scf.for %scan3A_39 = %scan3A_9 to %scan3A_11 step %scan3A_12  : i32 {
      %broadcast_in_dim3A = arith.constant 1.000000e+00 : f32
      %broadcast_in_dim3A_40 = vector.broadcast %broadcast_in_dim3A : f32 to vector<16xf32>
      %swap3A = arith.index_cast %scan3A_39 : i32 to index
      %swap3A_41 = arith.constant 0 : index
      %swap3A_42 = tpu.vector_load %arg8[%swap3A, %swap3A_41] {strides = array<i32>} : memref<128x16xf32, #tpu.memory_space<vmem>>, vector<1x16xf32>,
      %swap3A_43 = vector.shape_cast %swap3A_42 : vector<1x16xf32> to vector<16xf32>
      %swap3A_44 = vector.shape_cast %broadcast_in_dim3A_40 : vector<16xf32> to vector<1x16xf32>
      tpu.vector_store %arg8[%swap3A, %swap3A_41], %swap3A_44 {strides = array<i32>} : memref<128x16xf32, #tpu.memory_space<vmem>>, vector<1x16xf32>,
    }
    %scan3A_13 = arith.constant 128 : i32
    %mul3A_14 = arith.constant 256 : i32
    %mul3A_15 = arith.muli %arg1, %mul3A_14 : i32
    "tpu.region"() ({
      %run_scoped3A = tpu.sem_alloc : memref<!tpu.dma_semaphore, #tpu.memory_space<semaphore_mem>>
      %dma_start3A = arith.constant 0 : i32
      %dma_start3A_39 = tpu.memref_slice %arg10[%mul3A_15, %dma_start3A] : memref<4096x16xf32, #tpu.memory_space<vmem_shared>> -> memref<256x16xf32, #tpu.memory_space<vmem_shared>>
      %dma_start3A_40 = arith.constant 0 : i32
      %dma_start3A_41 = tpu.memref_slice %arg10[%mul3A_15, %dma_start3A_40] : memref<4096x16xf32, #tpu.memory_space<vmem_shared>> -> memref<256x16xf32, #tpu.memory_space<vmem_shared>>
      tpu.enqueue_dma source(%arg9 : memref<256x16xf32, #tpu.memory_space<vmem>>) target(%dma_start3A_41 : memref<256x16xf32, #tpu.memory_space<vmem_shared>>) target_semaphore(%run_scoped3A : memref<!tpu.dma_semaphore, #tpu.memory_space<semaphore_mem>>)
      %dma_wait3A = arith.constant 0 : i32
      %dma_wait3A_42 = tpu.memref_slice %arg10[%mul3A_15, %dma_wait3A] : memref<4096x16xf32, #tpu.memory_space<vmem_shared>> -> memref<256x16xf32, #tpu.memory_space<vmem_shared>>
      %dma_wait3A_43 = arith.constant 0 : i32
      %dma_wait3A_44 = tpu.memref_slice %arg10[%mul3A_15, %dma_wait3A_43] : memref<4096x16xf32, #tpu.memory_space<vmem_shared>> -> memref<256x16xf32, #tpu.memory_space<vmem_shared>>
      tpu.wait_dma2 semaphore(%run_scoped3A : memref<!tpu.dma_semaphore, #tpu.memory_space<semaphore_mem>>) src(%arg9 : memref<256x16xf32, #tpu.memory_space<vmem>>) dst(%dma_wait3A_44 : memref<256x16xf32, #tpu.memory_space<vmem_shared>>)
      tpu.yield
    }) : () -> ()
    %mul3A_16 = arith.constant 256 : i32
    %mul3A_17 = arith.muli %arg1, %mul3A_16 : i32
    "tpu.region"() ({
      %run_scoped3A = tpu.sem_alloc : memref<!tpu.dma_semaphore, #tpu.memory_space<semaphore_mem>>
      %dma_start3A = arith.constant 0 : i32
      %dma_start3A_39 = tpu.memref_slice %arg11[%mul3A_17, %dma_start3A] : memref<4096x16xf32, #tpu.memory_space<vmem_shared>> -> memref<256x16xf32, #tpu.memory_space<vmem_shared>>
      %dma_start3A_40 = arith.constant 0 : i32
      %dma_start3A_41 = tpu.memref_slice %arg11[%mul3A_17, %dma_start3A_40] : memref<4096x16xf32, #tpu.memory_space<vmem_shared>> -> memref<256x16xf32, #tpu.memory_space<vmem_shared>>
      tpu.enqueue_dma source(%arg9 : memref<256x16xf32, #tpu.memory_space<vmem>>) target(%dma_start3A_41 : memref<256x16xf32, #tpu.memory_space<vmem_shared>>) target_semaphore(%run_scoped3A : memref<!tpu.dma_semaphore, #tpu.memory_space<semaphore_mem>>)
      %dma_wait3A = arith.constant 0 : i32
      %dma_wait3A_42 = tpu.memref_slice %arg11[%mul3A_17, %dma_wait3A] : memref<4096x16xf32, #tpu.memory_space<vmem_shared>> -> memref<256x16xf32, #tpu.memory_space<vmem_shared>>
      %dma_wait3A_43 = arith.constant 0 : i32
      %dma_wait3A_44 = tpu.memref_slice %arg11[%mul3A_17, %dma_wait3A_43] : memref<4096x16xf32, #tpu.memory_space<vmem_shared>> -> memref<256x16xf32, #tpu.memory_space<vmem_shared>>
      tpu.wait_dma2 semaphore(%run_scoped3A : memref<!tpu.dma_semaphore, #tpu.memory_space<semaphore_mem>>) src(%arg9 : memref<256x16xf32, #tpu.memory_space<vmem>>) dst(%dma_wait3A_44 : memref<256x16xf32, #tpu.memory_space<vmem_shared>>)
      tpu.yield
    }) : () -> ()
    %barrier3A = arith.constant 0 : index
    tpu.barrier barrier_id(%barrier3A)
    "tpu.region"() ({
      %run_scoped3A = tpu.sem_alloc : memref<!tpu.dma_semaphore, #tpu.memory_space<semaphore_mem>>
      %dma_start3A = arith.constant 0 : i32
      %dma_start3A_39 = tpu.memref_slice %arg3[%mul3A_2, %dma_start3A] : memref<2048x128xi32, #tpu.memory_space<hbm>> -> memref<64x128xi32, #tpu.memory_space<hbm>>
      %dma_start3A_40 = arith.constant 0 : i32
      %dma_start3A_41 = tpu.memref_slice %arg3[%mul3A_2, %dma_start3A_40] : memref<2048x128xi32, #tpu.memory_space<hbm>> -> memref<64x128xi32, #tpu.memory_space<hbm>>
      tpu.enqueue_dma source(%dma_start3A_41 : memref<64x128xi32, #tpu.memory_space<hbm>>) target(%arg6 : memref<64x128xi32, #tpu.memory_space<vmem>>) target_semaphore(%run_scoped3A : memref<!tpu.dma_semaphore, #tpu.memory_space<semaphore_mem>>)
      %dma_wait3A = arith.constant 0 : i32
      %dma_wait3A_42 = tpu.memref_slice %arg3[%mul3A_2, %dma_wait3A] : memref<2048x128xi32, #tpu.memory_space<hbm>> -> memref<64x128xi32, #tpu.memory_space<hbm>>
      %dma_wait3A_43 = arith.constant 0 : i32
      %dma_wait3A_44 = tpu.memref_slice %arg3[%mul3A_2, %dma_wait3A_43] : memref<2048x128xi32, #tpu.memory_space<hbm>> -> memref<64x128xi32, #tpu.memory_space<hbm>>
      tpu.wait_dma2 semaphore(%run_scoped3A : memref<!tpu.dma_semaphore, #tpu.memory_space<semaphore_mem>>) src(%dma_wait3A_44 : memref<64x128xi32, #tpu.memory_space<hbm>>) dst(%arg6 : memref<64x128xi32, #tpu.memory_space<vmem>>)
      tpu.yield
    }) : () -> ()
    %scan3A_18 = arith.constant 0 : i32
    %scan3A_19 = arith.constant 0 : i32
    %scan3A_20 = arith.constant 8 : i32
    %scan3A_21 = arith.addi %scan3A_19, %scan3A_20 : i32
    %scan3A_22 = arith.constant 1 : i32
    scf.for %scan3A_39 = %scan3A_19 to %scan3A_21 step %scan3A_22  : i32 {
      %mul3A_40 = arith.constant 8 : i32
      %mul3A_41 = arith.muli %scan3A_39, %mul3A_40 : i32
      %add3A_42 = arith.addi %mul3A_2, %mul3A_41 : i32
      %mul3A_43 = arith.constant 128 : i32
      %mul3A_44 = arith.muli %add3A_42, %mul3A_43 : i32
      "tpu.region"() ({
        %run_scoped3A = tpu.sem_alloc : memref<!tpu.dma_semaphore, #tpu.memory_space<semaphore_mem>>
        %dma_start3A = arith.constant 0 : i32
        %dma_start3A_109 = tpu.memref_slice %arg2[%mul3A_44, %dma_start3A] : memref<262144x16xf32, #tpu.memory_space<hbm>> -> memref<1024x16xf32, #tpu.memory_space<hbm>>
        %dma_start3A_110 = arith.constant 0 : i32
        %dma_start3A_111 = tpu.memref_slice %arg2[%mul3A_44, %dma_start3A_110] : memref<262144x16xf32, #tpu.memory_space<hbm>> -> memref<1024x16xf32, #tpu.memory_space<hbm>>
        tpu.enqueue_dma source(%dma_start3A_111 : memref<1024x16xf32, #tpu.memory_space<hbm>>) target(%arg7 : memref<1024x16xf32, #tpu.memory_space<vmem>>) target_semaphore(%run_scoped3A : memref<!tpu.dma_semaphore, #tpu.memory_space<semaphore_mem>>)
        %dma_wait3A = arith.constant 0 : i32
        %dma_wait3A_112 = tpu.memref_slice %arg2[%mul3A_44, %dma_wait3A] : memref<262144x16xf32, #tpu.memory_space<hbm>> -> memref<1024x16xf32, #tpu.memory_space<hbm>>
        %dma_wait3A_113 = arith.constant 0 : i32
        %dma_wait3A_114 = tpu.memref_slice %arg2[%mul3A_44, %dma_wait3A_113] : memref<262144x16xf32, #tpu.memory_space<hbm>> -> memref<1024x16xf32, #tpu.memory_space<hbm>>
        tpu.wait_dma2 semaphore(%run_scoped3A : memref<!tpu.dma_semaphore, #tpu.memory_space<semaphore_mem>>) src(%dma_wait3A_114 : memref<1024x16xf32, #tpu.memory_space<hbm>>) dst(%arg7 : memref<1024x16xf32, #tpu.memory_space<vmem>>)
        tpu.yield
      }) : () -> ()
      %mul3A_45 = arith.constant 8 : i32
      %mul3A_46 = arith.muli %scan3A_39, %mul3A_45 : i32
      %add3A_47 = arith.constant 0 : i32
      %add3A_48 = arith.addi %mul3A_46, %add3A_47 : i32
      "tpu.region"() ({
        %run_scoped3A = tpu.sem_alloc : memref<!tpu.dma_semaphore, #tpu.memory_space<semaphore_mem>>
        %dma_start3A = arith.constant 0 : i32
        %dma_start3A_109 = arith.constant 0 : i32
        %dma_start3A_110 = tpu.memref_slice %arg7[%dma_start3A, %dma_start3A_109] : memref<1024x16xf32, #tpu.memory_space<vmem>> -> memref<128x16xf32, #tpu.memory_space<vmem>>
        %dma_start3A_111 = arith.constant 0 : i32
        %dma_start3A_112 = tpu.memref_slice %arg6[%add3A_48, %dma_start3A_111] : memref<64x128xi32, #tpu.memory_space<vmem>> -> memref<1x128xi32, #tpu.memory_space<vmem>>
        %dma_start3A_113 = tpu.memref_squeeze %dma_start3A_112 : memref<1x128xi32, #tpu.memory_space<vmem>> -> memref<128xi32, #tpu.memory_space<vmem>>
        %dma_start3A_114 = arith.constant 0 : i32
        %dma_start3A_115 = arith.constant 0 : i32
        %dma_start3A_116 = tpu.memref_slice %arg10[%dma_start3A_114, %dma_start3A_115] : memref<4096x16xf32, #tpu.memory_space<vmem_shared>> -> memref<4096x16xf32, #tpu.memory_space<vmem_shared>>
        tpu.enqueue_indirect_dma source(%dma_start3A_110 : memref<128x16xf32, #tpu.memory_space<vmem>>) target(%dma_start3A_116 : memref<4096x16xf32, #tpu.memory_space<vmem_shared>>) offsets(%dma_start3A_113 : memref<128xi32, #tpu.memory_space<vmem>>) semaphore(%run_scoped3A : memref<!tpu.dma_semaphore, #tpu.memory_space<semaphore_mem>>) {add = true}
        %dma_wait3A = arith.constant 0 : i32
        %dma_wait3A_117 = arith.constant 0 : i32
        %dma_wait3A_118 = tpu.memref_slice %arg7[%dma_wait3A, %dma_wait3A_117] : memref<1024x16xf32, #tpu.memory_space<vmem>> -> memref<128x16xf32, #tpu.memory_space<vmem>>
        %dma_wait3A_119 = arith.constant 0 : i32
        %dma_wait3A_120 = tpu.memref_slice %arg6[%add3A_48, %dma_wait3A_119] : memref<64x128xi32, #tpu.memory_space<vmem>> -> memref<1x128xi32, #tpu.memory_space<vmem>>
        %dma_wait3A_121 = tpu.memref_squeeze %dma_wait3A_120 : memref<1x128xi32, #tpu.memory_space<vmem>> -> memref<128xi32, #tpu.memory_space<vmem>>
        %dma_wait3A_122 = arith.constant 0 : i32
        %dma_wait3A_123 = arith.constant 0 : i32
        %dma_wait3A_124 = tpu.memref_slice %arg10[%dma_wait3A_122, %dma_wait3A_123] : memref<4096x16xf32, #tpu.memory_space<vmem_shared>> -> memref<4096x16xf32, #tpu.memory_space<vmem_shared>>
        tpu.wait_indirect_dma semaphore(%run_scoped3A : memref<!tpu.dma_semaphore, #tpu.memory_space<semaphore_mem>>) src(%dma_wait3A_118 : memref<128x16xf32, #tpu.memory_space<vmem>>) dst(%dma_wait3A_124 : memref<4096x16xf32, #tpu.memory_space<vmem_shared>>)
        tpu.yield
      }) : () -> ()
      %mul3A_49 = arith.constant 8 : i32
      %mul3A_50 = arith.muli %scan3A_39, %mul3A_49 : i32
      %add3A_51 = arith.constant 0 : i32
      %add3A_52 = arith.addi %mul3A_50, %add3A_51 : i32
      "tpu.region"() ({
        %run_scoped3A = tpu.sem_alloc : memref<!tpu.dma_semaphore, #tpu.memory_space<semaphore_mem>>
        %dma_start3A = arith.constant 0 : i32
        %dma_start3A_109 = tpu.memref_slice %arg6[%add3A_52, %dma_start3A] : memref<64x128xi32, #tpu.memory_space<vmem>> -> memref<1x128xi32, #tpu.memory_space<vmem>>
        %dma_start3A_110 = tpu.memref_squeeze %dma_start3A_109 : memref<1x128xi32, #tpu.memory_space<vmem>> -> memref<128xi32, #tpu.memory_space<vmem>>
        %dma_start3A_111 = arith.constant 0 : i32
        %dma_start3A_112 = arith.constant 0 : i32
        %dma_start3A_113 = tpu.memref_slice %arg11[%dma_start3A_111, %dma_start3A_112] : memref<4096x16xf32, #tpu.memory_space<vmem_shared>> -> memref<4096x16xf32, #tpu.memory_space<vmem_shared>>
        tpu.enqueue_indirect_dma source(%arg8 : memref<128x16xf32, #tpu.memory_space<vmem>>) target(%dma_start3A_113 : memref<4096x16xf32, #tpu.memory_space<vmem_shared>>) offsets(%dma_start3A_110 : memref<128xi32, #tpu.memory_space<vmem>>) semaphore(%run_scoped3A : memref<!tpu.dma_semaphore, #tpu.memory_space<semaphore_mem>>) {add = true}
        %dma_wait3A = arith.constant 0 : i32
        %dma_wait3A_114 = tpu.memref_slice %arg6[%add3A_52, %dma_wait3A] : memref<64x128xi32, #tpu.memory_space<vmem>> -> memref<1x128xi32, #tpu.memory_space<vmem>>
        %dma_wait3A_115 = tpu.memref_squeeze %dma_wait3A_114 : memref<1x128xi32, #tpu.memory_space<vmem>> -> memref<128xi32, #tpu.memory_space<vmem>>
        %dma_wait3A_116 = arith.constant 0 : i32
        %dma_wait3A_117 = arith.constant 0 : i32
        %dma_wait3A_118 = tpu.memref_slice %arg11[%dma_wait3A_116, %dma_wait3A_117] : memref<4096x16xf32, #tpu.memory_space<vmem_shared>> -> memref<4096x16xf32, #tpu.memory_space<vmem_shared>>
        tpu.wait_indirect_dma semaphore(%run_scoped3A : memref<!tpu.dma_semaphore, #tpu.memory_space<semaphore_mem>>) src(%arg8 : memref<128x16xf32, #tpu.memory_space<vmem>>) dst(%dma_wait3A_118 : memref<4096x16xf32, #tpu.memory_space<vmem_shared>>)
        tpu.yield
      }) : () -> ()
      %mul3A_53 = arith.constant 8 : i32
      %mul3A_54 = arith.muli %scan3A_39, %mul3A_53 : i32
      %add3A_55 = arith.constant 1 : i32
      %add3A_56 = arith.addi %mul3A_54, %add3A_55 : i32
      "tpu.region"() ({
        %run_scoped3A = tpu.sem_alloc : memref<!tpu.dma_semaphore, #tpu.memory_space<semaphore_mem>>
        %dma_start3A = arith.constant 128 : i32
        %dma_start3A_109 = arith.constant 0 : i32
        %dma_start3A_110 = tpu.memref_slice %arg7[%dma_start3A, %dma_start3A_109] : memref<1024x16xf32, #tpu.memory_space<vmem>> -> memref<128x16xf32, #tpu.memory_space<vmem>>
        %dma_start3A_111 = arith.constant 0 : i32
        %dma_start3A_112 = tpu.memref_slice %arg6[%add3A_56, %dma_start3A_111] : memref<64x128xi32, #tpu.memory_space<vmem>> -> memref<1x128xi32, #tpu.memory_space<vmem>>
        %dma_start3A_113 = tpu.memref_squeeze %dma_start3A_112 : memref<1x128xi32, #tpu.memory_space<vmem>> -> memref<128xi32, #tpu.memory_space<vmem>>
        %dma_start3A_114 = arith.constant 0 : i32
        %dma_start3A_115 = arith.constant 0 : i32
        %dma_start3A_116 = tpu.memref_slice %arg10[%dma_start3A_114, %dma_start3A_115] : memref<4096x16xf32, #tpu.memory_space<vmem_shared>> -> memref<4096x16xf32, #tpu.memory_space<vmem_shared>>
        tpu.enqueue_indirect_dma source(%dma_start3A_110 : memref<128x16xf32, #tpu.memory_space<vmem>>) target(%dma_start3A_116 : memref<4096x16xf32, #tpu.memory_space<vmem_shared>>) offsets(%dma_start3A_113 : memref<128xi32, #tpu.memory_space<vmem>>) semaphore(%run_scoped3A : memref<!tpu.dma_semaphore, #tpu.memory_space<semaphore_mem>>) {add = true}
        %dma_wait3A = arith.constant 128 : i32
        %dma_wait3A_117 = arith.constant 0 : i32
        %dma_wait3A_118 = tpu.memref_slice %arg7[%dma_wait3A, %dma_wait3A_117] : memref<1024x16xf32, #tpu.memory_space<vmem>> -> memref<128x16xf32, #tpu.memory_space<vmem>>
        %dma_wait3A_119 = arith.constant 0 : i32
        %dma_wait3A_120 = tpu.memref_slice %arg6[%add3A_56, %dma_wait3A_119] : memref<64x128xi32, #tpu.memory_space<vmem>> -> memref<1x128xi32, #tpu.memory_space<vmem>>
        %dma_wait3A_121 = tpu.memref_squeeze %dma_wait3A_120 : memref<1x128xi32, #tpu.memory_space<vmem>> -> memref<128xi32, #tpu.memory_space<vmem>>
        %dma_wait3A_122 = arith.constant 0 : i32
        %dma_wait3A_123 = arith.constant 0 : i32
        %dma_wait3A_124 = tpu.memref_slice %arg10[%dma_wait3A_122, %dma_wait3A_123] : memref<4096x16xf32, #tpu.memory_space<vmem_shared>> -> memref<4096x16xf32, #tpu.memory_space<vmem_shared>>
        tpu.wait_indirect_dma semaphore(%run_scoped3A : memref<!tpu.dma_semaphore, #tpu.memory_space<semaphore_mem>>) src(%dma_wait3A_118 : memref<128x16xf32, #tpu.memory_space<vmem>>) dst(%dma_wait3A_124 : memref<4096x16xf32, #tpu.memory_space<vmem_shared>>)
        tpu.yield
      }) : () -> ()
      %mul3A_57 = arith.constant 8 : i32
      %mul3A_58 = arith.muli %scan3A_39, %mul3A_57 : i32
      %add3A_59 = arith.constant 1 : i32
      %add3A_60 = arith.addi %mul3A_58, %add3A_59 : i32
      "tpu.region"() ({
        %run_scoped3A = tpu.sem_alloc : memref<!tpu.dma_semaphore, #tpu.memory_space<semaphore_mem>>
        %dma_start3A = arith.constant 0 : i32
        %dma_start3A_109 = tpu.memref_slice %arg6[%add3A_60, %dma_start3A] : memref<64x128xi32, #tpu.memory_space<vmem>> -> memref<1x128xi32, #tpu.memory_space<vmem>>
        %dma_start3A_110 = tpu.memref_squeeze %dma_start3A_109 : memref<1x128xi32, #tpu.memory_space<vmem>> -> memref<128xi32, #tpu.memory_space<vmem>>
        %dma_start3A_111 = arith.constant 0 : i32
        %dma_start3A_112 = arith.constant 0 : i32
        %dma_start3A_113 = tpu.memref_slice %arg11[%dma_start3A_111, %dma_start3A_112] : memref<4096x16xf32, #tpu.memory_space<vmem_shared>> -> memref<4096x16xf32, #tpu.memory_space<vmem_shared>>
        tpu.enqueue_indirect_dma source(%arg8 : memref<128x16xf32, #tpu.memory_space<vmem>>) target(%dma_start3A_113 : memref<4096x16xf32, #tpu.memory_space<vmem_shared>>) offsets(%dma_start3A_110 : memref<128xi32, #tpu.memory_space<vmem>>) semaphore(%run_scoped3A : memref<!tpu.dma_semaphore, #tpu.memory_space<semaphore_mem>>) {add = true}
        %dma_wait3A = arith.constant 0 : i32
        %dma_wait3A_114 = tpu.memref_slice %arg6[%add3A_60, %dma_wait3A] : memref<64x128xi32, #tpu.memory_space<vmem>> -> memref<1x128xi32, #tpu.memory_space<vmem>>
        %dma_wait3A_115 = tpu.memref_squeeze %dma_wait3A_114 : memref<1x128xi32, #tpu.memory_space<vmem>> -> memref<128xi32, #tpu.memory_space<vmem>>
        %dma_wait3A_116 = arith.constant 0 : i32
        %dma_wait3A_117 = arith.constant 0 : i32
        %dma_wait3A_118 = tpu.memref_slice %arg11[%dma_wait3A_116, %dma_wait3A_117] : memref<4096x16xf32, #tpu.memory_space<vmem_shared>> -> memref<4096x16xf32, #tpu.memory_space<vmem_shared>>
        tpu.wait_indirect_dma semaphore(%run_scoped3A : memref<!tpu.dma_semaphore, #tpu.memory_space<semaphore_mem>>) src(%arg8 : memref<128x16xf32, #tpu.memory_space<vmem>>) dst(%dma_wait3A_118 : memref<4096x16xf32, #tpu.memory_space<vmem_shared>>)
        tpu.yield
      }) : () -> ()
      %mul3A_61 = arith.constant 8 : i32
      %mul3A_62 = arith.muli %scan3A_39, %mul3A_61 : i32
      %add3A_63 = arith.constant 2 : i32
      %add3A_64 = arith.addi %mul3A_62, %add3A_63 : i32
      "tpu.region"() ({
        %run_scoped3A = tpu.sem_alloc : memref<!tpu.dma_semaphore, #tpu.memory_space<semaphore_mem>>
        %dma_start3A = arith.constant 256 : i32
        %dma_start3A_109 = arith.constant 0 : i32
        %dma_start3A_110 = tpu.memref_slice %arg7[%dma_start3A, %dma_start3A_109] : memref<1024x16xf32, #tpu.memory_space<vmem>> -> memref<128x16xf32, #tpu.memory_space<vmem>>
        %dma_start3A_111 = arith.constant 0 : i32
        %dma_start3A_112 = tpu.memref_slice %arg6[%add3A_64, %dma_start3A_111] : memref<64x128xi32, #tpu.memory_space<vmem>> -> memref<1x128xi32, #tpu.memory_space<vmem>>
        %dma_start3A_113 = tpu.memref_squeeze %dma_start3A_112 : memref<1x128xi32, #tpu.memory_space<vmem>> -> memref<128xi32, #tpu.memory_space<vmem>>
        %dma_start3A_114 = arith.constant 0 : i32
        %dma_start3A_115 = arith.constant 0 : i32
        %dma_start3A_116 = tpu.memref_slice %arg10[%dma_start3A_114, %dma_start3A_115] : memref<4096x16xf32, #tpu.memory_space<vmem_shared>> -> memref<4096x16xf32, #tpu.memory_space<vmem_shared>>
        tpu.enqueue_indirect_dma source(%dma_start3A_110 : memref<128x16xf32, #tpu.memory_space<vmem>>) target(%dma_start3A_116 : memref<4096x16xf32, #tpu.memory_space<vmem_shared>>) offsets(%dma_start3A_113 : memref<128xi32, #tpu.memory_space<vmem>>) semaphore(%run_scoped3A : memref<!tpu.dma_semaphore, #tpu.memory_space<semaphore_mem>>) {add = true}
        %dma_wait3A = arith.constant 256 : i32
        %dma_wait3A_117 = arith.constant 0 : i32
        %dma_wait3A_118 = tpu.memref_slice %arg7[%dma_wait3A, %dma_wait3A_117] : memref<1024x16xf32, #tpu.memory_space<vmem>> -> memref<128x16xf32, #tpu.memory_space<vmem>>
        %dma_wait3A_119 = arith.constant 0 : i32
        %dma_wait3A_120 = tpu.memref_slice %arg6[%add3A_64, %dma_wait3A_119] : memref<64x128xi32, #tpu.memory_space<vmem>> -> memref<1x128xi32, #tpu.memory_space<vmem>>
        %dma_wait3A_121 = tpu.memref_squeeze %dma_wait3A_120 : memref<1x128xi32, #tpu.memory_space<vmem>> -> memref<128xi32, #tpu.memory_space<vmem>>
        %dma_wait3A_122 = arith.constant 0 : i32
        %dma_wait3A_123 = arith.constant 0 : i32
        %dma_wait3A_124 = tpu.memref_slice %arg10[%dma_wait3A_122, %dma_wait3A_123] : memref<4096x16xf32, #tpu.memory_space<vmem_shared>> -> memref<4096x16xf32, #tpu.memory_space<vmem_shared>>
        tpu.wait_indirect_dma semaphore(%run_scoped3A : memref<!tpu.dma_semaphore, #tpu.memory_space<semaphore_mem>>) src(%dma_wait3A_118 : memref<128x16xf32, #tpu.memory_space<vmem>>) dst(%dma_wait3A_124 : memref<4096x16xf32, #tpu.memory_space<vmem_shared>>)
        tpu.yield
      }) : () -> ()
      %mul3A_65 = arith.constant 8 : i32
      %mul3A_66 = arith.muli %scan3A_39, %mul3A_65 : i32
      %add3A_67 = arith.constant 2 : i32
      %add3A_68 = arith.addi %mul3A_66, %add3A_67 : i32
      "tpu.region"() ({
        %run_scoped3A = tpu.sem_alloc : memref<!tpu.dma_semaphore, #tpu.memory_space<semaphore_mem>>
        %dma_start3A = arith.constant 0 : i32
        %dma_start3A_109 = tpu.memref_slice %arg6[%add3A_68, %dma_start3A] : memref<64x128xi32, #tpu.memory_space<vmem>> -> memref<1x128xi32, #tpu.memory_space<vmem>>
        %dma_start3A_110 = tpu.memref_squeeze %dma_start3A_109 : memref<1x128xi32, #tpu.memory_space<vmem>> -> memref<128xi32, #tpu.memory_space<vmem>>
        %dma_start3A_111 = arith.constant 0 : i32
        %dma_start3A_112 = arith.constant 0 : i32
        %dma_start3A_113 = tpu.memref_slice %arg11[%dma_start3A_111, %dma_start3A_112] : memref<4096x16xf32, #tpu.memory_space<vmem_shared>> -> memref<4096x16xf32, #tpu.memory_space<vmem_shared>>
        tpu.enqueue_indirect_dma source(%arg8 : memref<128x16xf32, #tpu.memory_space<vmem>>) target(%dma_start3A_113 : memref<4096x16xf32, #tpu.memory_space<vmem_shared>>) offsets(%dma_start3A_110 : memref<128xi32, #tpu.memory_space<vmem>>) semaphore(%run_scoped3A : memref<!tpu.dma_semaphore, #tpu.memory_space<semaphore_mem>>) {add = true}
        %dma_wait3A = arith.constant 0 : i32
        %dma_wait3A_114 = tpu.memref_slice %arg6[%add3A_68, %dma_wait3A] : memref<64x128xi32, #tpu.memory_space<vmem>> -> memref<1x128xi32, #tpu.memory_space<vmem>>
        %dma_wait3A_115 = tpu.memref_squeeze %dma_wait3A_114 : memref<1x128xi32, #tpu.memory_space<vmem>> -> memref<128xi32, #tpu.memory_space<vmem>>
        %dma_wait3A_116 = arith.constant 0 : i32
        %dma_wait3A_117 = arith.constant 0 : i32
        %dma_wait3A_118 = tpu.memref_slice %arg11[%dma_wait3A_116, %dma_wait3A_117] : memref<4096x16xf32, #tpu.memory_space<vmem_shared>> -> memref<4096x16xf32, #tpu.memory_space<vmem_shared>>
        tpu.wait_indirect_dma semaphore(%run_scoped3A : memref<!tpu.dma_semaphore, #tpu.memory_space<semaphore_mem>>) src(%arg8 : memref<128x16xf32, #tpu.memory_space<vmem>>) dst(%dma_wait3A_118 : memref<4096x16xf32, #tpu.memory_space<vmem_shared>>)
        tpu.yield
      }) : () -> ()
      %mul3A_69 = arith.constant 8 : i32
      %mul3A_70 = arith.muli %scan3A_39, %mul3A_69 : i32
      %add3A_71 = arith.constant 3 : i32
      %add3A_72 = arith.addi %mul3A_70, %add3A_71 : i32
      "tpu.region"() ({
        %run_scoped3A = tpu.sem_alloc : memref<!tpu.dma_semaphore, #tpu.memory_space<semaphore_mem>>
        %dma_start3A = arith.constant 384 : i32
        %dma_start3A_109 = arith.constant 0 : i32
        %dma_start3A_110 = tpu.memref_slice %arg7[%dma_start3A, %dma_start3A_109] : memref<1024x16xf32, #tpu.memory_space<vmem>> -> memref<128x16xf32, #tpu.memory_space<vmem>>
        %dma_start3A_111 = arith.constant 0 : i32
        %dma_start3A_112 = tpu.memref_slice %arg6[%add3A_72, %dma_start3A_111] : memref<64x128xi32, #tpu.memory_space<vmem>> -> memref<1x128xi32, #tpu.memory_space<vmem>>
        %dma_start3A_113 = tpu.memref_squeeze %dma_start3A_112 : memref<1x128xi32, #tpu.memory_space<vmem>> -> memref<128xi32, #tpu.memory_space<vmem>>
        %dma_start3A_114 = arith.constant 0 : i32
        %dma_start3A_115 = arith.constant 0 : i32
        %dma_start3A_116 = tpu.memref_slice %arg10[%dma_start3A_114, %dma_start3A_115] : memref<4096x16xf32, #tpu.memory_space<vmem_shared>> -> memref<4096x16xf32, #tpu.memory_space<vmem_shared>>
        tpu.enqueue_indirect_dma source(%dma_start3A_110 : memref<128x16xf32, #tpu.memory_space<vmem>>) target(%dma_start3A_116 : memref<4096x16xf32, #tpu.memory_space<vmem_shared>>) offsets(%dma_start3A_113 : memref<128xi32, #tpu.memory_space<vmem>>) semaphore(%run_scoped3A : memref<!tpu.dma_semaphore, #tpu.memory_space<semaphore_mem>>) {add = true}
        %dma_wait3A = arith.constant 384 : i32
        %dma_wait3A_117 = arith.constant 0 : i32
        %dma_wait3A_118 = tpu.memref_slice %arg7[%dma_wait3A, %dma_wait3A_117] : memref<1024x16xf32, #tpu.memory_space<vmem>> -> memref<128x16xf32, #tpu.memory_space<vmem>>
        %dma_wait3A_119 = arith.constant 0 : i32
        %dma_wait3A_120 = tpu.memref_slice %arg6[%add3A_72, %dma_wait3A_119] : memref<64x128xi32, #tpu.memory_space<vmem>> -> memref<1x128xi32, #tpu.memory_space<vmem>>
        %dma_wait3A_121 = tpu.memref_squeeze %dma_wait3A_120 : memref<1x128xi32, #tpu.memory_space<vmem>> -> memref<128xi32, #tpu.memory_space<vmem>>
        %dma_wait3A_122 = arith.constant 0 : i32
        %dma_wait3A_123 = arith.constant 0 : i32
        %dma_wait3A_124 = tpu.memref_slice %arg10[%dma_wait3A_122, %dma_wait3A_123] : memref<4096x16xf32, #tpu.memory_space<vmem_shared>> -> memref<4096x16xf32, #tpu.memory_space<vmem_shared>>
        tpu.wait_indirect_dma semaphore(%run_scoped3A : memref<!tpu.dma_semaphore, #tpu.memory_space<semaphore_mem>>) src(%dma_wait3A_118 : memref<128x16xf32, #tpu.memory_space<vmem>>) dst(%dma_wait3A_124 : memref<4096x16xf32, #tpu.memory_space<vmem_shared>>)
        tpu.yield
      }) : () -> ()
      %mul3A_73 = arith.constant 8 : i32
      %mul3A_74 = arith.muli %scan3A_39, %mul3A_73 : i32
      %add3A_75 = arith.constant 3 : i32
      %add3A_76 = arith.addi %mul3A_74, %add3A_75 : i32
      "tpu.region"() ({
        %run_scoped3A = tpu.sem_alloc : memref<!tpu.dma_semaphore, #tpu.memory_space<semaphore_mem>>
        %dma_start3A = arith.constant 0 : i32
        %dma_start3A_109 = tpu.memref_slice %arg6[%add3A_76, %dma_start3A] : memref<64x128xi32, #tpu.memory_space<vmem>> -> memref<1x128xi32, #tpu.memory_space<vmem>>
        %dma_start3A_110 = tpu.memref_squeeze %dma_start3A_109 : memref<1x128xi32, #tpu.memory_space<vmem>> -> memref<128xi32, #tpu.memory_space<vmem>>
        %dma_start3A_111 = arith.constant 0 : i32
        %dma_start3A_112 = arith.constant 0 : i32
        %dma_start3A_113 = tpu.memref_slice %arg11[%dma_start3A_111, %dma_start3A_112] : memref<4096x16xf32, #tpu.memory_space<vmem_shared>> -> memref<4096x16xf32, #tpu.memory_space<vmem_shared>>
        tpu.enqueue_indirect_dma source(%arg8 : memref<128x16xf32, #tpu.memory_space<vmem>>) target(%dma_start3A_113 : memref<4096x16xf32, #tpu.memory_space<vmem_shared>>) offsets(%dma_start3A_110 : memref<128xi32, #tpu.memory_space<vmem>>) semaphore(%run_scoped3A : memref<!tpu.dma_semaphore, #tpu.memory_space<semaphore_mem>>) {add = true}
        %dma_wait3A = arith.constant 0 : i32
        %dma_wait3A_114 = tpu.memref_slice %arg6[%add3A_76, %dma_wait3A] : memref<64x128xi32, #tpu.memory_space<vmem>> -> memref<1x128xi32, #tpu.memory_space<vmem>>
        %dma_wait3A_115 = tpu.memref_squeeze %dma_wait3A_114 : memref<1x128xi32, #tpu.memory_space<vmem>> -> memref<128xi32, #tpu.memory_space<vmem>>
        %dma_wait3A_116 = arith.constant 0 : i32
        %dma_wait3A_117 = arith.constant 0 : i32
        %dma_wait3A_118 = tpu.memref_slice %arg11[%dma_wait3A_116, %dma_wait3A_117] : memref<4096x16xf32, #tpu.memory_space<vmem_shared>> -> memref<4096x16xf32, #tpu.memory_space<vmem_shared>>
        tpu.wait_indirect_dma semaphore(%run_scoped3A : memref<!tpu.dma_semaphore, #tpu.memory_space<semaphore_mem>>) src(%arg8 : memref<128x16xf32, #tpu.memory_space<vmem>>) dst(%dma_wait3A_118 : memref<4096x16xf32, #tpu.memory_space<vmem_shared>>)
        tpu.yield
      }) : () -> ()
      %mul3A_77 = arith.constant 8 : i32
      %mul3A_78 = arith.muli %scan3A_39, %mul3A_77 : i32
      %add3A_79 = arith.constant 4 : i32
      %add3A_80 = arith.addi %mul3A_78, %add3A_79 : i32
      "tpu.region"() ({
        %run_scoped3A = tpu.sem_alloc : memref<!tpu.dma_semaphore, #tpu.memory_space<semaphore_mem>>
        %dma_start3A = arith.constant 512 : i32
        %dma_start3A_109 = arith.constant 0 : i32
        %dma_start3A_110 = tpu.memref_slice %arg7[%dma_start3A, %dma_start3A_109] : memref<1024x16xf32, #tpu.memory_space<vmem>> -> memref<128x16xf32, #tpu.memory_space<vmem>>
        %dma_start3A_111 = arith.constant 0 : i32
        %dma_start3A_112 = tpu.memref_slice %arg6[%add3A_80, %dma_start3A_111] : memref<64x128xi32, #tpu.memory_space<vmem>> -> memref<1x128xi32, #tpu.memory_space<vmem>>
        %dma_start3A_113 = tpu.memref_squeeze %dma_start3A_112 : memref<1x128xi32, #tpu.memory_space<vmem>> -> memref<128xi32, #tpu.memory_space<vmem>>
        %dma_start3A_114 = arith.constant 0 : i32
        %dma_start3A_115 = arith.constant 0 : i32
        %dma_start3A_116 = tpu.memref_slice %arg10[%dma_start3A_114, %dma_start3A_115] : memref<4096x16xf32, #tpu.memory_space<vmem_shared>> -> memref<4096x16xf32, #tpu.memory_space<vmem_shared>>
        tpu.enqueue_indirect_dma source(%dma_start3A_110 : memref<128x16xf32, #tpu.memory_space<vmem>>) target(%dma_start3A_116 : memref<4096x16xf32, #tpu.memory_space<vmem_shared>>) offsets(%dma_start3A_113 : memref<128xi32, #tpu.memory_space<vmem>>) semaphore(%run_scoped3A : memref<!tpu.dma_semaphore, #tpu.memory_space<semaphore_mem>>) {add = true}
        %dma_wait3A = arith.constant 512 : i32
        %dma_wait3A_117 = arith.constant 0 : i32
        %dma_wait3A_118 = tpu.memref_slice %arg7[%dma_wait3A, %dma_wait3A_117] : memref<1024x16xf32, #tpu.memory_space<vmem>> -> memref<128x16xf32, #tpu.memory_space<vmem>>
        %dma_wait3A_119 = arith.constant 0 : i32
        %dma_wait3A_120 = tpu.memref_slice %arg6[%add3A_80, %dma_wait3A_119] : memref<64x128xi32, #tpu.memory_space<vmem>> -> memref<1x128xi32, #tpu.memory_space<vmem>>
        %dma_wait3A_121 = tpu.memref_squeeze %dma_wait3A_120 : memref<1x128xi32, #tpu.memory_space<vmem>> -> memref<128xi32, #tpu.memory_space<vmem>>
        %dma_wait3A_122 = arith.constant 0 : i32
        %dma_wait3A_123 = arith.constant 0 : i32
        %dma_wait3A_124 = tpu.memref_slice %arg10[%dma_wait3A_122, %dma_wait3A_123] : memref<4096x16xf32, #tpu.memory_space<vmem_shared>> -> memref<4096x16xf32, #tpu.memory_space<vmem_shared>>
        tpu.wait_indirect_dma semaphore(%run_scoped3A : memref<!tpu.dma_semaphore, #tpu.memory_space<semaphore_mem>>) src(%dma_wait3A_118 : memref<128x16xf32, #tpu.memory_space<vmem>>) dst(%dma_wait3A_124 : memref<4096x16xf32, #tpu.memory_space<vmem_shared>>)
        tpu.yield
      }) : () -> ()
      %mul3A_81 = arith.constant 8 : i32
      %mul3A_82 = arith.muli %scan3A_39, %mul3A_81 : i32
      %add3A_83 = arith.constant 4 : i32
      %add3A_84 = arith.addi %mul3A_82, %add3A_83 : i32
      "tpu.region"() ({
        %run_scoped3A = tpu.sem_alloc : memref<!tpu.dma_semaphore, #tpu.memory_space<semaphore_mem>>
        %dma_start3A = arith.constant 0 : i32
        %dma_start3A_109 = tpu.memref_slice %arg6[%add3A_84, %dma_start3A] : memref<64x128xi32, #tpu.memory_space<vmem>> -> memref<1x128xi32, #tpu.memory_space<vmem>>
        %dma_start3A_110 = tpu.memref_squeeze %dma_start3A_109 : memref<1x128xi32, #tpu.memory_space<vmem>> -> memref<128xi32, #tpu.memory_space<vmem>>
        %dma_start3A_111 = arith.constant 0 : i32
        %dma_start3A_112 = arith.constant 0 : i32
        %dma_start3A_113 = tpu.memref_slice %arg11[%dma_start3A_111, %dma_start3A_112] : memref<4096x16xf32, #tpu.memory_space<vmem_shared>> -> memref<4096x16xf32, #tpu.memory_space<vmem_shared>>
        tpu.enqueue_indirect_dma source(%arg8 : memref<128x16xf32, #tpu.memory_space<vmem>>) target(%dma_start3A_113 : memref<4096x16xf32, #tpu.memory_space<vmem_shared>>) offsets(%dma_start3A_110 : memref<128xi32, #tpu.memory_space<vmem>>) semaphore(%run_scoped3A : memref<!tpu.dma_semaphore, #tpu.memory_space<semaphore_mem>>) {add = true}
        %dma_wait3A = arith.constant 0 : i32
        %dma_wait3A_114 = tpu.memref_slice %arg6[%add3A_84, %dma_wait3A] : memref<64x128xi32, #tpu.memory_space<vmem>> -> memref<1x128xi32, #tpu.memory_space<vmem>>
        %dma_wait3A_115 = tpu.memref_squeeze %dma_wait3A_114 : memref<1x128xi32, #tpu.memory_space<vmem>> -> memref<128xi32, #tpu.memory_space<vmem>>
        %dma_wait3A_116 = arith.constant 0 : i32
        %dma_wait3A_117 = arith.constant 0 : i32
        %dma_wait3A_118 = tpu.memref_slice %arg11[%dma_wait3A_116, %dma_wait3A_117] : memref<4096x16xf32, #tpu.memory_space<vmem_shared>> -> memref<4096x16xf32, #tpu.memory_space<vmem_shared>>
        tpu.wait_indirect_dma semaphore(%run_scoped3A : memref<!tpu.dma_semaphore, #tpu.memory_space<semaphore_mem>>) src(%arg8 : memref<128x16xf32, #tpu.memory_space<vmem>>) dst(%dma_wait3A_118 : memref<4096x16xf32, #tpu.memory_space<vmem_shared>>)
        tpu.yield
      }) : () -> ()
      %mul3A_85 = arith.constant 8 : i32
      %mul3A_86 = arith.muli %scan3A_39, %mul3A_85 : i32
      %add3A_87 = arith.constant 5 : i32
      %add3A_88 = arith.addi %mul3A_86, %add3A_87 : i32
      "tpu.region"() ({
        %run_scoped3A = tpu.sem_alloc : memref<!tpu.dma_semaphore, #tpu.memory_space<semaphore_mem>>
        %dma_start3A = arith.constant 640 : i32
        %dma_start3A_109 = arith.constant 0 : i32
        %dma_start3A_110 = tpu.memref_slice %arg7[%dma_start3A, %dma_start3A_109] : memref<1024x16xf32, #tpu.memory_space<vmem>> -> memref<128x16xf32, #tpu.memory_space<vmem>>
        %dma_start3A_111 = arith.constant 0 : i32
        %dma_start3A_112 = tpu.memref_slice %arg6[%add3A_88, %dma_start3A_111] : memref<64x128xi32, #tpu.memory_space<vmem>> -> memref<1x128xi32, #tpu.memory_space<vmem>>
        %dma_start3A_113 = tpu.memref_squeeze %dma_start3A_112 : memref<1x128xi32, #tpu.memory_space<vmem>> -> memref<128xi32, #tpu.memory_space<vmem>>
        %dma_start3A_114 = arith.constant 0 : i32
        %dma_start3A_115 = arith.constant 0 : i32
        %dma_start3A_116 = tpu.memref_slice %arg10[%dma_start3A_114, %dma_start3A_115] : memref<4096x16xf32, #tpu.memory_space<vmem_shared>> -> memref<4096x16xf32, #tpu.memory_space<vmem_shared>>
        tpu.enqueue_indirect_dma source(%dma_start3A_110 : memref<128x16xf32, #tpu.memory_space<vmem>>) target(%dma_start3A_116 : memref<4096x16xf32, #tpu.memory_space<vmem_shared>>) offsets(%dma_start3A_113 : memref<128xi32, #tpu.memory_space<vmem>>) semaphore(%run_scoped3A : memref<!tpu.dma_semaphore, #tpu.memory_space<semaphore_mem>>) {add = true}
        %dma_wait3A = arith.constant 640 : i32
        %dma_wait3A_117 = arith.constant 0 : i32
        %dma_wait3A_118 = tpu.memref_slice %arg7[%dma_wait3A, %dma_wait3A_117] : memref<1024x16xf32, #tpu.memory_space<vmem>> -> memref<128x16xf32, #tpu.memory_space<vmem>>
        %dma_wait3A_119 = arith.constant 0 : i32
        %dma_wait3A_120 = tpu.memref_slice %arg6[%add3A_88, %dma_wait3A_119] : memref<64x128xi32, #tpu.memory_space<vmem>> -> memref<1x128xi32, #tpu.memory_space<vmem>>
        %dma_wait3A_121 = tpu.memref_squeeze %dma_wait3A_120 : memref<1x128xi32, #tpu.memory_space<vmem>> -> memref<128xi32, #tpu.memory_space<vmem>>
        %dma_wait3A_122 = arith.constant 0 : i32
        %dma_wait3A_123 = arith.constant 0 : i32
        %dma_wait3A_124 = tpu.memref_slice %arg10[%dma_wait3A_122, %dma_wait3A_123] : memref<4096x16xf32, #tpu.memory_space<vmem_shared>> -> memref<4096x16xf32, #tpu.memory_space<vmem_shared>>
        tpu.wait_indirect_dma semaphore(%run_scoped3A : memref<!tpu.dma_semaphore, #tpu.memory_space<semaphore_mem>>) src(%dma_wait3A_118 : memref<128x16xf32, #tpu.memory_space<vmem>>) dst(%dma_wait3A_124 : memref<4096x16xf32, #tpu.memory_space<vmem_shared>>)
        tpu.yield
      }) : () -> ()
      %mul3A_89 = arith.constant 8 : i32
      %mul3A_90 = arith.muli %scan3A_39, %mul3A_89 : i32
      %add3A_91 = arith.constant 5 : i32
      %add3A_92 = arith.addi %mul3A_90, %add3A_91 : i32
      "tpu.region"() ({
        %run_scoped3A = tpu.sem_alloc : memref<!tpu.dma_semaphore, #tpu.memory_space<semaphore_mem>>
        %dma_start3A = arith.constant 0 : i32
        %dma_start3A_109 = tpu.memref_slice %arg6[%add3A_92, %dma_start3A] : memref<64x128xi32, #tpu.memory_space<vmem>> -> memref<1x128xi32, #tpu.memory_space<vmem>>
        %dma_start3A_110 = tpu.memref_squeeze %dma_start3A_109 : memref<1x128xi32, #tpu.memory_space<vmem>> -> memref<128xi32, #tpu.memory_space<vmem>>
        %dma_start3A_111 = arith.constant 0 : i32
        %dma_start3A_112 = arith.constant 0 : i32
        %dma_start3A_113 = tpu.memref_slice %arg11[%dma_start3A_111, %dma_start3A_112] : memref<4096x16xf32, #tpu.memory_space<vmem_shared>> -> memref<4096x16xf32, #tpu.memory_space<vmem_shared>>
        tpu.enqueue_indirect_dma source(%arg8 : memref<128x16xf32, #tpu.memory_space<vmem>>) target(%dma_start3A_113 : memref<4096x16xf32, #tpu.memory_space<vmem_shared>>) offsets(%dma_start3A_110 : memref<128xi32, #tpu.memory_space<vmem>>) semaphore(%run_scoped3A : memref<!tpu.dma_semaphore, #tpu.memory_space<semaphore_mem>>) {add = true}
        %dma_wait3A = arith.constant 0 : i32
        %dma_wait3A_114 = tpu.memref_slice %arg6[%add3A_92, %dma_wait3A] : memref<64x128xi32, #tpu.memory_space<vmem>> -> memref<1x128xi32, #tpu.memory_space<vmem>>
        %dma_wait3A_115 = tpu.memref_squeeze %dma_wait3A_114 : memref<1x128xi32, #tpu.memory_space<vmem>> -> memref<128xi32, #tpu.memory_space<vmem>>
        %dma_wait3A_116 = arith.constant 0 : i32
        %dma_wait3A_117 = arith.constant 0 : i32
        %dma_wait3A_118 = tpu.memref_slice %arg11[%dma_wait3A_116, %dma_wait3A_117] : memref<4096x16xf32, #tpu.memory_space<vmem_shared>> -> memref<4096x16xf32, #tpu.memory_space<vmem_shared>>
        tpu.wait_indirect_dma semaphore(%run_scoped3A : memref<!tpu.dma_semaphore, #tpu.memory_space<semaphore_mem>>) src(%arg8 : memref<128x16xf32, #tpu.memory_space<vmem>>) dst(%dma_wait3A_118 : memref<4096x16xf32, #tpu.memory_space<vmem_shared>>)
        tpu.yield
      }) : () -> ()
      %mul3A_93 = arith.constant 8 : i32
      %mul3A_94 = arith.muli %scan3A_39, %mul3A_93 : i32
      %add3A_95 = arith.constant 6 : i32
      %add3A_96 = arith.addi %mul3A_94, %add3A_95 : i32
      "tpu.region"() ({
        %run_scoped3A = tpu.sem_alloc : memref<!tpu.dma_semaphore, #tpu.memory_space<semaphore_mem>>
        %dma_start3A = arith.constant 768 : i32
        %dma_start3A_109 = arith.constant 0 : i32
        %dma_start3A_110 = tpu.memref_slice %arg7[%dma_start3A, %dma_start3A_109] : memref<1024x16xf32, #tpu.memory_space<vmem>> -> memref<128x16xf32, #tpu.memory_space<vmem>>
        %dma_start3A_111 = arith.constant 0 : i32
        %dma_start3A_112 = tpu.memref_slice %arg6[%add3A_96, %dma_start3A_111] : memref<64x128xi32, #tpu.memory_space<vmem>> -> memref<1x128xi32, #tpu.memory_space<vmem>>
        %dma_start3A_113 = tpu.memref_squeeze %dma_start3A_112 : memref<1x128xi32, #tpu.memory_space<vmem>> -> memref<128xi32, #tpu.memory_space<vmem>>
        %dma_start3A_114 = arith.constant 0 : i32
        %dma_start3A_115 = arith.constant 0 : i32
        %dma_start3A_116 = tpu.memref_slice %arg10[%dma_start3A_114, %dma_start3A_115] : memref<4096x16xf32, #tpu.memory_space<vmem_shared>> -> memref<4096x16xf32, #tpu.memory_space<vmem_shared>>
        tpu.enqueue_indirect_dma source(%dma_start3A_110 : memref<128x16xf32, #tpu.memory_space<vmem>>) target(%dma_start3A_116 : memref<4096x16xf32, #tpu.memory_space<vmem_shared>>) offsets(%dma_start3A_113 : memref<128xi32, #tpu.memory_space<vmem>>) semaphore(%run_scoped3A : memref<!tpu.dma_semaphore, #tpu.memory_space<semaphore_mem>>) {add = true}
        %dma_wait3A = arith.constant 768 : i32
        %dma_wait3A_117 = arith.constant 0 : i32
        %dma_wait3A_118 = tpu.memref_slice %arg7[%dma_wait3A, %dma_wait3A_117] : memref<1024x16xf32, #tpu.memory_space<vmem>> -> memref<128x16xf32, #tpu.memory_space<vmem>>
        %dma_wait3A_119 = arith.constant 0 : i32
        %dma_wait3A_120 = tpu.memref_slice %arg6[%add3A_96, %dma_wait3A_119] : memref<64x128xi32, #tpu.memory_space<vmem>> -> memref<1x128xi32, #tpu.memory_space<vmem>>
        %dma_wait3A_121 = tpu.memref_squeeze %dma_wait3A_120 : memref<1x128xi32, #tpu.memory_space<vmem>> -> memref<128xi32, #tpu.memory_space<vmem>>
        %dma_wait3A_122 = arith.constant 0 : i32
        %dma_wait3A_123 = arith.constant 0 : i32
        %dma_wait3A_124 = tpu.memref_slice %arg10[%dma_wait3A_122, %dma_wait3A_123] : memref<4096x16xf32, #tpu.memory_space<vmem_shared>> -> memref<4096x16xf32, #tpu.memory_space<vmem_shared>>
        tpu.wait_indirect_dma semaphore(%run_scoped3A : memref<!tpu.dma_semaphore, #tpu.memory_space<semaphore_mem>>) src(%dma_wait3A_118 : memref<128x16xf32, #tpu.memory_space<vmem>>) dst(%dma_wait3A_124 : memref<4096x16xf32, #tpu.memory_space<vmem_shared>>)
        tpu.yield
      }) : () -> ()
      %mul3A_97 = arith.constant 8 : i32
      %mul3A_98 = arith.muli %scan3A_39, %mul3A_97 : i32
      %add3A_99 = arith.constant 6 : i32
      %add3A_100 = arith.addi %mul3A_98, %add3A_99 : i32
      "tpu.region"() ({
        %run_scoped3A = tpu.sem_alloc : memref<!tpu.dma_semaphore, #tpu.memory_space<semaphore_mem>>
        %dma_start3A = arith.constant 0 : i32
        %dma_start3A_109 = tpu.memref_slice %arg6[%add3A_100, %dma_start3A] : memref<64x128xi32, #tpu.memory_space<vmem>> -> memref<1x128xi32, #tpu.memory_space<vmem>>
        %dma_start3A_110 = tpu.memref_squeeze %dma_start3A_109 : memref<1x128xi32, #tpu.memory_space<vmem>> -> memref<128xi32, #tpu.memory_space<vmem>>
        %dma_start3A_111 = arith.constant 0 : i32
        %dma_start3A_112 = arith.constant 0 : i32
        %dma_start3A_113 = tpu.memref_slice %arg11[%dma_start3A_111, %dma_start3A_112] : memref<4096x16xf32, #tpu.memory_space<vmem_shared>> -> memref<4096x16xf32, #tpu.memory_space<vmem_shared>>
        tpu.enqueue_indirect_dma source(%arg8 : memref<128x16xf32, #tpu.memory_space<vmem>>) target(%dma_start3A_113 : memref<4096x16xf32, #tpu.memory_space<vmem_shared>>) offsets(%dma_start3A_110 : memref<128xi32, #tpu.memory_space<vmem>>) semaphore(%run_scoped3A : memref<!tpu.dma_semaphore, #tpu.memory_space<semaphore_mem>>) {add = true}
        %dma_wait3A = arith.constant 0 : i32
        %dma_wait3A_114 = tpu.memref_slice %arg6[%add3A_100, %dma_wait3A] : memref<64x128xi32, #tpu.memory_space<vmem>> -> memref<1x128xi32, #tpu.memory_space<vmem>>
        %dma_wait3A_115 = tpu.memref_squeeze %dma_wait3A_114 : memref<1x128xi32, #tpu.memory_space<vmem>> -> memref<128xi32, #tpu.memory_space<vmem>>
        %dma_wait3A_116 = arith.constant 0 : i32
        %dma_wait3A_117 = arith.constant 0 : i32
        %dma_wait3A_118 = tpu.memref_slice %arg11[%dma_wait3A_116, %dma_wait3A_117] : memref<4096x16xf32, #tpu.memory_space<vmem_shared>> -> memref<4096x16xf32, #tpu.memory_space<vmem_shared>>
        tpu.wait_indirect_dma semaphore(%run_scoped3A : memref<!tpu.dma_semaphore, #tpu.memory_space<semaphore_mem>>) src(%arg8 : memref<128x16xf32, #tpu.memory_space<vmem>>) dst(%dma_wait3A_118 : memref<4096x16xf32, #tpu.memory_space<vmem_shared>>)
        tpu.yield
      }) : () -> ()
      %mul3A_101 = arith.constant 8 : i32
      %mul3A_102 = arith.muli %scan3A_39, %mul3A_101 : i32
      %add3A_103 = arith.constant 7 : i32
      %add3A_104 = arith.addi %mul3A_102, %add3A_103 : i32
      "tpu.region"() ({
        %run_scoped3A = tpu.sem_alloc : memref<!tpu.dma_semaphore, #tpu.memory_space<semaphore_mem>>
        %dma_start3A = arith.constant 896 : i32
        %dma_start3A_109 = arith.constant 0 : i32
        %dma_start3A_110 = tpu.memref_slice %arg7[%dma_start3A, %dma_start3A_109] : memref<1024x16xf32, #tpu.memory_space<vmem>> -> memref<128x16xf32, #tpu.memory_space<vmem>>
        %dma_start3A_111 = arith.constant 0 : i32
        %dma_start3A_112 = tpu.memref_slice %arg6[%add3A_104, %dma_start3A_111] : memref<64x128xi32, #tpu.memory_space<vmem>> -> memref<1x128xi32, #tpu.memory_space<vmem>>
        %dma_start3A_113 = tpu.memref_squeeze %dma_start3A_112 : memref<1x128xi32, #tpu.memory_space<vmem>> -> memref<128xi32, #tpu.memory_space<vmem>>
        %dma_start3A_114 = arith.constant 0 : i32
        %dma_start3A_115 = arith.constant 0 : i32
        %dma_start3A_116 = tpu.memref_slice %arg10[%dma_start3A_114, %dma_start3A_115] : memref<4096x16xf32, #tpu.memory_space<vmem_shared>> -> memref<4096x16xf32, #tpu.memory_space<vmem_shared>>
        tpu.enqueue_indirect_dma source(%dma_start3A_110 : memref<128x16xf32, #tpu.memory_space<vmem>>) target(%dma_start3A_116 : memref<4096x16xf32, #tpu.memory_space<vmem_shared>>) offsets(%dma_start3A_113 : memref<128xi32, #tpu.memory_space<vmem>>) semaphore(%run_scoped3A : memref<!tpu.dma_semaphore, #tpu.memory_space<semaphore_mem>>) {add = true}
        %dma_wait3A = arith.constant 896 : i32
        %dma_wait3A_117 = arith.constant 0 : i32
        %dma_wait3A_118 = tpu.memref_slice %arg7[%dma_wait3A, %dma_wait3A_117] : memref<1024x16xf32, #tpu.memory_space<vmem>> -> memref<128x16xf32, #tpu.memory_space<vmem>>
        %dma_wait3A_119 = arith.constant 0 : i32
        %dma_wait3A_120 = tpu.memref_slice %arg6[%add3A_104, %dma_wait3A_119] : memref<64x128xi32, #tpu.memory_space<vmem>> -> memref<1x128xi32, #tpu.memory_space<vmem>>
        %dma_wait3A_121 = tpu.memref_squeeze %dma_wait3A_120 : memref<1x128xi32, #tpu.memory_space<vmem>> -> memref<128xi32, #tpu.memory_space<vmem>>
        %dma_wait3A_122 = arith.constant 0 : i32
        %dma_wait3A_123 = arith.constant 0 : i32
        %dma_wait3A_124 = tpu.memref_slice %arg10[%dma_wait3A_122, %dma_wait3A_123] : memref<4096x16xf32, #tpu.memory_space<vmem_shared>> -> memref<4096x16xf32, #tpu.memory_space<vmem_shared>>
        tpu.wait_indirect_dma semaphore(%run_scoped3A : memref<!tpu.dma_semaphore, #tpu.memory_space<semaphore_mem>>) src(%dma_wait3A_118 : memref<128x16xf32, #tpu.memory_space<vmem>>) dst(%dma_wait3A_124 : memref<4096x16xf32, #tpu.memory_space<vmem_shared>>)
        tpu.yield
      }) : () -> ()
      %mul3A_105 = arith.constant 8 : i32
      %mul3A_106 = arith.muli %scan3A_39, %mul3A_105 : i32
      %add3A_107 = arith.constant 7 : i32
      %add3A_108 = arith.addi %mul3A_106, %add3A_107 : i32
      "tpu.region"() ({
        %run_scoped3A = tpu.sem_alloc : memref<!tpu.dma_semaphore, #tpu.memory_space<semaphore_mem>>
        %dma_start3A = arith.constant 0 : i32
        %dma_start3A_109 = tpu.memref_slice %arg6[%add3A_108, %dma_start3A] : memref<64x128xi32, #tpu.memory_space<vmem>> -> memref<1x128xi32, #tpu.memory_space<vmem>>
        %dma_start3A_110 = tpu.memref_squeeze %dma_start3A_109 : memref<1x128xi32, #tpu.memory_space<vmem>> -> memref<128xi32, #tpu.memory_space<vmem>>
        %dma_start3A_111 = arith.constant 0 : i32
        %dma_start3A_112 = arith.constant 0 : i32
        %dma_start3A_113 = tpu.memref_slice %arg11[%dma_start3A_111, %dma_start3A_112] : memref<4096x16xf32, #tpu.memory_space<vmem_shared>> -> memref<4096x16xf32, #tpu.memory_space<vmem_shared>>
        tpu.enqueue_indirect_dma source(%arg8 : memref<128x16xf32, #tpu.memory_space<vmem>>) target(%dma_start3A_113 : memref<4096x16xf32, #tpu.memory_space<vmem_shared>>) offsets(%dma_start3A_110 : memref<128xi32, #tpu.memory_space<vmem>>) semaphore(%run_scoped3A : memref<!tpu.dma_semaphore, #tpu.memory_space<semaphore_mem>>) {add = true}
        %dma_wait3A = arith.constant 0 : i32
        %dma_wait3A_114 = tpu.memref_slice %arg6[%add3A_108, %dma_wait3A] : memref<64x128xi32, #tpu.memory_space<vmem>> -> memref<1x128xi32, #tpu.memory_space<vmem>>
        %dma_wait3A_115 = tpu.memref_squeeze %dma_wait3A_114 : memref<1x128xi32, #tpu.memory_space<vmem>> -> memref<128xi32, #tpu.memory_space<vmem>>
        %dma_wait3A_116 = arith.constant 0 : i32
        %dma_wait3A_117 = arith.constant 0 : i32
        %dma_wait3A_118 = tpu.memref_slice %arg11[%dma_wait3A_116, %dma_wait3A_117] : memref<4096x16xf32, #tpu.memory_space<vmem_shared>> -> memref<4096x16xf32, #tpu.memory_space<vmem_shared>>
        tpu.wait_indirect_dma semaphore(%run_scoped3A : memref<!tpu.dma_semaphore, #tpu.memory_space<semaphore_mem>>) src(%arg8 : memref<128x16xf32, #tpu.memory_space<vmem>>) dst(%dma_wait3A_118 : memref<4096x16xf32, #tpu.memory_space<vmem_shared>>)
        tpu.yield
      }) : () -> ()
    }
    %scan3A_23 = arith.constant 8 : i32
    %barrier3A_24 = arith.constant 0 : index
    tpu.barrier barrier_id(%barrier3A_24)
    %mul3A_25 = arith.constant 256 : i32
    %mul3A_26 = arith.muli %arg1, %mul3A_25 : i32
    %mul3A_27 = arith.constant 4096 : i32
    %mul3A_28 = arith.muli %arg0, %mul3A_27 : i32
    %mul3A_29 = arith.constant 256 : i32
    %mul3A_30 = arith.muli %arg1, %mul3A_29 : i32
    %add3A_31 = arith.addi %mul3A_28, %mul3A_30 : i32
    "tpu.region"() ({
      %run_scoped3A = tpu.sem_alloc : memref<!tpu.dma_semaphore, #tpu.memory_space<semaphore_mem>>
      %dma_start3A = arith.constant 0 : i32
      %dma_start3A_39 = tpu.memref_slice %arg4[%add3A_31, %dma_start3A] : memref<8192x16xf32, #tpu.memory_space<hbm>> -> memref<256x16xf32, #tpu.memory_space<hbm>>
      %dma_start3A_40 = arith.constant 0 : i32
      %dma_start3A_41 = tpu.memref_slice %arg10[%mul3A_26, %dma_start3A_40] : memref<4096x16xf32, #tpu.memory_space<vmem_shared>> -> memref<256x16xf32, #tpu.memory_space<vmem_shared>>
      tpu.enqueue_dma source(%dma_start3A_41 : memref<256x16xf32, #tpu.memory_space<vmem_shared>>) target(%dma_start3A_39 : memref<256x16xf32, #tpu.memory_space<hbm>>) target_semaphore(%run_scoped3A : memref<!tpu.dma_semaphore, #tpu.memory_space<semaphore_mem>>)
      %dma_wait3A = arith.constant 0 : i32
      %dma_wait3A_42 = tpu.memref_slice %arg4[%add3A_31, %dma_wait3A] : memref<8192x16xf32, #tpu.memory_space<hbm>> -> memref<256x16xf32, #tpu.memory_space<hbm>>
      %dma_wait3A_43 = arith.constant 0 : i32
      %dma_wait3A_44 = tpu.memref_slice %arg10[%mul3A_26, %dma_wait3A_43] : memref<4096x16xf32, #tpu.memory_space<vmem_shared>> -> memref<256x16xf32, #tpu.memory_space<vmem_shared>>
      tpu.wait_dma2 semaphore(%run_scoped3A : memref<!tpu.dma_semaphore, #tpu.memory_space<semaphore_mem>>) src(%dma_wait3A_44 : memref<256x16xf32, #tpu.memory_space<vmem_shared>>) dst(%dma_wait3A_42 : memref<256x16xf32, #tpu.memory_space<hbm>>)
      tpu.yield
    }) : () -> ()
    %mul3A_32 = arith.constant 256 : i32
    %mul3A_33 = arith.muli %arg1, %mul3A_32 : i32
    %mul3A_34 = arith.constant 4096 : i32
    %mul3A_35 = arith.muli %arg0, %mul3A_34 : i32
    %mul3A_36 = arith.constant 256 : i32
    %mul3A_37 = arith.muli %arg1, %mul3A_36 : i32
    %add3A_38 = arith.addi %mul3A_35, %mul3A_37 : i32
    "tpu.region"() ({
      %run_scoped3A = tpu.sem_alloc : memref<!tpu.dma_semaphore, #tpu.memory_space<semaphore_mem>>
      %dma_start3A = arith.constant 0 : i32
      %dma_start3A_39 = tpu.memref_slice %arg5[%add3A_38, %dma_start3A] : memref<8192x16xf32, #tpu.memory_space<hbm>> -> memref<256x16xf32, #tpu.memory_space<hbm>>
      %dma_start3A_40 = arith.constant 0 : i32
      %dma_start3A_41 = tpu.memref_slice %arg11[%mul3A_33, %dma_start3A_40] : memref<4096x16xf32, #tpu.memory_space<vmem_shared>> -> memref<256x16xf32, #tpu.memory_space<vmem_shared>>
      tpu.enqueue_dma source(%dma_start3A_41 : memref<256x16xf32, #tpu.memory_space<vmem_shared>>) target(%dma_start3A_39 : memref<256x16xf32, #tpu.memory_space<hbm>>) target_semaphore(%run_scoped3A : memref<!tpu.dma_semaphore, #tpu.memory_space<semaphore_mem>>)
      %dma_wait3A = arith.constant 0 : i32
      %dma_wait3A_42 = tpu.memref_slice %arg5[%add3A_38, %dma_wait3A] : memref<8192x16xf32, #tpu.memory_space<hbm>> -> memref<256x16xf32, #tpu.memory_space<hbm>>
      %dma_wait3A_43 = arith.constant 0 : i32
      %dma_wait3A_44 = tpu.memref_slice %arg11[%mul3A_33, %dma_wait3A_43] : memref<4096x16xf32, #tpu.memory_space<vmem_shared>> -> memref<256x16xf32, #tpu.memory_space<vmem_shared>>
      tpu.wait_dma2 semaphore(%run_scoped3A : memref<!tpu.dma_semaphore, #tpu.memory_space<semaphore_mem>>) src(%dma_wait3A_44 : memref<256x16xf32, #tpu.memory_space<vmem_shared>>) dst(%dma_wait3A_42 : memref<256x16xf32, #tpu.memory_space<hbm>>)
      tpu.yield
    }) : () -> ()
    return
  }
}

module attributes {stable_mosaic.version = 14 : i64} {
  func.func @_node_pre_body(%arg0: memref<4096x128xf32, #tpu.memory_space<vmem>>, %arg1: memref<1x128xf32, #tpu.memory_space<vmem>>, %arg2: memref<1x128xf32, #tpu.memory_space<vmem>>, %arg3: memref<128x16xf32, #tpu.memory_space<vmem>>, %arg4: memref<128x16xf32, #tpu.memory_space<vmem>>, %arg5: memref<1x16xf32, #tpu.memory_space<vmem>>, %arg6: memref<4096x16xf32, #tpu.memory_space<vmem>>, %arg7: memref<4096x16xf32, #tpu.memory_space<vmem>>) attributes {dimension_semantics = [], scalar_prefetch = 0 : i64, scratch_operands = 0 : i64, tpu.core_type = #tpu.core_type<tc>} {
    %get3A = arith.constant 0 : index
    %get3A_0 = arith.constant 0 : index
    %get3A_1 = vector.load %arg0[%get3A, %get3A_0] : memref<4096x128xf32, #tpu.memory_space<vmem>>, vector<4096x128xf32>
    %get3A_2 = arith.constant 0 : index
    %get3A_3 = arith.constant 0 : index
    %get3A_4 = vector.load %arg1[%get3A_2, %get3A_3] : memref<1x128xf32, #tpu.memory_space<vmem>>, vector<1x128xf32>
    %mul3A = arith.constant 0.999994993 : f32
    %mul3A_5 = vector.broadcast %mul3A : f32 to vector<1x128xf32>
    %mul3A_6 = arith.mulf %get3A_4, %mul3A_5 : vector<1x128xf32>
    %mul3A_7 = vector.broadcast %mul3A_6 : vector<1x128xf32> to vector<4096x128xf32>
    %mul3A_8 = arith.mulf %get3A_1, %mul3A_7 : vector<4096x128xf32>
    %get3A_9 = arith.constant 0 : index
    %get3A_10 = arith.constant 0 : index
    %get3A_11 = vector.load %arg2[%get3A_9, %get3A_10] : memref<1x128xf32, #tpu.memory_space<vmem>>, vector<1x128xf32>
    %add3A = vector.broadcast %get3A_11 : vector<1x128xf32> to vector<4096x128xf32>
    %add3A_12 = arith.addf %mul3A_8, %add3A : vector<4096x128xf32>
    %get3A_13 = arith.constant 0 : index
    %get3A_14 = arith.constant 0 : index
    %get3A_15 = vector.load %arg3[%get3A_13, %get3A_14] : memref<128x16xf32, #tpu.memory_space<vmem>>, vector<128x16xf32>
    %dot_general3A = arith.constant dense<0.000000e+00> : vector<4096x16xf32>
    %dot_general3A_16 = tpu.matmul %add3A_12, %get3A_15, %dot_general3A {dimension_numbers = #tpu.dot_dimension_numbers<[1], [0], [0], [1], [0, 0, 1, 1], [], []>, transpose_lhs_hint = false} : vector<4096x128xf32>, vector<128x16xf32>, vector<4096x16xf32> -> vector<4096x16xf32>
    %swap3A = arith.constant 0 : index
    %swap3A_17 = arith.constant 0 : index
    %swap3A_18 = vector.load %arg6[%swap3A, %swap3A_17] : memref<4096x16xf32, #tpu.memory_space<vmem>>, vector<4096x16xf32>
    tpu.vector_store %arg6[%swap3A, %swap3A_17], %dot_general3A_16 {strides = array<i32>} : memref<4096x16xf32, #tpu.memory_space<vmem>>, vector<4096x16xf32>,
    %get3A_19 = arith.constant 0 : index
    %get3A_20 = arith.constant 0 : index
    %get3A_21 = vector.load %arg4[%get3A_19, %get3A_20] : memref<128x16xf32, #tpu.memory_space<vmem>>, vector<128x16xf32>
    %dot_general3A_22 = arith.constant dense<0.000000e+00> : vector<4096x16xf32>
    %dot_general3A_23 = tpu.matmul %add3A_12, %get3A_21, %dot_general3A_22 {dimension_numbers = #tpu.dot_dimension_numbers<[1], [0], [0], [1], [0, 0, 1, 1], [], []>, transpose_lhs_hint = false} : vector<4096x128xf32>, vector<128x16xf32>, vector<4096x16xf32> -> vector<4096x16xf32>
    %get3A_24 = arith.constant 0 : index
    %get3A_25 = arith.constant 0 : index
    %get3A_26 = vector.load %arg5[%get3A_24, %get3A_25] : memref<1x16xf32, #tpu.memory_space<vmem>>, vector<1x16xf32>
    %add3A_27 = vector.broadcast %get3A_26 : vector<1x16xf32> to vector<4096x16xf32>
    %add3A_28 = arith.addf %dot_general3A_23, %add3A_27 : vector<4096x16xf32>
    %swap3A_29 = arith.constant 0 : index
    %swap3A_30 = arith.constant 0 : index
    %swap3A_31 = vector.load %arg7[%swap3A_29, %swap3A_30] : memref<4096x16xf32, #tpu.memory_space<vmem>>, vector<4096x16xf32>
    tpu.vector_store %arg7[%swap3A_29, %swap3A_30], %add3A_28 {strides = array<i32>} : memref<4096x16xf32, #tpu.memory_space<vmem>>, vector<4096x16xf32>,
    return
  }
}

module attributes {stable_mosaic.version = 14 : i64} {
  func.func @_enc_mlp_body(%arg0: i32, %arg1: memref<8192x16xf32, #tpu.memory_space<vmem>>, %arg2: memref<8192x16xf32, #tpu.memory_space<vmem>>, %arg3: memref<16x16xf32, #tpu.memory_space<vmem>>, %arg4: memref<1x16xf32, #tpu.memory_space<vmem>>, %arg5: memref<16x32xf32, #tpu.memory_space<vmem>>, %arg6: memref<1x32xf32, #tpu.memory_space<vmem>>, %arg7: memref<32x16xf32, #tpu.memory_space<vmem>>, %arg8: memref<1x16xf32, #tpu.memory_space<vmem>>, %arg9: memref<16x16xf32, #tpu.memory_space<vmem>>, %arg10: memref<1x16xf32, #tpu.memory_space<vmem>>, %arg11: memref<8192x16xf32, #tpu.memory_space<vmem>>) attributes {dimension_semantics = [#tpu.dimension_semantics<arbitrary>], iteration_bounds = array<i64: 32>, scalar_prefetch = 0 : i64, scratch_operands = 0 : i64, tpu.core_type = #tpu.core_type<tc>, window_params = [{transform_indices = @transform_0, window_bounds = array<i64: 8192, 16>}, {transform_indices = @transform_1, window_bounds = array<i64: 8192, 16>}, {pipeline_mode = #tpu.pipeline_mode<synchronous>, transform_indices = @transform_2, window_bounds = array<i64: 16, 16>}, {pipeline_mode = #tpu.pipeline_mode<synchronous>, transform_indices = @transform_3, window_bounds = array<i64: 1, 16>}, {pipeline_mode = #tpu.pipeline_mode<synchronous>, transform_indices = @transform_4, window_bounds = array<i64: 16, 32>}, {pipeline_mode = #tpu.pipeline_mode<synchronous>, transform_indices = @transform_5, window_bounds = array<i64: 1, 32>}, {pipeline_mode = #tpu.pipeline_mode<synchronous>, transform_indices = @transform_6, window_bounds = array<i64: 32, 16>}, {pipeline_mode = #tpu.pipeline_mode<synchronous>, transform_indices = @transform_7, window_bounds = array<i64: 1, 16>}, {pipeline_mode = #tpu.pipeline_mode<synchronous>, transform_indices = @transform_8, window_bounds = array<i64: 16, 16>}, {pipeline_mode = #tpu.pipeline_mode<synchronous>, transform_indices = @transform_9, window_bounds = array<i64: 1, 16>}, {transform_indices = @transform_10, window_bounds = array<i64: 8192, 16>}]} {
    %get3A = arith.constant 0 : index
    %get3A_0 = arith.constant 0 : index
    %get3A_1 = vector.load %arg2[%get3A, %get3A_0] : memref<8192x16xf32, #tpu.memory_space<vmem>>, vector<8192x16xf32>
    %get3A_2 = arith.constant 0 : index
    %get3A_3 = arith.constant 0 : index
    %get3A_4 = vector.load %arg3[%get3A_2, %get3A_3] : memref<16x16xf32, #tpu.memory_space<vmem>>, vector<16x16xf32>
    %dot_general3A = arith.constant dense<0.000000e+00> : vector<8192x16xf32>
    %dot_general3A_5 = tpu.matmul %get3A_1, %get3A_4, %dot_general3A {dimension_numbers = #tpu.dot_dimension_numbers<[1], [0], [0], [1], [0, 0, 1, 1], [], []>, transpose_lhs_hint = false} : vector<8192x16xf32>, vector<16x16xf32>, vector<8192x16xf32> -> vector<8192x16xf32>
    %get3A_6 = arith.constant 0 : index
    %get3A_7 = arith.constant 0 : index
    %get3A_8 = vector.load %arg1[%get3A_6, %get3A_7] : memref<8192x16xf32, #tpu.memory_space<vmem>>, vector<8192x16xf32>
    %add3A = arith.addf %dot_general3A_5, %get3A_8 : vector<8192x16xf32>
    %get3A_9 = arith.constant 0 : index
    %get3A_10 = arith.constant 0 : index
    %get3A_11 = vector.load %arg4[%get3A_9, %get3A_10] : memref<1x16xf32, #tpu.memory_space<vmem>>, vector<1x16xf32>
    %add3A_12 = vector.broadcast %get3A_11 : vector<1x16xf32> to vector<8192x16xf32>
    %add3A_13 = arith.addf %add3A, %add3A_12 : vector<8192x16xf32>
    %max3A = arith.constant 0.000000e+00 : f32
    %max3A_14 = vector.broadcast %max3A : f32 to vector<8192x16xf32>
    %max3A_15 = arith.maximumf %add3A_13, %max3A_14 : vector<8192x16xf32>
    %get3A_16 = arith.constant 0 : index
    %get3A_17 = arith.constant 0 : index
    %get3A_18 = vector.load %arg5[%get3A_16, %get3A_17] : memref<16x32xf32, #tpu.memory_space<vmem>>, vector<16x32xf32>
    %dot_general3A_19 = arith.constant dense<0.000000e+00> : vector<8192x32xf32>
    %dot_general3A_20 = tpu.matmul %max3A_15, %get3A_18, %dot_general3A_19 {dimension_numbers = #tpu.dot_dimension_numbers<[1], [0], [0], [1], [0, 0, 1, 1], [], []>, transpose_lhs_hint = false} : vector<8192x16xf32>, vector<16x32xf32>, vector<8192x32xf32> -> vector<8192x32xf32>
    %get3A_21 = arith.constant 0 : index
    %get3A_22 = arith.constant 0 : index
    %get3A_23 = vector.load %arg6[%get3A_21, %get3A_22] : memref<1x32xf32, #tpu.memory_space<vmem>>, vector<1x32xf32>
    %add3A_24 = vector.broadcast %get3A_23 : vector<1x32xf32> to vector<8192x32xf32>
    %add3A_25 = arith.addf %dot_general3A_20, %add3A_24 : vector<8192x32xf32>
    %max3A_26 = arith.constant 0.000000e+00 : f32
    %max3A_27 = vector.broadcast %max3A_26 : f32 to vector<8192x32xf32>
    %max3A_28 = arith.maximumf %add3A_25, %max3A_27 : vector<8192x32xf32>
    %get3A_29 = arith.constant 0 : index
    %get3A_30 = arith.constant 0 : index
    %get3A_31 = vector.load %arg7[%get3A_29, %get3A_30] : memref<32x16xf32, #tpu.memory_space<vmem>>, vector<32x16xf32>
    %dot_general3A_32 = arith.constant dense<0.000000e+00> : vector<8192x16xf32>
    %dot_general3A_33 = tpu.matmul %max3A_28, %get3A_31, %dot_general3A_32 {dimension_numbers = #tpu.dot_dimension_numbers<[1], [0], [0], [1], [0, 0, 1, 1], [], []>, transpose_lhs_hint = false} : vector<8192x32xf32>, vector<32x16xf32>, vector<8192x16xf32> -> vector<8192x16xf32>
    %get3A_34 = arith.constant 0 : index
    %get3A_35 = arith.constant 0 : index
    %get3A_36 = vector.load %arg8[%get3A_34, %get3A_35] : memref<1x16xf32, #tpu.memory_space<vmem>>, vector<1x16xf32>
    %add3A_37 = vector.broadcast %get3A_36 : vector<1x16xf32> to vector<8192x16xf32>
    %add3A_38 = arith.addf %dot_general3A_33, %add3A_37 : vector<8192x16xf32>
    %max3A_39 = arith.constant 0.000000e+00 : f32
    %max3A_40 = vector.broadcast %max3A_39 : f32 to vector<8192x16xf32>
    %max3A_41 = arith.maximumf %add3A_38, %max3A_40 : vector<8192x16xf32>
    %get3A_42 = arith.constant 0 : index
    %get3A_43 = arith.constant 0 : index
    %get3A_44 = vector.load %arg9[%get3A_42, %get3A_43] : memref<16x16xf32, #tpu.memory_space<vmem>>, vector<16x16xf32>
    %dot_general3A_45 = arith.constant dense<0.000000e+00> : vector<8192x16xf32>
    %dot_general3A_46 = tpu.matmul %max3A_41, %get3A_44, %dot_general3A_45 {dimension_numbers = #tpu.dot_dimension_numbers<[1], [0], [0], [1], [0, 0, 1, 1], [], []>, transpose_lhs_hint = false} : vector<8192x16xf32>, vector<16x16xf32>, vector<8192x16xf32> -> vector<8192x16xf32>
    %get3A_47 = arith.constant 0 : index
    %get3A_48 = arith.constant 0 : index
    %get3A_49 = vector.load %arg10[%get3A_47, %get3A_48] : memref<1x16xf32, #tpu.memory_space<vmem>>, vector<1x16xf32>
    %add3A_50 = vector.broadcast %get3A_49 : vector<1x16xf32> to vector<8192x16xf32>
    %add3A_51 = arith.addf %dot_general3A_46, %add3A_50 : vector<8192x16xf32>
    %max3A_52 = arith.constant 0.000000e+00 : f32
    %max3A_53 = vector.broadcast %max3A_52 : f32 to vector<8192x16xf32>
    %max3A_54 = arith.maximumf %add3A_51, %max3A_53 : vector<8192x16xf32>
    %swap3A = arith.constant 0 : index
    %swap3A_55 = arith.constant 0 : index
    %swap3A_56 = vector.load %arg11[%swap3A, %swap3A_55] : memref<8192x16xf32, #tpu.memory_space<vmem>>, vector<8192x16xf32>
    tpu.vector_store %arg11[%swap3A, %swap3A_55], %max3A_54 {strides = array<i32>} : memref<8192x16xf32, #tpu.memory_space<vmem>>, vector<8192x16xf32>,
    return
  }
  func.func @transform_0(%arg0: i32) -> (i32, i32) {
    %c0_i32 = arith.constant 0 : i32
    %c0_i32_0 = arith.constant 0 : i32
    return %arg0, %c0_i32 : i32, i32
  }
  func.func @transform_1(%arg0: i32) -> (i32, i32) {
    %c0_i32 = arith.constant 0 : i32
    %c0_i32_0 = arith.constant 0 : i32
    return %arg0, %c0_i32 : i32, i32
  }
  func.func @transform_2(%arg0: i32) -> (i32, i32) {
    %c0_i32 = arith.constant 0 : i32
    %c0_i32_0 = arith.constant 0 : i32
    %c0_i32_1 = arith.constant 0 : i32
    return %c0_i32, %c0_i32_0 : i32, i32
  }
  func.func @transform_3(%arg0: i32) -> (i32, i32) {
    %c0_i32 = arith.constant 0 : i32
    %c0_i32_0 = arith.constant 0 : i32
    %c0_i32_1 = arith.constant 0 : i32
    return %c0_i32, %c0_i32_0 : i32, i32
  }
  func.func @transform_4(%arg0: i32) -> (i32, i32) {
    %c0_i32 = arith.constant 0 : i32
    %c0_i32_0 = arith.constant 0 : i32
    %c0_i32_1 = arith.constant 0 : i32
    return %c0_i32, %c0_i32_0 : i32, i32
  }
  func.func @transform_5(%arg0: i32) -> (i32, i32) {
    %c0_i32 = arith.constant 0 : i32
    %c0_i32_0 = arith.constant 0 : i32
    %c0_i32_1 = arith.constant 0 : i32
    return %c0_i32, %c0_i32_0 : i32, i32
  }
  func.func @transform_6(%arg0: i32) -> (i32, i32) {
    %c0_i32 = arith.constant 0 : i32
    %c0_i32_0 = arith.constant 0 : i32
    %c0_i32_1 = arith.constant 0 : i32
    return %c0_i32, %c0_i32_0 : i32, i32
  }
  func.func @transform_7(%arg0: i32) -> (i32, i32) {
    %c0_i32 = arith.constant 0 : i32
    %c0_i32_0 = arith.constant 0 : i32
    %c0_i32_1 = arith.constant 0 : i32
    return %c0_i32, %c0_i32_0 : i32, i32
  }
  func.func @transform_8(%arg0: i32) -> (i32, i32) {
    %c0_i32 = arith.constant 0 : i32
    %c0_i32_0 = arith.constant 0 : i32
    %c0_i32_1 = arith.constant 0 : i32
    return %c0_i32, %c0_i32_0 : i32, i32
  }
  func.func @transform_9(%arg0: i32) -> (i32, i32) {
    %c0_i32 = arith.constant 0 : i32
    %c0_i32_0 = arith.constant 0 : i32
    %c0_i32_1 = arith.constant 0 : i32
    return %c0_i32, %c0_i32_0 : i32, i32
  }
  func.func @transform_10(%arg0: i32) -> (i32, i32) {
    %c0_i32 = arith.constant 0 : i32
    %c0_i32_0 = arith.constant 0 : i32
    return %arg0, %c0_i32 : i32, i32
  }
}

module attributes {stable_mosaic.version = 14 : i64} {
  func.func @_trans_body(%arg0: memref<4224x16xf32, #tpu.memory_space<vmem>>, %arg1: memref<16x16xf32, #tpu.memory_space<vmem>>, %arg2: memref<1x16xf32, #tpu.memory_space<vmem>>, %arg3: memref<16x16xf32, #tpu.memory_space<vmem>>, %arg4: memref<1x16xf32, #tpu.memory_space<vmem>>, %arg5: memref<16x16xf32, #tpu.memory_space<vmem>>, %arg6: memref<1x16xf32, #tpu.memory_space<vmem>>, %arg7: memref<16x16xf32, #tpu.memory_space<vmem>>, %arg8: memref<1x16xf32, #tpu.memory_space<vmem>>, %arg9: memref<16x32xf32, #tpu.memory_space<vmem>>, %arg10: memref<1x32xf32, #tpu.memory_space<vmem>>, %arg11: memref<32x16xf32, #tpu.memory_space<vmem>>, %arg12: memref<1x16xf32, #tpu.memory_space<vmem>>, %arg13: memref<1x16xf32, #tpu.memory_space<vmem>>, %arg14: memref<1x16xf32, #tpu.memory_space<vmem>>, %arg15: memref<1x16xf32, #tpu.memory_space<vmem>>, %arg16: memref<1x16xf32, #tpu.memory_space<vmem>>, %arg17: memref<16x16xf32, #tpu.memory_space<vmem>>, %arg18: memref<1x16xf32, #tpu.memory_space<vmem>>, %arg19: memref<16x16xf32, #tpu.memory_space<vmem>>, %arg20: memref<1x16xf32, #tpu.memory_space<vmem>>, %arg21: memref<16x16xf32, #tpu.memory_space<vmem>>, %arg22: memref<1x16xf32, #tpu.memory_space<vmem>>, %arg23: memref<16x16xf32, #tpu.memory_space<vmem>>, %arg24: memref<1x16xf32, #tpu.memory_space<vmem>>, %arg25: memref<16x32xf32, #tpu.memory_space<vmem>>, %arg26: memref<1x32xf32, #tpu.memory_space<vmem>>, %arg27: memref<32x16xf32, #tpu.memory_space<vmem>>, %arg28: memref<1x16xf32, #tpu.memory_space<vmem>>, %arg29: memref<1x16xf32, #tpu.memory_space<vmem>>, %arg30: memref<1x16xf32, #tpu.memory_space<vmem>>, %arg31: memref<1x16xf32, #tpu.memory_space<vmem>>, %arg32: memref<1x16xf32, #tpu.memory_space<vmem>>, %arg33: memref<8x16xf32, #tpu.memory_space<vmem>>, %arg34: memref<4224x16xf32, #tpu.memory_space<vmem>>, %arg35: memref<4224x16xf32, #tpu.memory_space<vmem>>, %arg36: memref<4224x16xf32, #tpu.memory_space<vmem>>) attributes {dimension_semantics = [], scalar_prefetch = 0 : i64, scratch_operands = 3 : i64, tpu.core_type = #tpu.core_type<tc>} {
    %iota3A = tpu.iota {dimensions = array<i32: 1>} : vector<1x4224xi32>
    %lt3A = arith.constant 4097 : i32
    %lt3A_0 = vector.broadcast %lt3A : i32 to vector<1x4224xi32>
    %lt3A_1 = arith.cmpi slt, %iota3A, %lt3A_0 : vector<1x4224xi32>
    %jit3A = arith.constant 0.000000e+00 : f32
    %jit3A_2 = arith.constant -1.000000e+30 : f32
    %broadcast_in_dim3A = vector.broadcast %jit3A : f32 to vector<1x4224xf32>
    %broadcast_in_dim3A_3 = vector.broadcast %jit3A_2 : f32 to vector<1x4224xf32>
    %select_n3A = arith.select %lt3A_1, %broadcast_in_dim3A, %broadcast_in_dim3A_3 : vector<1x4224xi1>, vector<1x4224xf32>
    %get3A = arith.constant 0 : index
    %get3A_4 = arith.constant 0 : index
    %get3A_5 = vector.load %arg0[%get3A, %get3A_4] : memref<4224x16xf32, #tpu.memory_space<vmem>>, vector<4224x16xf32>
    %swap3A = arith.constant 0 : index
    %swap3A_6 = arith.constant 0 : index
    %swap3A_7 = vector.load %arg34[%swap3A, %swap3A_6] : memref<4224x16xf32, #tpu.memory_space<vmem>>, vector<4224x16xf32>
    tpu.vector_store %arg34[%swap3A, %swap3A_6], %get3A_5 {strides = array<i32>} : memref<4224x16xf32, #tpu.memory_space<vmem>>, vector<4224x16xf32>,
    %get3A_8 = arith.constant 0 : index
    %get3A_9 = arith.constant 0 : index
    %get3A_10 = vector.load %arg34[%get3A_8, %get3A_9] : memref<4224x16xf32, #tpu.memory_space<vmem>>, vector<4224x16xf32>
    %get3A_11 = arith.constant 0 : index
    %get3A_12 = arith.constant 0 : index
    %get3A_13 = vector.load %arg3[%get3A_11, %get3A_12] : memref<16x16xf32, #tpu.memory_space<vmem>>, vector<16x16xf32>
    %dot_general3A = arith.constant dense<0.000000e+00> : vector<4224x16xf32>
    %dot_general3A_14 = tpu.matmul %get3A_10, %get3A_13, %dot_general3A {dimension_numbers = #tpu.dot_dimension_numbers<[1], [0], [0], [1], [0, 0, 1, 1], [], []>, transpose_lhs_hint = false} : vector<4224x16xf32>, vector<16x16xf32>, vector<4224x16xf32> -> vector<4224x16xf32>
    %get3A_15 = arith.constant 0 : index
    %get3A_16 = arith.constant 0 : index
    %get3A_17 = vector.load %arg4[%get3A_15, %get3A_16] : memref<1x16xf32, #tpu.memory_space<vmem>>, vector<1x16xf32>
    %add3A = vector.broadcast %get3A_17 : vector<1x16xf32> to vector<4224x16xf32>
    %add3A_18 = arith.addf %dot_general3A_14, %add3A : vector<4224x16xf32>
    %swap3A_19 = arith.constant 0 : index
    %swap3A_20 = arith.constant 0 : index
    %swap3A_21 = vector.load %arg35[%swap3A_19, %swap3A_20] : memref<4224x16xf32, #tpu.memory_space<vmem>>, vector<4224x16xf32>
    tpu.vector_store %arg35[%swap3A_19, %swap3A_20], %add3A_18 {strides = array<i32>} : memref<4224x16xf32, #tpu.memory_space<vmem>>, vector<4224x16xf32>,
    %get3A_22 = arith.constant 0 : index
    %get3A_23 = arith.constant 0 : index
    %get3A_24 = vector.load %arg5[%get3A_22, %get3A_23] : memref<16x16xf32, #tpu.memory_space<vmem>>, vector<16x16xf32>
    %dot_general3A_25 = arith.constant dense<0.000000e+00> : vector<4224x16xf32>
    %dot_general3A_26 = tpu.matmul %get3A_10, %get3A_24, %dot_general3A_25 {dimension_numbers = #tpu.dot_dimension_numbers<[1], [0], [0], [1], [0, 0, 1, 1], [], []>, transpose_lhs_hint = false} : vector<4224x16xf32>, vector<16x16xf32>, vector<4224x16xf32> -> vector<4224x16xf32>
    %get3A_27 = arith.constant 0 : index
    %get3A_28 = arith.constant 0 : index
    %get3A_29 = vector.load %arg6[%get3A_27, %get3A_28] : memref<1x16xf32, #tpu.memory_space<vmem>>, vector<1x16xf32>
    %add3A_30 = vector.broadcast %get3A_29 : vector<1x16xf32> to vector<4224x16xf32>
    %add3A_31 = arith.addf %dot_general3A_26, %add3A_30 : vector<4224x16xf32>
    %swap3A_32 = arith.constant 0 : index
    %swap3A_33 = arith.constant 0 : index
    %swap3A_34 = vector.load %arg36[%swap3A_32, %swap3A_33] : memref<4224x16xf32, #tpu.memory_space<vmem>>, vector<4224x16xf32>
    tpu.vector_store %arg36[%swap3A_32, %swap3A_33], %add3A_31 {strides = array<i32>} : memref<4224x16xf32, #tpu.memory_space<vmem>>, vector<4224x16xf32>,
    %scan3A = arith.constant 0 : i32
    %scan3A_35 = arith.constant 33 : i32
    %scan3A_36 = arith.addi %scan3A, %scan3A_35 : i32
    %scan3A_37 = arith.constant 1 : i32
    scf.for %scan3A_212 = %scan3A to %scan3A_36 step %scan3A_37  : i32 {
      %mul3A_213 = arith.constant 128 : i32
      %mul3A_214 = arith.muli %scan3A_212, %mul3A_213 : i32
      %multiple_of3A = tpu.assume_multiple %mul3A_214, 128 : i32
      %get3A_215 = arith.index_cast %multiple_of3A : i32 to index
      %get3A_216 = arith.constant 0 : index
      %get3A_217 = vector.load %arg34[%get3A_215, %get3A_216] : memref<4224x16xf32, #tpu.memory_space<vmem>>, vector<128x16xf32>
      %get3A_218 = arith.constant 0 : index
      %get3A_219 = arith.constant 0 : index
      %get3A_220 = vector.load %arg1[%get3A_218, %get3A_219] : memref<16x16xf32, #tpu.memory_space<vmem>>, vector<16x16xf32>
      %dot_general3A_221 = arith.constant dense<0.000000e+00> : vector<128x16xf32>
      %dot_general3A_222 = tpu.matmul %get3A_217, %get3A_220, %dot_general3A_221 {dimension_numbers = #tpu.dot_dimension_numbers<[1], [0], [0], [1], [0, 0, 1, 1], [], []>, transpose_lhs_hint = false} : vector<128x16xf32>, vector<16x16xf32>, vector<128x16xf32> -> vector<128x16xf32>
      %get3A_223 = arith.constant 0 : index
      %get3A_224 = arith.constant 0 : index
      %get3A_225 = vector.load %arg2[%get3A_223, %get3A_224] : memref<1x16xf32, #tpu.memory_space<vmem>>, vector<1x16xf32>
      %add3A_226 = vector.broadcast %get3A_225 : vector<1x16xf32> to vector<128x16xf32>
      %add3A_227 = arith.addf %dot_general3A_222, %add3A_226 : vector<128x16xf32>
      %get3A_228 = arith.constant 0 : index
      %get3A_229 = arith.constant 0 : index
      %get3A_230 = vector.load %arg35[%get3A_228, %get3A_229] : memref<4224x16xf32, #tpu.memory_space<vmem>>, vector<4224x16xf32>
      %get3A_231 = arith.constant 0 : index
      %get3A_232 = arith.constant 0 : index
      %get3A_233 = vector.load %arg36[%get3A_231, %get3A_232] : memref<4224x16xf32, #tpu.memory_space<vmem>>, vector<4224x16xf32>
      %slice3A_234 = vector.extract_strided_slice %add3A_227 {offsets = [0, 0], sizes = [128, 8], strides = [1, 1]} : vector<128x16xf32> to vector<128x8xf32>
      %slice3A_235 = vector.extract_strided_slice %get3A_230 {offsets = [0, 0], sizes = [4224, 8], strides = [1, 1]} : vector<4224x16xf32> to vector<4224x8xf32>
      %dot_general3A_236 = arith.constant dense<0.000000e+00> : vector<128x4224xf32>
      %dot_general3A_237 = tpu.matmul %slice3A_234, %slice3A_235, %dot_general3A_236 {dimension_numbers = #tpu.dot_dimension_numbers<[1], [1], [0], [0], [0, 0, 1, 0], [], []>, transpose_lhs_hint = false} : vector<128x8xf32>, vector<4224x8xf32>, vector<128x4224xf32> -> vector<128x4224xf32>
      %mul3A_238 = arith.constant 0.353553385 : f32
      %mul3A_239 = vector.broadcast %mul3A_238 : f32 to vector<128x4224xf32>
      %mul3A_240 = arith.mulf %dot_general3A_237, %mul3A_239 : vector<128x4224xf32>
      %add3A_241 = vector.broadcast %select_n3A : vector<1x4224xf32> to vector<128x4224xf32>
      %add3A_242 = arith.addf %mul3A_240, %add3A_241 : vector<128x4224xf32>
      %reduce_max3A_243 = arith.constant dense<0xFF800000> : vector<128xf32>
      %reduce_max3A_244 = vector.multi_reduction <maximumf>, %add3A_242, %reduce_max3A_243 [1] : vector<128x4224xf32> to vector<128xf32>
      %broadcast_in_dim3A_245 = vector.shape_cast %reduce_max3A_244 : vector<128xf32> to vector<128x1xf32>
      %sub3A_246 = vector.broadcast %broadcast_in_dim3A_245 : vector<128x1xf32> to vector<128x4224xf32>
      %sub3A_247 = arith.subf %add3A_242, %sub3A_246 : vector<128x4224xf32>
      %exp3A_248 = math.exp %sub3A_247 : vector<128x4224xf32>
      %reduce_sum3A_249 = arith.constant dense<0.000000e+00> : vector<128xf32>
      %reduce_sum3A_250 = vector.multi_reduction <add>, %exp3A_248, %reduce_sum3A_249 [1] : vector<128x4224xf32> to vector<128xf32>
      %broadcast_in_dim3A_251 = vector.shape_cast %reduce_sum3A_250 : vector<128xf32> to vector<128x1xf32>
      %div3A_252 = vector.broadcast %broadcast_in_dim3A_251 : vector<128x1xf32> to vector<128x4224xf32>
      %div3A_253 = arith.divf %exp3A_248, %div3A_252 : vector<128x4224xf32>
      %slice3A_254 = vector.extract_strided_slice %get3A_233 {offsets = [0, 0], sizes = [4224, 8], strides = [1, 1]} : vector<4224x16xf32> to vector<4224x8xf32>
      %dot_general3A_255 = arith.constant dense<0.000000e+00> : vector<128x8xf32>
      %dot_general3A_256 = tpu.matmul %div3A_253, %slice3A_254, %dot_general3A_255 {dimension_numbers = #tpu.dot_dimension_numbers<[1], [0], [0], [1], [0, 0, 1, 1], [], []>, transpose_lhs_hint = false} : vector<128x4224xf32>, vector<4224x8xf32>, vector<128x8xf32> -> vector<128x8xf32>
      %slice3A_257 = vector.extract_strided_slice %add3A_227 {offsets = [0, 8], sizes = [128, 8], strides = [1, 1]} : vector<128x16xf32> to vector<128x8xf32>
      %slice3A_258 = vector.extract_strided_slice %get3A_230 {offsets = [0, 8], sizes = [4224, 8], strides = [1, 1]} : vector<4224x16xf32> to vector<4224x8xf32>
      %dot_general3A_259 = arith.constant dense<0.000000e+00> : vector<128x4224xf32>
      %dot_general3A_260 = tpu.matmul %slice3A_257, %slice3A_258, %dot_general3A_259 {dimension_numbers = #tpu.dot_dimension_numbers<[1], [1], [0], [0], [0, 0, 1, 0], [], []>, transpose_lhs_hint = false} : vector<128x8xf32>, vector<4224x8xf32>, vector<128x4224xf32> -> vector<128x4224xf32>
      %mul3A_261 = arith.constant 0.353553385 : f32
      %mul3A_262 = vector.broadcast %mul3A_261 : f32 to vector<128x4224xf32>
      %mul3A_263 = arith.mulf %dot_general3A_260, %mul3A_262 : vector<128x4224xf32>
      %add3A_264 = vector.broadcast %select_n3A : vector<1x4224xf32> to vector<128x4224xf32>
      %add3A_265 = arith.addf %mul3A_263, %add3A_264 : vector<128x4224xf32>
      %reduce_max3A_266 = arith.constant dense<0xFF800000> : vector<128xf32>
      %reduce_max3A_267 = vector.multi_reduction <maximumf>, %add3A_265, %reduce_max3A_266 [1] : vector<128x4224xf32> to vector<128xf32>
      %broadcast_in_dim3A_268 = vector.shape_cast %reduce_max3A_267 : vector<128xf32> to vector<128x1xf32>
      %sub3A_269 = vector.broadcast %broadcast_in_dim3A_268 : vector<128x1xf32> to vector<128x4224xf32>
      %sub3A_270 = arith.subf %add3A_265, %sub3A_269 : vector<128x4224xf32>
      %exp3A_271 = math.exp %sub3A_270 : vector<128x4224xf32>
      %reduce_sum3A_272 = arith.constant dense<0.000000e+00> : vector<128xf32>
      %reduce_sum3A_273 = vector.multi_reduction <add>, %exp3A_271, %reduce_sum3A_272 [1] : vector<128x4224xf32> to vector<128xf32>
      %broadcast_in_dim3A_274 = vector.shape_cast %reduce_sum3A_273 : vector<128xf32> to vector<128x1xf32>
      %div3A_275 = vector.broadcast %broadcast_in_dim3A_274 : vector<128x1xf32> to vector<128x4224xf32>
      %div3A_276 = arith.divf %exp3A_271, %div3A_275 : vector<128x4224xf32>
      %slice3A_277 = vector.extract_strided_slice %get3A_233 {offsets = [0, 8], sizes = [4224, 8], strides = [1, 1]} : vector<4224x16xf32> to vector<4224x8xf32>
      %dot_general3A_278 = arith.constant dense<0.000000e+00> : vector<128x8xf32>
      %dot_general3A_279 = tpu.matmul %div3A_276, %slice3A_277, %dot_general3A_278 {dimension_numbers = #tpu.dot_dimension_numbers<[1], [0], [0], [1], [0, 0, 1, 1], [], []>, transpose_lhs_hint = false} : vector<128x4224xf32>, vector<4224x8xf32>, vector<128x8xf32> -> vector<128x8xf32>
      %concatenate3A_280 = tpu.concatenate %dot_general3A_256, %dot_general3A_279 in 1 : vector<128x8xf32>, vector<128x8xf32> -> vector<128x16xf32>
      %get3A_281 = arith.constant 0 : index
      %get3A_282 = arith.constant 0 : index
      %get3A_283 = vector.load %arg7[%get3A_281, %get3A_282] : memref<16x16xf32, #tpu.memory_space<vmem>>, vector<16x16xf32>
      %dot_general3A_284 = arith.constant dense<0.000000e+00> : vector<128x16xf32>
      %dot_general3A_285 = tpu.matmul %concatenate3A_280, %get3A_283, %dot_general3A_284 {dimension_numbers = #tpu.dot_dimension_numbers<[1], [0], [0], [1], [0, 0, 1, 1], [], []>, transpose_lhs_hint = false} : vector<128x16xf32>, vector<16x16xf32>, vector<128x16xf32> -> vector<128x16xf32>
      %get3A_286 = arith.constant 0 : index
      %get3A_287 = arith.constant 0 : index
      %get3A_288 = vector.load %arg8[%get3A_286, %get3A_287] : memref<1x16xf32, #tpu.memory_space<vmem>>, vector<1x16xf32>
      %add3A_289 = vector.broadcast %get3A_288 : vector<1x16xf32> to vector<128x16xf32>
      %add3A_290 = arith.addf %dot_general3A_285, %add3A_289 : vector<128x16xf32>
      %add3A_291 = arith.addf %get3A_217, %add3A_290 : vector<128x16xf32>
      %get3A_292 = arith.constant 0 : index
      %get3A_293 = arith.constant 0 : index
      %get3A_294 = vector.load %arg13[%get3A_292, %get3A_293] : memref<1x16xf32, #tpu.memory_space<vmem>>, vector<1x16xf32>
      %get3A_295 = arith.constant 0 : index
      %get3A_296 = arith.constant 0 : index
      %get3A_297 = vector.load %arg14[%get3A_295, %get3A_296] : memref<1x16xf32, #tpu.memory_space<vmem>>, vector<1x16xf32>
      %reduce_sum3A_298 = arith.constant dense<0.000000e+00> : vector<128xf32>
      %reduce_sum3A_299 = vector.multi_reduction <add>, %add3A_291, %reduce_sum3A_298 [1] : vector<128x16xf32> to vector<128xf32>
      %broadcast_in_dim3A_300 = vector.shape_cast %reduce_sum3A_299 : vector<128xf32> to vector<128x1xf32>
      %div3A_301 = arith.constant 1.600000e+01 : f32
      %div3A_302 = vector.broadcast %div3A_301 : f32 to vector<128x1xf32>
      %div3A_303 = arith.divf %broadcast_in_dim3A_300, %div3A_302 : vector<128x1xf32>
      %sub3A_304 = vector.broadcast %div3A_303 : vector<128x1xf32> to vector<128x16xf32>
      %sub3A_305 = arith.subf %add3A_291, %sub3A_304 : vector<128x16xf32>
      %mul3A_306 = arith.mulf %sub3A_305, %sub3A_305 : vector<128x16xf32>
      %reduce_sum3A_307 = arith.constant dense<0.000000e+00> : vector<128xf32>
      %reduce_sum3A_308 = vector.multi_reduction <add>, %mul3A_306, %reduce_sum3A_307 [1] : vector<128x16xf32> to vector<128xf32>
      %broadcast_in_dim3A_309 = vector.shape_cast %reduce_sum3A_308 : vector<128xf32> to vector<128x1xf32>
      %div3A_310 = arith.constant 1.600000e+01 : f32
      %div3A_311 = vector.broadcast %div3A_310 : f32 to vector<128x1xf32>
      %div3A_312 = arith.divf %broadcast_in_dim3A_309, %div3A_311 : vector<128x1xf32>
      %add3A_313 = arith.constant 9.99999974E-6 : f32
      %add3A_314 = vector.broadcast %add3A_313 : f32 to vector<128x1xf32>
      %add3A_315 = arith.addf %div3A_312, %add3A_314 : vector<128x1xf32>
      %rsqrt3A_316 = math.rsqrt %add3A_315 : vector<128x1xf32>
      %mul3A_317 = vector.broadcast %rsqrt3A_316 : vector<128x1xf32> to vector<128x16xf32>
      %mul3A_318 = arith.mulf %sub3A_305, %mul3A_317 : vector<128x16xf32>
      %mul3A_319 = vector.broadcast %get3A_294 : vector<1x16xf32> to vector<128x16xf32>
      %mul3A_320 = arith.mulf %mul3A_318, %mul3A_319 : vector<128x16xf32>
      %add3A_321 = vector.broadcast %get3A_297 : vector<1x16xf32> to vector<128x16xf32>
      %add3A_322 = arith.addf %mul3A_320, %add3A_321 : vector<128x16xf32>
      %get3A_323 = arith.constant 0 : index
      %get3A_324 = arith.constant 0 : index
      %get3A_325 = vector.load %arg9[%get3A_323, %get3A_324] : memref<16x32xf32, #tpu.memory_space<vmem>>, vector<16x32xf32>
      %dot_general3A_326 = arith.constant dense<0.000000e+00> : vector<128x32xf32>
      %dot_general3A_327 = tpu.matmul %add3A_322, %get3A_325, %dot_general3A_326 {dimension_numbers = #tpu.dot_dimension_numbers<[1], [0], [0], [1], [0, 0, 1, 1], [], []>, transpose_lhs_hint = false} : vector<128x16xf32>, vector<16x32xf32>, vector<128x32xf32> -> vector<128x32xf32>
      %get3A_328 = arith.constant 0 : index
      %get3A_329 = arith.constant 0 : index
      %get3A_330 = vector.load %arg10[%get3A_328, %get3A_329] : memref<1x32xf32, #tpu.memory_space<vmem>>, vector<1x32xf32>
      %add3A_331 = vector.broadcast %get3A_330 : vector<1x32xf32> to vector<128x32xf32>
      %add3A_332 = arith.addf %dot_general3A_327, %add3A_331 : vector<128x32xf32>
      %max3A_333 = arith.constant 0.000000e+00 : f32
      %max3A_334 = vector.broadcast %max3A_333 : f32 to vector<128x32xf32>
      %max3A_335 = arith.maximumf %add3A_332, %max3A_334 : vector<128x32xf32>
      %get3A_336 = arith.constant 0 : index
      %get3A_337 = arith.constant 0 : index
      %get3A_338 = vector.load %arg11[%get3A_336, %get3A_337] : memref<32x16xf32, #tpu.memory_space<vmem>>, vector<32x16xf32>
      %dot_general3A_339 = arith.constant dense<0.000000e+00> : vector<128x16xf32>
      %dot_general3A_340 = tpu.matmul %max3A_335, %get3A_338, %dot_general3A_339 {dimension_numbers = #tpu.dot_dimension_numbers<[1], [0], [0], [1], [0, 0, 1, 1], [], []>, transpose_lhs_hint = false} : vector<128x32xf32>, vector<32x16xf32>, vector<128x16xf32> -> vector<128x16xf32>
      %get3A_341 = arith.constant 0 : index
      %get3A_342 = arith.constant 0 : index
      %get3A_343 = vector.load %arg12[%get3A_341, %get3A_342] : memref<1x16xf32, #tpu.memory_space<vmem>>, vector<1x16xf32>
      %add3A_344 = vector.broadcast %get3A_343 : vector<1x16xf32> to vector<128x16xf32>
      %add3A_345 = arith.addf %dot_general3A_340, %add3A_344 : vector<128x16xf32>
      %add3A_346 = arith.addf %add3A_322, %add3A_345 : vector<128x16xf32>
      %get3A_347 = arith.constant 0 : index
      %get3A_348 = arith.constant 0 : index
      %get3A_349 = vector.load %arg15[%get3A_347, %get3A_348] : memref<1x16xf32, #tpu.memory_space<vmem>>, vector<1x16xf32>
      %get3A_350 = arith.constant 0 : index
      %get3A_351 = arith.constant 0 : index
      %get3A_352 = vector.load %arg16[%get3A_350, %get3A_351] : memref<1x16xf32, #tpu.memory_space<vmem>>, vector<1x16xf32>
      %reduce_sum3A_353 = arith.constant dense<0.000000e+00> : vector<128xf32>
      %reduce_sum3A_354 = vector.multi_reduction <add>, %add3A_346, %reduce_sum3A_353 [1] : vector<128x16xf32> to vector<128xf32>
      %broadcast_in_dim3A_355 = vector.shape_cast %reduce_sum3A_354 : vector<128xf32> to vector<128x1xf32>
      %div3A_356 = arith.constant 1.600000e+01 : f32
      %div3A_357 = vector.broadcast %div3A_356 : f32 to vector<128x1xf32>
      %div3A_358 = arith.divf %broadcast_in_dim3A_355, %div3A_357 : vector<128x1xf32>
      %sub3A_359 = vector.broadcast %div3A_358 : vector<128x1xf32> to vector<128x16xf32>
      %sub3A_360 = arith.subf %add3A_346, %sub3A_359 : vector<128x16xf32>
      %mul3A_361 = arith.mulf %sub3A_360, %sub3A_360 : vector<128x16xf32>
      %reduce_sum3A_362 = arith.constant dense<0.000000e+00> : vector<128xf32>
      %reduce_sum3A_363 = vector.multi_reduction <add>, %mul3A_361, %reduce_sum3A_362 [1] : vector<128x16xf32> to vector<128xf32>
      %broadcast_in_dim3A_364 = vector.shape_cast %reduce_sum3A_363 : vector<128xf32> to vector<128x1xf32>
      %div3A_365 = arith.constant 1.600000e+01 : f32
      %div3A_366 = vector.broadcast %div3A_365 : f32 to vector<128x1xf32>
      %div3A_367 = arith.divf %broadcast_in_dim3A_364, %div3A_366 : vector<128x1xf32>
      %add3A_368 = arith.constant 9.99999974E-6 : f32
      %add3A_369 = vector.broadcast %add3A_368 : f32 to vector<128x1xf32>
      %add3A_370 = arith.addf %div3A_367, %add3A_369 : vector<128x1xf32>
      %rsqrt3A_371 = math.rsqrt %add3A_370 : vector<128x1xf32>
      %mul3A_372 = vector.broadcast %rsqrt3A_371 : vector<128x1xf32> to vector<128x16xf32>
      %mul3A_373 = arith.mulf %sub3A_360, %mul3A_372 : vector<128x16xf32>
      %mul3A_374 = vector.broadcast %get3A_349 : vector<1x16xf32> to vector<128x16xf32>
      %mul3A_375 = arith.mulf %mul3A_373, %mul3A_374 : vector<128x16xf32>
      %add3A_376 = vector.broadcast %get3A_352 : vector<1x16xf32> to vector<128x16xf32>
      %add3A_377 = arith.addf %mul3A_375, %add3A_376 : vector<128x16xf32>
      %swap3A_378 = arith.index_cast %multiple_of3A : i32 to index
      %swap3A_379 = arith.constant 0 : index
      %swap3A_380 = vector.load %arg34[%swap3A_378, %swap3A_379] : memref<4224x16xf32, #tpu.memory_space<vmem>>, vector<128x16xf32>
      tpu.vector_store %arg34[%swap3A_378, %swap3A_379], %add3A_377 {strides = array<i32>} : memref<4224x16xf32, #tpu.memory_space<vmem>>, vector<128x16xf32>,
    }
    %scan3A_38 = arith.constant 33 : i32
    %get3A_39 = arith.constant 0 : index
    %get3A_40 = arith.constant 0 : index
    %get3A_41 = vector.load %arg34[%get3A_39, %get3A_40] : memref<4224x16xf32, #tpu.memory_space<vmem>>, vector<4224x16xf32>
    %get3A_42 = arith.constant 0 : index
    %get3A_43 = arith.constant 0 : index
    %get3A_44 = vector.load %arg19[%get3A_42, %get3A_43] : memref<16x16xf32, #tpu.memory_space<vmem>>, vector<16x16xf32>
    %dot_general3A_45 = arith.constant dense<0.000000e+00> : vector<4224x16xf32>
    %dot_general3A_46 = tpu.matmul %get3A_41, %get3A_44, %dot_general3A_45 {dimension_numbers = #tpu.dot_dimension_numbers<[1], [0], [0], [1], [0, 0, 1, 1], [], []>, transpose_lhs_hint = false} : vector<4224x16xf32>, vector<16x16xf32>, vector<4224x16xf32> -> vector<4224x16xf32>
    %get3A_47 = arith.constant 0 : index
    %get3A_48 = arith.constant 0 : index
    %get3A_49 = vector.load %arg20[%get3A_47, %get3A_48] : memref<1x16xf32, #tpu.memory_space<vmem>>, vector<1x16xf32>
    %add3A_50 = vector.broadcast %get3A_49 : vector<1x16xf32> to vector<4224x16xf32>
    %add3A_51 = arith.addf %dot_general3A_46, %add3A_50 : vector<4224x16xf32>
    %get3A_52 = arith.constant 0 : index
    %get3A_53 = arith.constant 0 : index
    %get3A_54 = vector.load %arg21[%get3A_52, %get3A_53] : memref<16x16xf32, #tpu.memory_space<vmem>>, vector<16x16xf32>
    %dot_general3A_55 = arith.constant dense<0.000000e+00> : vector<4224x16xf32>
    %dot_general3A_56 = tpu.matmul %get3A_41, %get3A_54, %dot_general3A_55 {dimension_numbers = #tpu.dot_dimension_numbers<[1], [0], [0], [1], [0, 0, 1, 1], [], []>, transpose_lhs_hint = false} : vector<4224x16xf32>, vector<16x16xf32>, vector<4224x16xf32> -> vector<4224x16xf32>
    %get3A_57 = arith.constant 0 : index
    %get3A_58 = arith.constant 0 : index
    %get3A_59 = vector.load %arg22[%get3A_57, %get3A_58] : memref<1x16xf32, #tpu.memory_space<vmem>>, vector<1x16xf32>
    %add3A_60 = vector.broadcast %get3A_59 : vector<1x16xf32> to vector<4224x16xf32>
    %add3A_61 = arith.addf %dot_general3A_56, %add3A_60 : vector<4224x16xf32>
    %get3A_62 = arith.constant 4096 : index
    %get3A_63 = arith.constant 0 : index
    %get3A_64 = vector.load %arg34[%get3A_62, %get3A_63] : memref<4224x16xf32, #tpu.memory_space<vmem>>, vector<8x16xf32>
    %get3A_65 = arith.constant 0 : index
    %get3A_66 = arith.constant 0 : index
    %get3A_67 = vector.load %arg17[%get3A_65, %get3A_66] : memref<16x16xf32, #tpu.memory_space<vmem>>, vector<16x16xf32>
    %dot_general3A_68 = arith.constant dense<0.000000e+00> : vector<8x16xf32>
    %dot_general3A_69 = tpu.matmul %get3A_64, %get3A_67, %dot_general3A_68 {dimension_numbers = #tpu.dot_dimension_numbers<[1], [0], [0], [1], [0, 0, 1, 1], [], []>, transpose_lhs_hint = false} : vector<8x16xf32>, vector<16x16xf32>, vector<8x16xf32> -> vector<8x16xf32>
    %get3A_70 = arith.constant 0 : index
    %get3A_71 = arith.constant 0 : index
    %get3A_72 = vector.load %arg18[%get3A_70, %get3A_71] : memref<1x16xf32, #tpu.memory_space<vmem>>, vector<1x16xf32>
    %add3A_73 = vector.broadcast %get3A_72 : vector<1x16xf32> to vector<8x16xf32>
    %add3A_74 = arith.addf %dot_general3A_69, %add3A_73 : vector<8x16xf32>
    %slice3A = vector.extract_strided_slice %add3A_74 {offsets = [0, 0], sizes = [8, 8], strides = [1, 1]} : vector<8x16xf32> to vector<8x8xf32>
    %slice3A_75 = vector.extract_strided_slice %add3A_51 {offsets = [0, 0], sizes = [4224, 8], strides = [1, 1]} : vector<4224x16xf32> to vector<4224x8xf32>
    %dot_general3A_76 = arith.constant dense<0.000000e+00> : vector<8x4224xf32>
    %dot_general3A_77 = tpu.matmul %slice3A, %slice3A_75, %dot_general3A_76 {dimension_numbers = #tpu.dot_dimension_numbers<[1], [1], [0], [0], [0, 0, 1, 0], [], []>, transpose_lhs_hint = false} : vector<8x8xf32>, vector<4224x8xf32>, vector<8x4224xf32> -> vector<8x4224xf32>
    %mul3A = arith.constant 0.353553385 : f32
    %mul3A_78 = vector.broadcast %mul3A : f32 to vector<8x4224xf32>
    %mul3A_79 = arith.mulf %dot_general3A_77, %mul3A_78 : vector<8x4224xf32>
    %add3A_80 = vector.broadcast %select_n3A : vector<1x4224xf32> to vector<8x4224xf32>
    %add3A_81 = arith.addf %mul3A_79, %add3A_80 : vector<8x4224xf32>
    %reduce_max3A = arith.constant dense<0xFF800000> : vector<8xf32>
    %reduce_max3A_82 = vector.multi_reduction <maximumf>, %add3A_81, %reduce_max3A [1] : vector<8x4224xf32> to vector<8xf32>
    %broadcast_in_dim3A_83 = vector.shape_cast %reduce_max3A_82 : vector<8xf32> to vector<8x1xf32>
    %sub3A = vector.broadcast %broadcast_in_dim3A_83 : vector<8x1xf32> to vector<8x4224xf32>
    %sub3A_84 = arith.subf %add3A_81, %sub3A : vector<8x4224xf32>
    %exp3A = math.exp %sub3A_84 : vector<8x4224xf32>
    %reduce_sum3A = arith.constant dense<0.000000e+00> : vector<8xf32>
    %reduce_sum3A_85 = vector.multi_reduction <add>, %exp3A, %reduce_sum3A [1] : vector<8x4224xf32> to vector<8xf32>
    %broadcast_in_dim3A_86 = vector.shape_cast %reduce_sum3A_85 : vector<8xf32> to vector<8x1xf32>
    %div3A = vector.broadcast %broadcast_in_dim3A_86 : vector<8x1xf32> to vector<8x4224xf32>
    %div3A_87 = arith.divf %exp3A, %div3A : vector<8x4224xf32>
    %slice3A_88 = vector.extract_strided_slice %add3A_61 {offsets = [0, 0], sizes = [4224, 8], strides = [1, 1]} : vector<4224x16xf32> to vector<4224x8xf32>
    %dot_general3A_89 = arith.constant dense<0.000000e+00> : vector<8x8xf32>
    %dot_general3A_90 = tpu.matmul %div3A_87, %slice3A_88, %dot_general3A_89 {dimension_numbers = #tpu.dot_dimension_numbers<[1], [0], [0], [1], [0, 0, 1, 1], [], []>, transpose_lhs_hint = false} : vector<8x4224xf32>, vector<4224x8xf32>, vector<8x8xf32> -> vector<8x8xf32>
    %slice3A_91 = vector.extract_strided_slice %add3A_74 {offsets = [0, 8], sizes = [8, 8], strides = [1, 1]} : vector<8x16xf32> to vector<8x8xf32>
    %slice3A_92 = vector.extract_strided_slice %add3A_51 {offsets = [0, 8], sizes = [4224, 8], strides = [1, 1]} : vector<4224x16xf32> to vector<4224x8xf32>
    %dot_general3A_93 = arith.constant dense<0.000000e+00> : vector<8x4224xf32>
    %dot_general3A_94 = tpu.matmul %slice3A_91, %slice3A_92, %dot_general3A_93 {dimension_numbers = #tpu.dot_dimension_numbers<[1], [1], [0], [0], [0, 0, 1, 0], [], []>, transpose_lhs_hint = false} : vector<8x8xf32>, vector<4224x8xf32>, vector<8x4224xf32> -> vector<8x4224xf32>
    %mul3A_95 = arith.constant 0.353553385 : f32
    %mul3A_96 = vector.broadcast %mul3A_95 : f32 to vector<8x4224xf32>
    %mul3A_97 = arith.mulf %dot_general3A_94, %mul3A_96 : vector<8x4224xf32>
    %add3A_98 = vector.broadcast %select_n3A : vector<1x4224xf32> to vector<8x4224xf32>
    %add3A_99 = arith.addf %mul3A_97, %add3A_98 : vector<8x4224xf32>
    %reduce_max3A_100 = arith.constant dense<0xFF800000> : vector<8xf32>
    %reduce_max3A_101 = vector.multi_reduction <maximumf>, %add3A_99, %reduce_max3A_100 [1] : vector<8x4224xf32> to vector<8xf32>
    %broadcast_in_dim3A_102 = vector.shape_cast %reduce_max3A_101 : vector<8xf32> to vector<8x1xf32>
    %sub3A_103 = vector.broadcast %broadcast_in_dim3A_102 : vector<8x1xf32> to vector<8x4224xf32>
    %sub3A_104 = arith.subf %add3A_99, %sub3A_103 : vector<8x4224xf32>
    %exp3A_105 = math.exp %sub3A_104 : vector<8x4224xf32>
    %reduce_sum3A_106 = arith.constant dense<0.000000e+00> : vector<8xf32>
    %reduce_sum3A_107 = vector.multi_reduction <add>, %exp3A_105, %reduce_sum3A_106 [1] : vector<8x4224xf32> to vector<8xf32>
    %broadcast_in_dim3A_108 = vector.shape_cast %reduce_sum3A_107 : vector<8xf32> to vector<8x1xf32>
    %div3A_109 = vector.broadcast %broadcast_in_dim3A_108 : vector<8x1xf32> to vector<8x4224xf32>
    %div3A_110 = arith.divf %exp3A_105, %div3A_109 : vector<8x4224xf32>
    %slice3A_111 = vector.extract_strided_slice %add3A_61 {offsets = [0, 8], sizes = [4224, 8], strides = [1, 1]} : vector<4224x16xf32> to vector<4224x8xf32>
    %dot_general3A_112 = arith.constant dense<0.000000e+00> : vector<8x8xf32>
    %dot_general3A_113 = tpu.matmul %div3A_110, %slice3A_111, %dot_general3A_112 {dimension_numbers = #tpu.dot_dimension_numbers<[1], [0], [0], [1], [0, 0, 1, 1], [], []>, transpose_lhs_hint = false} : vector<8x4224xf32>, vector<4224x8xf32>, vector<8x8xf32> -> vector<8x8xf32>
    %concatenate3A = tpu.concatenate %dot_general3A_90, %dot_general3A_113 in 1 : vector<8x8xf32>, vector<8x8xf32> -> vector<8x16xf32>
    %get3A_114 = arith.constant 0 : index
    %get3A_115 = arith.constant 0 : index
    %get3A_116 = vector.load %arg23[%get3A_114, %get3A_115] : memref<16x16xf32, #tpu.memory_space<vmem>>, vector<16x16xf32>
    %dot_general3A_117 = arith.constant dense<0.000000e+00> : vector<8x16xf32>
    %dot_general3A_118 = tpu.matmul %concatenate3A, %get3A_116, %dot_general3A_117 {dimension_numbers = #tpu.dot_dimension_numbers<[1], [0], [0], [1], [0, 0, 1, 1], [], []>, transpose_lhs_hint = false} : vector<8x16xf32>, vector<16x16xf32>, vector<8x16xf32> -> vector<8x16xf32>
    %get3A_119 = arith.constant 0 : index
    %get3A_120 = arith.constant 0 : index
    %get3A_121 = vector.load %arg24[%get3A_119, %get3A_120] : memref<1x16xf32, #tpu.memory_space<vmem>>, vector<1x16xf32>
    %add3A_122 = vector.broadcast %get3A_121 : vector<1x16xf32> to vector<8x16xf32>
    %add3A_123 = arith.addf %dot_general3A_118, %add3A_122 : vector<8x16xf32>
    %add3A_124 = arith.addf %get3A_64, %add3A_123 : vector<8x16xf32>
    %get3A_125 = arith.constant 0 : index
    %get3A_126 = arith.constant 0 : index
    %get3A_127 = vector.load %arg29[%get3A_125, %get3A_126] : memref<1x16xf32, #tpu.memory_space<vmem>>, vector<1x16xf32>
    %get3A_128 = arith.constant 0 : index
    %get3A_129 = arith.constant 0 : index
    %get3A_130 = vector.load %arg30[%get3A_128, %get3A_129] : memref<1x16xf32, #tpu.memory_space<vmem>>, vector<1x16xf32>
    %reduce_sum3A_131 = arith.constant dense<0.000000e+00> : vector<8xf32>
    %reduce_sum3A_132 = vector.multi_reduction <add>, %add3A_124, %reduce_sum3A_131 [1] : vector<8x16xf32> to vector<8xf32>
    %broadcast_in_dim3A_133 = vector.shape_cast %reduce_sum3A_132 : vector<8xf32> to vector<8x1xf32>
    %div3A_134 = arith.constant 1.600000e+01 : f32
    %div3A_135 = vector.broadcast %div3A_134 : f32 to vector<8x1xf32>
    %div3A_136 = arith.divf %broadcast_in_dim3A_133, %div3A_135 : vector<8x1xf32>
    %sub3A_137 = vector.broadcast %div3A_136 : vector<8x1xf32> to vector<8x16xf32>
    %sub3A_138 = arith.subf %add3A_124, %sub3A_137 : vector<8x16xf32>
    %mul3A_139 = arith.mulf %sub3A_138, %sub3A_138 : vector<8x16xf32>
    %reduce_sum3A_140 = arith.constant dense<0.000000e+00> : vector<8xf32>
    %reduce_sum3A_141 = vector.multi_reduction <add>, %mul3A_139, %reduce_sum3A_140 [1] : vector<8x16xf32> to vector<8xf32>
    %broadcast_in_dim3A_142 = vector.shape_cast %reduce_sum3A_141 : vector<8xf32> to vector<8x1xf32>
    %div3A_143 = arith.constant 1.600000e+01 : f32
    %div3A_144 = vector.broadcast %div3A_143 : f32 to vector<8x1xf32>
    %div3A_145 = arith.divf %broadcast_in_dim3A_142, %div3A_144 : vector<8x1xf32>
    %add3A_146 = arith.constant 9.99999974E-6 : f32
    %add3A_147 = vector.broadcast %add3A_146 : f32 to vector<8x1xf32>
    %add3A_148 = arith.addf %div3A_145, %add3A_147 : vector<8x1xf32>
    %rsqrt3A = math.rsqrt %add3A_148 : vector<8x1xf32>
    %mul3A_149 = vector.broadcast %rsqrt3A : vector<8x1xf32> to vector<8x16xf32>
    %mul3A_150 = arith.mulf %sub3A_138, %mul3A_149 : vector<8x16xf32>
    %mul3A_151 = vector.broadcast %get3A_127 : vector<1x16xf32> to vector<8x16xf32>
    %mul3A_152 = arith.mulf %mul3A_150, %mul3A_151 : vector<8x16xf32>
    %add3A_153 = vector.broadcast %get3A_130 : vector<1x16xf32> to vector<8x16xf32>
    %add3A_154 = arith.addf %mul3A_152, %add3A_153 : vector<8x16xf32>
    %get3A_155 = arith.constant 0 : index
    %get3A_156 = arith.constant 0 : index
    %get3A_157 = vector.load %arg25[%get3A_155, %get3A_156] : memref<16x32xf32, #tpu.memory_space<vmem>>, vector<16x32xf32>
    %dot_general3A_158 = arith.constant dense<0.000000e+00> : vector<8x32xf32>
    %dot_general3A_159 = tpu.matmul %add3A_154, %get3A_157, %dot_general3A_158 {dimension_numbers = #tpu.dot_dimension_numbers<[1], [0], [0], [1], [0, 0, 1, 1], [], []>, transpose_lhs_hint = false} : vector<8x16xf32>, vector<16x32xf32>, vector<8x32xf32> -> vector<8x32xf32>
    %get3A_160 = arith.constant 0 : index
    %get3A_161 = arith.constant 0 : index
    %get3A_162 = vector.load %arg26[%get3A_160, %get3A_161] : memref<1x32xf32, #tpu.memory_space<vmem>>, vector<1x32xf32>
    %add3A_163 = vector.broadcast %get3A_162 : vector<1x32xf32> to vector<8x32xf32>
    %add3A_164 = arith.addf %dot_general3A_159, %add3A_163 : vector<8x32xf32>
    %max3A = arith.constant 0.000000e+00 : f32
    %max3A_165 = vector.broadcast %max3A : f32 to vector<8x32xf32>
    %max3A_166 = arith.maximumf %add3A_164, %max3A_165 : vector<8x32xf32>
    %get3A_167 = arith.constant 0 : index
    %get3A_168 = arith.constant 0 : index
    %get3A_169 = vector.load %arg27[%get3A_167, %get3A_168] : memref<32x16xf32, #tpu.memory_space<vmem>>, vector<32x16xf32>
    %dot_general3A_170 = arith.constant dense<0.000000e+00> : vector<8x16xf32>
    %dot_general3A_171 = tpu.matmul %max3A_166, %get3A_169, %dot_general3A_170 {dimension_numbers = #tpu.dot_dimension_numbers<[1], [0], [0], [1], [0, 0, 1, 1], [], []>, transpose_lhs_hint = false} : vector<8x32xf32>, vector<32x16xf32>, vector<8x16xf32> -> vector<8x16xf32>
    %get3A_172 = arith.constant 0 : index
    %get3A_173 = arith.constant 0 : index
    %get3A_174 = vector.load %arg28[%get3A_172, %get3A_173] : memref<1x16xf32, #tpu.memory_space<vmem>>, vector<1x16xf32>
    %add3A_175 = vector.broadcast %get3A_174 : vector<1x16xf32> to vector<8x16xf32>
    %add3A_176 = arith.addf %dot_general3A_171, %add3A_175 : vector<8x16xf32>
    %add3A_177 = arith.addf %add3A_154, %add3A_176 : vector<8x16xf32>
    %get3A_178 = arith.constant 0 : index
    %get3A_179 = arith.constant 0 : index
    %get3A_180 = vector.load %arg31[%get3A_178, %get3A_179] : memref<1x16xf32, #tpu.memory_space<vmem>>, vector<1x16xf32>
    %get3A_181 = arith.constant 0 : index
    %get3A_182 = arith.constant 0 : index
    %get3A_183 = vector.load %arg32[%get3A_181, %get3A_182] : memref<1x16xf32, #tpu.memory_space<vmem>>, vector<1x16xf32>
    %reduce_sum3A_184 = arith.constant dense<0.000000e+00> : vector<8xf32>
    %reduce_sum3A_185 = vector.multi_reduction <add>, %add3A_177, %reduce_sum3A_184 [1] : vector<8x16xf32> to vector<8xf32>
    %broadcast_in_dim3A_186 = vector.shape_cast %reduce_sum3A_185 : vector<8xf32> to vector<8x1xf32>
    %div3A_187 = arith.constant 1.600000e+01 : f32
    %div3A_188 = vector.broadcast %div3A_187 : f32 to vector<8x1xf32>
    %div3A_189 = arith.divf %broadcast_in_dim3A_186, %div3A_188 : vector<8x1xf32>
    %sub3A_190 = vector.broadcast %div3A_189 : vector<8x1xf32> to vector<8x16xf32>
    %sub3A_191 = arith.subf %add3A_177, %sub3A_190 : vector<8x16xf32>
    %mul3A_192 = arith.mulf %sub3A_191, %sub3A_191 : vector<8x16xf32>
    %reduce_sum3A_193 = arith.constant dense<0.000000e+00> : vector<8xf32>
    %reduce_sum3A_194 = vector.multi_reduction <add>, %mul3A_192, %reduce_sum3A_193 [1] : vector<8x16xf32> to vector<8xf32>
    %broadcast_in_dim3A_195 = vector.shape_cast %reduce_sum3A_194 : vector<8xf32> to vector<8x1xf32>
    %div3A_196 = arith.constant 1.600000e+01 : f32
    %div3A_197 = vector.broadcast %div3A_196 : f32 to vector<8x1xf32>
    %div3A_198 = arith.divf %broadcast_in_dim3A_195, %div3A_197 : vector<8x1xf32>
    %add3A_199 = arith.constant 9.99999974E-6 : f32
    %add3A_200 = vector.broadcast %add3A_199 : f32 to vector<8x1xf32>
    %add3A_201 = arith.addf %div3A_198, %add3A_200 : vector<8x1xf32>
    %rsqrt3A_202 = math.rsqrt %add3A_201 : vector<8x1xf32>
    %mul3A_203 = vector.broadcast %rsqrt3A_202 : vector<8x1xf32> to vector<8x16xf32>
    %mul3A_204 = arith.mulf %sub3A_191, %mul3A_203 : vector<8x16xf32>
    %mul3A_205 = vector.broadcast %get3A_180 : vector<1x16xf32> to vector<8x16xf32>
    %mul3A_206 = arith.mulf %mul3A_204, %mul3A_205 : vector<8x16xf32>
    %add3A_207 = vector.broadcast %get3A_183 : vector<1x16xf32> to vector<8x16xf32>
    %add3A_208 = arith.addf %mul3A_206, %add3A_207 : vector<8x16xf32>
    %swap3A_209 = arith.constant 0 : index
    %swap3A_210 = arith.constant 0 : index
    %swap3A_211 = vector.load %arg33[%swap3A_209, %swap3A_210] : memref<8x16xf32, #tpu.memory_space<vmem>>, vector<8x16xf32>
    tpu.vector_store %arg33[%swap3A_209, %swap3A_210], %add3A_208 {strides = array<i32>} : memref<8x16xf32, #tpu.memory_space<vmem>>, vector<8x16xf32>,
    return
  }
}

module attributes {stable_mosaic.version = 14 : i64} {
  func.func @_ca_body(%arg0: memref<8192x16xf32, #tpu.memory_space<vmem>>, %arg1: memref<8192x16xf32, #tpu.memory_space<vmem>>, %arg2: memref<8x16xf32, #tpu.memory_space<vmem>>, %arg3: memref<16x16xf32, #tpu.memory_space<vmem>>, %arg4: memref<1x16xf32, #tpu.memory_space<vmem>>, %arg5: memref<16x16xf32, #tpu.memory_space<vmem>>, %arg6: memref<1x16xf32, #tpu.memory_space<vmem>>, %arg7: memref<16x16xf32, #tpu.memory_space<vmem>>, %arg8: memref<1x16xf32, #tpu.memory_space<vmem>>, %arg9: memref<16x16xf32, #tpu.memory_space<vmem>>, %arg10: memref<1x16xf32, #tpu.memory_space<vmem>>, %arg11: memref<16x16xf32, #tpu.memory_space<vmem>>, %arg12: memref<1x16xf32, #tpu.memory_space<vmem>>, %arg13: memref<16x16xf32, #tpu.memory_space<vmem>>, %arg14: memref<1x16xf32, #tpu.memory_space<vmem>>, %arg15: memref<32x16xf32, #tpu.memory_space<vmem>>, %arg16: memref<4096x16xf32, #tpu.memory_space<vmem>>, %arg17: memref<4096x16xf32, #tpu.memory_space<vmem>>) attributes {dimension_semantics = [], scalar_prefetch = 0 : i64, scratch_operands = 0 : i64, tpu.core_type = #tpu.core_type<tc>} {
    %get3A = arith.constant 0 : index
    %get3A_0 = arith.constant 0 : index
    %get3A_1 = vector.load %arg1[%get3A, %get3A_0] : memref<8192x16xf32, #tpu.memory_space<vmem>>, vector<4096x1xf32>
    %get3A_2 = arith.constant 4096 : index
    %get3A_3 = arith.constant 0 : index
    %get3A_4 = vector.load %arg1[%get3A_2, %get3A_3] : memref<8192x16xf32, #tpu.memory_space<vmem>>, vector<4096x1xf32>
    %add3A = arith.addf %get3A_1, %get3A_4 : vector<4096x1xf32>
    %get3A_5 = arith.constant 0 : index
    %get3A_6 = arith.constant 0 : index
    %get3A_7 = vector.load %arg0[%get3A_5, %get3A_6] : memref<8192x16xf32, #tpu.memory_space<vmem>>, vector<4096x16xf32>
    %get3A_8 = arith.constant 4096 : index
    %get3A_9 = arith.constant 0 : index
    %get3A_10 = vector.load %arg0[%get3A_8, %get3A_9] : memref<8192x16xf32, #tpu.memory_space<vmem>>, vector<4096x16xf32>
    %add3A_11 = arith.addf %get3A_7, %get3A_10 : vector<4096x16xf32>
    %max3A = arith.constant 1.000000e+00 : f32
    %max3A_12 = vector.broadcast %max3A : f32 to vector<4096x1xf32>
    %max3A_13 = arith.maximumf %add3A, %max3A_12 : vector<4096x1xf32>
    %div3A = vector.broadcast %max3A_13 : vector<4096x1xf32> to vector<4096x16xf32>
    %div3A_14 = arith.divf %add3A_11, %div3A : vector<4096x16xf32>
    %get3A_15 = arith.constant 0 : index
    %get3A_16 = arith.constant 0 : index
    %get3A_17 = vector.load %arg3[%get3A_15, %get3A_16] : memref<16x16xf32, #tpu.memory_space<vmem>>, vector<16x16xf32>
    %dot_general3A = arith.constant dense<0.000000e+00> : vector<4096x16xf32>
    %dot_general3A_18 = tpu.matmul %div3A_14, %get3A_17, %dot_general3A {dimension_numbers = #tpu.dot_dimension_numbers<[1], [0], [0], [1], [0, 0, 1, 1], [], []>, transpose_lhs_hint = false} : vector<4096x16xf32>, vector<16x16xf32>, vector<4096x16xf32> -> vector<4096x16xf32>
    %get3A_19 = arith.constant 0 : index
    %get3A_20 = arith.constant 0 : index
    %get3A_21 = vector.load %arg4[%get3A_19, %get3A_20] : memref<1x16xf32, #tpu.memory_space<vmem>>, vector<1x16xf32>
    %add3A_22 = vector.broadcast %get3A_21 : vector<1x16xf32> to vector<4096x16xf32>
    %add3A_23 = arith.addf %dot_general3A_18, %add3A_22 : vector<4096x16xf32>
    %get3A_24 = arith.constant 0 : index
    %get3A_25 = arith.constant 0 : index
    %get3A_26 = vector.load %arg2[%get3A_24, %get3A_25] : memref<8x16xf32, #tpu.memory_space<vmem>>, vector<8x16xf32>
    %get3A_27 = arith.constant 0 : index
    %get3A_28 = arith.constant 0 : index
    %get3A_29 = vector.load %arg5[%get3A_27, %get3A_28] : memref<16x16xf32, #tpu.memory_space<vmem>>, vector<16x16xf32>
    %dot_general3A_30 = arith.constant dense<0.000000e+00> : vector<8x16xf32>
    %dot_general3A_31 = tpu.matmul %get3A_26, %get3A_29, %dot_general3A_30 {dimension_numbers = #tpu.dot_dimension_numbers<[1], [0], [0], [1], [0, 0, 1, 1], [], []>, transpose_lhs_hint = false} : vector<8x16xf32>, vector<16x16xf32>, vector<8x16xf32> -> vector<8x16xf32>
    %get3A_32 = arith.constant 0 : index
    %get3A_33 = arith.constant 0 : index
    %get3A_34 = vector.load %arg6[%get3A_32, %get3A_33] : memref<1x16xf32, #tpu.memory_space<vmem>>, vector<1x16xf32>
    %add3A_35 = vector.broadcast %get3A_34 : vector<1x16xf32> to vector<8x16xf32>
    %add3A_36 = arith.addf %dot_general3A_31, %add3A_35 : vector<8x16xf32>
    %get3A_37 = arith.constant 0 : index
    %get3A_38 = arith.constant 0 : index
    %get3A_39 = vector.load %arg7[%get3A_37, %get3A_38] : memref<16x16xf32, #tpu.memory_space<vmem>>, vector<16x16xf32>
    %dot_general3A_40 = arith.constant dense<0.000000e+00> : vector<4096x16xf32>
    %dot_general3A_41 = tpu.matmul %add3A_23, %get3A_39, %dot_general3A_40 {dimension_numbers = #tpu.dot_dimension_numbers<[1], [0], [0], [1], [0, 0, 1, 1], [], []>, transpose_lhs_hint = false} : vector<4096x16xf32>, vector<16x16xf32>, vector<4096x16xf32> -> vector<4096x16xf32>
    %get3A_42 = arith.constant 0 : index
    %get3A_43 = arith.constant 0 : index
    %get3A_44 = vector.load %arg8[%get3A_42, %get3A_43] : memref<1x16xf32, #tpu.memory_space<vmem>>, vector<1x16xf32>
    %add3A_45 = vector.broadcast %get3A_44 : vector<1x16xf32> to vector<4096x16xf32>
    %add3A_46 = arith.addf %dot_general3A_41, %add3A_45 : vector<4096x16xf32>
    %get3A_47 = arith.constant 0 : index
    %get3A_48 = arith.constant 0 : index
    %get3A_49 = vector.load %arg9[%get3A_47, %get3A_48] : memref<16x16xf32, #tpu.memory_space<vmem>>, vector<16x16xf32>
    %dot_general3A_50 = arith.constant dense<0.000000e+00> : vector<4096x16xf32>
    %dot_general3A_51 = tpu.matmul %add3A_23, %get3A_49, %dot_general3A_50 {dimension_numbers = #tpu.dot_dimension_numbers<[1], [0], [0], [1], [0, 0, 1, 1], [], []>, transpose_lhs_hint = false} : vector<4096x16xf32>, vector<16x16xf32>, vector<4096x16xf32> -> vector<4096x16xf32>
    %get3A_52 = arith.constant 0 : index
    %get3A_53 = arith.constant 0 : index
    %get3A_54 = vector.load %arg10[%get3A_52, %get3A_53] : memref<1x16xf32, #tpu.memory_space<vmem>>, vector<1x16xf32>
    %add3A_55 = vector.broadcast %get3A_54 : vector<1x16xf32> to vector<4096x16xf32>
    %add3A_56 = arith.addf %dot_general3A_51, %add3A_55 : vector<4096x16xf32>
    %dot_general3A_57 = arith.constant dense<0.000000e+00> : vector<8x4096xf32>
    %dot_general3A_58 = tpu.matmul %add3A_36, %add3A_46, %dot_general3A_57 {dimension_numbers = #tpu.dot_dimension_numbers<[1], [1], [0], [0], [0, 0, 1, 0], [], []>, transpose_lhs_hint = false} : vector<8x16xf32>, vector<4096x16xf32>, vector<8x4096xf32> -> vector<8x4096xf32>
    %mul3A = arith.constant 2.500000e-01 : f32
    %mul3A_59 = vector.broadcast %mul3A : f32 to vector<8x4096xf32>
    %mul3A_60 = arith.mulf %dot_general3A_58, %mul3A_59 : vector<8x4096xf32>
    %reduce_max3A = arith.constant dense<0xFF800000> : vector<8xf32>
    %reduce_max3A_61 = vector.multi_reduction <maximumf>, %mul3A_60, %reduce_max3A [1] : vector<8x4096xf32> to vector<8xf32>
    %broadcast_in_dim3A = vector.shape_cast %reduce_max3A_61 : vector<8xf32> to vector<8x1xf32>
    %sub3A = vector.broadcast %broadcast_in_dim3A : vector<8x1xf32> to vector<8x4096xf32>
    %sub3A_62 = arith.subf %mul3A_60, %sub3A : vector<8x4096xf32>
    %exp3A = math.exp %sub3A_62 : vector<8x4096xf32>
    %reduce_sum3A = arith.constant dense<0.000000e+00> : vector<8xf32>
    %reduce_sum3A_63 = vector.multi_reduction <add>, %exp3A, %reduce_sum3A [1] : vector<8x4096xf32> to vector<8xf32>
    %broadcast_in_dim3A_64 = vector.shape_cast %reduce_sum3A_63 : vector<8xf32> to vector<8x1xf32>
    %div3A_65 = vector.broadcast %broadcast_in_dim3A_64 : vector<8x1xf32> to vector<8x4096xf32>
    %div3A_66 = arith.divf %exp3A, %div3A_65 : vector<8x4096xf32>
    %dot_general3A_67 = arith.constant dense<0.000000e+00> : vector<8x16xf32>
    %dot_general3A_68 = tpu.matmul %div3A_66, %add3A_56, %dot_general3A_67 {dimension_numbers = #tpu.dot_dimension_numbers<[1], [0], [0], [1], [0, 0, 1, 1], [], []>, transpose_lhs_hint = false} : vector<8x4096xf32>, vector<4096x16xf32>, vector<8x16xf32> -> vector<8x16xf32>
    %get3A_69 = arith.constant 0 : index
    %get3A_70 = arith.constant 0 : index
    %get3A_71 = vector.load %arg11[%get3A_69, %get3A_70] : memref<16x16xf32, #tpu.memory_space<vmem>>, vector<16x16xf32>
    %dot_general3A_72 = arith.constant dense<0.000000e+00> : vector<8x16xf32>
    %dot_general3A_73 = tpu.matmul %dot_general3A_68, %get3A_71, %dot_general3A_72 {dimension_numbers = #tpu.dot_dimension_numbers<[1], [0], [0], [1], [0, 0, 1, 1], [], []>, transpose_lhs_hint = false} : vector<8x16xf32>, vector<16x16xf32>, vector<8x16xf32> -> vector<8x16xf32>
    %get3A_74 = arith.constant 0 : index
    %get3A_75 = arith.constant 0 : index
    %get3A_76 = vector.load %arg12[%get3A_74, %get3A_75] : memref<1x16xf32, #tpu.memory_space<vmem>>, vector<1x16xf32>
    %add3A_77 = vector.broadcast %get3A_76 : vector<1x16xf32> to vector<8x16xf32>
    %add3A_78 = arith.addf %dot_general3A_73, %add3A_77 : vector<8x16xf32>
    %get3A_79 = arith.constant 0 : index
    %get3A_80 = arith.constant 0 : index
    %get3A_81 = vector.load %arg13[%get3A_79, %get3A_80] : memref<16x16xf32, #tpu.memory_space<vmem>>, vector<16x16xf32>
    %dot_general3A_82 = arith.constant dense<0.000000e+00> : vector<8x16xf32>
    %dot_general3A_83 = tpu.matmul %add3A_78, %get3A_81, %dot_general3A_82 {dimension_numbers = #tpu.dot_dimension_numbers<[1], [0], [0], [1], [0, 0, 1, 1], [], []>, transpose_lhs_hint = false} : vector<8x16xf32>, vector<16x16xf32>, vector<8x16xf32> -> vector<8x16xf32>
    %get3A_84 = arith.constant 0 : index
    %get3A_85 = arith.constant 0 : index
    %get3A_86 = vector.load %arg14[%get3A_84, %get3A_85] : memref<1x16xf32, #tpu.memory_space<vmem>>, vector<1x16xf32>
    %add3A_87 = vector.broadcast %get3A_86 : vector<1x16xf32> to vector<8x16xf32>
    %add3A_88 = arith.addf %dot_general3A_83, %add3A_87 : vector<8x16xf32>
    %slice3A = vector.extract_strided_slice %add3A_88 {offsets = [0, 0], sizes = [1, 16], strides = [1, 1]} : vector<8x16xf32> to vector<1x16xf32>
    %add3A_89 = vector.broadcast %slice3A : vector<1x16xf32> to vector<4096x16xf32>
    %add3A_90 = arith.addf %add3A_23, %add3A_89 : vector<4096x16xf32>
    %get3A_91 = arith.constant 0 : index
    %get3A_92 = arith.constant 0 : index
    %get3A_93 = vector.load %arg15[%get3A_91, %get3A_92] : memref<32x16xf32, #tpu.memory_space<vmem>>, vector<16x16xf32>
    %get3A_94 = arith.constant 16 : index
    %get3A_95 = arith.constant 0 : index
    %get3A_96 = vector.load %arg15[%get3A_94, %get3A_95] : memref<32x16xf32, #tpu.memory_space<vmem>>, vector<16x16xf32>
    %sub3A_97 = arith.subf %get3A_93, %get3A_96 : vector<16x16xf32>
    %get3A_98 = arith.constant 16 : index
    %get3A_99 = arith.constant 0 : index
    %get3A_100 = vector.load %arg15[%get3A_98, %get3A_99] : memref<32x16xf32, #tpu.memory_space<vmem>>, vector<16x16xf32>
    %dot_general3A_101 = arith.constant dense<0.000000e+00> : vector<4096x16xf32>
    %dot_general3A_102 = tpu.matmul %add3A_90, %sub3A_97, %dot_general3A_101 {dimension_numbers = #tpu.dot_dimension_numbers<[1], [0], [0], [1], [0, 0, 1, 1], [], []>, transpose_lhs_hint = false} : vector<4096x16xf32>, vector<16x16xf32>, vector<4096x16xf32> -> vector<4096x16xf32>
    %swap3A = arith.constant 0 : index
    %swap3A_103 = arith.constant 0 : index
    %swap3A_104 = vector.load %arg16[%swap3A, %swap3A_103] : memref<4096x16xf32, #tpu.memory_space<vmem>>, vector<4096x16xf32>
    tpu.vector_store %arg16[%swap3A, %swap3A_103], %dot_general3A_102 {strides = array<i32>} : memref<4096x16xf32, #tpu.memory_space<vmem>>, vector<4096x16xf32>,
    %dot_general3A_105 = arith.constant dense<0.000000e+00> : vector<4096x16xf32>
    %dot_general3A_106 = tpu.matmul %add3A_90, %get3A_100, %dot_general3A_105 {dimension_numbers = #tpu.dot_dimension_numbers<[1], [0], [0], [1], [0, 0, 1, 1], [], []>, transpose_lhs_hint = false} : vector<4096x16xf32>, vector<16x16xf32>, vector<4096x16xf32> -> vector<4096x16xf32>
    %swap3A_107 = arith.constant 0 : index
    %swap3A_108 = arith.constant 0 : index
    %swap3A_109 = vector.load %arg17[%swap3A_107, %swap3A_108] : memref<4096x16xf32, #tpu.memory_space<vmem>>, vector<4096x16xf32>
    tpu.vector_store %arg17[%swap3A_107, %swap3A_108], %dot_general3A_106 {strides = array<i32>} : memref<4096x16xf32, #tpu.memory_space<vmem>>, vector<4096x16xf32>,
    return
  }
}

module attributes {stable_mosaic.version = 14 : i64} {
  func.func @_dec_mlp_body(%arg0: i32, %arg1: memref<8192x16xf32, #tpu.memory_space<vmem>>, %arg2: memref<1x16xf32, #tpu.memory_space<vmem>>, %arg3: memref<16x32xf32, #tpu.memory_space<vmem>>, %arg4: memref<1x32xf32, #tpu.memory_space<vmem>>, %arg5: memref<32x16xf32, #tpu.memory_space<vmem>>, %arg6: memref<1x16xf32, #tpu.memory_space<vmem>>, %arg7: memref<8192x16xf32, #tpu.memory_space<vmem>>) attributes {dimension_semantics = [#tpu.dimension_semantics<arbitrary>], iteration_bounds = array<i64: 32>, scalar_prefetch = 0 : i64, scratch_operands = 0 : i64, tpu.core_type = #tpu.core_type<tc>, window_params = [{transform_indices = @transform_0, window_bounds = array<i64: 8192, 16>}, {pipeline_mode = #tpu.pipeline_mode<synchronous>, transform_indices = @transform_1, window_bounds = array<i64: 1, 16>}, {pipeline_mode = #tpu.pipeline_mode<synchronous>, transform_indices = @transform_2, window_bounds = array<i64: 16, 32>}, {pipeline_mode = #tpu.pipeline_mode<synchronous>, transform_indices = @transform_3, window_bounds = array<i64: 1, 32>}, {pipeline_mode = #tpu.pipeline_mode<synchronous>, transform_indices = @transform_4, window_bounds = array<i64: 32, 16>}, {pipeline_mode = #tpu.pipeline_mode<synchronous>, transform_indices = @transform_5, window_bounds = array<i64: 1, 16>}, {transform_indices = @transform_6, window_bounds = array<i64: 8192, 16>}]} {
    %get3A = arith.constant 0 : index
    %get3A_0 = arith.constant 0 : index
    %get3A_1 = vector.load %arg1[%get3A, %get3A_0] : memref<8192x16xf32, #tpu.memory_space<vmem>>, vector<8192x16xf32>
    %get3A_2 = arith.constant 0 : index
    %get3A_3 = arith.constant 0 : index
    %get3A_4 = vector.load %arg2[%get3A_2, %get3A_3] : memref<1x16xf32, #tpu.memory_space<vmem>>, vector<1x16xf32>
    %add3A = vector.broadcast %get3A_4 : vector<1x16xf32> to vector<8192x16xf32>
    %add3A_5 = arith.addf %get3A_1, %add3A : vector<8192x16xf32>
    %max3A = arith.constant 0.000000e+00 : f32
    %max3A_6 = vector.broadcast %max3A : f32 to vector<8192x16xf32>
    %max3A_7 = arith.maximumf %add3A_5, %max3A_6 : vector<8192x16xf32>
    %get3A_8 = arith.constant 0 : index
    %get3A_9 = arith.constant 0 : index
    %get3A_10 = vector.load %arg3[%get3A_8, %get3A_9] : memref<16x32xf32, #tpu.memory_space<vmem>>, vector<16x32xf32>
    %dot_general3A = arith.constant dense<0.000000e+00> : vector<8192x32xf32>
    %dot_general3A_11 = tpu.matmul %max3A_7, %get3A_10, %dot_general3A {dimension_numbers = #tpu.dot_dimension_numbers<[1], [0], [0], [1], [0, 0, 1, 1], [], []>, transpose_lhs_hint = false} : vector<8192x16xf32>, vector<16x32xf32>, vector<8192x32xf32> -> vector<8192x32xf32>
    %get3A_12 = arith.constant 0 : index
    %get3A_13 = arith.constant 0 : index
    %get3A_14 = vector.load %arg4[%get3A_12, %get3A_13] : memref<1x32xf32, #tpu.memory_space<vmem>>, vector<1x32xf32>
    %add3A_15 = vector.broadcast %get3A_14 : vector<1x32xf32> to vector<8192x32xf32>
    %add3A_16 = arith.addf %dot_general3A_11, %add3A_15 : vector<8192x32xf32>
    %max3A_17 = arith.constant 0.000000e+00 : f32
    %max3A_18 = vector.broadcast %max3A_17 : f32 to vector<8192x32xf32>
    %max3A_19 = arith.maximumf %add3A_16, %max3A_18 : vector<8192x32xf32>
    %get3A_20 = arith.constant 0 : index
    %get3A_21 = arith.constant 0 : index
    %get3A_22 = vector.load %arg5[%get3A_20, %get3A_21] : memref<32x16xf32, #tpu.memory_space<vmem>>, vector<32x16xf32>
    %dot_general3A_23 = arith.constant dense<0.000000e+00> : vector<8192x16xf32>
    %dot_general3A_24 = tpu.matmul %max3A_19, %get3A_22, %dot_general3A_23 {dimension_numbers = #tpu.dot_dimension_numbers<[1], [0], [0], [1], [0, 0, 1, 1], [], []>, transpose_lhs_hint = false} : vector<8192x32xf32>, vector<32x16xf32>, vector<8192x16xf32> -> vector<8192x16xf32>
    %get3A_25 = arith.constant 0 : index
    %get3A_26 = arith.constant 0 : index
    %get3A_27 = vector.load %arg6[%get3A_25, %get3A_26] : memref<1x16xf32, #tpu.memory_space<vmem>>, vector<1x16xf32>
    %add3A_28 = vector.broadcast %get3A_27 : vector<1x16xf32> to vector<8192x16xf32>
    %add3A_29 = arith.addf %dot_general3A_24, %add3A_28 : vector<8192x16xf32>
    %max3A_30 = arith.constant 0.000000e+00 : f32
    %max3A_31 = vector.broadcast %max3A_30 : f32 to vector<8192x16xf32>
    %max3A_32 = arith.maximumf %add3A_29, %max3A_31 : vector<8192x16xf32>
    %swap3A = arith.constant 0 : index
    %swap3A_33 = arith.constant 0 : index
    %swap3A_34 = vector.load %arg7[%swap3A, %swap3A_33] : memref<8192x16xf32, #tpu.memory_space<vmem>>, vector<8192x16xf32>
    tpu.vector_store %arg7[%swap3A, %swap3A_33], %max3A_32 {strides = array<i32>} : memref<8192x16xf32, #tpu.memory_space<vmem>>, vector<8192x16xf32>,
    return
  }
  func.func @transform_0(%arg0: i32) -> (i32, i32) {
    %c0_i32 = arith.constant 0 : i32
    %c0_i32_0 = arith.constant 0 : i32
    return %arg0, %c0_i32 : i32, i32
  }
  func.func @transform_1(%arg0: i32) -> (i32, i32) {
    %c0_i32 = arith.constant 0 : i32
    %c0_i32_0 = arith.constant 0 : i32
    %c0_i32_1 = arith.constant 0 : i32
    return %c0_i32, %c0_i32_0 : i32, i32
  }
  func.func @transform_2(%arg0: i32) -> (i32, i32) {
    %c0_i32 = arith.constant 0 : i32
    %c0_i32_0 = arith.constant 0 : i32
    %c0_i32_1 = arith.constant 0 : i32
    return %c0_i32, %c0_i32_0 : i32, i32
  }
  func.func @transform_3(%arg0: i32) -> (i32, i32) {
    %c0_i32 = arith.constant 0 : i32
    %c0_i32_0 = arith.constant 0 : i32
    %c0_i32_1 = arith.constant 0 : i32
    return %c0_i32, %c0_i32_0 : i32, i32
  }
  func.func @transform_4(%arg0: i32) -> (i32, i32) {
    %c0_i32 = arith.constant 0 : i32
    %c0_i32_0 = arith.constant 0 : i32
    %c0_i32_1 = arith.constant 0 : i32
    return %c0_i32, %c0_i32_0 : i32, i32
  }
  func.func @transform_5(%arg0: i32) -> (i32, i32) {
    %c0_i32 = arith.constant 0 : i32
    %c0_i32_0 = arith.constant 0 : i32
    %c0_i32_1 = arith.constant 0 : i32
    return %c0_i32, %c0_i32_0 : i32, i32
  }
  func.func @transform_6(%arg0: i32) -> (i32, i32) {
    %c0_i32 = arith.constant 0 : i32
    %c0_i32_0 = arith.constant 0 : i32
    return %arg0, %c0_i32 : i32, i32
  }
}

module attributes {stable_mosaic.version = 14 : i64} {
  func.func @_final_body(%arg0: memref<8192x16xf32, #tpu.memory_space<vmem>>, %arg1: memref<8192x16xf32, #tpu.memory_space<vmem>>, %arg2: memref<16x128xf32, #tpu.memory_space<vmem>>, %arg3: memref<1x128xf32, #tpu.memory_space<vmem>>, %arg4: memref<4096x128xf32, #tpu.memory_space<vmem>>) attributes {dimension_semantics = [], scalar_prefetch = 0 : i64, scratch_operands = 0 : i64, tpu.core_type = #tpu.core_type<tc>} {
    %get3A = arith.constant 0 : index
    %get3A_0 = arith.constant 0 : index
    %get3A_1 = vector.load %arg1[%get3A, %get3A_0] : memref<8192x16xf32, #tpu.memory_space<vmem>>, vector<4096x1xf32>
    %get3A_2 = arith.constant 4096 : index
    %get3A_3 = arith.constant 0 : index
    %get3A_4 = vector.load %arg1[%get3A_2, %get3A_3] : memref<8192x16xf32, #tpu.memory_space<vmem>>, vector<4096x1xf32>
    %add3A = arith.addf %get3A_1, %get3A_4 : vector<4096x1xf32>
    %get3A_5 = arith.constant 0 : index
    %get3A_6 = arith.constant 0 : index
    %get3A_7 = vector.load %arg0[%get3A_5, %get3A_6] : memref<8192x16xf32, #tpu.memory_space<vmem>>, vector<4096x16xf32>
    %get3A_8 = arith.constant 4096 : index
    %get3A_9 = arith.constant 0 : index
    %get3A_10 = vector.load %arg0[%get3A_8, %get3A_9] : memref<8192x16xf32, #tpu.memory_space<vmem>>, vector<4096x16xf32>
    %add3A_11 = arith.addf %get3A_7, %get3A_10 : vector<4096x16xf32>
    %max3A = arith.constant 1.000000e+00 : f32
    %max3A_12 = vector.broadcast %max3A : f32 to vector<4096x1xf32>
    %max3A_13 = arith.maximumf %add3A, %max3A_12 : vector<4096x1xf32>
    %div3A = vector.broadcast %max3A_13 : vector<4096x1xf32> to vector<4096x16xf32>
    %div3A_14 = arith.divf %add3A_11, %div3A : vector<4096x16xf32>
    %get3A_15 = arith.constant 0 : index
    %get3A_16 = arith.constant 0 : index
    %get3A_17 = vector.load %arg2[%get3A_15, %get3A_16] : memref<16x128xf32, #tpu.memory_space<vmem>>, vector<16x128xf32>
    %dot_general3A = arith.constant dense<0.000000e+00> : vector<4096x128xf32>
    %dot_general3A_18 = tpu.matmul %div3A_14, %get3A_17, %dot_general3A {dimension_numbers = #tpu.dot_dimension_numbers<[1], [0], [0], [1], [0, 0, 1, 1], [], []>, transpose_lhs_hint = false} : vector<4096x16xf32>, vector<16x128xf32>, vector<4096x128xf32> -> vector<4096x128xf32>
    %get3A_19 = arith.constant 0 : index
    %get3A_20 = arith.constant 0 : index
    %get3A_21 = vector.load %arg3[%get3A_19, %get3A_20] : memref<1x128xf32, #tpu.memory_space<vmem>>, vector<1x128xf32>
    %min3A = arith.constant 1.000000e+00 : f32
    %min3A_22 = vector.broadcast %min3A : f32 to vector<4096x1xf32>
    %min3A_23 = arith.minimumf %add3A, %min3A_22 : vector<4096x1xf32>
    %mul3A = vector.broadcast %get3A_21 : vector<1x128xf32> to vector<4096x128xf32>
    %mul3A_24 = vector.broadcast %min3A_23 : vector<4096x1xf32> to vector<4096x128xf32>
    %mul3A_25 = arith.mulf %mul3A, %mul3A_24 : vector<4096x128xf32>
    %add3A_26 = arith.addf %dot_general3A_18, %mul3A_25 : vector<4096x128xf32>
    %swap3A = arith.constant 0 : index
    %swap3A_27 = arith.constant 0 : index
    %swap3A_28 = vector.load %arg4[%swap3A, %swap3A_27] : memref<4096x128xf32, #tpu.memory_space<vmem>>, vector<4096x128xf32>
    tpu.vector_store %arg4[%swap3A, %swap3A_27], %add3A_26 {strides = array<i32>} : memref<4096x128xf32, #tpu.memory_space<vmem>>, vector<4096x128xf32>,
    return
  }
}

</mosaic_0001>

<sc_bundles>
// kernel: kernel.12.cloned.1.call-start
scs
__scs_entry_jumppad:
0x0: {  	(pc) =	sbr.rel $0x88, $3  }
0x1: {  	(tag) =	ssettag $0x0;
	lr =	simm.s32 $0x1  }
0x2: {  	[smem:$0x3F5D] =	sst lr;
	_ =	strace $0xD0000000  }
0x3: {  	_ = 	snop  }
0x4: {  	_ = 	snop  }
0x5: {  	_ = 	snop  }
0x6: {  	_ = 	snop  }
0x7: {  	_ = 	snop  }
__scs_overlays_trampoline_lowered:
0x8: {  	[smem:$0x3F6C] =	sst s0  }
0x9: {  	[smem:$0x3F6D] =	sst s1  }
0xa: {  	[smem:$0x3F6E] =	sst s2  }
0xb: {  	[smem:$0x3F6F] =	sst s3  }
0xc: {  	[smem:$0x3F70] =	sst s4  }
0xd: {  	[smem:$0x3F71] =	sst s5  }
0xe: {  	[smem:$0x3F72] =	sst s6  }
0xf: {  	[smem:$0x3F73] =	sst s7  }
0x10: {  	[smem:$0x3F74] =	sst s8  }
0x11: {  	[smem:$0x3F75] =	sst s9;
	s0 =	simm.s32 @!p0 $0x0  }
0x12: {  	s1 =	sld [smem:$0x3F5B];
	s0 =	simm.s32 @p0 $0x1  }
0x13: {  	[smem:$0x3F76] =	sst s0;
	s0 =	simm.s32 @!p1 $0x0  }
0x14: {  	s2 =	sld [smem:$0x3F5A];
	s0 =	simm.s32 @p1 $0x1  }
0x15: {  	[smem:$0x3F77] =	sst s0;
	s0 =	simm.s32 @!p2 $0x0  }
0x16: {  	s3 =	sld [smem:$0x3FDB];
	s0 =	simm.s32 @p2 $0x1  }
0x17: {  	s4 =	simm.s32 $0x1BF5;
	[smem:$0x3F79] =	sst s0  }
0x18: {  	s0 =	sld [smem:$0x3F5C];
	_ =	swait.ge [sflag:s4], $0x0  }
0x19: {  	s7 =	sld [smem:$0x3F5D]  }
0x1a: {  	s8 =	sadd.s32 $0xFFFFE003, lr  }
0x1b: {  	s9 =	sadd.s32 $0xFFFFFEF7, lr;
	s5 =	simm.s32 $0xFFFFFFFF;
	p2 =	slt.u32 s8, $0xFFFFF086  }
0x1c: {  	p1 =	slt.u32 s9, $0xF7A;
	s5 =	simm.s32 @!p2 $0x0  }
0x1d: {  	s5 =	simm.s32 @p1 $0x1;
	p0 =	seq.s32 s7, s2  }
0x1e: {  	s7 =	smul.u32 @!p0 $0xF7A, s2;
	p2 =	seq.s32 @!p0 s5, $0x0  }
0x1f: {  	s9 =	smul.u32 $0xF7A, s1;
	s8 =	simm.s32 @!p0 $0x1BF5;
	p2 =	por !p2, p0  }
0x20: {  	[sflag:s8] =	ssyncset.s32 @!p0 $0xFFFFF086;
	s6 =	sadd.s32 @!p0 s3, s7;
	s7 =	simm.s32 @!p0 $0x108  }
0x21: {  	s3 =	sadd.s32 s3, s9;
	s6 =	sadd.s32 @!p0 $0x88, s6;
	s7 =	simm.s32 @p2 $0x1082  }
0x22: {  	[simem:s7], [sflag:s8] =	dma.local @!p0 [hbm:s6], $0xF7A  }
0x23: {  	s9 =	sor.u32 $0xD0000000, s2;
	s6 =	simm.s32 $0x108;
	_ =	swait.ge @!p0 [sflag:s8], $0x0  }
0x24: {  	s3 =	sadd.s32 $0x88, s3;
	s6 =	simm.s32 @!p1 $0x1082;
	[sflag:s4] =	ssyncset.s32 $0xFFFFF086  }
0x25: {  	[simem:s6], [sflag:s4] =	dma.local [hbm:s3], $0xF7A  }
0x26: {  	[smem:$0x3F5D] =	sst s1;
	(tag) =	ssettag s2;
	_ =	strace s9  }
0x27: {  	s1 =	sld [smem:$0x3F6D]  }
0x28: {  	s2 =	sld [smem:$0x3F6E]  }
0x29: {  	s4 =	sld [smem:$0x3F70]  }
0x2a: {  	p0 =	seq.s32 s5, $0x0;
	s5 =	sld [smem:$0x3F71]  }
0x2b: {  	s6 =	sld [smem:$0x3F72]  }
0x2c: {  	s7 =	sld [smem:$0x3F73]  }
0x2d: {  	s3 =	simm.s32 $0x108;
	s8 =	sld [smem:$0x3F74]  }
0x2e: {  	s3 =	simm.s32 @!p0 $0x1082;
	s9 =	sld [smem:$0x3F75]  }
0x2f: {  	lr =	sadd.s32 s0, s3;
	s0 =	sld [smem:$0x3F6C]  }
0x30: {  	s3 =	sld [smem:$0x3F6F]  }
0x31: {  	[smem:$0x3F78] =	sst s10  }
0x32: {  	s10 =	sld [smem:$0x3F76];
	_ =	sdelay $0x3  }
0x33: {  	p0 =	seq.s32 s10, $0x1;
	s10 =	sld [smem:$0x3F78];
	_ =	sdelay $0x3  }
0x34: {  	[smem:$0x3F78] =	sst s10  }
0x35: {  	s10 =	sld [smem:$0x3F77];
	_ =	sdelay $0x3  }
0x36: {  	p1 =	seq.s32 s10, $0x1;
	s10 =	sld [smem:$0x3F78];
	_ =	sdelay $0x3  }
0x37: {  	[smem:$0x3F78] =	sst s10  }
0x38: {  	s10 =	sld [smem:$0x3F79]  }
0x39: {  	_ = 	snop;
	(pc) =	sbr.ind lr, $3  }
0x3a: {  	_ = 	snop  }
0x3b: {  	_ = 	snop  }
0x3c: {  	p2 =	seq.s32 s10, $0x1;
	s10 =	sld [smem:$0x3F78]  }
0x3d: {  	_ =	shalt  }
0x3e: {  	_ =	shalt  }
0x3f: {  	_ =	shalt  }
0x40: {  	_ =	shalt  }
0x41: {  	_ =	shalt  }
0x42: {  	_ =	shalt  }
0x43: {  	_ =	shalt  }
0x44: {  	_ =	shalt  }
0x45: {  	_ =	shalt  }
0x46: {  	_ =	shalt  }
0x47: {  	_ =	shalt  }
0x48: {  	_ =	shalt  }
0x49: {  	_ =	shalt  }
0x4a: {  	_ =	shalt  }
0x4b: {  	_ =	shalt  }
0x4c: {  	_ =	shalt  }
0x4d: {  	_ =	shalt  }
0x4e: {  	_ =	shalt  }
0x4f: {  	_ =	shalt  }
0x50: {  	_ =	shalt  }
0x51: {  	_ =	shalt  }
0x52: {  	_ =	shalt  }
0x53: {  	_ =	shalt  }
0x54: {  	_ =	shalt  }
0x55: {  	_ =	shalt  }
0x56: {  	_ =	shalt  }
0x57: {  	_ =	shalt  }
0x58: {  	_ =	shalt  }
0x59: {  	_ =	shalt  }
0x5a: {  	_ =	shalt  }
0x5b: {  	_ =	shalt  }
0x5c: {  	_ =	shalt  }
0x5d: {  	_ =	shalt  }
0x5e: {  	_ =	shalt  }
0x5f: {  	_ =	shalt  }
0x60: {  	_ =	shalt  }
0x61: {  	_ =	shalt  }
0x62: {  	_ =	shalt  }
0x63: {  	_ =	shalt  }
0x64: {  	_ =	shalt  }
0x65: {  	_ =	shalt  }
0x66: {  	_ =	shalt  }
0x67: {  	_ =	shalt  }
0x68: {  	_ =	shalt  }
0x69: {  	_ =	shalt  }
0x6a: {  	_ =	shalt  }
0x6b: {  	_ =	shalt  }
0x6c: {  	_ =	shalt  }
0x6d: {  	_ =	shalt  }
0x6e: {  	_ =	shalt  }
0x6f: {  	_ =	shalt  }
0x70: {  	_ =	shalt  }
0x71: {  	_ =	shalt  }
0x72: {  	_ =	shalt  }
0x73: {  	_ =	shalt  }
0x74: {  	_ =	shalt  }
0x75: {  	_ =	shalt  }
0x76: {  	_ =	shalt  }
0x77: {  	_ =	shalt  }
0x78: {  	_ =	shalt  }
0x79: {  	_ =	shalt  }
0x7a: {  	_ =	shalt  }
0x7b: {  	_ =	shalt  }
0x7c: {  	_ =	shalt  }
0x7d: {  	_ =	shalt  }
0x7e: {  	_ =	shalt  }
0x7f: {  	_ =	shalt  }
0x80: {  	_ =	shalt  }
0x81: {  	_ =	shalt  }
0x82: {  	_ =	shalt  }
0x83: {  	_ =	shalt  }
0x84: {  	_ =	shalt  }
0x85: {  	_ =	shalt  }
0x86: {  	_ =	shalt  }
0x87: {  	_ =	shalt  }
.Lfunc_end0:
.L_simem_size_0:
called_computation_lowered:
.L_overlay_start_0:
0x88: {  	s2 =	sld [smem:$0x3FD9]  }
0x89: {  	s3 =	sld [smem:$0x3FFE];
	_ =	sdelay $0x1  }
0x8a: {  	s1 =	srdreg.scid  }
0x8b: {  	s0 =	sand.u32 $0x1, s1  }
0x8c: {  	s16 =	sshll.u32 s0, $0xA;
	s2 =	sadd.s32 s3, s2  }
0x8d: {  	s2 =	sadd.s32 s2, s16  }
0x8e: {  	[smem:$0x3F84] =	sst s2  }
0x8f: {  	_ = 	snop  }
0x90: {  	(tm) =	ssettm $0x1  }
0x91: {  	s17 =	sld [smem:$0x3FFB];
	_ =	sdelay $0x3  }
0x92: {  	_ =	strace s17  }
0x93: {  	s2 =	sld [smem:$0x3FFC];
	_ =	sdelay $0x3  }
0x94: {  	_ =	strace s2  }
0x95: {  	s2 =	sld [smem:$0x3FFD];
	_ =	sdelay $0x3  }
0x96: {  	_ =	strace s2  }
0x97: {  	_ =	strace $0x8FFFFFFF  }
0x98: {  	s18 =	sld [smem:$0x3FDB];
	_ =	sdelay $0x1  }
0x99: {  	s19 =	simm.s32 $_scs_section_size  }
0x9a: {  	s4 =	simm.s32 $_size__tile_overlayer_lowered;
	s5 =	simm.s32 $_tile_overlayer_lowered  }
0x9b: {  	s22 =	simm.s32 $0x1BFF;
	s21 =	sshll.u32 s5, $0x1;
	s2 =	sadd.s32 s19, s18  }
0x9c: {  	s6 =	simm.s32 $0x0;
	s20 =	sshll.u32 s4, $0x1;
	s4 =	sadd.s32 s21, s2  }
0x9d: {  	[timem:s6], [sflag:s22] =	dma.local [hbm:s4], s20  }
0x9e: {  	_ =	swait.ge [sflag:s22], s20  }
0x9f: {  	s3 =	ssub.s32 $0x0, s20;
	[sflag:s22] =	ssyncset.done $0x0  }
0xa0: {  	[sflag:s22] =	ssyncadd.s32 s3;
	_ =	sdelay $0x1  }
0xa1: {  	s23 =	simm.s32 $0x1B8B  }
0xa2: {  	_ =	swait.ge [sflag:s23], $0x1  }
0xa3: {  	[sflag:s23] =	ssyncset.done $0x0  }
0xa4: {  	s25 =	simm.s32 $0x1B8E;
	s24 =	sld [smem:$0x3FFE];
	[sflag:s23] =	ssyncadd.s32 $0xFFFFFFFF  }
0xa5: {  	s26 =	simm.s32 $execute0_lowered;
	[smem:$0x3FD2] =	sst s25  }
0xa6: {  	s4 =	sshll.u32 s26, $0x1;
	_ =	strace $0x80000046;
	[dreg:$0x1] =	wrdreg $0xFFFFFFFF  }
0xa7: {  	s28 =	simm.s32 $_size_execute0_lowered;
	s2 =	sadd.s32 s2, s4;
	[dreg:$0x0] =	wrdreg $0x0  }
0xa8: {  	s4 =	sshll.u32 s28, $0x1;
	[dreg:$0x2] =	wrdreg s2  }
0xa9: {  	[dreg:$0x3] =	wrdreg s4  }
0xaa: {  	[dreg:$0x4] =	wrdreg $0xC0  }
0xab: {  	_ =	task [dreg:s6], $0x5FFFF  }
0xac: {  	[dreg:$0x1] =	wrdreg $0xFFFFFFFF  }
0xad: {  	[dreg:$0x0] =	wrdreg $0x60  }
0xae: {  	[dreg:$0x2] =	wrdreg s24  }
0xaf: {  	[dreg:$0x3] =	wrdreg $0x9  }
0xb0: {  	_ =	task.clear_ibuf [dreg:s6], $0x4FFFF;
	_ =	strace $0x90000046  }
0xb1: {  	s29 =	simm.s32 $0x9;
	_ =	strace $0x80000048  }
0xb2: {  	_ =	swait.ge [sflag:s29], $0x1  }
0xb3: {  	[sflag:s29] =	ssyncadd.s32 $0xFFFFFFFF  }
0xb4: {  	_ =	strace $0x90000048  }
0xb5: {  	_ =	sfence  }
0xb6: {  	s30 =	sld [smem:$0x0];
	_ =	sdelay $0x2  }
0xb7: {  	s31 =	sshll.u32 s1, $0xD;
	s1 =	sshrl.u32 s1, $0x2  }
0xb8: {  	s3 =	sand.u32 $0x4000, s31;
	s1 =	sadd.s32 s1, s30  }
0xb9: {  	s0 =	sor.u32 s3, s0;
	s1 =	sshll.u32 s1, $0x11  }
0xba: {  	s0 =	sor.u32 s1, s0  }
0xbb: {  	s0 =	sadd.s32 $0x8F2B, s0  }
0xbc: {  	[sflag:s0] =	ssyncadd.remote.s32 $0x1  }
0xbd: {  	_ =	sfence.sel $0xFFFF  }
0xbe: {  	[dreg:$0x0] =	wrdreg $0xFFFFFFFF;
	(pc) =	sbr.abs _section_cstart, $3  }
0xbf: {  	[dreg:$0x1] =	wrdreg $0xFFFFFFFF  }
0xc0: {  	_ =	task.clear_ibuf [dreg:s6], $0x2FFFF;
	_ =	strace $0x9FFFFFFF  }
0xc1: {  	(tm) =	ssettm $0x7FFFFFFF  }
tec
execute0_lowered:
.L_overlay_start_1:
0x0: {  	(tag) =	ssettag $0x1  }
0x1: {  	s4 =	rddreg [dreg:$0x0]  }
0x2: {  	s0 =	rddreg [dreg:$0x1]  }
0x3: {  	s2 =	simm.s32 $0x0;
	s3 =	srdreg.scid;
	s1 =	stileid.u32  }
0x4: {  	s9 =	simm.s32 $0x2800;
	s26 =	simm.s32 $0x3000;
	s28 =	simm.s32 $0x3800  }
0x5: {  	s29 =	simm.s32 $0x4000;
	s30 =	simm.s32 $0x4800;
	s31 =	simm.s32 $0x5000  }
0x6: {  	s10 =	simm.s32 $0x5800;
	s11 =	simm.s32 $0x6800;
	s12 =	simm.s32 $0x7000  }
0x7: {  	s13 =	simm.s32 $0x7800;
	s14 =	simm.s32 $0x8000;
	[smem:$0x7FF] =	sst s2  }
0x8: {  	s15 =	simm.s32 $0x8800;
	_ =	strace $0x80000047;
	[dreg:$0x2] =	wrdreg s9  }
0x9: {  	s16 =	simm.s32 $0x9000;
	s17 =	simm.s32 $0x9800;
	[dreg:$0x3] =	wrdreg s26  }
0xa: {  	s18 =	simm.s32 $0x1;
	s19 =	simm.s32 $0x0;
	[dreg:$0x4] =	wrdreg s28  }
0xb: {  	s6 =	sand.u32 $0x1, s3;
	s3 =	sadd.s32 $0x1B800, s4;
	[dreg:$0x5] =	wrdreg s29  }
0xc: {  	s5 =	sshll.u32 s1, $0xB;
	s24 =	sshll.u32 s1, $0xF;
	[dreg:$0x6] =	wrdreg s30  }
0xd: {  	s7 =	sshll.u32 s6, $0xA;
	s8 =	ssub.s32 $0x2, s6;
	[dreg:$0x7] =	wrdreg s31  }
0xe: {  	s6 =	sshll.u32 s6, $0xE;
	s9 =	simm.s32 $0x2000;
	[dreg:$0x8] =	wrdreg s10  }
0xf: {  	s10 =	simm.s32 $0x6000;
	s5 =	sor.u32 s7, s5;
	s25 =	sshrl.u32 s8, $0x1  }
0x10: {  	s7 =	sadd.s32 s24, s4;
	s5 =	sadd.s32 s5, s4;
	s8 =	ssub.s32 s8, s25  }
0x11: {  	s6 =	sadd.s32 s6, s7;
	s7 =	simm.s32 $0x2;
	s4 =	sadd.s32 $0x13800, s5  }
0x12: {  	s5 =	smax.u32 s8, $0x1;
	s6 =	sadd.s32 $0x1D800, s6;
	s8 =	simm.s32 $0x80  }
.LBB2_1:
0x13: {  	[tilespmem:s2], [sflag:$0x2] =	stream.linear.gather [hbm4b:s4+s2], $0x2000, $0x38;
	[tilespmem:$0xA000] =	vst v63  }
0x14: {  	_ =	swait.ge [sflag:s7], $0x2000  }
0x15: {  	[sflag:s7] =	ssyncset.done $0x0  }
0x16: {  	s20 =	simm.s32 $0x0;
	[sflag:s7] =	ssyncadd.s32 $0xFFFFE000  }
0x17: {  	[tilespmem:s9], [sflag:$0x1] =	stream.indirect.gather [hbm4b:s3+s8], $0x10, s20, s8, $0xb8;
	[tilespmem:$0xA000] =	vst v63  }
0x18: {  	s29 =	simm.s32 $0x80;
	s21 =	rddreg [dreg:$0x2]  }
0x19: {  	[tilespmem:s21], [sflag:$0x1] =	stream.indirect.gather [hbm4b:s3+s8], $0x10, s29, s8, $0xb8;
	[tilespmem:$0xA000] =	vst v63  }
0x1a: {  	s31 =	simm.s32 $0x100;
	s22 =	rddreg [dreg:$0x3]  }
0x1b: {  	[tilespmem:s22], [sflag:$0x1] =	stream.indirect.gather [hbm4b:s3+s8], $0x10, s31, s8, $0xb8;
	[tilespmem:$0xA000] =	vst v63  }
0x1c: {  	s23 =	simm.s32 $0x180;
	s30 =	rddreg [dreg:$0x4]  }
0x1d: {  	[tilespmem:s30], [sflag:$0x1] =	stream.indirect.gather [hbm4b:s3+s8], $0x10, s23, s8, $0xb8;
	[tilespmem:$0xA000] =	vst v63  }
0x1e: {  	s26 =	simm.s32 $0x200;
	s24 =	rddreg [dreg:$0x5]  }
0x1f: {  	[tilespmem:s24], [sflag:$0x1] =	stream.indirect.gather [hbm4b:s3+s8], $0x10, s26, s8, $0xb8;
	[tilespmem:$0xA000] =	vst v63  }
0x20: {  	s28 =	simm.s32 $0x280;
	s25 =	rddreg [dreg:$0x6]  }
0x21: {  	[tilespmem:s25], [sflag:$0x1] =	stream.indirect.gather [hbm4b:s3+s8], $0x10, s28, s8, $0xb8;
	[tilespmem:$0xA000] =	vst v63  }
0x22: {  	s29 =	rddreg [dreg:$0x7];
	s30 =	simm.s32 $0x300  }
0x23: {  	[tilespmem:s29], [sflag:$0x1] =	stream.indirect.gather [hbm4b:s3+s8], $0x10, s30, s8, $0xb8;
	[tilespmem:$0xA000] =	vst v63  }
0x24: {  	s31 =	rddreg [dreg:$0x8];
	s22 =	simm.s32 $0x380  }
0x25: {  	[tilespmem:s31], [sflag:$0x1] =	stream.indirect.gather [hbm4b:s3+s8], $0x10, s22, s8, $0xb8;
	[tilespmem:$0xA000] =	vst v63  }
0x26: {  	s23 =	simm.s32 $0x400  }
0x27: {  	[tilespmem:s10], [sflag:$0x1] =	stream.indirect.gather [hbm4b:s3+s8], $0x10, s23, s8, $0xb8;
	[tilespmem:$0xA000] =	vst v63  }
0x28: {  	s24 =	simm.s32 $0x480  }
0x29: {  	[tilespmem:s11], [sflag:$0x1] =	stream.indirect.gather [hbm4b:s3+s8], $0x10, s24, s8, $0xb8;
	[tilespmem:$0xA000] =	vst v63  }
0x2a: {  	s25 =	simm.s32 $0x500  }
0x2b: {  	[tilespmem:s12], [sflag:$0x1] =	stream.indirect.gather [hbm4b:s3+s8], $0x10, s25, s8, $0xb8;
	[tilespmem:$0xA000] =	vst v63  }
0x2c: {  	s26 =	simm.s32 $0x580  }
0x2d: {  	[tilespmem:s13], [sflag:$0x1] =	stream.indirect.gather [hbm4b:s3+s8], $0x10, s26, s8, $0xb8;
	[tilespmem:$0xA000] =	vst v63  }
0x2e: {  	s28 =	simm.s32 $0x600  }
0x2f: {  	[tilespmem:s14], [sflag:$0x1] =	stream.indirect.gather [hbm4b:s3+s8], $0x10, s28, s8, $0xb8;
	[tilespmem:$0xA000] =	vst v63  }
0x30: {  	s29 =	simm.s32 $0x680  }
0x31: {  	[tilespmem:s15], [sflag:$0x1] =	stream.indirect.gather [hbm4b:s3+s8], $0x10, s29, s8, $0xb8;
	[tilespmem:$0xA000] =	vst v63  }
0x32: {  	s30 =	simm.s32 $0x700  }
0x33: {  	[tilespmem:s16], [sflag:$0x1] =	stream.indirect.gather [hbm4b:s3+s8], $0x10, s30, s8, $0xb8;
	[tilespmem:$0xA000] =	vst v63  }
0x34: {  	s31 =	simm.s32 $0x780  }
0x35: {  	[tilespmem:s17], [sflag:$0x1] =	stream.indirect.gather [hbm4b:s3+s8], $0x10, s31, s8, $0xb8;
	[tilespmem:$0xA000] =	vst v63  }
0x36: {  	_ =	swait.ge [sflag:s18], $0x800  }
0x37: {  	[sflag:s18] =	ssyncset.done $0x0  }
0x38: {  	[sflag:s18] =	ssyncadd.s32 $0xFFFFF800  }
0x39: {  	_ =	swait.ge [sflag:s18], $0x800  }
0x3a: {  	[sflag:s18] =	ssyncset.done $0x0  }
0x3b: {  	[sflag:s18] =	ssyncadd.s32 $0xFFFFF800  }
0x3c: {  	_ =	swait.ge [sflag:s18], $0x800  }
0x3d: {  	[sflag:s18] =	ssyncset.done $0x0  }
0x3e: {  	[sflag:s18] =	ssyncadd.s32 $0xFFFFF800  }
0x3f: {  	_ =	swait.ge [sflag:s18], $0x800  }
0x40: {  	[sflag:s18] =	ssyncset.done $0x0  }
0x41: {  	[sflag:s18] =	ssyncadd.s32 $0xFFFFF800  }
0x42: {  	_ =	swait.ge [sflag:s18], $0x800  }
0x43: {  	[sflag:s18] =	ssyncset.done $0x0  }
0x44: {  	[sflag:s18] =	ssyncadd.s32 $0xFFFFF800  }
0x45: {  	_ =	swait.ge [sflag:s18], $0x800  }
0x46: {  	[sflag:s18] =	ssyncset.done $0x0  }
0x47: {  	[sflag:s18] =	ssyncadd.s32 $0xFFFFF800  }
0x48: {  	_ =	swait.ge [sflag:s18], $0x800  }
0x49: {  	[sflag:s18] =	ssyncset.done $0x0  }
0x4a: {  	[sflag:s18] =	ssyncadd.s32 $0xFFFFF800  }
0x4b: {  	_ =	swait.ge [sflag:s18], $0x800  }
0x4c: {  	[sflag:s18] =	ssyncset.done $0x0  }
0x4d: {  	[sflag:s18] =	ssyncadd.s32 $0xFFFFF800  }
0x4e: {  	_ =	swait.ge [sflag:s18], $0x800  }
0x4f: {  	[sflag:s18] =	ssyncset.done $0x0  }
0x50: {  	[sflag:s18] =	ssyncadd.s32 $0xFFFFF800  }
0x51: {  	_ =	swait.ge [sflag:s18], $0x800  }
0x52: {  	[sflag:s18] =	ssyncset.done $0x0  }
0x53: {  	[sflag:s18] =	ssyncadd.s32 $0xFFFFF800  }
0x54: {  	_ =	swait.ge [sflag:s18], $0x800  }
0x55: {  	[sflag:s18] =	ssyncset.done $0x0  }
0x56: {  	[sflag:s18] =	ssyncadd.s32 $0xFFFFF800  }
0x57: {  	_ =	swait.ge [sflag:s18], $0x800  }
0x58: {  	[sflag:s18] =	ssyncset.done $0x0  }
0x59: {  	[sflag:s18] =	ssyncadd.s32 $0xFFFFF800  }
0x5a: {  	_ =	swait.ge [sflag:s18], $0x800  }
0x5b: {  	[sflag:s18] =	ssyncset.done $0x0  }
0x5c: {  	[sflag:s18] =	ssyncadd.s32 $0xFFFFF800  }
0x5d: {  	_ =	swait.ge [sflag:s18], $0x800  }
0x5e: {  	[sflag:s18] =	ssyncset.done $0x0  }
0x5f: {  	[sflag:s18] =	ssyncadd.s32 $0xFFFFF800  }
0x60: {  	_ =	swait.ge [sflag:s18], $0x800  }
0x61: {  	[sflag:s18] =	ssyncset.done $0x0  }
0x62: {  	[sflag:s18] =	ssyncadd.s32 $0xFFFFF800  }
0x63: {  	_ =	swait.ge [sflag:s18], $0x800  }
0x64: {  	[sflag:s18] =	ssyncset.done $0x0  }
0x65: {  	s20 =	sadd.s32 $0x1000, s6;
	[sflag:s18] =	ssyncadd.s32 $0xFFFFF800  }
0x66: {  	[hbm4b:s6+s2] =	stream.linear.scatter [tilespmem:s9], [sflag:$0x2], $0x8000, $0x38;
	[tilespmem:$0xA000] =	vst v63  }
0x67: {  	s21 =	simm.s32 $0x2000;
	s22 =	simm.s32 $0x4000;
	_ =	swait.ge [sflag:s7], $0x8000  }
.LBB2_2:
0x68: {  	[sflag:s7] =	ssyncset.done $0x0  }
0x69: {  	s23 =	sshra.s32 s21, $0x2;
	[sflag:s7] =	ssyncadd.s32 $0xFFFF8000  }
0x6a: {  	[tilespmem:s9], [sflag:$0x1] =	stream.indirect.gather [hbm4b:s3+s8], $0x10, s23, s8, $0xb8;
	[tilespmem:$0xA000] =	vst v63  }
0x6b: {  	s24 =	rddreg [dreg:$0x2];
	s25 =	sadd.s32 $0x80, s23  }
0x6c: {  	[tilespmem:s24], [sflag:$0x1] =	stream.indirect.gather [hbm4b:s3+s8], $0x10, s25, s8, $0xb8;
	[tilespmem:$0xA000] =	vst v63  }
0x6d: {  	s28 =	rddreg [dreg:$0x3];
	s30 =	sadd.s32 $0x100, s23  }
0x6e: {  	[tilespmem:s28], [sflag:$0x1] =	stream.indirect.gather [hbm4b:s3+s8], $0x10, s30, s8, $0xb8;
	[tilespmem:$0xA000] =	vst v63  }
0x6f: {  	s26 =	rddreg [dreg:$0x4];
	s31 =	sadd.s32 $0x180, s23  }
0x70: {  	[tilespmem:s26], [sflag:$0x1] =	stream.indirect.gather [hbm4b:s3+s8], $0x10, s31, s8, $0xb8;
	[tilespmem:$0xA000] =	vst v63  }
0x71: {  	s24 =	sadd.s32 $0x200, s23;
	s30 =	rddreg [dreg:$0x5]  }
0x72: {  	[tilespmem:s30], [sflag:$0x1] =	stream.indirect.gather [hbm4b:s3+s8], $0x10, s24, s8, $0xb8;
	[tilespmem:$0xA000] =	vst v63  }
0x73: {  	s29 =	rddreg [dreg:$0x6];
	s31 =	sadd.s32 $0x280, s23  }
0x74: {  	[tilespmem:s29], [sflag:$0x1] =	stream.indirect.gather [hbm4b:s3+s8], $0x10, s31, s8, $0xb8;
	[tilespmem:$0xA000] =	vst v63  }
0x75: {  	s26 =	rddreg [dreg:$0x7];
	s30 =	sadd.s32 $0x300, s23  }
0x76: {  	[tilespmem:s26], [sflag:$0x1] =	stream.indirect.gather [hbm4b:s3+s8], $0x10, s30, s8, $0xb8;
	[tilespmem:$0xA000] =	vst v63  }
0x77: {  	s31 =	sadd.s32 $0x380, s23;
	s29 =	rddreg [dreg:$0x8]  }
0x78: {  	[tilespmem:s29], [sflag:$0x1] =	stream.indirect.gather [hbm4b:s3+s8], $0x10, s31, s8, $0xb8;
	[tilespmem:$0xA000] =	vst v63  }
0x79: {  	s30 =	sadd.s32 $0x400, s23  }
0x7a: {  	[tilespmem:s10], [sflag:$0x1] =	stream.indirect.gather [hbm4b:s3+s8], $0x10, s30, s8, $0xb8;
	[tilespmem:$0xA000] =	vst v63  }
0x7b: {  	s31 =	sadd.s32 $0x480, s23  }
0x7c: {  	[tilespmem:s11], [sflag:$0x1] =	stream.indirect.gather [hbm4b:s3+s8], $0x10, s31, s8, $0xb8;
	[tilespmem:$0xA000] =	vst v63  }
0x7d: {  	s26 =	sadd.s32 $0x500, s23  }
0x7e: {  	[tilespmem:s12], [sflag:$0x1] =	stream.indirect.gather [hbm4b:s3+s8], $0x10, s26, s8, $0xb8;
	[tilespmem:$0xA000] =	vst v63  }
0x7f: {  	s28 =	sadd.s32 $0x580, s23  }
0x80: {  	[tilespmem:s13], [sflag:$0x1] =	stream.indirect.gather [hbm4b:s3+s8], $0x10, s28, s8, $0xb8;
	[tilespmem:$0xA000] =	vst v63  }
0x81: {  	s29 =	sadd.s32 $0x600, s23  }
0x82: {  	[tilespmem:s14], [sflag:$0x1] =	stream.indirect.gather [hbm4b:s3+s8], $0x10, s29, s8, $0xb8;
	[tilespmem:$0xA000] =	vst v63  }
0x83: {  	s30 =	sadd.s32 $0x680, s23  }
0x84: {  	[tilespmem:s15], [sflag:$0x1] =	stream.indirect.gather [hbm4b:s3+s8], $0x10, s30, s8, $0xb8;
	[tilespmem:$0xA000] =	vst v63  }
0x85: {  	s31 =	sadd.s32 $0x700, s23  }
0x86: {  	[tilespmem:s16], [sflag:$0x1] =	stream.indirect.gather [hbm4b:s3+s8], $0x10, s31, s8, $0xb8;
	[tilespmem:$0xA000] =	vst v63  }
0x87: {  	s23 =	sadd.s32 $0x780, s23  }
0x88: {  	[tilespmem:s17], [sflag:$0x1] =	stream.indirect.gather [hbm4b:s3+s8], $0x10, s23, s8, $0xb8;
	[tilespmem:$0xA000] =	vst v63  }
0x89: {  	_ =	swait.ge [sflag:s18], $0x800  }
0x8a: {  	[sflag:s18] =	ssyncset.done $0x0  }
0x8b: {  	[sflag:s18] =	ssyncadd.s32 $0xFFFFF800  }
0x8c: {  	_ =	swait.ge [sflag:s18], $0x800  }
0x8d: {  	[sflag:s18] =	ssyncset.done $0x0  }
0x8e: {  	[sflag:s18] =	ssyncadd.s32 $0xFFFFF800  }
0x8f: {  	_ =	swait.ge [sflag:s18], $0x800  }
0x90: {  	[sflag:s18] =	ssyncset.done $0x0  }
0x91: {  	[sflag:s18] =	ssyncadd.s32 $0xFFFFF800  }
0x92: {  	_ =	swait.ge [sflag:s18], $0x800  }
0x93: {  	[sflag:s18] =	ssyncset.done $0x0  }
0x94: {  	[sflag:s18] =	ssyncadd.s32 $0xFFFFF800  }
0x95: {  	_ =	swait.ge [sflag:s18], $0x800  }
0x96: {  	[sflag:s18] =	ssyncset.done $0x0  }
0x97: {  	[sflag:s18] =	ssyncadd.s32 $0xFFFFF800  }
0x98: {  	_ =	swait.ge [sflag:s18], $0x800  }
0x99: {  	[sflag:s18] =	ssyncset.done $0x0  }
0x9a: {  	[sflag:s18] =	ssyncadd.s32 $0xFFFFF800  }
0x9b: {  	_ =	swait.ge [sflag:s18], $0x800  }
0x9c: {  	[sflag:s18] =	ssyncset.done $0x0  }
0x9d: {  	[sflag:s18] =	ssyncadd.s32 $0xFFFFF800  }
0x9e: {  	_ =	swait.ge [sflag:s18], $0x800  }
0x9f: {  	[sflag:s18] =	ssyncset.done $0x0  }
0xa0: {  	[sflag:s18] =	ssyncadd.s32 $0xFFFFF800  }
0xa1: {  	_ =	swait.ge [sflag:s18], $0x800  }
0xa2: {  	[sflag:s18] =	ssyncset.done $0x0  }
0xa3: {  	[sflag:s18] =	ssyncadd.s32 $0xFFFFF800  }
0xa4: {  	_ =	swait.ge [sflag:s18], $0x800  }
0xa5: {  	[sflag:s18] =	ssyncset.done $0x0  }
0xa6: {  	[sflag:s18] =	ssyncadd.s32 $0xFFFFF800  }
0xa7: {  	_ =	swait.ge [sflag:s18], $0x800  }
0xa8: {  	[sflag:s18] =	ssyncset.done $0x0  }
0xa9: {  	[sflag:s18] =	ssyncadd.s32 $0xFFFFF800  }
0xaa: {  	_ =	swait.ge [sflag:s18], $0x800  }
0xab: {  	[sflag:s18] =	ssyncset.done $0x0  }
0xac: {  	[sflag:s18] =	ssyncadd.s32 $0xFFFFF800  }
0xad: {  	_ =	swait.ge [sflag:s18], $0x800  }
0xae: {  	[sflag:s18] =	ssyncset.done $0x0  }
0xaf: {  	[sflag:s18] =	ssyncadd.s32 $0xFFFFF800  }
0xb0: {  	_ =	swait.ge [sflag:s18], $0x800  }
0xb1: {  	[sflag:s18] =	ssyncset.done $0x0  }
0xb2: {  	[sflag:s18] =	ssyncadd.s32 $0xFFFFF800  }
0xb3: {  	_ =	swait.ge [sflag:s18], $0x800  }
0xb4: {  	[sflag:s18] =	ssyncset.done $0x0  }
0xb5: {  	p0 =	sne.s32 s22, $0x6000;
	[sflag:s18] =	ssyncadd.s32 $0xFFFFF800  }
.Ltmp0:
0xb6: {  	_ =	swait.ge [sflag:s18], $0x800;
	(pc) =	sbr.rel @p0 .LBB2_2-.Ltmp0, $4  }
0xb7: {  	[sflag:s18] =	ssyncset.done $0x0  }
0xb8: {  	s21 =	smov.u32 s22;
	[sflag:s18] =	ssyncadd.s32 $0xFFFFF800  }
0xb9: {  	[hbm4b:s20+s2] =	stream.linear.scatter [tilespmem:s9], [sflag:$0x2], $0x8000, $0x38;
	[tilespmem:$0xA000] =	vst v63  }
0xba: {  	s22 =	sadd.s32 $0x2000, s22;
	s20 =	sadd.s32 $0x1000, s20;
	_ =	swait.ge [sflag:s7], $0x8000  }
0xbb: {  	[sflag:s7] =	ssyncset.done $0x0  }
0xbc: {  	s21 =	sshra.s32 s21, $0x2;
	[sflag:s7] =	ssyncadd.s32 $0xFFFF8000  }
0xbd: {  	[tilespmem:s9], [sflag:$0x1] =	stream.indirect.gather [hbm4b:s3+s8], $0x10, s21, s8, $0xb8;
	[tilespmem:$0xA000] =	vst v63  }
0xbe: {  	s22 =	rddreg [dreg:$0x2];
	s23 =	sadd.s32 $0x80, s21  }
0xbf: {  	[tilespmem:s22], [sflag:$0x1] =	stream.indirect.gather [hbm4b:s3+s8], $0x10, s23, s8, $0xb8;
	[tilespmem:$0xA000] =	vst v63  }
0xc0: {  	s24 =	rddreg [dreg:$0x3];
	s28 =	sadd.s32 $0x100, s21  }
0xc1: {  	[tilespmem:s24], [sflag:$0x1] =	stream.indirect.gather [hbm4b:s3+s8], $0x10, s28, s8, $0xb8;
	[tilespmem:$0xA000] =	vst v63  }
0xc2: {  	s26 =	rddreg [dreg:$0x4];
	s29 =	sadd.s32 $0x180, s21  }
0xc3: {  	[tilespmem:s26], [sflag:$0x1] =	stream.indirect.gather [hbm4b:s3+s8], $0x10, s29, s8, $0xb8;
	[tilespmem:$0xA000] =	vst v63  }
0xc4: {  	s30 =	rddreg [dreg:$0x5];
	s25 =	sadd.s32 $0x200, s21  }
0xc5: {  	[tilespmem:s30], [sflag:$0x1] =	stream.indirect.gather [hbm4b:s3+s8], $0x10, s25, s8, $0xb8;
	[tilespmem:$0xA000] =	vst v63  }
0xc6: {  	s31 =	rddreg [dreg:$0x6];
	s26 =	sadd.s32 $0x280, s21  }
0xc7: {  	[tilespmem:s31], [sflag:$0x1] =	stream.indirect.gather [hbm4b:s3+s8], $0x10, s26, s8, $0xb8;
	[tilespmem:$0xA000] =	vst v63  }
0xc8: {  	s28 =	rddreg [dreg:$0x7];
	s29 =	sadd.s32 $0x300, s21  }
0xc9: {  	[tilespmem:s28], [sflag:$0x1] =	stream.indirect.gather [hbm4b:s3+s8], $0x10, s29, s8, $0xb8;
	[tilespmem:$0xA000] =	vst v63  }
0xca: {  	s30 =	rddreg [dreg:$0x8];
	s31 =	sadd.s32 $0x380, s21  }
0xcb: {  	[tilespmem:s30], [sflag:$0x1] =	stream.indirect.gather [hbm4b:s3+s8], $0x10, s31, s8, $0xb8;
	[tilespmem:$0xA000] =	vst v63  }
0xcc: {  	s24 =	sadd.s32 $0x400, s21  }
0xcd: {  	[tilespmem:s10], [sflag:$0x1] =	stream.indirect.gather [hbm4b:s3+s8], $0x10, s24, s8, $0xb8;
	[tilespmem:$0xA000] =	vst v63  }
0xce: {  	s25 =	sadd.s32 $0x480, s21  }
0xcf: {  	[tilespmem:s11], [sflag:$0x1] =	stream.indirect.gather [hbm4b:s3+s8], $0x10, s25, s8, $0xb8;
	[tilespmem:$0xA000] =	vst v63  }
0xd0: {  	s26 =	sadd.s32 $0x500, s21  }
0xd1: {  	[tilespmem:s12], [sflag:$0x1] =	stream.indirect.gather [hbm4b:s3+s8], $0x10, s26, s8, $0xb8;
	[tilespmem:$0xA000] =	vst v63  }
0xd2: {  	s28 =	sadd.s32 $0x580, s21  }
0xd3: {  	[tilespmem:s13], [sflag:$0x1] =	stream.indirect.gather [hbm4b:s3+s8], $0x10, s28, s8, $0xb8;
	[tilespmem:$0xA000] =	vst v63  }
0xd4: {  	s29 =	sadd.s32 $0x600, s21  }
0xd5: {  	[tilespmem:s14], [sflag:$0x1] =	stream.indirect.gather [hbm4b:s3+s8], $0x10, s29, s8, $0xb8;
	[tilespmem:$0xA000] =	vst v63  }
0xd6: {  	s30 =	sadd.s32 $0x680, s21  }
0xd7: {  	[tilespmem:s15], [sflag:$0x1] =	stream.indirect.gather [hbm4b:s3+s8], $0x10, s30, s8, $0xb8;
	[tilespmem:$0xA000] =	vst v63  }
0xd8: {  	s31 =	sadd.s32 $0x700, s21  }
0xd9: {  	[tilespmem:s16], [sflag:$0x1] =	stream.indirect.gather [hbm4b:s3+s8], $0x10, s31, s8, $0xb8;
	[tilespmem:$0xA000] =	vst v63  }
0xda: {  	s21 =	sadd.s32 $0x780, s21  }
0xdb: {  	[tilespmem:s17], [sflag:$0x1] =	stream.indirect.gather [hbm4b:s3+s8], $0x10, s21, s8, $0xb8;
	[tilespmem:$0xA000] =	vst v63  }
0xdc: {  	_ =	swait.ge [sflag:s18], $0x800  }
0xdd: {  	[sflag:s18] =	ssyncset.done $0x0  }
0xde: {  	[sflag:s18] =	ssyncadd.s32 $0xFFFFF800  }
0xdf: {  	_ =	swait.ge [sflag:s18], $0x800  }
0xe0: {  	[sflag:s18] =	ssyncset.done $0x0  }
0xe1: {  	[sflag:s18] =	ssyncadd.s32 $0xFFFFF800  }
0xe2: {  	_ =	swait.ge [sflag:s18], $0x800  }
0xe3: {  	[sflag:s18] =	ssyncset.done $0x0  }
0xe4: {  	[sflag:s18] =	ssyncadd.s32 $0xFFFFF800  }
0xe5: {  	_ =	swait.ge [sflag:s18], $0x800  }
0xe6: {  	[sflag:s18] =	ssyncset.done $0x0  }
0xe7: {  	[sflag:s18] =	ssyncadd.s32 $0xFFFFF800  }
0xe8: {  	_ =	swait.ge [sflag:s18], $0x800  }
0xe9: {  	[sflag:s18] =	ssyncset.done $0x0  }
0xea: {  	[sflag:s18] =	ssyncadd.s32 $0xFFFFF800  }
0xeb: {  	_ =	swait.ge [sflag:s18], $0x800  }
0xec: {  	[sflag:s18] =	ssyncset.done $0x0  }
0xed: {  	[sflag:s18] =	ssyncadd.s32 $0xFFFFF800  }
0xee: {  	_ =	swait.ge [sflag:s18], $0x800  }
0xef: {  	[sflag:s18] =	ssyncset.done $0x0  }
0xf0: {  	[sflag:s18] =	ssyncadd.s32 $0xFFFFF800  }
0xf1: {  	_ =	swait.ge [sflag:s18], $0x800  }
0xf2: {  	[sflag:s18] =	ssyncset.done $0x0  }
0xf3: {  	[sflag:s18] =	ssyncadd.s32 $0xFFFFF800  }
0xf4: {  	_ =	swait.ge [sflag:s18], $0x800  }
0xf5: {  	[sflag:s18] =	ssyncset.done $0x0  }
0xf6: {  	[sflag:s18] =	ssyncadd.s32 $0xFFFFF800  }
0xf7: {  	_ =	swait.ge [sflag:s18], $0x800  }
0xf8: {  	[sflag:s18] =	ssyncset.done $0x0  }
0xf9: {  	[sflag:s18] =	ssyncadd.s32 $0xFFFFF800  }
0xfa: {  	_ =	swait.ge [sflag:s18], $0x800  }
0xfb: {  	[sflag:s18] =	ssyncset.done $0x0  }
0xfc: {  	[sflag:s18] =	ssyncadd.s32 $0xFFFFF800  }
0xfd: {  	_ =	swait.ge [sflag:s18], $0x800  }
0xfe: {  	[sflag:s18] =	ssyncset.done $0x0  }
0xff: {  	[sflag:s18] =	ssyncadd.s32 $0xFFFFF800  }
0x100: {  	_ =	swait.ge [sflag:s18], $0x800  }
0x101: {  	[sflag:s18] =	ssyncset.done $0x0  }
0x102: {  	[sflag:s18] =	ssyncadd.s32 $0xFFFFF800  }
0x103: {  	_ =	swait.ge [sflag:s18], $0x800  }
0x104: {  	[sflag:s18] =	ssyncset.done $0x0  }
0x105: {  	[sflag:s18] =	ssyncadd.s32 $0xFFFFF800  }
0x106: {  	_ =	swait.ge [sflag:s18], $0x800  }
0x107: {  	[sflag:s18] =	ssyncset.done $0x0  }
0x108: {  	[sflag:s18] =	ssyncadd.s32 $0xFFFFF800  }
0x109: {  	s19 =	sadd.s32 $0x1, s19;
	_ =	swait.ge [sflag:s18], $0x800  }
0x10a: {  	p0 =	sne.s32 s19, s5;
	[sflag:s18] =	ssyncset.done $0x0  }
.Ltmp1:
0x10b: {  	[sflag:s18] =	ssyncadd.s32 $0xFFFFF800;
	(pc) =	sbr.rel @p0 .LBB2_1-.Ltmp1, $4  }
0x10c: {  	[hbm4b:s20+s2] =	stream.linear.scatter [tilespmem:s9], [sflag:$0x2], $0x8000, $0x38;
	[tilespmem:$0xA000] =	vst v63  }
0x10d: {  	_ =	swait.ge [sflag:s7], $0x8000  }
0x10e: {  	[sflag:s7] =	ssyncset.done $0x0  }
0x10f: {  	[sflag:s7] =	ssyncadd.s32 $0xFFFF8000  }
0x110: {  	_ =	sfence.sel $0x180000  }
0x111: {  	[bflag:$0x0] =	sbarrier.arrive $0xFFFF  }
0x112: {  	p0 =	sne.s32 s1, $0x0;
	_ =	strace $0x90000047  }
0x113: {  	s0 =	sadd.s32 @!p0 $0x100000, s0;
	[bflag:$0x2] =	sbarrier.arrive $0xFFFF  }
0x114: {  	[sflag:s0] =	ssyncadd.tile.s32 @!p0 $0x1;
	_ =	shalt  }
.Lfunc_end2:
_tile_overlayer_lowered:
.L_overlay_start_2:
0x115: {  	(tag) =	ssettag $0x2  }
0x116: {  	s0 =	rddreg [dreg:$0x0];
	s2 =	stileid.u32  }
0x117: {  	s1 =	rddreg [dreg:$0x1];
	p0 =	sne.s32 s2, $0x0  }
0x118: {  	s3 =	rddreg [dreg:$0x2];
	[bflag:$0x3] =	sbarrier.arrive $0xFFFF;
	s2 =	simm.s32 @!p0 $0x1C02  }
0x119: {  	[timem:s3], [sflag:s2] =	dma.local @!p0 [hbm:s0], s1  }
0x11a: {  	s0 =	simm.s32 @!p0 $0x2  }
0x11b: {  	_ =	swait.ge @!p0 [sflag:s0], s1  }
0x11c: {  	s1 =	ssub.s32 @!p0 $0x0, s1;
	[sflag:s0] =	ssyncset.done @!p0 $0x0  }
0x11d: {  	[sflag:s0] =	ssyncadd.s32 @!p0 s1  }
0x11e: {  	[bflag:$0x3] =	sbarrier.arrive $0xFFFF  }
0x11f: {  	_ =	shalt  }

// kernel: kernel.15.cloned.1.call-start
scs
__scs_entry_jumppad:
0x0: {  	(pc) =	sbr.rel $0x88, $3  }
0x1: {  	(tag) =	ssettag $0x0;
	lr =	simm.s32 $0x1  }
0x2: {  	[smem:$0x3F5D] =	sst lr;
	_ =	strace $0xD0000000  }
0x3: {  	_ = 	snop  }
0x4: {  	_ = 	snop  }
0x5: {  	_ = 	snop  }
0x6: {  	_ = 	snop  }
0x7: {  	_ = 	snop  }
__scs_overlays_trampoline_lowered:
0x8: {  	[smem:$0x3F6C] =	sst s0  }
0x9: {  	[smem:$0x3F6D] =	sst s1  }
0xa: {  	[smem:$0x3F6E] =	sst s2  }
0xb: {  	[smem:$0x3F6F] =	sst s3  }
0xc: {  	[smem:$0x3F70] =	sst s4  }
0xd: {  	[smem:$0x3F71] =	sst s5  }
0xe: {  	[smem:$0x3F72] =	sst s6  }
0xf: {  	[smem:$0x3F73] =	sst s7  }
0x10: {  	[smem:$0x3F74] =	sst s8  }
0x11: {  	[smem:$0x3F75] =	sst s9;
	s0 =	simm.s32 @!p0 $0x0  }
0x12: {  	s1 =	sld [smem:$0x3F5B];
	s0 =	simm.s32 @p0 $0x1  }
0x13: {  	[smem:$0x3F76] =	sst s0;
	s0 =	simm.s32 @!p1 $0x0  }
0x14: {  	s2 =	sld [smem:$0x3F5A];
	s0 =	simm.s32 @p1 $0x1  }
0x15: {  	[smem:$0x3F77] =	sst s0;
	s0 =	simm.s32 @!p2 $0x0  }
0x16: {  	s3 =	sld [smem:$0x3FDB];
	s0 =	simm.s32 @p2 $0x1  }
0x17: {  	s4 =	simm.s32 $0x1BF5;
	[smem:$0x3F79] =	sst s0  }
0x18: {  	s0 =	sld [smem:$0x3F5C];
	_ =	swait.ge [sflag:s4], $0x0  }
0x19: {  	s7 =	sld [smem:$0x3F5D]  }
0x1a: {  	s8 =	sadd.s32 $0xFFFFE003, lr  }
0x1b: {  	s9 =	sadd.s32 $0xFFFFFEF7, lr;
	s5 =	simm.s32 $0xFFFFFFFF;
	p2 =	slt.u32 s8, $0xFFFFF086  }
0x1c: {  	p1 =	slt.u32 s9, $0xF7A;
	s5 =	simm.s32 @!p2 $0x0  }
0x1d: {  	s5 =	simm.s32 @p1 $0x1;
	p0 =	seq.s32 s7, s2  }
0x1e: {  	s7 =	smul.u32 @!p0 $0xF7A, s2;
	p2 =	seq.s32 @!p0 s5, $0x0  }
0x1f: {  	s9 =	smul.u32 $0xF7A, s1;
	s8 =	simm.s32 @!p0 $0x1BF5;
	p2 =	por !p2, p0  }
0x20: {  	[sflag:s8] =	ssyncset.s32 @!p0 $0xFFFFF086;
	s6 =	sadd.s32 @!p0 s3, s7;
	s7 =	simm.s32 @!p0 $0x108  }
0x21: {  	s3 =	sadd.s32 s3, s9;
	s6 =	sadd.s32 @!p0 $0x88, s6;
	s7 =	simm.s32 @p2 $0x1082  }
0x22: {  	[simem:s7], [sflag:s8] =	dma.local @!p0 [hbm:s6], $0xF7A  }
0x23: {  	s9 =	sor.u32 $0xD0000000, s2;
	s6 =	simm.s32 $0x108;
	_ =	swait.ge @!p0 [sflag:s8], $0x0  }
0x24: {  	s3 =	sadd.s32 $0x88, s3;
	s6 =	simm.s32 @!p1 $0x1082;
	[sflag:s4] =	ssyncset.s32 $0xFFFFF086  }
0x25: {  	[simem:s6], [sflag:s4] =	dma.local [hbm:s3], $0xF7A  }
0x26: {  	[smem:$0x3F5D] =	sst s1;
	(tag) =	ssettag s2;
	_ =	strace s9  }
0x27: {  	s1 =	sld [smem:$0x3F6D]  }
0x28: {  	s2 =	sld [smem:$0x3F6E]  }
0x29: {  	s4 =	sld [smem:$0x3F70]  }
0x2a: {  	p0 =	seq.s32 s5, $0x0;
	s5 =	sld [smem:$0x3F71]  }
0x2b: {  	s6 =	sld [smem:$0x3F72]  }
0x2c: {  	s7 =	sld [smem:$0x3F73]  }
0x2d: {  	s3 =	simm.s32 $0x108;
	s8 =	sld [smem:$0x3F74]  }
0x2e: {  	s3 =	simm.s32 @!p0 $0x1082;
	s9 =	sld [smem:$0x3F75]  }
0x2f: {  	lr =	sadd.s32 s0, s3;
	s0 =	sld [smem:$0x3F6C]  }
0x30: {  	s3 =	sld [smem:$0x3F6F]  }
0x31: {  	[smem:$0x3F78] =	sst s10  }
0x32: {  	s10 =	sld [smem:$0x3F76];
	_ =	sdelay $0x3  }
0x33: {  	p0 =	seq.s32 s10, $0x1;
	s10 =	sld [smem:$0x3F78];
	_ =	sdelay $0x3  }
0x34: {  	[smem:$0x3F78] =	sst s10  }
0x35: {  	s10 =	sld [smem:$0x3F77];
	_ =	sdelay $0x3  }
0x36: {  	p1 =	seq.s32 s10, $0x1;
	s10 =	sld [smem:$0x3F78];
	_ =	sdelay $0x3  }
0x37: {  	[smem:$0x3F78] =	sst s10  }
0x38: {  	s10 =	sld [smem:$0x3F79]  }
0x39: {  	_ = 	snop;
	(pc) =	sbr.ind lr, $3  }
0x3a: {  	_ = 	snop  }
0x3b: {  	_ = 	snop  }
0x3c: {  	p2 =	seq.s32 s10, $0x1;
	s10 =	sld [smem:$0x3F78]  }
0x3d: {  	_ =	shalt  }
0x3e: {  	_ =	shalt  }
0x3f: {  	_ =	shalt  }
0x40: {  	_ =	shalt  }
0x41: {  	_ =	shalt  }
0x42: {  	_ =	shalt  }
0x43: {  	_ =	shalt  }
0x44: {  	_ =	shalt  }
0x45: {  	_ =	shalt  }
0x46: {  	_ =	shalt  }
0x47: {  	_ =	shalt  }
0x48: {  	_ =	shalt  }
0x49: {  	_ =	shalt  }
0x4a: {  	_ =	shalt  }
0x4b: {  	_ =	shalt  }
0x4c: {  	_ =	shalt  }
0x4d: {  	_ =	shalt  }
0x4e: {  	_ =	shalt  }
0x4f: {  	_ =	shalt  }
0x50: {  	_ =	shalt  }
0x51: {  	_ =	shalt  }
0x52: {  	_ =	shalt  }
0x53: {  	_ =	shalt  }
0x54: {  	_ =	shalt  }
0x55: {  	_ =	shalt  }
0x56: {  	_ =	shalt  }
0x57: {  	_ =	shalt  }
0x58: {  	_ =	shalt  }
0x59: {  	_ =	shalt  }
0x5a: {  	_ =	shalt  }
0x5b: {  	_ =	shalt  }
0x5c: {  	_ =	shalt  }
0x5d: {  	_ =	shalt  }
0x5e: {  	_ =	shalt  }
0x5f: {  	_ =	shalt  }
0x60: {  	_ =	shalt  }
0x61: {  	_ =	shalt  }
0x62: {  	_ =	shalt  }
0x63: {  	_ =	shalt  }
0x64: {  	_ =	shalt  }
0x65: {  	_ =	shalt  }
0x66: {  	_ =	shalt  }
0x67: {  	_ =	shalt  }
0x68: {  	_ =	shalt  }
0x69: {  	_ =	shalt  }
0x6a: {  	_ =	shalt  }
0x6b: {  	_ =	shalt  }
0x6c: {  	_ =	shalt  }
0x6d: {  	_ =	shalt  }
0x6e: {  	_ =	shalt  }
0x6f: {  	_ =	shalt  }
0x70: {  	_ =	shalt  }
0x71: {  	_ =	shalt  }
0x72: {  	_ =	shalt  }
0x73: {  	_ =	shalt  }
0x74: {  	_ =	shalt  }
0x75: {  	_ =	shalt  }
0x76: {  	_ =	shalt  }
0x77: {  	_ =	shalt  }
0x78: {  	_ =	shalt  }
0x79: {  	_ =	shalt  }
0x7a: {  	_ =	shalt  }
0x7b: {  	_ =	shalt  }
0x7c: {  	_ =	shalt  }
0x7d: {  	_ =	shalt  }
0x7e: {  	_ =	shalt  }
0x7f: {  	_ =	shalt  }
0x80: {  	_ =	shalt  }
0x81: {  	_ =	shalt  }
0x82: {  	_ =	shalt  }
0x83: {  	_ =	shalt  }
0x84: {  	_ =	shalt  }
0x85: {  	_ =	shalt  }
0x86: {  	_ =	shalt  }
0x87: {  	_ =	shalt  }
.Lfunc_end0:
.L_simem_size_0:
called_computation.1_lowered:
.L_overlay_start_0:
0x88: {  	s2 =	sld [smem:$0x3FD9]  }
0x89: {  	s3 =	sld [smem:$0x3FFE];
	_ =	sdelay $0x1  }
0x8a: {  	s1 =	srdreg.scid  }
0x8b: {  	s0 =	sand.u32 $0x1, s1  }
0x8c: {  	s16 =	sshll.u32 s0, $0xA;
	s2 =	sadd.s32 s3, s2  }
0x8d: {  	s2 =	sadd.s32 s2, s16  }
0x8e: {  	[smem:$0x3F84] =	sst s2  }
0x8f: {  	_ = 	snop  }
0x90: {  	(tm) =	ssettm $0x1  }
0x91: {  	s17 =	sld [smem:$0x3FFB];
	_ =	sdelay $0x3  }
0x92: {  	_ =	strace s17  }
0x93: {  	s2 =	sld [smem:$0x3FFC];
	_ =	sdelay $0x3  }
0x94: {  	_ =	strace s2  }
0x95: {  	s2 =	sld [smem:$0x3FFD];
	_ =	sdelay $0x3  }
0x96: {  	_ =	strace s2  }
0x97: {  	_ =	strace $0x8FFFFFFF  }
0x98: {  	s18 =	sld [smem:$0x3FDB];
	_ =	sdelay $0x1  }
0x99: {  	s19 =	simm.s32 $_scs_section_size  }
0x9a: {  	s4 =	simm.s32 $_size__tile_overlayer_lowered;
	s5 =	simm.s32 $_tile_overlayer_lowered  }
0x9b: {  	s22 =	simm.s32 $0x1BFF;
	s21 =	sshll.u32 s5, $0x1;
	s2 =	sadd.s32 s19, s18  }
0x9c: {  	s6 =	simm.s32 $0x0;
	s20 =	sshll.u32 s4, $0x1;
	s4 =	sadd.s32 s21, s2  }
0x9d: {  	[timem:s6], [sflag:s22] =	dma.local [hbm:s4], s20  }
0x9e: {  	_ =	swait.ge [sflag:s22], s20  }
0x9f: {  	s3 =	ssub.s32 $0x0, s20;
	[sflag:s22] =	ssyncset.done $0x0  }
0xa0: {  	[sflag:s22] =	ssyncadd.s32 s3;
	_ =	sdelay $0x1  }
0xa1: {  	s23 =	simm.s32 $0x1B8B  }
0xa2: {  	_ =	swait.ge [sflag:s23], $0x1  }
0xa3: {  	[sflag:s23] =	ssyncset.done $0x0  }
0xa4: {  	s25 =	simm.s32 $0x1B8E;
	s24 =	sld [smem:$0x3FFE];
	[sflag:s23] =	ssyncadd.s32 $0xFFFFFFFF  }
0xa5: {  	s26 =	simm.s32 $execute0_lowered;
	[smem:$0x3FD2] =	sst s25  }
0xa6: {  	s4 =	sshll.u32 s26, $0x1;
	_ =	strace $0x80000049;
	[dreg:$0x1] =	wrdreg $0xFFFFFFFF  }
0xa7: {  	s28 =	simm.s32 $_size_execute0_lowered;
	s2 =	sadd.s32 s2, s4;
	[dreg:$0x0] =	wrdreg $0x0  }
0xa8: {  	s4 =	sshll.u32 s28, $0x1;
	[dreg:$0x2] =	wrdreg s2  }
0xa9: {  	[dreg:$0x3] =	wrdreg s4  }
0xaa: {  	[dreg:$0x4] =	wrdreg $0xC0  }
0xab: {  	_ =	task [dreg:s6], $0x5FFFF  }
0xac: {  	[dreg:$0x1] =	wrdreg $0xFFFFFFFF  }
0xad: {  	[dreg:$0x0] =	wrdreg $0x60  }
0xae: {  	[dreg:$0x2] =	wrdreg s24  }
0xaf: {  	[dreg:$0x3] =	wrdreg $0x78000  }
0xb0: {  	[dreg:$0x4] =	wrdreg $0x88000  }
0xb1: {  	[dreg:$0x5] =	wrdreg $0x9  }
0xb2: {  	_ =	task.clear_ibuf [dreg:s6], $0x6FFFF;
	_ =	strace $0x90000049  }
0xb3: {  	s29 =	simm.s32 $0x9;
	_ =	strace $0x8000004B  }
0xb4: {  	_ =	swait.ge [sflag:s29], $0x1  }
0xb5: {  	[sflag:s29] =	ssyncadd.s32 $0xFFFFFFFF  }
0xb6: {  	_ =	strace $0x9000004B  }
0xb7: {  	_ =	sfence  }
0xb8: {  	s30 =	sld [smem:$0x0];
	_ =	sdelay $0x2  }
0xb9: {  	s31 =	sshll.u32 s1, $0xD;
	s1 =	sshrl.u32 s1, $0x2  }
0xba: {  	s3 =	sand.u32 $0x4000, s31;
	s1 =	sadd.s32 s1, s30  }
0xbb: {  	s0 =	sor.u32 s3, s0;
	s1 =	sshll.u32 s1, $0x11  }
0xbc: {  	s0 =	sor.u32 s1, s0  }
0xbd: {  	s0 =	sadd.s32 $0x8F2B, s0  }
0xbe: {  	[sflag:s0] =	ssyncadd.remote.s32 $0x1  }
0xbf: {  	_ =	sfence.sel $0xFFFF  }
0xc0: {  	[dreg:$0x0] =	wrdreg $0xFFFFFFFF;
	(pc) =	sbr.abs _section_cstart, $3  }
0xc1: {  	[dreg:$0x1] =	wrdreg $0xFFFFFFFF  }
0xc2: {  	_ =	task.clear_ibuf [dreg:s6], $0x2FFFF;
	_ =	strace $0x9FFFFFFF  }
0xc3: {  	(tm) =	ssettm $0x7FFFFFFF  }
tec
execute0_lowered:
.L_overlay_start_1:
0x0: {  	(tag) =	ssettag $0x1  }
0x1: {  	s5 =	rddreg [dreg:$0x0]  }
0x2: {  	s1 =	rddreg [dreg:$0x1]  }
0x3: {  	s3 =	rddreg [dreg:$0x2]  }
0x4: {  	s0 =	rddreg [dreg:$0x3]  }
0x5: {  	s4 =	simm.s32 $0x0;
	s2 =	stileid.u32;
	s7 =	srdreg.scid  }
0x6: {  	s14 =	simm.s32 $0x2000;
	s15 =	simm.s32 $0x80;
	s16 =	simm.s32 $0x6000  }
0x7: {  	s17 =	simm.s32 $0x2800;
	s18 =	simm.s32 $0x3000;
	s19 =	simm.s32 $0x3800  }
0x8: {  	s20 =	simm.s32 $0x4000;
	s21 =	simm.s32 $0x4800;
	s22 =	simm.s32 $0x5000  }
0x9: {  	s23 =	simm.s32 $0x5800;
	s24 =	simm.s32 $0x0;
	[smem:$0x7FF] =	sst s4  }
0xa: {  	s6 =	sshll.u32 s2, $0xF;
	s8 =	sand.u32 $0x1, s7;
	s25 =	sshll.u32 s2, $0xB  }
0xb: {  	s9 =	sshll.u32 s2, $0xC;
	_ =	strace $0x8000004A;
	s10 =	sadd.s32 s6, s5  }
0xc: {  	s7 =	sshll.u32 s8, $0xA;
	s11 =	sshll.u32 s8, $0x10;
	s28 =	ssub.s32 $0x2, s8  }
0xd: {  	s31 =	sshll.u32 s8, $0xE;
	s6 =	sor.u32 s7, s25;
	s26 =	sor.u32 s9, s11  }
0xe: {  	s30 =	sshrl.u32 s28, $0x1;
	s12 =	sadd.s32 s6, s5;
	s29 =	sshrl.u32 s26, $0x3  }
0xf: {  	s11 =	ssub.s32 s28, s30;
	s6 =	sadd.s32 s9, s3;
	s13 =	sadd.s32 s29, s5  }
0x10: {  	s5 =	sadd.s32 s9, s1;
	s7 =	sadd.s32 $0x13800, s12;
	s12 =	sadd.s32 s31, s10  }
0x11: {  	s10 =	smax.u32 s11, $0x1;
	s8 =	sadd.s32 $0x9F800, s13;
	s9 =	sadd.s32 $0x9B800, s13  }
0x12: {  	v0 =	vimm.f32 $0.0e+00;
	v1 =	vimm.f32 $1.000000000e+00;
	s11 =	sadd.s32 $0x1B800, s12;
	s12 =	simm.s32 $0x6800;
	s13 =	simm.s32 $0x1  }
.LBB2_1:
0x13: {  	s25 =	simm.s32 $0x0  }
.LBB2_2:
0x14: {  	p0 =	sne.s32 s25, $0x3FC0  }
.Ltmp0:
0x15: {  	_ = 	snop;
	(pc) =	sbr.rel @p0 .LBB2_2-.Ltmp0, $3  }
0x16: {  	_ =	sdelay $0x1  }
0x17: {  	s26 =	sshra.s32 s25, $0x2  }
0x18: {  	s25 =	sadd.s32 $0x40, s25;
	[tilespmem:s26+$0x6800] =	vst v0  }
0x19: {  	s25 =	simm.s32 $0x40;
	s26 =	simm.s32 $0x0  }
.LBB2_4:
0x1a: {  	p0 =	sne.s32 s25, $0x1FC0;
	[tilespmem:s26+$0x6000] =	vst v1;
	s26 =	smov.u32 s25;
	s25 =	sadd.s32 $0x40, s25  }
.Ltmp1:
0x1b: {  	(pc) =	sbr.rel @p0 .LBB2_4-.Ltmp1, $2  }
0x1c: {  	_ =	sdelay $0x2  }
0x1d: {  	s26 =	sshra.s32 s26, $0x2  }
0x1e: {  	[tilespmem:s26+$0x6000] =	vst v1  }
0x1f: {  	[spmem:s5] =	stream.linear.scatter [tilespmem:s12], [sflag:$0x1], $0x1000, $0x38;
	[tilespmem:$0x9800] =	vst v63  }
0x20: {  	_ =	swait.ge [sflag:s13], $0x1000  }
0x21: {  	[sflag:s13] =	ssyncset.done $0x0  }
0x22: {  	[sflag:s13] =	ssyncadd.s32 $0xFFFFF000  }
0x23: {  	[spmem:s6] =	stream.linear.scatter [tilespmem:s12], [sflag:$0x1], $0x1000, $0x38;
	[tilespmem:$0x9800] =	vst v63  }
0x24: {  	_ =	swait.ge [sflag:s13], $0x1000  }
0x25: {  	[sflag:s13] =	ssyncset.done $0x0  }
0x26: {  	[sflag:s13] =	ssyncadd.s32 $0xFFFFF000  }
0x27: {  	s25 =	simm.s32 $0x0;
	[bflag:$0x0] =	sbarrier.arrive $0xFFFF  }
0x28: {  	[tilespmem:s25], [sflag:$0x1] =	stream.linear.gather [hbm4b:s7+s25], $0x2000, $0x38;
	[tilespmem:$0x9800] =	vst v63  }
0x29: {  	_ =	swait.ge [sflag:s13], $0x2000  }
0x2a: {  	[sflag:s13] =	ssyncset.done $0x0  }
0x2b: {  	[sflag:s13] =	ssyncadd.s32 $0xFFFFE000  }
0x2c: {  	[tilespmem:s14], [sflag:$0x1] =	stream.linear.gather [hbm4b:s11+s4], $0x4000, $0x38;
	[tilespmem:$0x9800] =	vst v63  }
0x2d: {  	_ =	swait.ge [sflag:s13], $0x4000  }
0x2e: {  	[sflag:s13] =	ssyncset.done $0x0  }
0x2f: {  	s29 =	simm.s32 $0x0;
	[sflag:s13] =	ssyncadd.s32 $0xFFFFC000  }
0x30: {  	[spmem:s1] =	stream.indirect.scatter.add.f32 [tilespmem:s14], [sflag:$0x1], $0x10, s29, s15, $0xb8;
	[tilespmem:$0x9800] =	vst v63  }
0x31: {  	_ =	swait.ge [sflag:s13], $0x800  }
0x32: {  	[sflag:s13] =	ssyncset.done $0x0  }
0x33: {  	[sflag:s13] =	ssyncadd.s32 $0xFFFFF800  }
0x34: {  	[spmem:s3] =	stream.indirect.scatter.add.f32 [tilespmem:s16], [sflag:$0x1], $0x10, s29, s15, $0xb8;
	[tilespmem:$0x9800] =	vst v63  }
0x35: {  	_ =	swait.ge [sflag:s13], $0x800  }
0x36: {  	[sflag:s13] =	ssyncset.done $0x0  }
0x37: {  	s30 =	simm.s32 $0x80;
	[sflag:s13] =	ssyncadd.s32 $0xFFFFF800  }
0x38: {  	[spmem:s1] =	stream.indirect.scatter.add.f32 [tilespmem:s17], [sflag:$0x1], $0x10, s30, s15, $0xb8;
	[tilespmem:$0x9800] =	vst v63  }
0x39: {  	_ =	swait.ge [sflag:s13], $0x800  }
0x3a: {  	[sflag:s13] =	ssyncset.done $0x0  }
0x3b: {  	[sflag:s13] =	ssyncadd.s32 $0xFFFFF800  }
0x3c: {  	[spmem:s3] =	stream.indirect.scatter.add.f32 [tilespmem:s16], [sflag:$0x1], $0x10, s30, s15, $0xb8;
	[tilespmem:$0x9800] =	vst v63  }
0x3d: {  	_ =	swait.ge [sflag:s13], $0x800  }
0x3e: {  	[sflag:s13] =	ssyncset.done $0x0  }
0x3f: {  	s31 =	simm.s32 $0x100;
	[sflag:s13] =	ssyncadd.s32 $0xFFFFF800  }
0x40: {  	[spmem:s1] =	stream.indirect.scatter.add.f32 [tilespmem:s18], [sflag:$0x1], $0x10, s31, s15, $0xb8;
	[tilespmem:$0x9800] =	vst v63  }
0x41: {  	_ =	swait.ge [sflag:s13], $0x800  }
0x42: {  	[sflag:s13] =	ssyncset.done $0x0  }
0x43: {  	[sflag:s13] =	ssyncadd.s32 $0xFFFFF800  }
0x44: {  	[spmem:s3] =	stream.indirect.scatter.add.f32 [tilespmem:s16], [sflag:$0x1], $0x10, s31, s15, $0xb8;
	[tilespmem:$0x9800] =	vst v63  }
0x45: {  	_ =	swait.ge [sflag:s13], $0x800  }
0x46: {  	[sflag:s13] =	ssyncset.done $0x0  }
0x47: {  	s26 =	simm.s32 $0x180;
	[sflag:s13] =	ssyncadd.s32 $0xFFFFF800  }
0x48: {  	[spmem:s1] =	stream.indirect.scatter.add.f32 [tilespmem:s19], [sflag:$0x1], $0x10, s26, s15, $0xb8;
	[tilespmem:$0x9800] =	vst v63  }
0x49: {  	_ =	swait.ge [sflag:s13], $0x800  }
0x4a: {  	[sflag:s13] =	ssyncset.done $0x0  }
0x4b: {  	[sflag:s13] =	ssyncadd.s32 $0xFFFFF800  }
0x4c: {  	[spmem:s3] =	stream.indirect.scatter.add.f32 [tilespmem:s16], [sflag:$0x1], $0x10, s26, s15, $0xb8;
	[tilespmem:$0x9800] =	vst v63  }
0x4d: {  	_ =	swait.ge [sflag:s13], $0x800  }
0x4e: {  	[sflag:s13] =	ssyncset.done $0x0  }
0x4f: {  	s28 =	simm.s32 $0x200;
	[sflag:s13] =	ssyncadd.s32 $0xFFFFF800  }
0x50: {  	[spmem:s1] =	stream.indirect.scatter.add.f32 [tilespmem:s20], [sflag:$0x1], $0x10, s28, s15, $0xb8;
	[tilespmem:$0x9800] =	vst v63  }
0x51: {  	_ =	swait.ge [sflag:s13], $0x800  }
0x52: {  	[sflag:s13] =	ssyncset.done $0x0  }
0x53: {  	[sflag:s13] =	ssyncadd.s32 $0xFFFFF800  }
0x54: {  	[spmem:s3] =	stream.indirect.scatter.add.f32 [tilespmem:s16], [sflag:$0x1], $0x10, s28, s15, $0xb8;
	[tilespmem:$0x9800] =	vst v63  }
0x55: {  	_ =	swait.ge [sflag:s13], $0x800  }
0x56: {  	[sflag:s13] =	ssyncset.done $0x0  }
0x57: {  	s29 =	simm.s32 $0x280;
	[sflag:s13] =	ssyncadd.s32 $0xFFFFF800  }
0x58: {  	[spmem:s1] =	stream.indirect.scatter.add.f32 [tilespmem:s21], [sflag:$0x1], $0x10, s29, s15, $0xb8;
	[tilespmem:$0x9800] =	vst v63  }
0x59: {  	_ =	swait.ge [sflag:s13], $0x800  }
0x5a: {  	[sflag:s13] =	ssyncset.done $0x0  }
0x5b: {  	[sflag:s13] =	ssyncadd.s32 $0xFFFFF800  }
0x5c: {  	[spmem:s3] =	stream.indirect.scatter.add.f32 [tilespmem:s16], [sflag:$0x1], $0x10, s29, s15, $0xb8;
	[tilespmem:$0x9800] =	vst v63  }
0x5d: {  	_ =	swait.ge [sflag:s13], $0x800  }
0x5e: {  	[sflag:s13] =	ssyncset.done $0x0  }
0x5f: {  	s30 =	simm.s32 $0x300;
	[sflag:s13] =	ssyncadd.s32 $0xFFFFF800  }
0x60: {  	[spmem:s1] =	stream.indirect.scatter.add.f32 [tilespmem:s22], [sflag:$0x1], $0x10, s30, s15, $0xb8;
	[tilespmem:$0x9800] =	vst v63  }
0x61: {  	_ =	swait.ge [sflag:s13], $0x800  }
0x62: {  	[sflag:s13] =	ssyncset.done $0x0  }
0x63: {  	[sflag:s13] =	ssyncadd.s32 $0xFFFFF800  }
0x64: {  	[spmem:s3] =	stream.indirect.scatter.add.f32 [tilespmem:s16], [sflag:$0x1], $0x10, s30, s15, $0xb8;
	[tilespmem:$0x9800] =	vst v63  }
0x65: {  	_ =	swait.ge [sflag:s13], $0x800  }
0x66: {  	[sflag:s13] =	ssyncset.done $0x0  }
0x67: {  	s31 =	simm.s32 $0x380;
	[sflag:s13] =	ssyncadd.s32 $0xFFFFF800  }
0x68: {  	[spmem:s1] =	stream.indirect.scatter.add.f32 [tilespmem:s23], [sflag:$0x1], $0x10, s31, s15, $0xb8;
	[tilespmem:$0x9800] =	vst v63  }
0x69: {  	_ =	swait.ge [sflag:s13], $0x800  }
0x6a: {  	[sflag:s13] =	ssyncset.done $0x0  }
0x6b: {  	[sflag:s13] =	ssyncadd.s32 $0xFFFFF800  }
0x6c: {  	[spmem:s3] =	stream.indirect.scatter.add.f32 [tilespmem:s16], [sflag:$0x1], $0x10, s31, s15, $0xb8;
	[tilespmem:$0x9800] =	vst v63  }
0x6d: {  	_ =	swait.ge [sflag:s13], $0x800  }
0x6e: {  	s25 =	simm.s32 $0x1000;
	s26 =	smov.u32 s11;
	[sflag:s13] =	ssyncset.done $0x0  }
.LBB2_6:
0x6f: {  	p0 =	sne.s32 s25, $0x7000;
	[sflag:s13] =	ssyncadd.s32 $0xFFFFF800;
	s26 =	sadd.s32 $0x800, s26  }
0x70: {  	[tilespmem:s14], [sflag:$0x1] =	stream.linear.gather [hbm4b:s26+s4], $0x4000, $0x38;
	[tilespmem:$0x9800] =	vst v63  }
0x71: {  	s28 =	smov.u32 s25;
	s25 =	sadd.s32 $0x1000, s25;
	_ =	swait.ge [sflag:s13], $0x4000  }
0x72: {  	[sflag:s13] =	ssyncset.done $0x0  }
0x73: {  	s28 =	sshra.s32 s28, $0x2;
	[sflag:s13] =	ssyncadd.s32 $0xFFFFC000  }
0x74: {  	[spmem:s1] =	stream.indirect.scatter.add.f32 [tilespmem:s14], [sflag:$0x1], $0x10, s28, s15, $0xb8;
	[tilespmem:$0x9800] =	vst v63  }
0x75: {  	_ =	swait.ge [sflag:s13], $0x800  }
0x76: {  	[sflag:s13] =	ssyncset.done $0x0  }
0x77: {  	[sflag:s13] =	ssyncadd.s32 $0xFFFFF800  }
0x78: {  	[spmem:s3] =	stream.indirect.scatter.add.f32 [tilespmem:s16], [sflag:$0x1], $0x10, s28, s15, $0xb8;
	[tilespmem:$0x9800] =	vst v63  }
0x79: {  	_ =	swait.ge [sflag:s13], $0x800  }
0x7a: {  	[sflag:s13] =	ssyncset.done $0x0  }
0x7b: {  	s29 =	sadd.s32 $0x80, s28;
	[sflag:s13] =	ssyncadd.s32 $0xFFFFF800  }
0x7c: {  	[spmem:s1] =	stream.indirect.scatter.add.f32 [tilespmem:s17], [sflag:$0x1], $0x10, s29, s15, $0xb8;
	[tilespmem:$0x9800] =	vst v63  }
0x7d: {  	_ =	swait.ge [sflag:s13], $0x800  }
0x7e: {  	[sflag:s13] =	ssyncset.done $0x0  }
0x7f: {  	[sflag:s13] =	ssyncadd.s32 $0xFFFFF800  }
0x80: {  	[spmem:s3] =	stream.indirect.scatter.add.f32 [tilespmem:s16], [sflag:$0x1], $0x10, s29, s15, $0xb8;
	[tilespmem:$0x9800] =	vst v63  }
0x81: {  	_ =	swait.ge [sflag:s13], $0x800  }
0x82: {  	[sflag:s13] =	ssyncset.done $0x0  }
0x83: {  	s29 =	sadd.s32 $0x100, s28;
	[sflag:s13] =	ssyncadd.s32 $0xFFFFF800  }
0x84: {  	[spmem:s1] =	stream.indirect.scatter.add.f32 [tilespmem:s18], [sflag:$0x1], $0x10, s29, s15, $0xb8;
	[tilespmem:$0x9800] =	vst v63  }
0x85: {  	_ =	swait.ge [sflag:s13], $0x800  }
0x86: {  	[sflag:s13] =	ssyncset.done $0x0  }
0x87: {  	[sflag:s13] =	ssyncadd.s32 $0xFFFFF800  }
0x88: {  	[spmem:s3] =	stream.indirect.scatter.add.f32 [tilespmem:s16], [sflag:$0x1], $0x10, s29, s15, $0xb8;
	[tilespmem:$0x9800] =	vst v63  }
0x89: {  	_ =	swait.ge [sflag:s13], $0x800  }
0x8a: {  	[sflag:s13] =	ssyncset.done $0x0  }
0x8b: {  	s29 =	sadd.s32 $0x180, s28;
	[sflag:s13] =	ssyncadd.s32 $0xFFFFF800  }
0x8c: {  	[spmem:s1] =	stream.indirect.scatter.add.f32 [tilespmem:s19], [sflag:$0x1], $0x10, s29, s15, $0xb8;
	[tilespmem:$0x9800] =	vst v63  }
0x8d: {  	_ =	swait.ge [sflag:s13], $0x800  }
0x8e: {  	[sflag:s13] =	ssyncset.done $0x0  }
0x8f: {  	[sflag:s13] =	ssyncadd.s32 $0xFFFFF800  }
0x90: {  	[spmem:s3] =	stream.indirect.scatter.add.f32 [tilespmem:s16], [sflag:$0x1], $0x10, s29, s15, $0xb8;
	[tilespmem:$0x9800] =	vst v63  }
0x91: {  	_ =	swait.ge [sflag:s13], $0x800  }
0x92: {  	[sflag:s13] =	ssyncset.done $0x0  }
0x93: {  	s29 =	sadd.s32 $0x200, s28;
	[sflag:s13] =	ssyncadd.s32 $0xFFFFF800  }
0x94: {  	[spmem:s1] =	stream.indirect.scatter.add.f32 [tilespmem:s20], [sflag:$0x1], $0x10, s29, s15, $0xb8;
	[tilespmem:$0x9800] =	vst v63  }
0x95: {  	_ =	swait.ge [sflag:s13], $0x800  }
0x96: {  	[sflag:s13] =	ssyncset.done $0x0  }
0x97: {  	[sflag:s13] =	ssyncadd.s32 $0xFFFFF800  }
0x98: {  	[spmem:s3] =	stream.indirect.scatter.add.f32 [tilespmem:s16], [sflag:$0x1], $0x10, s29, s15, $0xb8;
	[tilespmem:$0x9800] =	vst v63  }
0x99: {  	_ =	swait.ge [sflag:s13], $0x800  }
0x9a: {  	[sflag:s13] =	ssyncset.done $0x0  }
0x9b: {  	s29 =	sadd.s32 $0x280, s28;
	[sflag:s13] =	ssyncadd.s32 $0xFFFFF800  }
0x9c: {  	[spmem:s1] =	stream.indirect.scatter.add.f32 [tilespmem:s21], [sflag:$0x1], $0x10, s29, s15, $0xb8;
	[tilespmem:$0x9800] =	vst v63  }
0x9d: {  	_ =	swait.ge [sflag:s13], $0x800  }
0x9e: {  	[sflag:s13] =	ssyncset.done $0x0  }
0x9f: {  	[sflag:s13] =	ssyncadd.s32 $0xFFFFF800  }
0xa0: {  	[spmem:s3] =	stream.indirect.scatter.add.f32 [tilespmem:s16], [sflag:$0x1], $0x10, s29, s15, $0xb8;
	[tilespmem:$0x9800] =	vst v63  }
0xa1: {  	_ =	swait.ge [sflag:s13], $0x800  }
0xa2: {  	[sflag:s13] =	ssyncset.done $0x0  }
0xa3: {  	s29 =	sadd.s32 $0x300, s28;
	[sflag:s13] =	ssyncadd.s32 $0xFFFFF800  }
0xa4: {  	[spmem:s1] =	stream.indirect.scatter.add.f32 [tilespmem:s22], [sflag:$0x1], $0x10, s29, s15, $0xb8;
	[tilespmem:$0x9800] =	vst v63  }
0xa5: {  	_ =	swait.ge [sflag:s13], $0x800  }
0xa6: {  	[sflag:s13] =	ssyncset.done $0x0  }
0xa7: {  	[sflag:s13] =	ssyncadd.s32 $0xFFFFF800  }
0xa8: {  	[spmem:s3] =	stream.indirect.scatter.add.f32 [tilespmem:s16], [sflag:$0x1], $0x10, s29, s15, $0xb8;
	[tilespmem:$0x9800] =	vst v63  }
0xa9: {  	_ =	swait.ge [sflag:s13], $0x800  }
0xaa: {  	[sflag:s13] =	ssyncset.done $0x0  }
0xab: {  	s28 =	sadd.s32 $0x380, s28;
	[sflag:s13] =	ssyncadd.s32 $0xFFFFF800  }
0xac: {  	[spmem:s1] =	stream.indirect.scatter.add.f32 [tilespmem:s23], [sflag:$0x1], $0x10, s28, s15, $0xb8;
	[tilespmem:$0x9800] =	vst v63  }
0xad: {  	_ =	swait.ge [sflag:s13], $0x800  }
.Ltmp2:
0xae: {  	[sflag:s13] =	ssyncset.done $0x0;
	(pc) =	sbr.rel @p0 .LBB2_6-.Ltmp2, $4  }
0xaf: {  	[sflag:s13] =	ssyncadd.s32 $0xFFFFF800  }
0xb0: {  	[spmem:s3] =	stream.indirect.scatter.add.f32 [tilespmem:s16], [sflag:$0x1], $0x10, s28, s15, $0xb8;
	[tilespmem:$0x9800] =	vst v63  }
0xb1: {  	_ =	swait.ge [sflag:s13], $0x800  }
0xb2: {  	[sflag:s13] =	ssyncset.done $0x0  }
0xb3: {  	[sflag:s13] =	ssyncadd.s32 $0xFFFFF800;
	s25 =	sshll.u32 s2, $0x6  }
0xb4: {  	s26 =	sshrl.u32 s5, $0x3;
	[bflag:$0x0] =	sbarrier.arrive $0xFFFF;
	s25 =	sor.u32 $0x1C01, s25  }
0xb5: {  	[hbm:s8], [sflag:s25] =	dma.local [spmem:s26], $0x200  }
0xb6: {  	s24 =	sadd.s32 $0x1, s24;
	_ =	swait.ge [sflag:s13], $0x200  }
0xb7: {  	p0 =	sne.s32 s24, s10;
	[sflag:s13] =	ssyncset.done $0x0  }
.Ltmp3:
0xb8: {  	s31 =	sshrl.u32 s6, $0x3;
	[sflag:s13] =	ssyncadd.s32 $0xFFFFFE00;
	(pc) =	sbr.rel @p0 .LBB2_1-.Ltmp3, $4  }
0xb9: {  	[hbm:s9], [sflag:s25] =	dma.local [spmem:s31], $0x200  }
0xba: {  	_ =	swait.ge [sflag:s13], $0x200  }
0xbb: {  	[sflag:s13] =	ssyncset.done $0x0  }
0xbc: {  	[sflag:s13] =	ssyncadd.s32 $0xFFFFFE00  }
0xbd: {  	_ =	sfence.sel $0x180000  }
0xbe: {  	[bflag:$0x0] =	sbarrier.arrive $0xFFFF  }
0xbf: {  	p0 =	sne.s32 s2, $0x0;
	_ =	strace $0x9000004A  }
0xc0: {  	s0 =	sadd.s32 @!p0 $0x100000, s0;
	[bflag:$0x2] =	sbarrier.arrive $0xFFFF  }
0xc1: {  	[sflag:s0] =	ssyncadd.tile.s32 @!p0 $0x1;
	_ =	shalt  }
.Lfunc_end2:
_tile_overlayer_lowered:
.L_overlay_start_2:
0xc2: {  	(tag) =	ssettag $0x2  }
0xc3: {  	s0 =	rddreg [dreg:$0x0];
	s2 =	stileid.u32  }
0xc4: {  	s1 =	rddreg [dreg:$0x1];
	p0 =	sne.s32 s2, $0x0  }
0xc5: {  	s3 =	rddreg [dreg:$0x2];
	[bflag:$0x3] =	sbarrier.arrive $0xFFFF;
	s2 =	simm.s32 @!p0 $0x1C01  }
0xc6: {  	[timem:s3], [sflag:s2] =	dma.local @!p0 [hbm:s0], s1  }
0xc7: {  	s0 =	simm.s32 @!p0 $0x1  }
0xc8: {  	_ =	swait.ge @!p0 [sflag:s0], s1  }
0xc9: {  	s1 =	ssub.s32 @!p0 $0x0, s1;
	[sflag:s0] =	ssyncset.done @!p0 $0x0  }
0xca: {  	[sflag:s0] =	ssyncadd.s32 @!p0 s1  }
0xcb: {  	[bflag:$0x3] =	sbarrier.arrive $0xFFFF  }
0xcc: {  	_ =	shalt  }

// kernel: kernel.18.cloned.1.call-start
scs
__scs_entry_jumppad:
0x0: {  	(pc) =	sbr.rel $0x88, $3  }
0x1: {  	(tag) =	ssettag $0x0;
	lr =	simm.s32 $0x1  }
0x2: {  	[smem:$0x3F5D] =	sst lr;
	_ =	strace $0xD0000000  }
0x3: {  	_ = 	snop  }
0x4: {  	_ = 	snop  }
0x5: {  	_ = 	snop  }
0x6: {  	_ = 	snop  }
0x7: {  	_ = 	snop  }
__scs_overlays_trampoline_lowered:
0x8: {  	[smem:$0x3F6C] =	sst s0  }
0x9: {  	[smem:$0x3F6D] =	sst s1  }
0xa: {  	[smem:$0x3F6E] =	sst s2  }
0xb: {  	[smem:$0x3F6F] =	sst s3  }
0xc: {  	[smem:$0x3F70] =	sst s4  }
0xd: {  	[smem:$0x3F71] =	sst s5  }
0xe: {  	[smem:$0x3F72] =	sst s6  }
0xf: {  	[smem:$0x3F73] =	sst s7  }
0x10: {  	[smem:$0x3F74] =	sst s8  }
0x11: {  	[smem:$0x3F75] =	sst s9;
	s0 =	simm.s32 @!p0 $0x0  }
0x12: {  	s1 =	sld [smem:$0x3F5B];
	s0 =	simm.s32 @p0 $0x1  }
0x13: {  	[smem:$0x3F76] =	sst s0;
	s0 =	simm.s32 @!p1 $0x0  }
0x14: {  	s2 =	sld [smem:$0x3F5A];
	s0 =	simm.s32 @p1 $0x1  }
0x15: {  	[smem:$0x3F77] =	sst s0;
	s0 =	simm.s32 @!p2 $0x0  }
0x16: {  	s3 =	sld [smem:$0x3FDB];
	s0 =	simm.s32 @p2 $0x1  }
0x17: {  	s4 =	simm.s32 $0x1BF5;
	[smem:$0x3F79] =	sst s0  }
0x18: {  	s0 =	sld [smem:$0x3F5C];
	_ =	swait.ge [sflag:s4], $0x0  }
0x19: {  	s7 =	sld [smem:$0x3F5D]  }
0x1a: {  	s8 =	sadd.s32 $0xFFFFE003, lr  }
0x1b: {  	s9 =	sadd.s32 $0xFFFFFEF7, lr;
	s5 =	simm.s32 $0xFFFFFFFF;
	p2 =	slt.u32 s8, $0xFFFFF086  }
0x1c: {  	p1 =	slt.u32 s9, $0xF7A;
	s5 =	simm.s32 @!p2 $0x0  }
0x1d: {  	s5 =	simm.s32 @p1 $0x1;
	p0 =	seq.s32 s7, s2  }
0x1e: {  	s7 =	smul.u32 @!p0 $0xF7A, s2;
	p2 =	seq.s32 @!p0 s5, $0x0  }
0x1f: {  	s9 =	smul.u32 $0xF7A, s1;
	s8 =	simm.s32 @!p0 $0x1BF5;
	p2 =	por !p2, p0  }
0x20: {  	[sflag:s8] =	ssyncset.s32 @!p0 $0xFFFFF086;
	s6 =	sadd.s32 @!p0 s3, s7;
	s7 =	simm.s32 @!p0 $0x108  }
0x21: {  	s3 =	sadd.s32 s3, s9;
	s6 =	sadd.s32 @!p0 $0x88, s6;
	s7 =	simm.s32 @p2 $0x1082  }
0x22: {  	[simem:s7], [sflag:s8] =	dma.local @!p0 [hbm:s6], $0xF7A  }
0x23: {  	s9 =	sor.u32 $0xD0000000, s2;
	s6 =	simm.s32 $0x108;
	_ =	swait.ge @!p0 [sflag:s8], $0x0  }
0x24: {  	s3 =	sadd.s32 $0x88, s3;
	s6 =	simm.s32 @!p1 $0x1082;
	[sflag:s4] =	ssyncset.s32 $0xFFFFF086  }
0x25: {  	[simem:s6], [sflag:s4] =	dma.local [hbm:s3], $0xF7A  }
0x26: {  	[smem:$0x3F5D] =	sst s1;
	(tag) =	ssettag s2;
	_ =	strace s9  }
0x27: {  	s1 =	sld [smem:$0x3F6D]  }
0x28: {  	s2 =	sld [smem:$0x3F6E]  }
0x29: {  	s4 =	sld [smem:$0x3F70]  }
0x2a: {  	p0 =	seq.s32 s5, $0x0;
	s5 =	sld [smem:$0x3F71]  }
0x2b: {  	s6 =	sld [smem:$0x3F72]  }
0x2c: {  	s7 =	sld [smem:$0x3F73]  }
0x2d: {  	s3 =	simm.s32 $0x108;
	s8 =	sld [smem:$0x3F74]  }
0x2e: {  	s3 =	simm.s32 @!p0 $0x1082;
	s9 =	sld [smem:$0x3F75]  }
0x2f: {  	lr =	sadd.s32 s0, s3;
	s0 =	sld [smem:$0x3F6C]  }
0x30: {  	s3 =	sld [smem:$0x3F6F]  }
0x31: {  	[smem:$0x3F78] =	sst s10  }
0x32: {  	s10 =	sld [smem:$0x3F76];
	_ =	sdelay $0x3  }
0x33: {  	p0 =	seq.s32 s10, $0x1;
	s10 =	sld [smem:$0x3F78];
	_ =	sdelay $0x3  }
0x34: {  	[smem:$0x3F78] =	sst s10  }
0x35: {  	s10 =	sld [smem:$0x3F77];
	_ =	sdelay $0x3  }
0x36: {  	p1 =	seq.s32 s10, $0x1;
	s10 =	sld [smem:$0x3F78];
	_ =	sdelay $0x3  }
0x37: {  	[smem:$0x3F78] =	sst s10  }
0x38: {  	s10 =	sld [smem:$0x3F79]  }
0x39: {  	_ = 	snop;
	(pc) =	sbr.ind lr, $3  }
0x3a: {  	_ = 	snop  }
0x3b: {  	_ = 	snop  }
0x3c: {  	p2 =	seq.s32 s10, $0x1;
	s10 =	sld [smem:$0x3F78]  }
0x3d: {  	_ =	shalt  }
0x3e: {  	_ =	shalt  }
0x3f: {  	_ =	shalt  }
0x40: {  	_ =	shalt  }
0x41: {  	_ =	shalt  }
0x42: {  	_ =	shalt  }
0x43: {  	_ =	shalt  }
0x44: {  	_ =	shalt  }
0x45: {  	_ =	shalt  }
0x46: {  	_ =	shalt  }
0x47: {  	_ =	shalt  }
0x48: {  	_ =	shalt  }
0x49: {  	_ =	shalt  }
0x4a: {  	_ =	shalt  }
0x4b: {  	_ =	shalt  }
0x4c: {  	_ =	shalt  }
0x4d: {  	_ =	shalt  }
0x4e: {  	_ =	shalt  }
0x4f: {  	_ =	shalt  }
0x50: {  	_ =	shalt  }
0x51: {  	_ =	shalt  }
0x52: {  	_ =	shalt  }
0x53: {  	_ =	shalt  }
0x54: {  	_ =	shalt  }
0x55: {  	_ =	shalt  }
0x56: {  	_ =	shalt  }
0x57: {  	_ =	shalt  }
0x58: {  	_ =	shalt  }
0x59: {  	_ =	shalt  }
0x5a: {  	_ =	shalt  }
0x5b: {  	_ =	shalt  }
0x5c: {  	_ =	shalt  }
0x5d: {  	_ =	shalt  }
0x5e: {  	_ =	shalt  }
0x5f: {  	_ =	shalt  }
0x60: {  	_ =	shalt  }
0x61: {  	_ =	shalt  }
0x62: {  	_ =	shalt  }
0x63: {  	_ =	shalt  }
0x64: {  	_ =	shalt  }
0x65: {  	_ =	shalt  }
0x66: {  	_ =	shalt  }
0x67: {  	_ =	shalt  }
0x68: {  	_ =	shalt  }
0x69: {  	_ =	shalt  }
0x6a: {  	_ =	shalt  }
0x6b: {  	_ =	shalt  }
0x6c: {  	_ =	shalt  }
0x6d: {  	_ =	shalt  }
0x6e: {  	_ =	shalt  }
0x6f: {  	_ =	shalt  }
0x70: {  	_ =	shalt  }
0x71: {  	_ =	shalt  }
0x72: {  	_ =	shalt  }
0x73: {  	_ =	shalt  }
0x74: {  	_ =	shalt  }
0x75: {  	_ =	shalt  }
0x76: {  	_ =	shalt  }
0x77: {  	_ =	shalt  }
0x78: {  	_ =	shalt  }
0x79: {  	_ =	shalt  }
0x7a: {  	_ =	shalt  }
0x7b: {  	_ =	shalt  }
0x7c: {  	_ =	shalt  }
0x7d: {  	_ =	shalt  }
0x7e: {  	_ =	shalt  }
0x7f: {  	_ =	shalt  }
0x80: {  	_ =	shalt  }
0x81: {  	_ =	shalt  }
0x82: {  	_ =	shalt  }
0x83: {  	_ =	shalt  }
0x84: {  	_ =	shalt  }
0x85: {  	_ =	shalt  }
0x86: {  	_ =	shalt  }
0x87: {  	_ =	shalt  }
.Lfunc_end0:
.L_simem_size_0:
called_computation.2_lowered:
.L_overlay_start_0:
0x88: {  	s2 =	sld [smem:$0x3FD9]  }
0x89: {  	s3 =	sld [smem:$0x3FFE];
	_ =	sdelay $0x1  }
0x8a: {  	s1 =	srdreg.scid  }
0x8b: {  	s0 =	sand.u32 $0x1, s1  }
0x8c: {  	s17 =	sshll.u32 s0, $0xA;
	s2 =	sadd.s32 s3, s2  }
0x8d: {  	s2 =	sadd.s32 s2, s17  }
0x8e: {  	[smem:$0x3F84] =	sst s2  }
0x8f: {  	_ = 	snop  }
0x90: {  	s2 =	sld [smem:$0x3FD0];
	(tm) =	ssettm $0x1  }
0x91: {  	s18 =	sld [smem:$0x3FFB];
	_ =	sdelay $0x3  }
0x92: {  	_ =	strace s18  }
0x93: {  	s3 =	sld [smem:$0x3FFC];
	_ =	sdelay $0x3  }
0x94: {  	_ =	strace s3  }
0x95: {  	s3 =	sld [smem:$0x3FFD];
	_ =	sdelay $0x3  }
0x96: {  	_ =	strace s3  }
0x97: {  	_ =	strace $0x8FFFFFFF  }
0x98: {  	s19 =	sld [smem:$0x3FDB];
	_ =	sdelay $0x1  }
0x99: {  	s4 =	simm.s32 $_scs_section_size  }
0x9a: {  	s5 =	simm.s32 $_size__tile_overlayer_lowered;
	s6 =	simm.s32 $_tile_overlayer_lowered  }
0x9b: {  	s22 =	simm.s32 $0x1BFF;
	s21 =	sshll.u32 s6, $0x1;
	s3 =	sadd.s32 s4, s19  }
0x9c: {  	s7 =	simm.s32 $0x0;
	s20 =	sshll.u32 s5, $0x1;
	s5 =	sadd.s32 s21, s3  }
0x9d: {  	[timem:s7], [sflag:s22] =	dma.local [hbm:s5], s20  }
0x9e: {  	_ =	swait.ge [sflag:s22], s20  }
0x9f: {  	s4 =	ssub.s32 $0x0, s20;
	[sflag:s22] =	ssyncset.done $0x0  }
0xa0: {  	[sflag:s22] =	ssyncadd.s32 s4;
	_ =	sdelay $0x1  }
0xa1: {  	s23 =	simm.s32 $0x1B8B  }
0xa2: {  	_ =	swait.ge [sflag:s23], $0x1  }
0xa3: {  	[sflag:s23] =	ssyncset.done $0x0  }
0xa4: {  	s25 =	simm.s32 $0x1B8E;
	s24 =	sld [smem:$0x3FFE];
	[sflag:s23] =	ssyncadd.s32 $0xFFFFFFFF  }
0xa5: {  	s26 =	simm.s32 $execute0_lowered;
	[smem:$0x3FD2] =	sst s25  }
0xa6: {  	s5 =	sshll.u32 s26, $0x1;
	_ =	strace $0x8000004C;
	[dreg:$0x1] =	wrdreg $0xFFFFFFFF  }
0xa7: {  	s28 =	simm.s32 $_size_execute0_lowered;
	s3 =	sadd.s32 s3, s5;
	[dreg:$0x0] =	wrdreg $0x0  }
0xa8: {  	s5 =	sshll.u32 s28, $0x1;
	[dreg:$0x2] =	wrdreg s3  }
0xa9: {  	[dreg:$0x3] =	wrdreg s5  }
0xaa: {  	[dreg:$0x4] =	wrdreg $0xC0  }
0xab: {  	_ =	task [dreg:s7], $0x5FFFF  }
0xac: {  	[dreg:$0x1] =	wrdreg $0xFFFFFFFF  }
0xad: {  	[dreg:$0x0] =	wrdreg $0x60  }
0xae: {  	[dreg:$0x2] =	wrdreg s2  }
0xaf: {  	[dreg:$0x3] =	wrdreg s24  }
0xb0: {  	[dreg:$0x4] =	wrdreg $0x9  }
0xb1: {  	_ =	task.clear_ibuf [dreg:s7], $0x5FFFF;
	_ =	strace $0x9000004C  }
0xb2: {  	s29 =	simm.s32 $0x9;
	_ =	strace $0x8000004E  }
0xb3: {  	_ =	swait.ge [sflag:s29], $0x1  }
0xb4: {  	[sflag:s29] =	ssyncadd.s32 $0xFFFFFFFF  }
0xb5: {  	_ =	strace $0x9000004E  }
0xb6: {  	_ =	sfence  }
0xb7: {  	s30 =	sld [smem:$0x0];
	_ =	sdelay $0x2  }
0xb8: {  	s31 =	sshll.u32 s1, $0xD;
	s1 =	sshrl.u32 s1, $0x2  }
0xb9: {  	s3 =	sand.u32 $0x4000, s31;
	s1 =	sadd.s32 s1, s30  }
0xba: {  	s0 =	sor.u32 s3, s0;
	s1 =	sshll.u32 s1, $0x11  }
0xbb: {  	s0 =	sor.u32 s1, s0  }
0xbc: {  	s0 =	sadd.s32 $0x8F2B, s0  }
0xbd: {  	[sflag:s0] =	ssyncadd.remote.s32 $0x1  }
0xbe: {  	_ =	sfence.sel $0xFFFF  }
0xbf: {  	[dreg:$0x0] =	wrdreg $0xFFFFFFFF;
	(pc) =	sbr.abs _section_cstart, $3  }
0xc0: {  	[dreg:$0x1] =	wrdreg $0xFFFFFFFF  }
0xc1: {  	_ =	task.clear_ibuf [dreg:s7], $0x2FFFF;
	_ =	strace $0x9FFFFFFF  }
0xc2: {  	(tm) =	ssettm $0x7FFFFFFF  }
0xc3: {  	_ =	shalt  }
tec
execute0_lowered:
.L_overlay_start_1:
0x0: {  	(tag) =	ssettag $0x1  }
0x1: {  	s1 =	rddreg [dreg:$0x0]  }
0x2: {  	s0 =	rddreg [dreg:$0x1];
	s2 =	srdreg.scid  }
0x3: {  	s3 =	simm.s32 $0x0;
	s4 =	stileid.u32;
	s9 =	simm.s32 $0x3  }
0x4: {  	s11 =	simm.s32 $0x80;
	s12 =	simm.s32 $0x4000;
	s13 =	simm.s32 $0x8000  }
0x5: {  	s14 =	simm.s32 $0x4800;
	s15 =	simm.s32 $0x8800;
	s16 =	simm.s32 $0x5000  }
0x6: {  	s17 =	simm.s32 $0x9000;
	s18 =	simm.s32 $0x5800;
	s19 =	simm.s32 $0x9800  }
0x7: {  	s20 =	simm.s32 $0x6000;
	s21 =	simm.s32 $0xA000;
	s22 =	simm.s32 $0x6800  }
0x8: {  	s23 =	simm.s32 $0xA800;
	s24 =	simm.s32 $0x7000;
	s28 =	simm.s32 $0xB800  }
0x9: {  	s29 =	simm.s32 $0x1;
	s30 =	simm.s32 $0x2;
	s31 =	simm.s32 $0x0  }
0xa: {  	s2 =	sand.u32 $0x1, s2;
	[smem:$0x7FF] =	sst s3;
	s5 =	sshll.u32 s4, $0x7  }
0xb: {  	s4 =	sadd.s32 $0x3B800, s0;
	s6 =	sshll.u32 s2, $0x6;
	s2 =	ssub.s32 $0x2, s2  }
0xc: {  	_ =	strace $0x8000004D;
	s5 =	sor.u32 s6, s5;
	s25 =	sshrl.u32 s2, $0x1  }
0xd: {  	s6 =	sshll.u32 s5, $0x4;
	s5 =	sshll.u32 s5, $0x8;
	s2 =	ssub.s32 s2, s25  }
0xe: {  	s25 =	simm.s32 $0xB000;
	s6 =	sadd.s32 s6, s0;
	s0 =	sadd.s32 s5, s0  }
0xf: {  	s8 =	smax.u32 s2, $0x1;
	s26 =	sadd.s32 $0x13800, s6;
	s6 =	sadd.s32 $0xB800, s6  }
0x10: {  	s7 =	sadd.s32 $0x3D800, s0;
	[dreg:$0x3] =	wrdreg s26;
	s26 =	simm.s32 $0x7800  }
.LBB2_1:
0x11: {  	s0 =	rddreg [dreg:$0x3]  }
0x12: {  	[tilespmem:s3], [sflag:$0x3] =	stream.linear.gather [hbm4b:s0+s3], $0x2000, $0x38;
	[tilespmem:$0xC000] =	vst v63  }
0x13: {  	_ =	swait.ge [sflag:s9], $0x2000  }
0x14: {  	[sflag:s9] =	ssyncset.done $0x0  }
0x15: {  	s10 =	simm.s32 $0x2000;
	[sflag:s9] =	ssyncadd.s32 $0xFFFFE000  }
0x16: {  	[tilespmem:s10], [sflag:$0x3] =	stream.linear.gather [hbm4b:s6+s3], $0x2000, $0x38;
	[tilespmem:$0xC000] =	vst v63  }
0x17: {  	_ =	swait.ge [sflag:s9], $0x2000  }
0x18: {  	[sflag:s9] =	ssyncset.done $0x0  }
0x19: {  	s0 =	simm.s32 $0x0;
	[sflag:s9] =	ssyncadd.s32 $0xFFFFE000  }
.LBB2_2:
0x1a: {  	s2 =	sshll.u32 s0, $0xA  }
0x1b: {  	[tilespmem:s12], [sflag:$0x1] =	stream.indirect.gather [hbm4b:s1+s11], $0x10, s2, s11, $0xb8;
	[tilespmem:$0xC000] =	vst v63  }
0x1c: {  	s10 =	sadd.s32 $0x2000, s2  }
0x1d: {  	[tilespmem:s13], [sflag:$0x2] =	stream.indirect.gather [hbm4b:s4+s11], $0x10, s10, s11, $0xb8;
	[tilespmem:$0xC000] =	vst v63  }
0x1e: {  	s5 =	sor.u32 $0x80, s2  }
0x1f: {  	[tilespmem:s14], [sflag:$0x1] =	stream.indirect.gather [hbm4b:s1+s11], $0x10, s5, s11, $0xb8;
	[tilespmem:$0xC000] =	vst v63  }
0x20: {  	s5 =	sadd.s32 $0x2080, s2  }
0x21: {  	[tilespmem:s15], [sflag:$0x2] =	stream.indirect.gather [hbm4b:s4+s11], $0x10, s5, s11, $0xb8;
	[tilespmem:$0xC000] =	vst v63  }
0x22: {  	s5 =	sor.u32 $0x100, s2  }
0x23: {  	[tilespmem:s16], [sflag:$0x1] =	stream.indirect.gather [hbm4b:s1+s11], $0x10, s5, s11, $0xb8;
	[tilespmem:$0xC000] =	vst v63  }
0x24: {  	s5 =	sadd.s32 $0x2100, s2  }
0x25: {  	[tilespmem:s17], [sflag:$0x2] =	stream.indirect.gather [hbm4b:s4+s11], $0x10, s5, s11, $0xb8;
	[tilespmem:$0xC000] =	vst v63  }
0x26: {  	s5 =	sor.u32 $0x180, s2  }
0x27: {  	[tilespmem:s18], [sflag:$0x1] =	stream.indirect.gather [hbm4b:s1+s11], $0x10, s5, s11, $0xb8;
	[tilespmem:$0xC000] =	vst v63  }
0x28: {  	s5 =	sadd.s32 $0x2180, s2  }
0x29: {  	[tilespmem:s19], [sflag:$0x2] =	stream.indirect.gather [hbm4b:s4+s11], $0x10, s5, s11, $0xb8;
	[tilespmem:$0xC000] =	vst v63  }
0x2a: {  	s5 =	sor.u32 $0x200, s2  }
0x2b: {  	[tilespmem:s20], [sflag:$0x1] =	stream.indirect.gather [hbm4b:s1+s11], $0x10, s5, s11, $0xb8;
	[tilespmem:$0xC000] =	vst v63  }
0x2c: {  	s5 =	sadd.s32 $0x2200, s2  }
0x2d: {  	[tilespmem:s21], [sflag:$0x2] =	stream.indirect.gather [hbm4b:s4+s11], $0x10, s5, s11, $0xb8;
	[tilespmem:$0xC000] =	vst v63  }
0x2e: {  	s5 =	sor.u32 $0x280, s2  }
0x2f: {  	[tilespmem:s22], [sflag:$0x1] =	stream.indirect.gather [hbm4b:s1+s11], $0x10, s5, s11, $0xb8;
	[tilespmem:$0xC000] =	vst v63  }
0x30: {  	s5 =	sadd.s32 $0x2280, s2  }
0x31: {  	[tilespmem:s23], [sflag:$0x2] =	stream.indirect.gather [hbm4b:s4+s11], $0x10, s5, s11, $0xb8;
	[tilespmem:$0xC000] =	vst v63  }
0x32: {  	s5 =	sor.u32 $0x300, s2  }
0x33: {  	[tilespmem:s24], [sflag:$0x1] =	stream.indirect.gather [hbm4b:s1+s11], $0x10, s5, s11, $0xb8;
	[tilespmem:$0xC000] =	vst v63  }
0x34: {  	s5 =	sadd.s32 $0x2300, s2  }
0x35: {  	[tilespmem:s25], [sflag:$0x2] =	stream.indirect.gather [hbm4b:s4+s11], $0x10, s5, s11, $0xb8;
	[tilespmem:$0xC000] =	vst v63  }
0x36: {  	s5 =	sor.u32 $0x380, s2  }
0x37: {  	[tilespmem:s26], [sflag:$0x1] =	stream.indirect.gather [hbm4b:s1+s11], $0x10, s5, s11, $0xb8;
	[tilespmem:$0xC000] =	vst v63  }
0x38: {  	s2 =	sadd.s32 $0x2380, s2  }
0x39: {  	[tilespmem:s28], [sflag:$0x2] =	stream.indirect.gather [hbm4b:s4+s11], $0x10, s2, s11, $0xb8;
	[tilespmem:$0xC000] =	vst v63  }
0x3a: {  	_ =	swait.ge [sflag:s29], $0x800  }
0x3b: {  	[sflag:s29] =	ssyncset.done $0x0  }
0x3c: {  	[sflag:s29] =	ssyncadd.s32 $0xFFFFF800  }
0x3d: {  	_ =	swait.ge [sflag:s30], $0x800  }
0x3e: {  	[sflag:s30] =	ssyncset.done $0x0  }
0x3f: {  	[sflag:s30] =	ssyncadd.s32 $0xFFFFF800  }
0x40: {  	_ =	swait.ge [sflag:s29], $0x800  }
0x41: {  	[sflag:s29] =	ssyncset.done $0x0  }
0x42: {  	[sflag:s29] =	ssyncadd.s32 $0xFFFFF800  }
0x43: {  	_ =	swait.ge [sflag:s30], $0x800  }
0x44: {  	[sflag:s30] =	ssyncset.done $0x0  }
0x45: {  	[sflag:s30] =	ssyncadd.s32 $0xFFFFF800  }
0x46: {  	_ =	swait.ge [sflag:s29], $0x800  }
0x47: {  	[sflag:s29] =	ssyncset.done $0x0  }
0x48: {  	[sflag:s29] =	ssyncadd.s32 $0xFFFFF800  }
0x49: {  	_ =	swait.ge [sflag:s30], $0x800  }
0x4a: {  	[sflag:s30] =	ssyncset.done $0x0  }
0x4b: {  	[sflag:s30] =	ssyncadd.s32 $0xFFFFF800  }
0x4c: {  	_ =	swait.ge [sflag:s29], $0x800  }
0x4d: {  	[sflag:s29] =	ssyncset.done $0x0  }
0x4e: {  	[sflag:s29] =	ssyncadd.s32 $0xFFFFF800  }
0x4f: {  	_ =	swait.ge [sflag:s30], $0x800  }
0x50: {  	[sflag:s30] =	ssyncset.done $0x0  }
0x51: {  	[sflag:s30] =	ssyncadd.s32 $0xFFFFF800  }
0x52: {  	_ =	swait.ge [sflag:s29], $0x800  }
0x53: {  	[sflag:s29] =	ssyncset.done $0x0  }
0x54: {  	[sflag:s29] =	ssyncadd.s32 $0xFFFFF800  }
0x55: {  	_ =	swait.ge [sflag:s30], $0x800  }
0x56: {  	[sflag:s30] =	ssyncset.done $0x0  }
0x57: {  	[sflag:s30] =	ssyncadd.s32 $0xFFFFF800  }
0x58: {  	_ =	swait.ge [sflag:s29], $0x800  }
0x59: {  	[sflag:s29] =	ssyncset.done $0x0  }
0x5a: {  	[sflag:s29] =	ssyncadd.s32 $0xFFFFF800  }
0x5b: {  	_ =	swait.ge [sflag:s30], $0x800  }
0x5c: {  	[sflag:s30] =	ssyncset.done $0x0  }
0x5d: {  	[sflag:s30] =	ssyncadd.s32 $0xFFFFF800  }
0x5e: {  	_ =	swait.ge [sflag:s29], $0x800  }
0x5f: {  	[sflag:s29] =	ssyncset.done $0x0  }
0x60: {  	[sflag:s29] =	ssyncadd.s32 $0xFFFFF800  }
0x61: {  	_ =	swait.ge [sflag:s30], $0x800  }
0x62: {  	[sflag:s30] =	ssyncset.done $0x0  }
0x63: {  	[sflag:s30] =	ssyncadd.s32 $0xFFFFF800  }
0x64: {  	_ =	swait.ge [sflag:s29], $0x800  }
0x65: {  	[sflag:s29] =	ssyncset.done $0x0  }
0x66: {  	[sflag:s29] =	ssyncadd.s32 $0xFFFFF800  }
0x67: {  	_ =	swait.ge [sflag:s30], $0x800  }
0x68: {  	[sflag:s30] =	ssyncset.done $0x0  }
0x69: {  	s2 =	simm.s32 $0x0;
	[sflag:s30] =	ssyncadd.s32 $0xFFFFF800  }
0x6a: {  	s10 =	simm.s32 $0x40;
	v0 =	vld [tilespmem:s2+$0x8000]  }
.LBB2_3:
0x6b: {  	p0 =	sne.s32 s10, $0xFFC0;
	v1 =	vld [tilespmem:s2+$0x4000];
	_ =	sdelay $0x2  }
.Ltmp0:
0x6c: {  	(pc) =	sbr.rel @p0 .LBB2_3-.Ltmp0, $4  }
0x6d: {  	_ = 	snop  }
0x6e: {  	v1 =	vadd.f32 v0, v1  }
0x6f: {  	s5 =	sshra.s32 s10, $0x2  }
0x70: {  	s10 =	sadd.s32 $0x40, s10;
	v0 =	vld [tilespmem:s5+$0x8000];
	[tilespmem:s2+$0x4000] =	vst v1;
	s2 =	smov.u32 s5  }
0x71: {  	v1 =	vld [tilespmem:s2+$0x4000];
	_ =	sdelay $0x4  }
0x72: {  	s5 =	sshll.u32 s0, $0xB;
	s0 =	sadd.s32 $0x1, s0;
	v0 =	vadd.f32 v0, v1  }
0x73: {  	p0 =	sne.s32 s0, $0x8  }
.Ltmp1:
0x74: {  	s10 =	sadd.s32 s5, s7;
	[tilespmem:s2+$0x4000] =	vst v0;
	(pc) =	sbr.rel @p0 .LBB2_2-.Ltmp1, $4  }
0x75: {  	[hbm4b:s10+s3] =	stream.linear.scatter [tilespmem:s12], [sflag:$0x3], $0x4000, $0x38;
	[tilespmem:$0xC000] =	vst v63  }
0x76: {  	_ =	swait.ge [sflag:s9], $0x4000  }
0x77: {  	[sflag:s9] =	ssyncset.done $0x0  }
0x78: {  	[sflag:s9] =	ssyncadd.s32 $0xFFFFC000  }
0x79: {  	s31 =	sadd.s32 $0x1, s31  }
0x7a: {  	p0 =	sne.s32 s31, s8  }
.Ltmp2:
0x7b: {  	_ = 	snop;
	(pc) =	sbr.rel @p0 .LBB2_1-.Ltmp2, $1  }
0x7c: {  	_ =	sdelay $0x3  }
0x7d: {  	_ =	sfence.sel $0x180000  }
0x7e: {  	[bflag:$0x0] =	sbarrier.arrive $0xFFFF  }
0x7f: {  	_ =	strace $0x9000004D  }
0x80: {  	s0 =	stileid.u32;
	[bflag:$0x2] =	sbarrier.arrive $0xFFFF  }
0x81: {  	p0 =	sne.s32 s0, $0x0;
	s0 =	rddreg [dreg:$0x2]  }
0x82: {  	s0 =	sadd.s32 @!p0 $0x100000, s0  }
0x83: {  	[sflag:s0] =	ssyncadd.tile.s32 @!p0 $0x1;
	_ =	shalt  }
.Lfunc_end2:
_tile_overlayer_lowered:
.L_overlay_start_2:
0x84: {  	(tag) =	ssettag $0x2  }
0x85: {  	s0 =	rddreg [dreg:$0x0];
	s2 =	stileid.u32  }
0x86: {  	s1 =	rddreg [dreg:$0x1];
	p0 =	sne.s32 s2, $0x0  }
0x87: {  	s3 =	rddreg [dreg:$0x2];
	[bflag:$0x3] =	sbarrier.arrive $0xFFFF;
	s2 =	simm.s32 @!p0 $0x1C03  }
0x88: {  	[timem:s3], [sflag:s2] =	dma.local @!p0 [hbm:s0], s1  }
0x89: {  	s0 =	simm.s32 @!p0 $0x3  }
0x8a: {  	_ =	swait.ge @!p0 [sflag:s0], s1  }
0x8b: {  	s1 =	ssub.s32 @!p0 $0x0, s1;
	[sflag:s0] =	ssyncset.done @!p0 $0x0  }
0x8c: {  	[sflag:s0] =	ssyncadd.s32 @!p0 s1  }
0x8d: {  	[bflag:$0x3] =	sbarrier.arrive $0xFFFF  }
0x8e: {  	_ =	shalt  }

// kernel: kernel.21.cloned.1.call-start
scs
__scs_entry_jumppad:
0x0: {  	(pc) =	sbr.rel $0x88, $3  }
0x1: {  	(tag) =	ssettag $0x0;
	lr =	simm.s32 $0x1  }
0x2: {  	[smem:$0x3F5D] =	sst lr;
	_ =	strace $0xD0000000  }
0x3: {  	_ = 	snop  }
0x4: {  	_ = 	snop  }
0x5: {  	_ = 	snop  }
0x6: {  	_ = 	snop  }
0x7: {  	_ = 	snop  }
__scs_overlays_trampoline_lowered:
0x8: {  	[smem:$0x3F6C] =	sst s0  }
0x9: {  	[smem:$0x3F6D] =	sst s1  }
0xa: {  	[smem:$0x3F6E] =	sst s2  }
0xb: {  	[smem:$0x3F6F] =	sst s3  }
0xc: {  	[smem:$0x3F70] =	sst s4  }
0xd: {  	[smem:$0x3F71] =	sst s5  }
0xe: {  	[smem:$0x3F72] =	sst s6  }
0xf: {  	[smem:$0x3F73] =	sst s7  }
0x10: {  	[smem:$0x3F74] =	sst s8  }
0x11: {  	[smem:$0x3F75] =	sst s9;
	s0 =	simm.s32 @!p0 $0x0  }
0x12: {  	s1 =	sld [smem:$0x3F5B];
	s0 =	simm.s32 @p0 $0x1  }
0x13: {  	[smem:$0x3F76] =	sst s0;
	s0 =	simm.s32 @!p1 $0x0  }
0x14: {  	s2 =	sld [smem:$0x3F5A];
	s0 =	simm.s32 @p1 $0x1  }
0x15: {  	[smem:$0x3F77] =	sst s0;
	s0 =	simm.s32 @!p2 $0x0  }
0x16: {  	s3 =	sld [smem:$0x3FDB];
	s0 =	simm.s32 @p2 $0x1  }
0x17: {  	s4 =	simm.s32 $0x1BF5;
	[smem:$0x3F79] =	sst s0  }
0x18: {  	s0 =	sld [smem:$0x3F5C];
	_ =	swait.ge [sflag:s4], $0x0  }
0x19: {  	s7 =	sld [smem:$0x3F5D]  }
0x1a: {  	s8 =	sadd.s32 $0xFFFFE003, lr  }
0x1b: {  	s9 =	sadd.s32 $0xFFFFFEF7, lr;
	s5 =	simm.s32 $0xFFFFFFFF;
	p2 =	slt.u32 s8, $0xFFFFF086  }
0x1c: {  	p1 =	slt.u32 s9, $0xF7A;
	s5 =	simm.s32 @!p2 $0x0  }
0x1d: {  	s5 =	simm.s32 @p1 $0x1;
	p0 =	seq.s32 s7, s2  }
0x1e: {  	s7 =	smul.u32 @!p0 $0xF7A, s2;
	p2 =	seq.s32 @!p0 s5, $0x0  }
0x1f: {  	s9 =	smul.u32 $0xF7A, s1;
	s8 =	simm.s32 @!p0 $0x1BF5;
	p2 =	por !p2, p0  }
0x20: {  	[sflag:s8] =	ssyncset.s32 @!p0 $0xFFFFF086;
	s6 =	sadd.s32 @!p0 s3, s7;
	s7 =	simm.s32 @!p0 $0x108  }
0x21: {  	s3 =	sadd.s32 s3, s9;
	s6 =	sadd.s32 @!p0 $0x88, s6;
	s7 =	simm.s32 @p2 $0x1082  }
0x22: {  	[simem:s7], [sflag:s8] =	dma.local @!p0 [hbm:s6], $0xF7A  }
0x23: {  	s9 =	sor.u32 $0xD0000000, s2;
	s6 =	simm.s32 $0x108;
	_ =	swait.ge @!p0 [sflag:s8], $0x0  }
0x24: {  	s3 =	sadd.s32 $0x88, s3;
	s6 =	simm.s32 @!p1 $0x1082;
	[sflag:s4] =	ssyncset.s32 $0xFFFFF086  }
0x25: {  	[simem:s6], [sflag:s4] =	dma.local [hbm:s3], $0xF7A  }
0x26: {  	[smem:$0x3F5D] =	sst s1;
	(tag) =	ssettag s2;
	_ =	strace s9  }
0x27: {  	s1 =	sld [smem:$0x3F6D]  }
0x28: {  	s2 =	sld [smem:$0x3F6E]  }
0x29: {  	s4 =	sld [smem:$0x3F70]  }
0x2a: {  	p0 =	seq.s32 s5, $0x0;
	s5 =	sld [smem:$0x3F71]  }
0x2b: {  	s6 =	sld [smem:$0x3F72]  }
0x2c: {  	s7 =	sld [smem:$0x3F73]  }
0x2d: {  	s3 =	simm.s32 $0x108;
	s8 =	sld [smem:$0x3F74]  }
0x2e: {  	s3 =	simm.s32 @!p0 $0x1082;
	s9 =	sld [smem:$0x3F75]  }
0x2f: {  	lr =	sadd.s32 s0, s3;
	s0 =	sld [smem:$0x3F6C]  }
0x30: {  	s3 =	sld [smem:$0x3F6F]  }
0x31: {  	[smem:$0x3F78] =	sst s10  }
0x32: {  	s10 =	sld [smem:$0x3F76];
	_ =	sdelay $0x3  }
0x33: {  	p0 =	seq.s32 s10, $0x1;
	s10 =	sld [smem:$0x3F78];
	_ =	sdelay $0x3  }
0x34: {  	[smem:$0x3F78] =	sst s10  }
0x35: {  	s10 =	sld [smem:$0x3F77];
	_ =	sdelay $0x3  }
0x36: {  	p1 =	seq.s32 s10, $0x1;
	s10 =	sld [smem:$0x3F78];
	_ =	sdelay $0x3  }
0x37: {  	[smem:$0x3F78] =	sst s10  }
0x38: {  	s10 =	sld [smem:$0x3F79]  }
0x39: {  	_ = 	snop;
	(pc) =	sbr.ind lr, $3  }
0x3a: {  	_ = 	snop  }
0x3b: {  	_ = 	snop  }
0x3c: {  	p2 =	seq.s32 s10, $0x1;
	s10 =	sld [smem:$0x3F78]  }
0x3d: {  	_ =	shalt  }
0x3e: {  	_ =	shalt  }
0x3f: {  	_ =	shalt  }
0x40: {  	_ =	shalt  }
0x41: {  	_ =	shalt  }
0x42: {  	_ =	shalt  }
0x43: {  	_ =	shalt  }
0x44: {  	_ =	shalt  }
0x45: {  	_ =	shalt  }
0x46: {  	_ =	shalt  }
0x47: {  	_ =	shalt  }
0x48: {  	_ =	shalt  }
0x49: {  	_ =	shalt  }
0x4a: {  	_ =	shalt  }
0x4b: {  	_ =	shalt  }
0x4c: {  	_ =	shalt  }
0x4d: {  	_ =	shalt  }
0x4e: {  	_ =	shalt  }
0x4f: {  	_ =	shalt  }
0x50: {  	_ =	shalt  }
0x51: {  	_ =	shalt  }
0x52: {  	_ =	shalt  }
0x53: {  	_ =	shalt  }
0x54: {  	_ =	shalt  }
0x55: {  	_ =	shalt  }
0x56: {  	_ =	shalt  }
0x57: {  	_ =	shalt  }
0x58: {  	_ =	shalt  }
0x59: {  	_ =	shalt  }
0x5a: {  	_ =	shalt  }
0x5b: {  	_ =	shalt  }
0x5c: {  	_ =	shalt  }
0x5d: {  	_ =	shalt  }
0x5e: {  	_ =	shalt  }
0x5f: {  	_ =	shalt  }
0x60: {  	_ =	shalt  }
0x61: {  	_ =	shalt  }
0x62: {  	_ =	shalt  }
0x63: {  	_ =	shalt  }
0x64: {  	_ =	shalt  }
0x65: {  	_ =	shalt  }
0x66: {  	_ =	shalt  }
0x67: {  	_ =	shalt  }
0x68: {  	_ =	shalt  }
0x69: {  	_ =	shalt  }
0x6a: {  	_ =	shalt  }
0x6b: {  	_ =	shalt  }
0x6c: {  	_ =	shalt  }
0x6d: {  	_ =	shalt  }
0x6e: {  	_ =	shalt  }
0x6f: {  	_ =	shalt  }
0x70: {  	_ =	shalt  }
0x71: {  	_ =	shalt  }
0x72: {  	_ =	shalt  }
0x73: {  	_ =	shalt  }
0x74: {  	_ =	shalt  }
0x75: {  	_ =	shalt  }
0x76: {  	_ =	shalt  }
0x77: {  	_ =	shalt  }
0x78: {  	_ =	shalt  }
0x79: {  	_ =	shalt  }
0x7a: {  	_ =	shalt  }
0x7b: {  	_ =	shalt  }
0x7c: {  	_ =	shalt  }
0x7d: {  	_ =	shalt  }
0x7e: {  	_ =	shalt  }
0x7f: {  	_ =	shalt  }
0x80: {  	_ =	shalt  }
0x81: {  	_ =	shalt  }
0x82: {  	_ =	shalt  }
0x83: {  	_ =	shalt  }
0x84: {  	_ =	shalt  }
0x85: {  	_ =	shalt  }
0x86: {  	_ =	shalt  }
0x87: {  	_ =	shalt  }
.Lfunc_end0:
.L_simem_size_0:
called_computation.3_lowered:
.L_overlay_start_0:
0x88: {  	s2 =	sld [smem:$0x3FD9]  }
0x89: {  	s3 =	sld [smem:$0x3FFE];
	_ =	sdelay $0x1  }
0x8a: {  	s1 =	srdreg.scid  }
0x8b: {  	s0 =	sand.u32 $0x1, s1  }
0x8c: {  	s17 =	sshll.u32 s0, $0xA;
	s2 =	sadd.s32 s3, s2  }
0x8d: {  	s2 =	sadd.s32 s2, s17  }
0x8e: {  	[smem:$0x3F84] =	sst s2  }
0x8f: {  	_ = 	snop  }
0x90: {  	s2 =	sld [smem:$0x3FD0];
	(tm) =	ssettm $0x1  }
0x91: {  	s18 =	sld [smem:$0x3FFB];
	_ =	sdelay $0x3  }
0x92: {  	_ =	strace s18  }
0x93: {  	s3 =	sld [smem:$0x3FFC];
	_ =	sdelay $0x3  }
0x94: {  	_ =	strace s3  }
0x95: {  	s3 =	sld [smem:$0x3FFD];
	_ =	sdelay $0x3  }
0x96: {  	_ =	strace s3  }
0x97: {  	_ =	strace $0x8FFFFFFF  }
0x98: {  	s19 =	sld [smem:$0x3FDB];
	_ =	sdelay $0x1  }
0x99: {  	s4 =	simm.s32 $_scs_section_size  }
0x9a: {  	s5 =	simm.s32 $_size__tile_overlayer_lowered;
	s6 =	simm.s32 $_tile_overlayer_lowered  }
0x9b: {  	s22 =	simm.s32 $0x1BFF;
	s21 =	sshll.u32 s6, $0x1;
	s3 =	sadd.s32 s4, s19  }
0x9c: {  	s7 =	simm.s32 $0x0;
	s20 =	sshll.u32 s5, $0x1;
	s5 =	sadd.s32 s21, s3  }
0x9d: {  	[timem:s7], [sflag:s22] =	dma.local [hbm:s5], s20  }
0x9e: {  	_ =	swait.ge [sflag:s22], s20  }
0x9f: {  	s4 =	ssub.s32 $0x0, s20;
	[sflag:s22] =	ssyncset.done $0x0  }
0xa0: {  	[sflag:s22] =	ssyncadd.s32 s4;
	_ =	sdelay $0x1  }
0xa1: {  	s23 =	simm.s32 $0x1B8B  }
0xa2: {  	_ =	swait.ge [sflag:s23], $0x1  }
0xa3: {  	[sflag:s23] =	ssyncset.done $0x0  }
0xa4: {  	s25 =	simm.s32 $0x1B8E;
	s24 =	sld [smem:$0x3FFE];
	[sflag:s23] =	ssyncadd.s32 $0xFFFFFFFF  }
0xa5: {  	s26 =	simm.s32 $execute0_lowered;
	[smem:$0x3FD2] =	sst s25  }
0xa6: {  	s5 =	sshll.u32 s26, $0x1;
	_ =	strace $0x8000004F;
	[dreg:$0x1] =	wrdreg $0xFFFFFFFF  }
0xa7: {  	s28 =	simm.s32 $_size_execute0_lowered;
	s3 =	sadd.s32 s3, s5;
	[dreg:$0x0] =	wrdreg $0x0  }
0xa8: {  	s5 =	sshll.u32 s28, $0x1;
	[dreg:$0x2] =	wrdreg s3  }
0xa9: {  	[dreg:$0x3] =	wrdreg s5  }
0xaa: {  	[dreg:$0x4] =	wrdreg $0xC0  }
0xab: {  	_ =	task [dreg:s7], $0x5FFFF  }
0xac: {  	[dreg:$0x1] =	wrdreg $0xFFFFFFFF  }
0xad: {  	[dreg:$0x0] =	wrdreg $0x60  }
0xae: {  	[dreg:$0x2] =	wrdreg s24  }
0xaf: {  	[dreg:$0x3] =	wrdreg s2  }
0xb0: {  	[dreg:$0x4] =	wrdreg $0x70000  }
0xb1: {  	[dreg:$0x5] =	wrdreg $0x9  }
0xb2: {  	_ =	task.clear_ibuf [dreg:s7], $0x6FFFF;
	_ =	strace $0x9000004F  }
0xb3: {  	s29 =	simm.s32 $0x9;
	_ =	strace $0x80000051  }
0xb4: {  	_ =	swait.ge [sflag:s29], $0x1  }
0xb5: {  	[sflag:s29] =	ssyncadd.s32 $0xFFFFFFFF  }
0xb6: {  	_ =	strace $0x90000051  }
0xb7: {  	_ =	sfence  }
0xb8: {  	s30 =	sld [smem:$0x0];
	_ =	sdelay $0x2  }
0xb9: {  	s31 =	sshll.u32 s1, $0xD;
	s1 =	sshrl.u32 s1, $0x2  }
0xba: {  	s3 =	sand.u32 $0x4000, s31;
	s1 =	sadd.s32 s1, s30  }
0xbb: {  	s0 =	sor.u32 s3, s0;
	s1 =	sshll.u32 s1, $0x11  }
0xbc: {  	s0 =	sor.u32 s1, s0  }
0xbd: {  	s0 =	sadd.s32 $0x8F2B, s0  }
0xbe: {  	[sflag:s0] =	ssyncadd.remote.s32 $0x1  }
0xbf: {  	_ =	sfence.sel $0xFFFF  }
0xc0: {  	[dreg:$0x0] =	wrdreg $0xFFFFFFFF;
	(pc) =	sbr.abs _section_cstart, $3  }
0xc1: {  	[dreg:$0x1] =	wrdreg $0xFFFFFFFF  }
0xc2: {  	_ =	task.clear_ibuf [dreg:s7], $0x2FFFF;
	_ =	strace $0x9FFFFFFF  }
0xc3: {  	(tm) =	ssettm $0x7FFFFFFF  }
tec
execute0_lowered:
.L_overlay_start_1:
0x0: {  	(tag) =	ssettag $0x1  }
0x1: {  	s4 =	rddreg [dreg:$0x0]  }
0x2: {  	s6 =	rddreg [dreg:$0x1]  }
0x3: {  	s1 =	rddreg [dreg:$0x2]  }
0x4: {  	s0 =	rddreg [dreg:$0x3];
	s3 =	simm.s32 $0x0;
	s5 =	srdreg.scid  }
0x5: {  	s2 =	stileid.u32;
	s12 =	simm.s32 $0x80;
	s13 =	simm.s32 $0x2800  }
0x6: {  	s14 =	simm.s32 $0x3000;
	s15 =	simm.s32 $0x3800;
	s16 =	simm.s32 $0x4000  }
0x7: {  	s17 =	simm.s32 $0x4800;
	s18 =	simm.s32 $0x5000;
	s19 =	simm.s32 $0x5800  }
0x8: {  	s22 =	simm.s32 $0x0;
	[smem:$0x7FF] =	sst s3;
	s7 =	sand.u32 $0x1, s5  }
0x9: {  	s28 =	sshll.u32 s2, $0xB;
	s9 =	sshll.u32 s2, $0xF;
	s10 =	sshll.u32 s2, $0x9  }
0xa: {  	s31 =	sshll.u32 s2, $0xC;
	s20 =	sshll.u32 s2, $0x6;
	_ =	strace $0x80000050  }
0xb: {  	s8 =	sshll.u32 s7, $0xA;
	s29 =	ssub.s32 $0x2, s7;
	s9 =	sadd.s32 s9, s4  }
0xc: {  	s11 =	sshll.u32 s7, $0xE;
	s7 =	sshll.u32 s7, $0xD;
	s6 =	sadd.s32 s6, s10  }
0xd: {  	s10 =	simm.s32 $0x1;
	s20 =	sor.u32 $0x1C01, s20;
	s5 =	sor.u32 s8, s28  }
0xe: {  	s30 =	sshrl.u32 s29, $0x1;
	s9 =	sadd.s32 s11, s9;
	s6 =	sadd.s32 s7, s6  }
0xf: {  	s11 =	simm.s32 $0x2000;
	s5 =	sadd.s32 s5, s4;
	s8 =	ssub.s32 s29, s30  }
0x10: {  	s4 =	sadd.s32 s31, s1;
	s5 =	sadd.s32 $0x13800, s5;
	s7 =	smax.u32 s8, $0x1  }
0x11: {  	v0 =	vimm.f32 $0.0e+00;
	s8 =	sadd.s32 $0x3B800, s9;
	s9 =	simm.s32 $0x6000;
	s21 =	sshrl.u32 s4, $0x3  }
.LBB2_1:
0x12: {  	s23 =	simm.s32 $0x40;
	s24 =	simm.s32 $0x0  }
.LBB2_2:
0x13: {  	p0 =	sne.s32 s23, $0x3FC0;
	[tilespmem:s24+$0x6000] =	vst v0;
	s24 =	smov.u32 s23;
	s23 =	sadd.s32 $0x40, s23  }
.Ltmp0:
0x14: {  	(pc) =	sbr.rel @p0 .LBB2_2-.Ltmp0, $2  }
0x15: {  	_ =	sdelay $0x2  }
0x16: {  	s24 =	sshra.s32 s24, $0x2  }
0x17: {  	[tilespmem:s24+$0x6000] =	vst v0  }
0x18: {  	[spmem:s4] =	stream.linear.scatter [tilespmem:s9], [sflag:$0x1], $0x1000, $0x38;
	[tilespmem:$0x8000] =	vst v63  }
0x19: {  	_ =	swait.ge [sflag:s10], $0x1000  }
0x1a: {  	[sflag:s10] =	ssyncset.done $0x0  }
0x1b: {  	[sflag:s10] =	ssyncadd.s32 $0xFFFFF000  }
0x1c: {  	s23 =	simm.s32 $0x0;
	[bflag:$0x0] =	sbarrier.arrive $0xFFFF  }
0x1d: {  	[tilespmem:s23], [sflag:$0x1] =	stream.linear.gather [hbm4b:s5+s23], $0x2000, $0x38;
	[tilespmem:$0x8000] =	vst v63  }
0x1e: {  	_ =	swait.ge [sflag:s10], $0x2000  }
0x1f: {  	[sflag:s10] =	ssyncset.done $0x0  }
0x20: {  	[sflag:s10] =	ssyncadd.s32 $0xFFFFE000  }
0x21: {  	[tilespmem:s11], [sflag:$0x1] =	stream.linear.gather [hbm4b:s8+s3], $0x4000, $0x38;
	[tilespmem:$0x8000] =	vst v63  }
0x22: {  	_ =	swait.ge [sflag:s10], $0x4000  }
0x23: {  	[sflag:s10] =	ssyncset.done $0x0  }
0x24: {  	s31 =	simm.s32 $0x0;
	[sflag:s10] =	ssyncadd.s32 $0xFFFFC000  }
0x25: {  	[spmem:s1] =	stream.indirect.scatter.add.f32 [tilespmem:s11], [sflag:$0x1], $0x10, s31, s12, $0xb8;
	[tilespmem:$0x8000] =	vst v63  }
0x26: {  	_ =	swait.ge [sflag:s10], $0x800  }
0x27: {  	[sflag:s10] =	ssyncset.done $0x0  }
0x28: {  	s24 =	simm.s32 $0x80;
	[sflag:s10] =	ssyncadd.s32 $0xFFFFF800  }
0x29: {  	[spmem:s1] =	stream.indirect.scatter.add.f32 [tilespmem:s13], [sflag:$0x1], $0x10, s24, s12, $0xb8;
	[tilespmem:$0x8000] =	vst v63  }
0x2a: {  	_ =	swait.ge [sflag:s10], $0x800  }
0x2b: {  	[sflag:s10] =	ssyncset.done $0x0  }
0x2c: {  	s25 =	simm.s32 $0x100;
	[sflag:s10] =	ssyncadd.s32 $0xFFFFF800  }
0x2d: {  	[spmem:s1] =	stream.indirect.scatter.add.f32 [tilespmem:s14], [sflag:$0x1], $0x10, s25, s12, $0xb8;
	[tilespmem:$0x8000] =	vst v63  }
0x2e: {  	_ =	swait.ge [sflag:s10], $0x800  }
0x2f: {  	[sflag:s10] =	ssyncset.done $0x0  }
0x30: {  	s26 =	simm.s32 $0x180;
	[sflag:s10] =	ssyncadd.s32 $0xFFFFF800  }
0x31: {  	[spmem:s1] =	stream.indirect.scatter.add.f32 [tilespmem:s15], [sflag:$0x1], $0x10, s26, s12, $0xb8;
	[tilespmem:$0x8000] =	vst v63  }
0x32: {  	_ =	swait.ge [sflag:s10], $0x800  }
0x33: {  	[sflag:s10] =	ssyncset.done $0x0  }
0x34: {  	s28 =	simm.s32 $0x200;
	[sflag:s10] =	ssyncadd.s32 $0xFFFFF800  }
0x35: {  	[spmem:s1] =	stream.indirect.scatter.add.f32 [tilespmem:s16], [sflag:$0x1], $0x10, s28, s12, $0xb8;
	[tilespmem:$0x8000] =	vst v63  }
0x36: {  	_ =	swait.ge [sflag:s10], $0x800  }
0x37: {  	[sflag:s10] =	ssyncset.done $0x0  }
0x38: {  	s29 =	simm.s32 $0x280;
	[sflag:s10] =	ssyncadd.s32 $0xFFFFF800  }
0x39: {  	[spmem:s1] =	stream.indirect.scatter.add.f32 [tilespmem:s17], [sflag:$0x1], $0x10, s29, s12, $0xb8;
	[tilespmem:$0x8000] =	vst v63  }
0x3a: {  	_ =	swait.ge [sflag:s10], $0x800  }
0x3b: {  	[sflag:s10] =	ssyncset.done $0x0  }
0x3c: {  	s30 =	simm.s32 $0x300;
	[sflag:s10] =	ssyncadd.s32 $0xFFFFF800  }
0x3d: {  	[spmem:s1] =	stream.indirect.scatter.add.f32 [tilespmem:s18], [sflag:$0x1], $0x10, s30, s12, $0xb8;
	[tilespmem:$0x8000] =	vst v63  }
0x3e: {  	_ =	swait.ge [sflag:s10], $0x800  }
0x3f: {  	[sflag:s10] =	ssyncset.done $0x0  }
0x40: {  	s31 =	simm.s32 $0x380;
	[sflag:s10] =	ssyncadd.s32 $0xFFFFF800  }
0x41: {  	[spmem:s1] =	stream.indirect.scatter.add.f32 [tilespmem:s19], [sflag:$0x1], $0x10, s31, s12, $0xb8;
	[tilespmem:$0x8000] =	vst v63  }
0x42: {  	_ =	swait.ge [sflag:s10], $0x800  }
0x43: {  	s23 =	simm.s32 $0x1000;
	s24 =	smov.u32 s8;
	[sflag:s10] =	ssyncset.done $0x0  }
.LBB2_4:
0x44: {  	p0 =	sne.s32 s23, $0x7000;
	[sflag:s10] =	ssyncadd.s32 $0xFFFFF800;
	s24 =	sadd.s32 $0x800, s24  }
0x45: {  	[tilespmem:s11], [sflag:$0x1] =	stream.linear.gather [hbm4b:s24+s3], $0x4000, $0x38;
	[tilespmem:$0x8000] =	vst v63  }
0x46: {  	s25 =	smov.u32 s23;
	s23 =	sadd.s32 $0x1000, s23;
	_ =	swait.ge [sflag:s10], $0x4000  }
0x47: {  	[sflag:s10] =	ssyncset.done $0x0  }
0x48: {  	s25 =	sshra.s32 s25, $0x2;
	[sflag:s10] =	ssyncadd.s32 $0xFFFFC000  }
0x49: {  	[spmem:s1] =	stream.indirect.scatter.add.f32 [tilespmem:s11], [sflag:$0x1], $0x10, s25, s12, $0xb8;
	[tilespmem:$0x8000] =	vst v63  }
0x4a: {  	_ =	swait.ge [sflag:s10], $0x800  }
0x4b: {  	[sflag:s10] =	ssyncset.done $0x0  }
0x4c: {  	s26 =	sadd.s32 $0x80, s25;
	[sflag:s10] =	ssyncadd.s32 $0xFFFFF800  }
0x4d: {  	[spmem:s1] =	stream.indirect.scatter.add.f32 [tilespmem:s13], [sflag:$0x1], $0x10, s26, s12, $0xb8;
	[tilespmem:$0x8000] =	vst v63  }
0x4e: {  	_ =	swait.ge [sflag:s10], $0x800  }
0x4f: {  	[sflag:s10] =	ssyncset.done $0x0  }
0x50: {  	s26 =	sadd.s32 $0x100, s25;
	[sflag:s10] =	ssyncadd.s32 $0xFFFFF800  }
0x51: {  	[spmem:s1] =	stream.indirect.scatter.add.f32 [tilespmem:s14], [sflag:$0x1], $0x10, s26, s12, $0xb8;
	[tilespmem:$0x8000] =	vst v63  }
0x52: {  	_ =	swait.ge [sflag:s10], $0x800  }
0x53: {  	[sflag:s10] =	ssyncset.done $0x0  }
0x54: {  	s26 =	sadd.s32 $0x180, s25;
	[sflag:s10] =	ssyncadd.s32 $0xFFFFF800  }
0x55: {  	[spmem:s1] =	stream.indirect.scatter.add.f32 [tilespmem:s15], [sflag:$0x1], $0x10, s26, s12, $0xb8;
	[tilespmem:$0x8000] =	vst v63  }
0x56: {  	_ =	swait.ge [sflag:s10], $0x800  }
0x57: {  	[sflag:s10] =	ssyncset.done $0x0  }
0x58: {  	s26 =	sadd.s32 $0x200, s25;
	[sflag:s10] =	ssyncadd.s32 $0xFFFFF800  }
0x59: {  	[spmem:s1] =	stream.indirect.scatter.add.f32 [tilespmem:s16], [sflag:$0x1], $0x10, s26, s12, $0xb8;
	[tilespmem:$0x8000] =	vst v63  }
0x5a: {  	_ =	swait.ge [sflag:s10], $0x800  }
0x5b: {  	[sflag:s10] =	ssyncset.done $0x0  }
0x5c: {  	s26 =	sadd.s32 $0x280, s25;
	[sflag:s10] =	ssyncadd.s32 $0xFFFFF800  }
0x5d: {  	[spmem:s1] =	stream.indirect.scatter.add.f32 [tilespmem:s17], [sflag:$0x1], $0x10, s26, s12, $0xb8;
	[tilespmem:$0x8000] =	vst v63  }
0x5e: {  	_ =	swait.ge [sflag:s10], $0x800  }
0x5f: {  	[sflag:s10] =	ssyncset.done $0x0  }
0x60: {  	s26 =	sadd.s32 $0x300, s25;
	[sflag:s10] =	ssyncadd.s32 $0xFFFFF800  }
0x61: {  	[spmem:s1] =	stream.indirect.scatter.add.f32 [tilespmem:s18], [sflag:$0x1], $0x10, s26, s12, $0xb8;
	[tilespmem:$0x8000] =	vst v63  }
0x62: {  	_ =	swait.ge [sflag:s10], $0x800  }
.Ltmp1:
0x63: {  	[sflag:s10] =	ssyncset.done $0x0;
	(pc) =	sbr.rel @p0 .LBB2_4-.Ltmp1, $4  }
0x64: {  	s25 =	sadd.s32 $0x380, s25;
	[sflag:s10] =	ssyncadd.s32 $0xFFFFF800  }
0x65: {  	[spmem:s1] =	stream.indirect.scatter.add.f32 [tilespmem:s19], [sflag:$0x1], $0x10, s25, s12, $0xb8;
	[tilespmem:$0x8000] =	vst v63  }
0x66: {  	_ =	swait.ge [sflag:s10], $0x800  }
0x67: {  	[sflag:s10] =	ssyncset.done $0x0  }
0x68: {  	s22 =	sadd.s32 $0x1, s22  }
0x69: {  	[sflag:s10] =	ssyncadd.s32 $0xFFFFF800;
	p0 =	sne.s32 s22, s7  }
.Ltmp2:
0x6a: {  	[bflag:$0x0] =	sbarrier.arrive $0xFFFF;
	(pc) =	sbr.rel @p0 .LBB2_1-.Ltmp2, $4  }
0x6b: {  	[hbm:s6], [sflag:s20] =	dma.local [spmem:s21], $0x200  }
0x6c: {  	_ =	swait.ge [sflag:s10], $0x200  }
0x6d: {  	[sflag:s10] =	ssyncset.done $0x0  }
0x6e: {  	[sflag:s10] =	ssyncadd.s32 $0xFFFFFE00  }
0x6f: {  	_ =	sfence.sel $0x180000  }
0x70: {  	[bflag:$0x0] =	sbarrier.arrive $0xFFFF  }
0x71: {  	p0 =	sne.s32 s2, $0x0;
	_ =	strace $0x90000050  }
0x72: {  	s0 =	sadd.s32 @!p0 $0x100000, s0;
	[bflag:$0x2] =	sbarrier.arrive $0xFFFF  }
0x73: {  	[sflag:s0] =	ssyncadd.tile.s32 @!p0 $0x1;
	_ =	shalt  }
.Lfunc_end2:
_tile_overlayer_lowered:
.L_overlay_start_2:
0x74: {  	(tag) =	ssettag $0x2  }
0x75: {  	s0 =	rddreg [dreg:$0x0];
	s2 =	stileid.u32  }
0x76: {  	s1 =	rddreg [dreg:$0x1];
	p0 =	sne.s32 s2, $0x0  }
0x77: {  	s3 =	rddreg [dreg:$0x2];
	[bflag:$0x3] =	sbarrier.arrive $0xFFFF;
	s2 =	simm.s32 @!p0 $0x1C01  }
0x78: {  	[timem:s3], [sflag:s2] =	dma.local @!p0 [hbm:s0], s1  }
0x79: {  	s0 =	simm.s32 @!p0 $0x1  }
0x7a: {  	_ =	swait.ge @!p0 [sflag:s0], s1  }
0x7b: {  	s1 =	ssub.s32 @!p0 $0x0, s1;
	[sflag:s0] =	ssyncset.done @!p0 $0x0  }
0x7c: {  	[sflag:s0] =	ssyncadd.s32 @!p0 s1  }
0x7d: {  	[bflag:$0x3] =	sbarrier.arrive $0xFFFF  }
0x7e: {  	_ =	shalt  }

</sc_bundles>
